<compile_context>
chip_gen: v7x
topology: tpu7x:2x2x1
jax: 0.10.2.dev20260603
libtpu: 0.0.44.dev20260713+nightly
codegen_flags: <defaults>
</compile_context>

<pallas_src>
import jax
import jax.numpy as jnp
from jax import lax
from jax.experimental import pallas as pl
from jax.experimental.pallas import tpu as pltpu
from jax.experimental.pallas import tpu_sc as plsc

NC, NS, L = 2, 16, 16
NW = NC * NS
K = 48
F32 = jnp.float32


def _ln(x, g, b, eps=1e-5):
    mu = jnp.mean(x, axis=-1, keepdims=True)
    var = jnp.mean((x - mu) ** 2, axis=-1, keepdims=True)
    return (x - mu) * lax.rsqrt(var + eps) * g + b


def _acc_rows(N):
    degbase = -(-(N + 1) // (NS * 8)) * (NS * 8)
    degrows = -(-N // 128)
    np2 = -(-(degbase + degrows) // (NS * 8)) * (NS * 8)
    return degbase, degrows, np2




def _make_edge_scatter(N, D, CPW, k):
    _, _, Np2 = _acc_rows(N)
    RPT = Np2 // NS
    assert CPW % 6 == 0

    mesh = plsc.VectorSubcoreMesh(core_axis_name="c", subcore_axis_name="s")
    scratch = (
        [pltpu.VMEM((3, k), jnp.int32)] * 3 +
        [pltpu.VMEM((k, D), F32)] * 2 +
        [pltpu.VMEM((k, D), F32)] * 2 +
        [pltpu.VMEM_SHARED((Np2, D), F32)] +
        [pltpu.SemaphoreType.DMA] * 3 +
        [pltpu.SemaphoreType.DMA] * 2 +
        [pltpu.SemaphoreType.DMA] * 2
    )

    def body(eidx, xtab, rtab, zpre, out_pre,
             idx0, idx1, idx2, xr0, xr1, rr0, rr1, pre_sh,
             si0, si1, si2, sg0, sg1, ss0, ss1):
        idx = (idx0, idx1, idx2)
        xr = (xr0, xr1)
        rr = (rr0, rr1)
        si = (si0, si1, si2)
        sg = (sg0, sg1)
        ss = (ss0, ss1)
        c = lax.axis_index("c")
        s = lax.axis_index("s")
        base = (c * NS + s) * CPW
        rows = pl.ds(s * RPT, RPT)

        pltpu.sync_copy(zpre, pre_sh.at[rows])

        def issue_idx(j, t):
            pltpu.async_copy(eidx.at[base + j], idx[t], si[t])

        def wait_idx(t):
            pltpu.make_async_copy(eidx.at[base], idx[t], si[t]).wait()

        def issue_gather(t, b):
            pltpu.async_copy(xtab.at[idx[t].at[0]], xr[b], sg[b])
            pltpu.async_copy(rtab.at[idx[t].at[2]], rr[b], sg[b])

        def wait_gather(t, b):
            pltpu.make_async_copy(xtab.at[idx[t].at[0]], xr[b], sg[b]).wait()
            pltpu.make_async_copy(rtab.at[idx[t].at[2]], rr[b], sg[b]).wait()

        issue_idx(0, 0)
        issue_idx(1, 1)
        wait_idx(0)
        issue_gather(0, 0)
        plsc.subcore_barrier()

        def wait_scatter(bp, tp):
            pltpu.make_async_copy(xr[bp], pre_sh.at[idx[tp].at[1]],
                                  ss[bp]).wait()

        def superstep(jj, carry):
            for u in range(6):
                j = jj * 6 + u
                b = u % 2
                t = u % 3
                tn = (u + 1) % 3
                t2 = (u + 2) % 3

                @pl.when(j >= 1)
                def _():
                    wait_scatter(1 - b, t2)

                @pl.when(j + 1 < CPW)
                def _():
                    wait_idx(tn)
                    issue_gather(tn, 1 - b)

                wait_gather(t, b)

                @pl.when(j + 2 < CPW)
                def _():
                    issue_idx(j + 2, t2)

                def edge(i, carry2):
                    for q in range(D // L):
                        sl = pl.ds(q * L, L)
                        xr[b][i, sl] = xr[b][i, sl] * rr[b][i, sl]
                    return carry2

                lax.fori_loop(0, k, edge, 0)
                pltpu.async_copy(xr[b], pre_sh.at[idx[t].at[1]], ss[b],
                                 add=True)
            return carry

        lax.fori_loop(0, CPW // 6, superstep, 0)
        wait_scatter(1, 2)
        plsc.subcore_barrier()
        pltpu.sync_copy(pre_sh.at[rows], out_pre.at[c].at[rows])

    return pl.kernel(body, out_type=jax.ShapeDtypeStruct((NC, Np2, D), F32),
                     mesh=mesh, scratch_types=tuple(scratch))




def _make_deg_scatter(N, D, CPT, k2):
    _, _, Np2 = _acc_rows(N)
    RPT = Np2 // NS

    mesh = plsc.VectorSubcoreMesh(core_axis_name="c", subcore_axis_name="s")
    scratch = [
        pltpu.VMEM((k2,), jnp.int32),
        pltpu.VMEM((k2, D), F32),
        pltpu.VMEM_SHARED((Np2, D), F32),
    ]

    def body(dst_hbm, zpre, out, dstv, ones_v, acc, ):
        c = lax.axis_index("c")
        s = lax.axis_index("s")
        wid = c * NS + s
        rows = pl.ds(s * RPT, RPT)
        ones = jnp.full((L,), 1.0, F32)

        pltpu.sync_copy(zpre, acc.at[rows])

        def orow(i, carry):
            for q in range(D // L):
                ones_v[i, pl.ds(q * L, L)] = ones
            return carry

        lax.fori_loop(0, k2, orow, 0)
        plsc.subcore_barrier()

        def chunk(j, carry):
            pltpu.sync_copy(dst_hbm.at[pl.ds((wid * CPT + j) * k2, k2)], dstv)
            pltpu.sync_copy(ones_v, acc.at[dstv], add=True)
            return carry

        lax.fori_loop(0, CPT, chunk, 0)
        plsc.subcore_barrier()
        pltpu.sync_copy(acc.at[rows], out.at[c].at[rows])

    return pl.kernel(body, out_type=jax.ShapeDtypeStruct((NC, Np2, D), F32),
                     mesh=mesh, scratch_types=tuple(scratch))




def _time_body(tin, Wt, bt, g, b, out):
    y = jnp.dot(tin[...], Wt[...], preferred_element_type=F32) + bt[...]
    out[...] = _ln(y, g[...], b[...])


def _rel_body(r, Wr1, gr1, br1, Wr2, gr2, br2, r1_out, r2_out):
    r1 = jnp.tanh(_ln(jnp.dot(r[...], Wr1[...], preferred_element_type=F32),
                      gr1[...], br1[...]))
    r1_out[...] = r1
    r2_out[...] = jnp.tanh(_ln(jnp.dot(r1, Wr2[...], preferred_element_type=F32),
                               gr2[...], br2[...]))


def _layer_body(pre0, pre1, dg0, dg1, x, t, W, Wl, b, g, be, out):
    pre = pre0[...] + pre1[...]
    deg = (dg0[...] + dg1[...])[:, :1]
    agg = jnp.dot(pre, W[...], preferred_element_type=F32)
    agg = agg / jnp.maximum(deg, 1.0)
    y = agg + jnp.dot(x[...], Wl[...], preferred_element_type=F32)
    y = y + b[...] + t[...]
    out[...] = jnp.tanh(_ln(y, g[...], be[...]))


def _row_spec(bt, d):
    return pl.BlockSpec((bt, d), lambda i: (i, 0))


def _full_spec(shape):
    return pl.BlockSpec(shape, lambda i: tuple(0 for _ in shape))




def _pad_edges(srcv, dstv, etv, N, k):
    E2 = srcv.shape[0]
    cpw = 6 * (-(-E2 // (NW * k * 6)))
    ep = NW * cpw * k
    src = jnp.pad(srcv, (0, ep - E2)).reshape(NW * cpw, 1, k)
    dstp = jnp.pad(dstv, (0, ep - E2), constant_values=N).reshape(NW * cpw, 1, k)
    et = jnp.pad(etv, (0, ep - E2)).reshape(NW * cpw, 1, k)
    return jnp.concatenate([src, dstp, et], axis=1), cpw


def kernel(edge_index, edge_type, time_emds, ent_emds, rel_emds, Wt, bt, g_t,
           b_tl, W1, Wl1, Wr1, b1, ge1, be1, gr1, br1, W2, Wl2, Wr2, b2, ge2,
           be2, gr2, br2):
    N, D = ent_emds.shape
    E = edge_type.shape[0]
    R = rel_emds.shape[0]
    DEGBASE, DEGROWS, Np2 = _acc_rows(N)

    src = edge_index[0]
    dst = edge_index[1]

    eidx1, CPW1 = _pad_edges(src, dst, edge_type, N, K)
    K2 = 256
    CPT = -(-E // (NW * K2))
    dstpad = jnp.pad(dst, (0, NW * CPT * K2 - E), constant_values=N)
    zpre = jnp.zeros((Np2 // NS, D), F32)

    BT = 2000
    grid = N // BT
    t = pl.pallas_call(
        _time_body,
        grid=(grid,),
        in_specs=[_row_spec(BT, D), _full_spec((D, D)), _full_spec((1, D)),
                  _full_spec((1, D)), _full_spec((1, D))],
        out_specs=_row_spec(BT, D),
        out_shape=jax.ShapeDtypeStruct((N, D), F32),
    )(time_emds, Wt, bt.reshape(1, D), g_t.reshape(1, D), b_tl.reshape(1, D))

    r1, r2 = pl.pallas_call(
        _rel_body,
        in_specs=[pl.BlockSpec((R, D), lambda: (0, 0)),
                  pl.BlockSpec((D, D), lambda: (0, 0))] +
                 [pl.BlockSpec((1, D), lambda: (0, 0))] * 2 +
                 [pl.BlockSpec((D, D), lambda: (0, 0))] +
                 [pl.BlockSpec((1, D), lambda: (0, 0))] * 2,
        out_specs=[pl.BlockSpec((R, D), lambda: (0, 0))] * 2,
        out_shape=[jax.ShapeDtypeStruct((R, D), F32)] * 2,
    )(rel_emds, Wr1, gr1.reshape(1, D), br1.reshape(1, D),
      Wr2, gr2.reshape(1, D), br2.reshape(1, D))

    layer_call = pl.pallas_call(
        _layer_body,
        grid=(grid,),
        in_specs=[_row_spec(BT, D), _row_spec(BT, D),
                  _row_spec(BT, D), _row_spec(BT, D),
                  _row_spec(BT, D), _row_spec(BT, D),
                  _full_spec((D, D)), _full_spec((D, D)),
                  _full_spec((1, D)), _full_spec((1, D)), _full_spec((1, D))],
        out_specs=_row_spec(BT, D),
        out_shape=jax.ShapeDtypeStruct((N, D), F32),
    )

    deg_call = _make_deg_scatter(N, D, CPT, K2)
    dacc = deg_call(dstpad, zpre)

    scat = _make_edge_scatter(N, D, CPW1, K)
    eidx1b, dacc = lax.optimization_barrier((eidx1, dacc))
    acc1 = scat(eidx1b, ent_emds, rel_emds, zpre)
    x1 = layer_call(acc1[0], acc1[1], dacc[0], dacc[1], ent_emds, t, W1, Wl1,
                    b1.reshape(1, D), ge1.reshape(1, D), be1.reshape(1, D))

    acc2 = scat(eidx1, x1, r1, zpre)
    x2 = layer_call(acc2[0], acc2[1], dacc[0], dacc[1], x1, t, W2, Wl2,
                    b2.reshape(1, D), ge2.reshape(1, D), be2.reshape(1, D))

    return (x2, r2)

# --- scband reference (transcript-rebuilt; emitter-appended) ---
"""Pipeline reference for scband-tgcn-73787538145664 (READ-ONLY COPY).

The authoritative reference and input builder live on the scoring server;
editing this copy changes nothing except your own understanding.
"""

import jax, jax.numpy as jnp
import numpy as np

N, E, R, D = 10000, 320000, 200, 128

def _ln(x, g, b, eps=1e-5):
    mu = jnp.mean(x, axis=-1, keepdims=True)
    var = jnp.mean((x - mu) ** 2, axis=-1, keepdims=True)
    return (x - mu) / jnp.sqrt(var + eps) * g + b

def _comp_gcn(x, r, t, src, dst, etype, W, Wl, Wr, b):
    # CompGCN conv, opn='mult': per-edge composition of src entity and relation emb,
    # linear transform, degree-normalized scatter-add to dst, self-loop transform,
    # bias and per-node time injection; relation embeddings get their own transform.
    msg = (x[src] * r[etype]) @ W
    agg = jnp.zeros((x.shape[0], W.shape[1]), x.dtype).at[dst].add(msg)
    deg = jnp.zeros((x.shape[0],), x.dtype).at[dst].add(jnp.ones((dst.shape[0],), x.dtype))
    agg = agg / jnp.maximum(deg, 1.0)[:, None]
    return agg + x @ Wl + b + t, r @ Wr

def setup_inputs(seed: int = 0):
    key = jax.random.key(seed)
    ks = jax.random.split(key, 16)
    s = 1.0 / np.sqrt(D)
    inp = {}
    inp["edge_index"] = jax.random.randint(ks[0], (2, E), 0, N, dtype=jnp.int32)
    inp["edge_type"] = jax.random.randint(ks[1], (E,), 0, R, dtype=jnp.int32)
    inp["time_emds"] = jax.random.normal(ks[2], (N, D), dtype=jnp.float32)
    inp["ent_emds"] = jax.random.normal(ks[3], (N, D), dtype=jnp.float32)
    inp["rel_emds"] = jax.random.normal(ks[4], (R, D), dtype=jnp.float32)
    inp["Wt"] = jax.random.normal(ks[5], (D, D), dtype=jnp.float32) * s
    inp["bt"] = jnp.zeros((D,), jnp.float32)
    inp["g_t"] = jnp.ones((D,), jnp.float32)
    inp["b_tl"] = jnp.zeros((D,), jnp.float32)
    inp["W1"] = jax.random.normal(ks[6], (D, D), dtype=jnp.float32) * s
    inp["Wl1"] = jax.random.normal(ks[7], (D, D), dtype=jnp.float32) * s
    inp["Wr1"] = jax.random.normal(ks[8], (D, D), dtype=jnp.float32) * s
    inp["b1"] = jnp.zeros((D,), jnp.float32)
    inp["ge1"] = jnp.ones((D,), jnp.float32); inp["be1"] = jnp.zeros((D,), jnp.float32)
    inp["gr1"] = jnp.ones((D,), jnp.float32); inp["br1"] = jnp.zeros((D,), jnp.float32)
    inp["W2"] = jax.random.normal(ks[9], (D, D), dtype=jnp.float32) * s
    inp["Wl2"] = jax.random.normal(ks[10], (D, D), dtype=jnp.float32) * s
    inp["Wr2"] = jax.random.normal(ks[11], (D, D), dtype=jnp.float32) * s
    inp["b2"] = jnp.zeros((D,), jnp.float32)
    inp["ge2"] = jnp.ones((D,), jnp.float32); inp["be2"] = jnp.zeros((D,), jnp.float32)
    inp["gr2"] = jnp.ones((D,), jnp.float32); inp["br2"] = jnp.zeros((D,), jnp.float32)
    return inp

def reference(edge_index, edge_type, time_emds, ent_emds, rel_emds, Wt, bt, g_t, b_tl, W1, Wl1, Wr1, b1, ge1, be1, gr1, br1, W2, Wl2, Wr2, b2, ge2, be2, gr2, br2):
    src, dst = edge_index[0], edge_index[1]
    # line_time + time_ln
    t = _ln(time_emds @ Wt + bt, g_t, b_tl)
    # layer 1
    x, r = _comp_gcn(ent_emds, rel_emds, t, src, dst, edge_type, W1, Wl1, Wr1, b1)
    x = jnp.tanh(_ln(x, ge1, be1))
    r = jnp.tanh(_ln(r, gr1, br1))
    # layer 2 (n_layer == 2)
    x, r = _comp_gcn(x, r, t, src, dst, edge_type, W2, Wl2, Wr2, b2)
    x = jnp.tanh(_ln(x, ge2, be2))
    r = jnp.tanh(_ln(r, gr2, br2))
    return (x, r)

if __name__ == "__main__":
    import jax
    _d = setup_inputs()
    print(jax.jit(kernel)(*tuple(_d.values())))

</pallas_src>

<mosaic_0001>
#map = affine_map<(d0, d1) -> (0, 0, 0)>
#map1 = affine_map<(d0, d1) -> (0, 0)>
module attributes {stable_mosaic.version = 14 : i64} {
  func.func @body(%arg0: i32, %arg1: i32, %arg2: memref<6720x3x48xi32, #tpu.memory_space<hbm>>, %arg3: memref<10000x128xf32, #tpu.memory_space<hbm>>, %arg4: memref<200x128xf32, #tpu.memory_space<hbm>>, %arg5: memref<640x128xf32, #tpu.memory_space<hbm>>, %arg6: memref<2x10240x128xf32, #tpu.memory_space<hbm>>, %arg7: memref<3x48xi32, #tpu.memory_space<vmem>>, %arg8: memref<3x48xi32, #tpu.memory_space<vmem>>, %arg9: memref<3x48xi32, #tpu.memory_space<vmem>>, %arg10: memref<48x128xf32, #tpu.memory_space<vmem>>, %arg11: memref<48x128xf32, #tpu.memory_space<vmem>>, %arg12: memref<48x128xf32, #tpu.memory_space<vmem>>, %arg13: memref<48x128xf32, #tpu.memory_space<vmem>>, %arg14: memref<10240x128xf32, #tpu.memory_space<vmem_shared>>, %arg15: memref<!tpu.dma_semaphore, #tpu.memory_space<semaphore_mem>>, %arg16: memref<!tpu.dma_semaphore, #tpu.memory_space<semaphore_mem>>, %arg17: memref<!tpu.dma_semaphore, #tpu.memory_space<semaphore_mem>>, %arg18: memref<!tpu.dma_semaphore, #tpu.memory_space<semaphore_mem>>, %arg19: memref<!tpu.dma_semaphore, #tpu.memory_space<semaphore_mem>>, %arg20: memref<!tpu.dma_semaphore, #tpu.memory_space<semaphore_mem>>, %arg21: memref<!tpu.dma_semaphore, #tpu.memory_space<semaphore_mem>>) attributes {dimension_semantics = [#tpu.dimension_semantics<core_parallel>, #tpu.dimension_semantics<subcore_parallel>], iteration_bounds = array<i64: 2, 16>, scalar_prefetch = 0 : i64, scratch_operands = 15 : i64, tpu.core_type = #tpu.core_type<sc_vector_subcore>, window_params = [{transform_indices = #map}, {transform_indices = #map1}, {transform_indices = #map1}, {transform_indices = #map1}, {transform_indices = #map}]} {
    %mul3A = arith.constant 16 : i32
    %mul3A_0 = arith.muli %arg0, %mul3A : i32
    %add3A = arith.addi %mul3A_0, %arg1 : i32
    %mul3A_1 = arith.constant 210 : i32
    %mul3A_2 = arith.muli %add3A, %mul3A_1 : i32
    %mul3A_3 = arith.constant 640 : i32
    %mul3A_4 = arith.muli %arg1, %mul3A_3 : i32
    "tpu.region"() ({
      %run_scoped3A = tpu.sem_alloc : memref<!tpu.dma_semaphore, #tpu.memory_space<semaphore_mem>>
      %dma_start3A_58 = arith.constant 0 : i32
      %dma_start3A_59 = tpu.memref_slice %arg14[%mul3A_4, %dma_start3A_58] : memref<10240x128xf32, #tpu.memory_space<vmem_shared>> -> memref<640x128xf32, #tpu.memory_space<vmem_shared>>
      tpu.enqueue_dma source(%arg5 : memref<640x128xf32, #tpu.memory_space<hbm>>) target(%dma_start3A_59 : memref<640x128xf32, #tpu.memory_space<vmem_shared>>) target_semaphore(%run_scoped3A : memref<!tpu.dma_semaphore, #tpu.memory_space<semaphore_mem>>)
      %dma_wait3A_60 = arith.constant 0 : i32
      %dma_wait3A_61 = tpu.memref_slice %arg14[%mul3A_4, %dma_wait3A_60] : memref<10240x128xf32, #tpu.memory_space<vmem_shared>> -> memref<640x128xf32, #tpu.memory_space<vmem_shared>>
      tpu.wait_dma2 semaphore(%run_scoped3A : memref<!tpu.dma_semaphore, #tpu.memory_space<semaphore_mem>>) src(%arg5 : memref<640x128xf32, #tpu.memory_space<hbm>>) dst(%dma_wait3A_61 : memref<640x128xf32, #tpu.memory_space<vmem_shared>>)
      tpu.yield
    }) : () -> ()
    %add3A_5 = arith.constant 0 : i32
    %add3A_6 = arith.addi %mul3A_2, %add3A_5 : i32
    %dma_start3A = arith.constant 0 : i32
    %dma_start3A_7 = arith.constant 0 : i32
    %dma_start3A_8 = tpu.memref_slice %arg2[%add3A_6, %dma_start3A, %dma_start3A_7] : memref<6720x3x48xi32, #tpu.memory_space<hbm>> -> memref<1x3x48xi32, #tpu.memory_space<hbm>>
    %dma_start3A_9 = tpu.memref_squeeze %dma_start3A_8 : memref<1x3x48xi32, #tpu.memory_space<hbm>> -> memref<3x48xi32, #tpu.memory_space<hbm>>
    %dma_start3A_10 = arith.constant 0 : i32
    %dma_start3A_11 = arith.constant 0 : i32
    %dma_start3A_12 = tpu.memref_slice %arg2[%add3A_6, %dma_start3A_10, %dma_start3A_11] : memref<6720x3x48xi32, #tpu.memory_space<hbm>> -> memref<1x3x48xi32, #tpu.memory_space<hbm>>
    %dma_start3A_13 = tpu.memref_squeeze %dma_start3A_12 : memref<1x3x48xi32, #tpu.memory_space<hbm>> -> memref<3x48xi32, #tpu.memory_space<hbm>>
    tpu.enqueue_dma source(%dma_start3A_13 : memref<3x48xi32, #tpu.memory_space<hbm>>) target(%arg7 : memref<3x48xi32, #tpu.memory_space<vmem>>) target_semaphore(%arg15 : memref<!tpu.dma_semaphore, #tpu.memory_space<semaphore_mem>>)
    %add3A_14 = arith.constant 1 : i32
    %add3A_15 = arith.addi %mul3A_2, %add3A_14 : i32
    %dma_start3A_16 = arith.constant 0 : i32
    %dma_start3A_17 = arith.constant 0 : i32
    %dma_start3A_18 = tpu.memref_slice %arg2[%add3A_15, %dma_start3A_16, %dma_start3A_17] : memref<6720x3x48xi32, #tpu.memory_space<hbm>> -> memref<1x3x48xi32, #tpu.memory_space<hbm>>
    %dma_start3A_19 = tpu.memref_squeeze %dma_start3A_18 : memref<1x3x48xi32, #tpu.memory_space<hbm>> -> memref<3x48xi32, #tpu.memory_space<hbm>>
    %dma_start3A_20 = arith.constant 0 : i32
    %dma_start3A_21 = arith.constant 0 : i32
    %dma_start3A_22 = tpu.memref_slice %arg2[%add3A_15, %dma_start3A_20, %dma_start3A_21] : memref<6720x3x48xi32, #tpu.memory_space<hbm>> -> memref<1x3x48xi32, #tpu.memory_space<hbm>>
    %dma_start3A_23 = tpu.memref_squeeze %dma_start3A_22 : memref<1x3x48xi32, #tpu.memory_space<hbm>> -> memref<3x48xi32, #tpu.memory_space<hbm>>
    tpu.enqueue_dma source(%dma_start3A_23 : memref<3x48xi32, #tpu.memory_space<hbm>>) target(%arg8 : memref<3x48xi32, #tpu.memory_space<vmem>>) target_semaphore(%arg16 : memref<!tpu.dma_semaphore, #tpu.memory_space<semaphore_mem>>)
    %dma_wait3A = arith.constant 0 : i32
    %dma_wait3A_24 = arith.constant 0 : i32
    %dma_wait3A_25 = tpu.memref_slice %arg2[%mul3A_2, %dma_wait3A, %dma_wait3A_24] : memref<6720x3x48xi32, #tpu.memory_space<hbm>> -> memref<1x3x48xi32, #tpu.memory_space<hbm>>
    %dma_wait3A_26 = tpu.memref_squeeze %dma_wait3A_25 : memref<1x3x48xi32, #tpu.memory_space<hbm>> -> memref<3x48xi32, #tpu.memory_space<hbm>>
    %dma_wait3A_27 = arith.constant 0 : i32
    %dma_wait3A_28 = arith.constant 0 : i32
    %dma_wait3A_29 = tpu.memref_slice %arg2[%mul3A_2, %dma_wait3A_27, %dma_wait3A_28] : memref<6720x3x48xi32, #tpu.memory_space<hbm>> -> memref<1x3x48xi32, #tpu.memory_space<hbm>>
    %dma_wait3A_30 = tpu.memref_squeeze %dma_wait3A_29 : memref<1x3x48xi32, #tpu.memory_space<hbm>> -> memref<3x48xi32, #tpu.memory_space<hbm>>
    tpu.wait_dma2 semaphore(%arg15 : memref<!tpu.dma_semaphore, #tpu.memory_space<semaphore_mem>>) src(%dma_wait3A_30 : memref<3x48xi32, #tpu.memory_space<hbm>>) dst(%arg7 : memref<3x48xi32, #tpu.memory_space<vmem>>)
    %dma_start3A_31 = arith.constant 0 : i32
    %dma_start3A_32 = arith.constant 0 : i32
    %dma_start3A_33 = tpu.memref_slice %arg7[%dma_start3A_31, %dma_start3A_32] : memref<3x48xi32, #tpu.memory_space<vmem>> -> memref<1x48xi32, #tpu.memory_space<vmem>>
    %dma_start3A_34 = tpu.memref_squeeze %dma_start3A_33 : memref<1x48xi32, #tpu.memory_space<vmem>> -> memref<48xi32, #tpu.memory_space<vmem>>
    %dma_start3A_35 = arith.constant 0 : i32
    %dma_start3A_36 = arith.constant 0 : i32
    %dma_start3A_37 = tpu.memref_slice %arg3[%dma_start3A_35, %dma_start3A_36] : memref<10000x128xf32, #tpu.memory_space<hbm>> -> memref<10000x128xf32, #tpu.memory_space<hbm>>
    tpu.enqueue_indirect_dma source(%dma_start3A_37 : memref<10000x128xf32, #tpu.memory_space<hbm>>) target(%arg10 : memref<48x128xf32, #tpu.memory_space<vmem>>) offsets(%dma_start3A_34 : memref<48xi32, #tpu.memory_space<vmem>>) semaphore(%arg18 : memref<!tpu.dma_semaphore, #tpu.memory_space<semaphore_mem>>)
    %dma_start3A_38 = arith.constant 2 : i32
    %dma_start3A_39 = arith.constant 0 : i32
    %dma_start3A_40 = tpu.memref_slice %arg7[%dma_start3A_38, %dma_start3A_39] : memref<3x48xi32, #tpu.memory_space<vmem>> -> memref<1x48xi32, #tpu.memory_space<vmem>>
    %dma_start3A_41 = tpu.memref_squeeze %dma_start3A_40 : memref<1x48xi32, #tpu.memory_space<vmem>> -> memref<48xi32, #tpu.memory_space<vmem>>
    %dma_start3A_42 = arith.constant 0 : i32
    %dma_start3A_43 = arith.constant 0 : i32
    %dma_start3A_44 = tpu.memref_slice %arg4[%dma_start3A_42, %dma_start3A_43] : memref<200x128xf32, #tpu.memory_space<hbm>> -> memref<200x128xf32, #tpu.memory_space<hbm>>
    tpu.enqueue_indirect_dma source(%dma_start3A_44 : memref<200x128xf32, #tpu.memory_space<hbm>>) target(%arg12 : memref<48x128xf32, #tpu.memory_space<vmem>>) offsets(%dma_start3A_41 : memref<48xi32, #tpu.memory_space<vmem>>) semaphore(%arg18 : memref<!tpu.dma_semaphore, #tpu.memory_space<semaphore_mem>>)
    %barrier3A = arith.constant 0 : index
    tpu.barrier barrier_id(%barrier3A)
    %scan3A = arith.constant 0 : i32
    %scan3A_45 = arith.constant 0 : i32
    %scan3A_46 = arith.constant 35 : i32
    %scan3A_47 = arith.addi %scan3A_45, %scan3A_46 : i32
    %scan3A_48 = arith.constant 1 : i32
    scf.for %scan3A_58 = %scan3A_45 to %scan3A_47 step %scan3A_48  : i32 {
      %mul3A_59 = arith.constant 6 : i32
      %mul3A_60 = arith.muli %scan3A_58, %mul3A_59 : i32
      %add3A_61 = arith.constant 0 : i32
      %add3A_62 = arith.addi %mul3A_60, %add3A_61 : i32
      %ge3A = arith.constant 1 : i32
      %ge3A_63 = arith.cmpi sge, %add3A_62, %ge3A : i32
      %convert_element_type3A = arith.extui %ge3A_63 : i1 to i32
      %cond3A = arith.constant 0 : i32
      %cond3A_64 = arith.cmpi ne, %convert_element_type3A, %cond3A : i32
      scf.if %cond3A_64 {
        %dma_wait3A_355 = arith.constant 1 : i32
        %dma_wait3A_356 = arith.constant 0 : i32
        %dma_wait3A_357 = tpu.memref_slice %arg9[%dma_wait3A_355, %dma_wait3A_356] : memref<3x48xi32, #tpu.memory_space<vmem>> -> memref<1x48xi32, #tpu.memory_space<vmem>>
        %dma_wait3A_358 = tpu.memref_squeeze %dma_wait3A_357 : memref<1x48xi32, #tpu.memory_space<vmem>> -> memref<48xi32, #tpu.memory_space<vmem>>
        %dma_wait3A_359 = arith.constant 0 : i32
        %dma_wait3A_360 = arith.constant 0 : i32
        %dma_wait3A_361 = tpu.memref_slice %arg14[%dma_wait3A_359, %dma_wait3A_360] : memref<10240x128xf32, #tpu.memory_space<vmem_shared>> -> memref<10240x128xf32, #tpu.memory_space<vmem_shared>>
        tpu.wait_indirect_dma semaphore(%arg21 : memref<!tpu.dma_semaphore, #tpu.memory_space<semaphore_mem>>) src(%arg11 : memref<48x128xf32, #tpu.memory_space<vmem>>) dst(%dma_wait3A_361 : memref<10240x128xf32, #tpu.memory_space<vmem_shared>>)
      } else {
      }
      %add3A_65 = arith.constant 1 : i32
      %add3A_66 = arith.addi %add3A_62, %add3A_65 : i32
      %lt3A = arith.constant 210 : i32
      %lt3A_67 = arith.cmpi slt, %add3A_66, %lt3A : i32
      %convert_element_type3A_68 = arith.extui %lt3A_67 : i1 to i32
      %cond3A_69 = arith.constant 0 : i32
      %cond3A_70 = arith.cmpi ne, %convert_element_type3A_68, %cond3A_69 : i32
      scf.if %cond3A_70 {
        %dma_wait3A_355 = arith.constant 0 : i32
        %dma_wait3A_356 = arith.constant 0 : i32
        %dma_wait3A_357 = tpu.memref_slice %arg2[%mul3A_2, %dma_wait3A_355, %dma_wait3A_356] : memref<6720x3x48xi32, #tpu.memory_space<hbm>> -> memref<1x3x48xi32, #tpu.memory_space<hbm>>
        %dma_wait3A_358 = tpu.memref_squeeze %dma_wait3A_357 : memref<1x3x48xi32, #tpu.memory_space<hbm>> -> memref<3x48xi32, #tpu.memory_space<hbm>>
        %dma_wait3A_359 = arith.constant 0 : i32
        %dma_wait3A_360 = arith.constant 0 : i32
        %dma_wait3A_361 = tpu.memref_slice %arg2[%mul3A_2, %dma_wait3A_359, %dma_wait3A_360] : memref<6720x3x48xi32, #tpu.memory_space<hbm>> -> memref<1x3x48xi32, #tpu.memory_space<hbm>>
        %dma_wait3A_362 = tpu.memref_squeeze %dma_wait3A_361 : memref<1x3x48xi32, #tpu.memory_space<hbm>> -> memref<3x48xi32, #tpu.memory_space<hbm>>
        tpu.wait_dma2 semaphore(%arg16 : memref<!tpu.dma_semaphore, #tpu.memory_space<semaphore_mem>>) src(%dma_wait3A_362 : memref<3x48xi32, #tpu.memory_space<hbm>>) dst(%arg8 : memref<3x48xi32, #tpu.memory_space<vmem>>)
        %dma_start3A_363 = arith.constant 0 : i32
        %dma_start3A_364 = arith.constant 0 : i32
        %dma_start3A_365 = tpu.memref_slice %arg8[%dma_start3A_363, %dma_start3A_364] : memref<3x48xi32, #tpu.memory_space<vmem>> -> memref<1x48xi32, #tpu.memory_space<vmem>>
        %dma_start3A_366 = tpu.memref_squeeze %dma_start3A_365 : memref<1x48xi32, #tpu.memory_space<vmem>> -> memref<48xi32, #tpu.memory_space<vmem>>
        %dma_start3A_367 = arith.constant 0 : i32
        %dma_start3A_368 = arith.constant 0 : i32
        %dma_start3A_369 = tpu.memref_slice %arg3[%dma_start3A_367, %dma_start3A_368] : memref<10000x128xf32, #tpu.memory_space<hbm>> -> memref<10000x128xf32, #tpu.memory_space<hbm>>
        tpu.enqueue_indirect_dma source(%dma_start3A_369 : memref<10000x128xf32, #tpu.memory_space<hbm>>) target(%arg11 : memref<48x128xf32, #tpu.memory_space<vmem>>) offsets(%dma_start3A_366 : memref<48xi32, #tpu.memory_space<vmem>>) semaphore(%arg19 : memref<!tpu.dma_semaphore, #tpu.memory_space<semaphore_mem>>)
        %dma_start3A_370 = arith.constant 2 : i32
        %dma_start3A_371 = arith.constant 0 : i32
        %dma_start3A_372 = tpu.memref_slice %arg8[%dma_start3A_370, %dma_start3A_371] : memref<3x48xi32, #tpu.memory_space<vmem>> -> memref<1x48xi32, #tpu.memory_space<vmem>>
        %dma_start3A_373 = tpu.memref_squeeze %dma_start3A_372 : memref<1x48xi32, #tpu.memory_space<vmem>> -> memref<48xi32, #tpu.memory_space<vmem>>
        %dma_start3A_374 = arith.constant 0 : i32
        %dma_start3A_375 = arith.constant 0 : i32
        %dma_start3A_376 = tpu.memref_slice %arg4[%dma_start3A_374, %dma_start3A_375] : memref<200x128xf32, #tpu.memory_space<hbm>> -> memref<200x128xf32, #tpu.memory_space<hbm>>
        tpu.enqueue_indirect_dma source(%dma_start3A_376 : memref<200x128xf32, #tpu.memory_space<hbm>>) target(%arg13 : memref<48x128xf32, #tpu.memory_space<vmem>>) offsets(%dma_start3A_373 : memref<48xi32, #tpu.memory_space<vmem>>) semaphore(%arg19 : memref<!tpu.dma_semaphore, #tpu.memory_space<semaphore_mem>>)
      } else {
      }
      %dma_wait3A_71 = arith.constant 0 : i32
      %dma_wait3A_72 = arith.constant 0 : i32
      %dma_wait3A_73 = tpu.memref_slice %arg7[%dma_wait3A_71, %dma_wait3A_72] : memref<3x48xi32, #tpu.memory_space<vmem>> -> memref<1x48xi32, #tpu.memory_space<vmem>>
      %dma_wait3A_74 = tpu.memref_squeeze %dma_wait3A_73 : memref<1x48xi32, #tpu.memory_space<vmem>> -> memref<48xi32, #tpu.memory_space<vmem>>
      %dma_wait3A_75 = arith.constant 0 : i32
      %dma_wait3A_76 = arith.constant 0 : i32
      %dma_wait3A_77 = tpu.memref_slice %arg3[%dma_wait3A_75, %dma_wait3A_76] : memref<10000x128xf32, #tpu.memory_space<hbm>> -> memref<10000x128xf32, #tpu.memory_space<hbm>>
      tpu.wait_indirect_dma semaphore(%arg18 : memref<!tpu.dma_semaphore, #tpu.memory_space<semaphore_mem>>) src(%dma_wait3A_77 : memref<10000x128xf32, #tpu.memory_space<hbm>>) dst(%arg10 : memref<48x128xf32, #tpu.memory_space<vmem>>)
      %dma_wait3A_78 = arith.constant 2 : i32
      %dma_wait3A_79 = arith.constant 0 : i32
      %dma_wait3A_80 = tpu.memref_slice %arg7[%dma_wait3A_78, %dma_wait3A_79] : memref<3x48xi32, #tpu.memory_space<vmem>> -> memref<1x48xi32, #tpu.memory_space<vmem>>
      %dma_wait3A_81 = tpu.memref_squeeze %dma_wait3A_80 : memref<1x48xi32, #tpu.memory_space<vmem>> -> memref<48xi32, #tpu.memory_space<vmem>>
      %dma_wait3A_82 = arith.constant 0 : i32
      %dma_wait3A_83 = arith.constant 0 : i32
      %dma_wait3A_84 = tpu.memref_slice %arg4[%dma_wait3A_82, %dma_wait3A_83] : memref<200x128xf32, #tpu.memory_space<hbm>> -> memref<200x128xf32, #tpu.memory_space<hbm>>
      tpu.wait_indirect_dma semaphore(%arg18 : memref<!tpu.dma_semaphore, #tpu.memory_space<semaphore_mem>>) src(%dma_wait3A_84 : memref<200x128xf32, #tpu.memory_space<hbm>>) dst(%arg12 : memref<48x128xf32, #tpu.memory_space<vmem>>)
      %add3A_85 = arith.constant 2 : i32
      %add3A_86 = arith.addi %add3A_62, %add3A_85 : i32
      %lt3A_87 = arith.constant 210 : i32
      %lt3A_88 = arith.cmpi slt, %add3A_86, %lt3A_87 : i32
      %convert_element_type3A_89 = arith.extui %lt3A_88 : i1 to i32
      %cond3A_90 = arith.constant 0 : i32
      %cond3A_91 = arith.cmpi ne, %convert_element_type3A_89, %cond3A_90 : i32
      scf.if %cond3A_91 {
        %add3A_355 = arith.constant 2 : i32
        %add3A_356 = arith.addi %add3A_62, %add3A_355 : i32
        %add3A_357 = arith.addi %mul3A_2, %add3A_356 : i32
        %dma_start3A_358 = arith.constant 0 : i32
        %dma_start3A_359 = arith.constant 0 : i32
        %dma_start3A_360 = tpu.memref_slice %arg2[%add3A_357, %dma_start3A_358, %dma_start3A_359] : memref<6720x3x48xi32, #tpu.memory_space<hbm>> -> memref<1x3x48xi32, #tpu.memory_space<hbm>>
        %dma_start3A_361 = tpu.memref_squeeze %dma_start3A_360 : memref<1x3x48xi32, #tpu.memory_space<hbm>> -> memref<3x48xi32, #tpu.memory_space<hbm>>
        %dma_start3A_362 = arith.constant 0 : i32
        %dma_start3A_363 = arith.constant 0 : i32
        %dma_start3A_364 = tpu.memref_slice %arg2[%add3A_357, %dma_start3A_362, %dma_start3A_363] : memref<6720x3x48xi32, #tpu.memory_space<hbm>> -> memref<1x3x48xi32, #tpu.memory_space<hbm>>
        %dma_start3A_365 = tpu.memref_squeeze %dma_start3A_364 : memref<1x3x48xi32, #tpu.memory_space<hbm>> -> memref<3x48xi32, #tpu.memory_space<hbm>>
        tpu.enqueue_dma source(%dma_start3A_365 : memref<3x48xi32, #tpu.memory_space<hbm>>) target(%arg9 : memref<3x48xi32, #tpu.memory_space<vmem>>) target_semaphore(%arg17 : memref<!tpu.dma_semaphore, #tpu.memory_space<semaphore_mem>>)
      } else {
      }
      %scan3A_92 = arith.constant 0 : i32
      %scan3A_93 = arith.constant 0 : i32
      %scan3A_94 = arith.constant 48 : i32
      %scan3A_95 = arith.addi %scan3A_93, %scan3A_94 : i32
      %scan3A_96 = arith.constant 1 : i32
      scf.for %scan3A_355 = %scan3A_93 to %scan3A_95 step %scan3A_96  : i32 {
        %get3A = arith.index_cast %scan3A_355 : i32 to index
        %get3A_356 = arith.constant 0 : index
        %get3A_357 = tpu.vector_load %arg10[%get3A, %get3A_356] {strides = array<i32>} : memref<48x128xf32, #tpu.memory_space<vmem>>, vector<1x16xf32>,
        %get3A_358 = vector.shape_cast %get3A_357 : vector<1x16xf32> to vector<16xf32>
        %get3A_359 = arith.index_cast %scan3A_355 : i32 to index
        %get3A_360 = arith.constant 0 : index
        %get3A_361 = tpu.vector_load %arg12[%get3A_359, %get3A_360] {strides = array<i32>} : memref<48x128xf32, #tpu.memory_space<vmem>>, vector<1x16xf32>,
        %get3A_362 = vector.shape_cast %get3A_361 : vector<1x16xf32> to vector<16xf32>
        %mul3A_363 = arith.mulf %get3A_358, %get3A_362 : vector<16xf32>
        %swap3A = arith.index_cast %scan3A_355 : i32 to index
        %swap3A_364 = arith.constant 0 : index
        %swap3A_365 = tpu.vector_load %arg10[%swap3A, %swap3A_364] {strides = array<i32>} : memref<48x128xf32, #tpu.memory_space<vmem>>, vector<1x16xf32>,
        %swap3A_366 = vector.shape_cast %swap3A_365 : vector<1x16xf32> to vector<16xf32>
        %swap3A_367 = vector.shape_cast %mul3A_363 : vector<16xf32> to vector<1x16xf32>
        tpu.vector_store %arg10[%swap3A, %swap3A_364], %swap3A_367 {strides = array<i32>} : memref<48x128xf32, #tpu.memory_space<vmem>>, vector<1x16xf32>,
        %get3A_368 = arith.index_cast %scan3A_355 : i32 to index
        %get3A_369 = arith.constant 16 : index
        %get3A_370 = tpu.vector_load %arg10[%get3A_368, %get3A_369] {strides = array<i32>} : memref<48x128xf32, #tpu.memory_space<vmem>>, vector<1x16xf32>,
        %get3A_371 = vector.shape_cast %get3A_370 : vector<1x16xf32> to vector<16xf32>
        %get3A_372 = arith.index_cast %scan3A_355 : i32 to index
        %get3A_373 = arith.constant 16 : index
        %get3A_374 = tpu.vector_load %arg12[%get3A_372, %get3A_373] {strides = array<i32>} : memref<48x128xf32, #tpu.memory_space<vmem>>, vector<1x16xf32>,
        %get3A_375 = vector.shape_cast %get3A_374 : vector<1x16xf32> to vector<16xf32>
        %mul3A_376 = arith.mulf %get3A_371, %get3A_375 : vector<16xf32>
        %swap3A_377 = arith.index_cast %scan3A_355 : i32 to index
        %swap3A_378 = arith.constant 16 : index
        %swap3A_379 = tpu.vector_load %arg10[%swap3A_377, %swap3A_378] {strides = array<i32>} : memref<48x128xf32, #tpu.memory_space<vmem>>, vector<1x16xf32>,
        %swap3A_380 = vector.shape_cast %swap3A_379 : vector<1x16xf32> to vector<16xf32>
        %swap3A_381 = vector.shape_cast %mul3A_376 : vector<16xf32> to vector<1x16xf32>
        tpu.vector_store %arg10[%swap3A_377, %swap3A_378], %swap3A_381 {strides = array<i32>} : memref<48x128xf32, #tpu.memory_space<vmem>>, vector<1x16xf32>,
        %get3A_382 = arith.index_cast %scan3A_355 : i32 to index
        %get3A_383 = arith.constant 32 : index
        %get3A_384 = tpu.vector_load %arg10[%get3A_382, %get3A_383] {strides = array<i32>} : memref<48x128xf32, #tpu.memory_space<vmem>>, vector<1x16xf32>,
        %get3A_385 = vector.shape_cast %get3A_384 : vector<1x16xf32> to vector<16xf32>
        %get3A_386 = arith.index_cast %scan3A_355 : i32 to index
        %get3A_387 = arith.constant 32 : index
        %get3A_388 = tpu.vector_load %arg12[%get3A_386, %get3A_387] {strides = array<i32>} : memref<48x128xf32, #tpu.memory_space<vmem>>, vector<1x16xf32>,
        %get3A_389 = vector.shape_cast %get3A_388 : vector<1x16xf32> to vector<16xf32>
        %mul3A_390 = arith.mulf %get3A_385, %get3A_389 : vector<16xf32>
        %swap3A_391 = arith.index_cast %scan3A_355 : i32 to index
        %swap3A_392 = arith.constant 32 : index
        %swap3A_393 = tpu.vector_load %arg10[%swap3A_391, %swap3A_392] {strides = array<i32>} : memref<48x128xf32, #tpu.memory_space<vmem>>, vector<1x16xf32>,
        %swap3A_394 = vector.shape_cast %swap3A_393 : vector<1x16xf32> to vector<16xf32>
        %swap3A_395 = vector.shape_cast %mul3A_390 : vector<16xf32> to vector<1x16xf32>
        tpu.vector_store %arg10[%swap3A_391, %swap3A_392], %swap3A_395 {strides = array<i32>} : memref<48x128xf32, #tpu.memory_space<vmem>>, vector<1x16xf32>,
        %get3A_396 = arith.index_cast %scan3A_355 : i32 to index
        %get3A_397 = arith.constant 48 : index
        %get3A_398 = tpu.vector_load %arg10[%get3A_396, %get3A_397] {strides = array<i32>} : memref<48x128xf32, #tpu.memory_space<vmem>>, vector<1x16xf32>,
        %get3A_399 = vector.shape_cast %get3A_398 : vector<1x16xf32> to vector<16xf32>
        %get3A_400 = arith.index_cast %scan3A_355 : i32 to index
        %get3A_401 = arith.constant 48 : index
        %get3A_402 = tpu.vector_load %arg12[%get3A_400, %get3A_401] {strides = array<i32>} : memref<48x128xf32, #tpu.memory_space<vmem>>, vector<1x16xf32>,
        %get3A_403 = vector.shape_cast %get3A_402 : vector<1x16xf32> to vector<16xf32>
        %mul3A_404 = arith.mulf %get3A_399, %get3A_403 : vector<16xf32>
        %swap3A_405 = arith.index_cast %scan3A_355 : i32 to index
        %swap3A_406 = arith.constant 48 : index
        %swap3A_407 = tpu.vector_load %arg10[%swap3A_405, %swap3A_406] {strides = array<i32>} : memref<48x128xf32, #tpu.memory_space<vmem>>, vector<1x16xf32>,
        %swap3A_408 = vector.shape_cast %swap3A_407 : vector<1x16xf32> to vector<16xf32>
        %swap3A_409 = vector.shape_cast %mul3A_404 : vector<16xf32> to vector<1x16xf32>
        tpu.vector_store %arg10[%swap3A_405, %swap3A_406], %swap3A_409 {strides = array<i32>} : memref<48x128xf32, #tpu.memory_space<vmem>>, vector<1x16xf32>,
        %get3A_410 = arith.index_cast %scan3A_355 : i32 to index
        %get3A_411 = arith.constant 64 : index
        %get3A_412 = tpu.vector_load %arg10[%get3A_410, %get3A_411] {strides = array<i32>} : memref<48x128xf32, #tpu.memory_space<vmem>>, vector<1x16xf32>,
        %get3A_413 = vector.shape_cast %get3A_412 : vector<1x16xf32> to vector<16xf32>
        %get3A_414 = arith.index_cast %scan3A_355 : i32 to index
        %get3A_415 = arith.constant 64 : index
        %get3A_416 = tpu.vector_load %arg12[%get3A_414, %get3A_415] {strides = array<i32>} : memref<48x128xf32, #tpu.memory_space<vmem>>, vector<1x16xf32>,
        %get3A_417 = vector.shape_cast %get3A_416 : vector<1x16xf32> to vector<16xf32>
        %mul3A_418 = arith.mulf %get3A_413, %get3A_417 : vector<16xf32>
        %swap3A_419 = arith.index_cast %scan3A_355 : i32 to index
        %swap3A_420 = arith.constant 64 : index
        %swap3A_421 = tpu.vector_load %arg10[%swap3A_419, %swap3A_420] {strides = array<i32>} : memref<48x128xf32, #tpu.memory_space<vmem>>, vector<1x16xf32>,
        %swap3A_422 = vector.shape_cast %swap3A_421 : vector<1x16xf32> to vector<16xf32>
        %swap3A_423 = vector.shape_cast %mul3A_418 : vector<16xf32> to vector<1x16xf32>
        tpu.vector_store %arg10[%swap3A_419, %swap3A_420], %swap3A_423 {strides = array<i32>} : memref<48x128xf32, #tpu.memory_space<vmem>>, vector<1x16xf32>,
        %get3A_424 = arith.index_cast %scan3A_355 : i32 to index
        %get3A_425 = arith.constant 80 : index
        %get3A_426 = tpu.vector_load %arg10[%get3A_424, %get3A_425] {strides = array<i32>} : memref<48x128xf32, #tpu.memory_space<vmem>>, vector<1x16xf32>,
        %get3A_427 = vector.shape_cast %get3A_426 : vector<1x16xf32> to vector<16xf32>
        %get3A_428 = arith.index_cast %scan3A_355 : i32 to index
        %get3A_429 = arith.constant 80 : index
        %get3A_430 = tpu.vector_load %arg12[%get3A_428, %get3A_429] {strides = array<i32>} : memref<48x128xf32, #tpu.memory_space<vmem>>, vector<1x16xf32>,
        %get3A_431 = vector.shape_cast %get3A_430 : vector<1x16xf32> to vector<16xf32>
        %mul3A_432 = arith.mulf %get3A_427, %get3A_431 : vector<16xf32>
        %swap3A_433 = arith.index_cast %scan3A_355 : i32 to index
        %swap3A_434 = arith.constant 80 : index
        %swap3A_435 = tpu.vector_load %arg10[%swap3A_433, %swap3A_434] {strides = array<i32>} : memref<48x128xf32, #tpu.memory_space<vmem>>, vector<1x16xf32>,
        %swap3A_436 = vector.shape_cast %swap3A_435 : vector<1x16xf32> to vector<16xf32>
        %swap3A_437 = vector.shape_cast %mul3A_432 : vector<16xf32> to vector<1x16xf32>
        tpu.vector_store %arg10[%swap3A_433, %swap3A_434], %swap3A_437 {strides = array<i32>} : memref<48x128xf32, #tpu.memory_space<vmem>>, vector<1x16xf32>,
        %get3A_438 = arith.index_cast %scan3A_355 : i32 to index
        %get3A_439 = arith.constant 96 : index
        %get3A_440 = tpu.vector_load %arg10[%get3A_438, %get3A_439] {strides = array<i32>} : memref<48x128xf32, #tpu.memory_space<vmem>>, vector<1x16xf32>,
        %get3A_441 = vector.shape_cast %get3A_440 : vector<1x16xf32> to vector<16xf32>
        %get3A_442 = arith.index_cast %scan3A_355 : i32 to index
        %get3A_443 = arith.constant 96 : index
        %get3A_444 = tpu.vector_load %arg12[%get3A_442, %get3A_443] {strides = array<i32>} : memref<48x128xf32, #tpu.memory_space<vmem>>, vector<1x16xf32>,
        %get3A_445 = vector.shape_cast %get3A_444 : vector<1x16xf32> to vector<16xf32>
        %mul3A_446 = arith.mulf %get3A_441, %get3A_445 : vector<16xf32>
        %swap3A_447 = arith.index_cast %scan3A_355 : i32 to index
        %swap3A_448 = arith.constant 96 : index
        %swap3A_449 = tpu.vector_load %arg10[%swap3A_447, %swap3A_448] {strides = array<i32>} : memref<48x128xf32, #tpu.memory_space<vmem>>, vector<1x16xf32>,
        %swap3A_450 = vector.shape_cast %swap3A_449 : vector<1x16xf32> to vector<16xf32>
        %swap3A_451 = vector.shape_cast %mul3A_446 : vector<16xf32> to vector<1x16xf32>
        tpu.vector_store %arg10[%swap3A_447, %swap3A_448], %swap3A_451 {strides = array<i32>} : memref<48x128xf32, #tpu.memory_space<vmem>>, vector<1x16xf32>,
        %get3A_452 = arith.index_cast %scan3A_355 : i32 to index
        %get3A_453 = arith.constant 112 : index
        %get3A_454 = tpu.vector_load %arg10[%get3A_452, %get3A_453] {strides = array<i32>} : memref<48x128xf32, #tpu.memory_space<vmem>>, vector<1x16xf32>,
        %get3A_455 = vector.shape_cast %get3A_454 : vector<1x16xf32> to vector<16xf32>
        %get3A_456 = arith.index_cast %scan3A_355 : i32 to index
        %get3A_457 = arith.constant 112 : index
        %get3A_458 = tpu.vector_load %arg12[%get3A_456, %get3A_457] {strides = array<i32>} : memref<48x128xf32, #tpu.memory_space<vmem>>, vector<1x16xf32>,
        %get3A_459 = vector.shape_cast %get3A_458 : vector<1x16xf32> to vector<16xf32>
        %mul3A_460 = arith.mulf %get3A_455, %get3A_459 : vector<16xf32>
        %swap3A_461 = arith.index_cast %scan3A_355 : i32 to index
        %swap3A_462 = arith.constant 112 : index
        %swap3A_463 = tpu.vector_load %arg10[%swap3A_461, %swap3A_462] {strides = array<i32>} : memref<48x128xf32, #tpu.memory_space<vmem>>, vector<1x16xf32>,
        %swap3A_464 = vector.shape_cast %swap3A_463 : vector<1x16xf32> to vector<16xf32>
        %swap3A_465 = vector.shape_cast %mul3A_460 : vector<16xf32> to vector<1x16xf32>
        tpu.vector_store %arg10[%swap3A_461, %swap3A_462], %swap3A_465 {strides = array<i32>} : memref<48x128xf32, #tpu.memory_space<vmem>>, vector<1x16xf32>,
      }
      %scan3A_97 = arith.constant 48 : i32
      %dma_start3A_98 = arith.constant 1 : i32
      %dma_start3A_99 = arith.constant 0 : i32
      %dma_start3A_100 = tpu.memref_slice %arg7[%dma_start3A_98, %dma_start3A_99] : memref<3x48xi32, #tpu.memory_space<vmem>> -> memref<1x48xi32, #tpu.memory_space<vmem>>
      %dma_start3A_101 = tpu.memref_squeeze %dma_start3A_100 : memref<1x48xi32, #tpu.memory_space<vmem>> -> memref<48xi32, #tpu.memory_space<vmem>>
      %dma_start3A_102 = arith.constant 0 : i32
      %dma_start3A_103 = arith.constant 0 : i32
      %dma_start3A_104 = tpu.memref_slice %arg14[%dma_start3A_102, %dma_start3A_103] : memref<10240x128xf32, #tpu.memory_space<vmem_shared>> -> memref<10240x128xf32, #tpu.memory_space<vmem_shared>>
      tpu.enqueue_indirect_dma source(%arg10 : memref<48x128xf32, #tpu.memory_space<vmem>>) target(%dma_start3A_104 : memref<10240x128xf32, #tpu.memory_space<vmem_shared>>) offsets(%dma_start3A_101 : memref<48xi32, #tpu.memory_space<vmem>>) semaphore(%arg20 : memref<!tpu.dma_semaphore, #tpu.memory_space<semaphore_mem>>) {add = true}
      %mul3A_105 = arith.constant 6 : i32
      %mul3A_106 = arith.muli %scan3A_58, %mul3A_105 : i32
      %add3A_107 = arith.constant 1 : i32
      %add3A_108 = arith.addi %mul3A_106, %add3A_107 : i32
      %ge3A_109 = arith.constant 1 : i32
      %ge3A_110 = arith.cmpi sge, %add3A_108, %ge3A_109 : i32
      %convert_element_type3A_111 = arith.extui %ge3A_110 : i1 to i32
      %cond3A_112 = arith.constant 0 : i32
      %cond3A_113 = arith.cmpi ne, %convert_element_type3A_111, %cond3A_112 : i32
      scf.if %cond3A_113 {
        %dma_wait3A_355 = arith.constant 1 : i32
        %dma_wait3A_356 = arith.constant 0 : i32
        %dma_wait3A_357 = tpu.memref_slice %arg7[%dma_wait3A_355, %dma_wait3A_356] : memref<3x48xi32, #tpu.memory_space<vmem>> -> memref<1x48xi32, #tpu.memory_space<vmem>>
        %dma_wait3A_358 = tpu.memref_squeeze %dma_wait3A_357 : memref<1x48xi32, #tpu.memory_space<vmem>> -> memref<48xi32, #tpu.memory_space<vmem>>
        %dma_wait3A_359 = arith.constant 0 : i32
        %dma_wait3A_360 = arith.constant 0 : i32
        %dma_wait3A_361 = tpu.memref_slice %arg14[%dma_wait3A_359, %dma_wait3A_360] : memref<10240x128xf32, #tpu.memory_space<vmem_shared>> -> memref<10240x128xf32, #tpu.memory_space<vmem_shared>>
        tpu.wait_indirect_dma semaphore(%arg20 : memref<!tpu.dma_semaphore, #tpu.memory_space<semaphore_mem>>) src(%arg10 : memref<48x128xf32, #tpu.memory_space<vmem>>) dst(%dma_wait3A_361 : memref<10240x128xf32, #tpu.memory_space<vmem_shared>>)
      } else {
      }
      %add3A_114 = arith.constant 1 : i32
      %add3A_115 = arith.addi %add3A_108, %add3A_114 : i32
      %lt3A_116 = arith.constant 210 : i32
      %lt3A_117 = arith.cmpi slt, %add3A_115, %lt3A_116 : i32
      %convert_element_type3A_118 = arith.extui %lt3A_117 : i1 to i32
      %cond3A_119 = arith.constant 0 : i32
      %cond3A_120 = arith.cmpi ne, %convert_element_type3A_118, %cond3A_119 : i32
      scf.if %cond3A_120 {
        %dma_wait3A_355 = arith.constant 0 : i32
        %dma_wait3A_356 = arith.constant 0 : i32
        %dma_wait3A_357 = tpu.memref_slice %arg2[%mul3A_2, %dma_wait3A_355, %dma_wait3A_356] : memref<6720x3x48xi32, #tpu.memory_space<hbm>> -> memref<1x3x48xi32, #tpu.memory_space<hbm>>
        %dma_wait3A_358 = tpu.memref_squeeze %dma_wait3A_357 : memref<1x3x48xi32, #tpu.memory_space<hbm>> -> memref<3x48xi32, #tpu.memory_space<hbm>>
        %dma_wait3A_359 = arith.constant 0 : i32
        %dma_wait3A_360 = arith.constant 0 : i32
        %dma_wait3A_361 = tpu.memref_slice %arg2[%mul3A_2, %dma_wait3A_359, %dma_wait3A_360] : memref<6720x3x48xi32, #tpu.memory_space<hbm>> -> memref<1x3x48xi32, #tpu.memory_space<hbm>>
        %dma_wait3A_362 = tpu.memref_squeeze %dma_wait3A_361 : memref<1x3x48xi32, #tpu.memory_space<hbm>> -> memref<3x48xi32, #tpu.memory_space<hbm>>
        tpu.wait_dma2 semaphore(%arg17 : memref<!tpu.dma_semaphore, #tpu.memory_space<semaphore_mem>>) src(%dma_wait3A_362 : memref<3x48xi32, #tpu.memory_space<hbm>>) dst(%arg9 : memref<3x48xi32, #tpu.memory_space<vmem>>)
        %dma_start3A_363 = arith.constant 0 : i32
        %dma_start3A_364 = arith.constant 0 : i32
        %dma_start3A_365 = tpu.memref_slice %arg9[%dma_start3A_363, %dma_start3A_364] : memref<3x48xi32, #tpu.memory_space<vmem>> -> memref<1x48xi32, #tpu.memory_space<vmem>>
        %dma_start3A_366 = tpu.memref_squeeze %dma_start3A_365 : memref<1x48xi32, #tpu.memory_space<vmem>> -> memref<48xi32, #tpu.memory_space<vmem>>
        %dma_start3A_367 = arith.constant 0 : i32
        %dma_start3A_368 = arith.constant 0 : i32
        %dma_start3A_369 = tpu.memref_slice %arg3[%dma_start3A_367, %dma_start3A_368] : memref<10000x128xf32, #tpu.memory_space<hbm>> -> memref<10000x128xf32, #tpu.memory_space<hbm>>
        tpu.enqueue_indirect_dma source(%dma_start3A_369 : memref<10000x128xf32, #tpu.memory_space<hbm>>) target(%arg10 : memref<48x128xf32, #tpu.memory_space<vmem>>) offsets(%dma_start3A_366 : memref<48xi32, #tpu.memory_space<vmem>>) semaphore(%arg18 : memref<!tpu.dma_semaphore, #tpu.memory_space<semaphore_mem>>)
        %dma_start3A_370 = arith.constant 2 : i32
        %dma_start3A_371 = arith.constant 0 : i32
        %dma_start3A_372 = tpu.memref_slice %arg9[%dma_start3A_370, %dma_start3A_371] : memref<3x48xi32, #tpu.memory_space<vmem>> -> memref<1x48xi32, #tpu.memory_space<vmem>>
        %dma_start3A_373 = tpu.memref_squeeze %dma_start3A_372 : memref<1x48xi32, #tpu.memory_space<vmem>> -> memref<48xi32, #tpu.memory_space<vmem>>
        %dma_start3A_374 = arith.constant 0 : i32
        %dma_start3A_375 = arith.constant 0 : i32
        %dma_start3A_376 = tpu.memref_slice %arg4[%dma_start3A_374, %dma_start3A_375] : memref<200x128xf32, #tpu.memory_space<hbm>> -> memref<200x128xf32, #tpu.memory_space<hbm>>
        tpu.enqueue_indirect_dma source(%dma_start3A_376 : memref<200x128xf32, #tpu.memory_space<hbm>>) target(%arg12 : memref<48x128xf32, #tpu.memory_space<vmem>>) offsets(%dma_start3A_373 : memref<48xi32, #tpu.memory_space<vmem>>) semaphore(%arg18 : memref<!tpu.dma_semaphore, #tpu.memory_space<semaphore_mem>>)
      } else {
      }
      %dma_wait3A_121 = arith.constant 0 : i32
      %dma_wait3A_122 = arith.constant 0 : i32
      %dma_wait3A_123 = tpu.memref_slice %arg8[%dma_wait3A_121, %dma_wait3A_122] : memref<3x48xi32, #tpu.memory_space<vmem>> -> memref<1x48xi32, #tpu.memory_space<vmem>>
      %dma_wait3A_124 = tpu.memref_squeeze %dma_wait3A_123 : memref<1x48xi32, #tpu.memory_space<vmem>> -> memref<48xi32, #tpu.memory_space<vmem>>
      %dma_wait3A_125 = arith.constant 0 : i32
      %dma_wait3A_126 = arith.constant 0 : i32
      %dma_wait3A_127 = tpu.memref_slice %arg3[%dma_wait3A_125, %dma_wait3A_126] : memref<10000x128xf32, #tpu.memory_space<hbm>> -> memref<10000x128xf32, #tpu.memory_space<hbm>>
      tpu.wait_indirect_dma semaphore(%arg19 : memref<!tpu.dma_semaphore, #tpu.memory_space<semaphore_mem>>) src(%dma_wait3A_127 : memref<10000x128xf32, #tpu.memory_space<hbm>>) dst(%arg11 : memref<48x128xf32, #tpu.memory_space<vmem>>)
      %dma_wait3A_128 = arith.constant 2 : i32
      %dma_wait3A_129 = arith.constant 0 : i32
      %dma_wait3A_130 = tpu.memref_slice %arg8[%dma_wait3A_128, %dma_wait3A_129] : memref<3x48xi32, #tpu.memory_space<vmem>> -> memref<1x48xi32, #tpu.memory_space<vmem>>
      %dma_wait3A_131 = tpu.memref_squeeze %dma_wait3A_130 : memref<1x48xi32, #tpu.memory_space<vmem>> -> memref<48xi32, #tpu.memory_space<vmem>>
      %dma_wait3A_132 = arith.constant 0 : i32
      %dma_wait3A_133 = arith.constant 0 : i32
      %dma_wait3A_134 = tpu.memref_slice %arg4[%dma_wait3A_132, %dma_wait3A_133] : memref<200x128xf32, #tpu.memory_space<hbm>> -> memref<200x128xf32, #tpu.memory_space<hbm>>
      tpu.wait_indirect_dma semaphore(%arg19 : memref<!tpu.dma_semaphore, #tpu.memory_space<semaphore_mem>>) src(%dma_wait3A_134 : memref<200x128xf32, #tpu.memory_space<hbm>>) dst(%arg13 : memref<48x128xf32, #tpu.memory_space<vmem>>)
      %add3A_135 = arith.constant 2 : i32
      %add3A_136 = arith.addi %add3A_108, %add3A_135 : i32
      %lt3A_137 = arith.constant 210 : i32
      %lt3A_138 = arith.cmpi slt, %add3A_136, %lt3A_137 : i32
      %convert_element_type3A_139 = arith.extui %lt3A_138 : i1 to i32
      %cond3A_140 = arith.constant 0 : i32
      %cond3A_141 = arith.cmpi ne, %convert_element_type3A_139, %cond3A_140 : i32
      scf.if %cond3A_141 {
        %add3A_355 = arith.constant 2 : i32
        %add3A_356 = arith.addi %add3A_108, %add3A_355 : i32
        %add3A_357 = arith.addi %mul3A_2, %add3A_356 : i32
        %dma_start3A_358 = arith.constant 0 : i32
        %dma_start3A_359 = arith.constant 0 : i32
        %dma_start3A_360 = tpu.memref_slice %arg2[%add3A_357, %dma_start3A_358, %dma_start3A_359] : memref<6720x3x48xi32, #tpu.memory_space<hbm>> -> memref<1x3x48xi32, #tpu.memory_space<hbm>>
        %dma_start3A_361 = tpu.memref_squeeze %dma_start3A_360 : memref<1x3x48xi32, #tpu.memory_space<hbm>> -> memref<3x48xi32, #tpu.memory_space<hbm>>
        %dma_start3A_362 = arith.constant 0 : i32
        %dma_start3A_363 = arith.constant 0 : i32
        %dma_start3A_364 = tpu.memref_slice %arg2[%add3A_357, %dma_start3A_362, %dma_start3A_363] : memref<6720x3x48xi32, #tpu.memory_space<hbm>> -> memref<1x3x48xi32, #tpu.memory_space<hbm>>
        %dma_start3A_365 = tpu.memref_squeeze %dma_start3A_364 : memref<1x3x48xi32, #tpu.memory_space<hbm>> -> memref<3x48xi32, #tpu.memory_space<hbm>>
        tpu.enqueue_dma source(%dma_start3A_365 : memref<3x48xi32, #tpu.memory_space<hbm>>) target(%arg7 : memref<3x48xi32, #tpu.memory_space<vmem>>) target_semaphore(%arg15 : memref<!tpu.dma_semaphore, #tpu.memory_space<semaphore_mem>>)
      } else {
      }
      %scan3A_142 = arith.constant 0 : i32
      %scan3A_143 = arith.constant 0 : i32
      %scan3A_144 = arith.constant 48 : i32
      %scan3A_145 = arith.addi %scan3A_143, %scan3A_144 : i32
      %scan3A_146 = arith.constant 1 : i32
      scf.for %scan3A_355 = %scan3A_143 to %scan3A_145 step %scan3A_146  : i32 {
        %get3A = arith.index_cast %scan3A_355 : i32 to index
        %get3A_356 = arith.constant 0 : index
        %get3A_357 = tpu.vector_load %arg11[%get3A, %get3A_356] {strides = array<i32>} : memref<48x128xf32, #tpu.memory_space<vmem>>, vector<1x16xf32>,
        %get3A_358 = vector.shape_cast %get3A_357 : vector<1x16xf32> to vector<16xf32>
        %get3A_359 = arith.index_cast %scan3A_355 : i32 to index
        %get3A_360 = arith.constant 0 : index
        %get3A_361 = tpu.vector_load %arg13[%get3A_359, %get3A_360] {strides = array<i32>} : memref<48x128xf32, #tpu.memory_space<vmem>>, vector<1x16xf32>,
        %get3A_362 = vector.shape_cast %get3A_361 : vector<1x16xf32> to vector<16xf32>
        %mul3A_363 = arith.mulf %get3A_358, %get3A_362 : vector<16xf32>
        %swap3A = arith.index_cast %scan3A_355 : i32 to index
        %swap3A_364 = arith.constant 0 : index
        %swap3A_365 = tpu.vector_load %arg11[%swap3A, %swap3A_364] {strides = array<i32>} : memref<48x128xf32, #tpu.memory_space<vmem>>, vector<1x16xf32>,
        %swap3A_366 = vector.shape_cast %swap3A_365 : vector<1x16xf32> to vector<16xf32>
        %swap3A_367 = vector.shape_cast %mul3A_363 : vector<16xf32> to vector<1x16xf32>
        tpu.vector_store %arg11[%swap3A, %swap3A_364], %swap3A_367 {strides = array<i32>} : memref<48x128xf32, #tpu.memory_space<vmem>>, vector<1x16xf32>,
        %get3A_368 = arith.index_cast %scan3A_355 : i32 to index
        %get3A_369 = arith.constant 16 : index
        %get3A_370 = tpu.vector_load %arg11[%get3A_368, %get3A_369] {strides = array<i32>} : memref<48x128xf32, #tpu.memory_space<vmem>>, vector<1x16xf32>,
        %get3A_371 = vector.shape_cast %get3A_370 : vector<1x16xf32> to vector<16xf32>
        %get3A_372 = arith.index_cast %scan3A_355 : i32 to index
        %get3A_373 = arith.constant 16 : index
        %get3A_374 = tpu.vector_load %arg13[%get3A_372, %get3A_373] {strides = array<i32>} : memref<48x128xf32, #tpu.memory_space<vmem>>, vector<1x16xf32>,
        %get3A_375 = vector.shape_cast %get3A_374 : vector<1x16xf32> to vector<16xf32>
        %mul3A_376 = arith.mulf %get3A_371, %get3A_375 : vector<16xf32>
        %swap3A_377 = arith.index_cast %scan3A_355 : i32 to index
        %swap3A_378 = arith.constant 16 : index
        %swap3A_379 = tpu.vector_load %arg11[%swap3A_377, %swap3A_378] {strides = array<i32>} : memref<48x128xf32, #tpu.memory_space<vmem>>, vector<1x16xf32>,
        %swap3A_380 = vector.shape_cast %swap3A_379 : vector<1x16xf32> to vector<16xf32>
        %swap3A_381 = vector.shape_cast %mul3A_376 : vector<16xf32> to vector<1x16xf32>
        tpu.vector_store %arg11[%swap3A_377, %swap3A_378], %swap3A_381 {strides = array<i32>} : memref<48x128xf32, #tpu.memory_space<vmem>>, vector<1x16xf32>,
        %get3A_382 = arith.index_cast %scan3A_355 : i32 to index
        %get3A_383 = arith.constant 32 : index
        %get3A_384 = tpu.vector_load %arg11[%get3A_382, %get3A_383] {strides = array<i32>} : memref<48x128xf32, #tpu.memory_space<vmem>>, vector<1x16xf32>,
        %get3A_385 = vector.shape_cast %get3A_384 : vector<1x16xf32> to vector<16xf32>
        %get3A_386 = arith.index_cast %scan3A_355 : i32 to index
        %get3A_387 = arith.constant 32 : index
        %get3A_388 = tpu.vector_load %arg13[%get3A_386, %get3A_387] {strides = array<i32>} : memref<48x128xf32, #tpu.memory_space<vmem>>, vector<1x16xf32>,
        %get3A_389 = vector.shape_cast %get3A_388 : vector<1x16xf32> to vector<16xf32>
        %mul3A_390 = arith.mulf %get3A_385, %get3A_389 : vector<16xf32>
        %swap3A_391 = arith.index_cast %scan3A_355 : i32 to index
        %swap3A_392 = arith.constant 32 : index
        %swap3A_393 = tpu.vector_load %arg11[%swap3A_391, %swap3A_392] {strides = array<i32>} : memref<48x128xf32, #tpu.memory_space<vmem>>, vector<1x16xf32>,
        %swap3A_394 = vector.shape_cast %swap3A_393 : vector<1x16xf32> to vector<16xf32>
        %swap3A_395 = vector.shape_cast %mul3A_390 : vector<16xf32> to vector<1x16xf32>
        tpu.vector_store %arg11[%swap3A_391, %swap3A_392], %swap3A_395 {strides = array<i32>} : memref<48x128xf32, #tpu.memory_space<vmem>>, vector<1x16xf32>,
        %get3A_396 = arith.index_cast %scan3A_355 : i32 to index
        %get3A_397 = arith.constant 48 : index
        %get3A_398 = tpu.vector_load %arg11[%get3A_396, %get3A_397] {strides = array<i32>} : memref<48x128xf32, #tpu.memory_space<vmem>>, vector<1x16xf32>,
        %get3A_399 = vector.shape_cast %get3A_398 : vector<1x16xf32> to vector<16xf32>
        %get3A_400 = arith.index_cast %scan3A_355 : i32 to index
        %get3A_401 = arith.constant 48 : index
        %get3A_402 = tpu.vector_load %arg13[%get3A_400, %get3A_401] {strides = array<i32>} : memref<48x128xf32, #tpu.memory_space<vmem>>, vector<1x16xf32>,
        %get3A_403 = vector.shape_cast %get3A_402 : vector<1x16xf32> to vector<16xf32>
        %mul3A_404 = arith.mulf %get3A_399, %get3A_403 : vector<16xf32>
        %swap3A_405 = arith.index_cast %scan3A_355 : i32 to index
        %swap3A_406 = arith.constant 48 : index
        %swap3A_407 = tpu.vector_load %arg11[%swap3A_405, %swap3A_406] {strides = array<i32>} : memref<48x128xf32, #tpu.memory_space<vmem>>, vector<1x16xf32>,
        %swap3A_408 = vector.shape_cast %swap3A_407 : vector<1x16xf32> to vector<16xf32>
        %swap3A_409 = vector.shape_cast %mul3A_404 : vector<16xf32> to vector<1x16xf32>
        tpu.vector_store %arg11[%swap3A_405, %swap3A_406], %swap3A_409 {strides = array<i32>} : memref<48x128xf32, #tpu.memory_space<vmem>>, vector<1x16xf32>,
        %get3A_410 = arith.index_cast %scan3A_355 : i32 to index
        %get3A_411 = arith.constant 64 : index
        %get3A_412 = tpu.vector_load %arg11[%get3A_410, %get3A_411] {strides = array<i32>} : memref<48x128xf32, #tpu.memory_space<vmem>>, vector<1x16xf32>,
        %get3A_413 = vector.shape_cast %get3A_412 : vector<1x16xf32> to vector<16xf32>
        %get3A_414 = arith.index_cast %scan3A_355 : i32 to index
        %get3A_415 = arith.constant 64 : index
        %get3A_416 = tpu.vector_load %arg13[%get3A_414, %get3A_415] {strides = array<i32>} : memref<48x128xf32, #tpu.memory_space<vmem>>, vector<1x16xf32>,
        %get3A_417 = vector.shape_cast %get3A_416 : vector<1x16xf32> to vector<16xf32>
        %mul3A_418 = arith.mulf %get3A_413, %get3A_417 : vector<16xf32>
        %swap3A_419 = arith.index_cast %scan3A_355 : i32 to index
        %swap3A_420 = arith.constant 64 : index
        %swap3A_421 = tpu.vector_load %arg11[%swap3A_419, %swap3A_420] {strides = array<i32>} : memref<48x128xf32, #tpu.memory_space<vmem>>, vector<1x16xf32>,
        %swap3A_422 = vector.shape_cast %swap3A_421 : vector<1x16xf32> to vector<16xf32>
        %swap3A_423 = vector.shape_cast %mul3A_418 : vector<16xf32> to vector<1x16xf32>
        tpu.vector_store %arg11[%swap3A_419, %swap3A_420], %swap3A_423 {strides = array<i32>} : memref<48x128xf32, #tpu.memory_space<vmem>>, vector<1x16xf32>,
        %get3A_424 = arith.index_cast %scan3A_355 : i32 to index
        %get3A_425 = arith.constant 80 : index
        %get3A_426 = tpu.vector_load %arg11[%get3A_424, %get3A_425] {strides = array<i32>} : memref<48x128xf32, #tpu.memory_space<vmem>>, vector<1x16xf32>,
        %get3A_427 = vector.shape_cast %get3A_426 : vector<1x16xf32> to vector<16xf32>
        %get3A_428 = arith.index_cast %scan3A_355 : i32 to index
        %get3A_429 = arith.constant 80 : index
        %get3A_430 = tpu.vector_load %arg13[%get3A_428, %get3A_429] {strides = array<i32>} : memref<48x128xf32, #tpu.memory_space<vmem>>, vector<1x16xf32>,
        %get3A_431 = vector.shape_cast %get3A_430 : vector<1x16xf32> to vector<16xf32>
        %mul3A_432 = arith.mulf %get3A_427, %get3A_431 : vector<16xf32>
        %swap3A_433 = arith.index_cast %scan3A_355 : i32 to index
        %swap3A_434 = arith.constant 80 : index
        %swap3A_435 = tpu.vector_load %arg11[%swap3A_433, %swap3A_434] {strides = array<i32>} : memref<48x128xf32, #tpu.memory_space<vmem>>, vector<1x16xf32>,
        %swap3A_436 = vector.shape_cast %swap3A_435 : vector<1x16xf32> to vector<16xf32>
        %swap3A_437 = vector.shape_cast %mul3A_432 : vector<16xf32> to vector<1x16xf32>
        tpu.vector_store %arg11[%swap3A_433, %swap3A_434], %swap3A_437 {strides = array<i32>} : memref<48x128xf32, #tpu.memory_space<vmem>>, vector<1x16xf32>,
        %get3A_438 = arith.index_cast %scan3A_355 : i32 to index
        %get3A_439 = arith.constant 96 : index
        %get3A_440 = tpu.vector_load %arg11[%get3A_438, %get3A_439] {strides = array<i32>} : memref<48x128xf32, #tpu.memory_space<vmem>>, vector<1x16xf32>,
        %get3A_441 = vector.shape_cast %get3A_440 : vector<1x16xf32> to vector<16xf32>
        %get3A_442 = arith.index_cast %scan3A_355 : i32 to index
        %get3A_443 = arith.constant 96 : index
        %get3A_444 = tpu.vector_load %arg13[%get3A_442, %get3A_443] {strides = array<i32>} : memref<48x128xf32, #tpu.memory_space<vmem>>, vector<1x16xf32>,
        %get3A_445 = vector.shape_cast %get3A_444 : vector<1x16xf32> to vector<16xf32>
        %mul3A_446 = arith.mulf %get3A_441, %get3A_445 : vector<16xf32>
        %swap3A_447 = arith.index_cast %scan3A_355 : i32 to index
        %swap3A_448 = arith.constant 96 : index
        %swap3A_449 = tpu.vector_load %arg11[%swap3A_447, %swap3A_448] {strides = array<i32>} : memref<48x128xf32, #tpu.memory_space<vmem>>, vector<1x16xf32>,
        %swap3A_450 = vector.shape_cast %swap3A_449 : vector<1x16xf32> to vector<16xf32>
        %swap3A_451 = vector.shape_cast %mul3A_446 : vector<16xf32> to vector<1x16xf32>
        tpu.vector_store %arg11[%swap3A_447, %swap3A_448], %swap3A_451 {strides = array<i32>} : memref<48x128xf32, #tpu.memory_space<vmem>>, vector<1x16xf32>,
        %get3A_452 = arith.index_cast %scan3A_355 : i32 to index
        %get3A_453 = arith.constant 112 : index
        %get3A_454 = tpu.vector_load %arg11[%get3A_452, %get3A_453] {strides = array<i32>} : memref<48x128xf32, #tpu.memory_space<vmem>>, vector<1x16xf32>,
        %get3A_455 = vector.shape_cast %get3A_454 : vector<1x16xf32> to vector<16xf32>
        %get3A_456 = arith.index_cast %scan3A_355 : i32 to index
        %get3A_457 = arith.constant 112 : index
        %get3A_458 = tpu.vector_load %arg13[%get3A_456, %get3A_457] {strides = array<i32>} : memref<48x128xf32, #tpu.memory_space<vmem>>, vector<1x16xf32>,
        %get3A_459 = vector.shape_cast %get3A_458 : vector<1x16xf32> to vector<16xf32>
        %mul3A_460 = arith.mulf %get3A_455, %get3A_459 : vector<16xf32>
        %swap3A_461 = arith.index_cast %scan3A_355 : i32 to index
        %swap3A_462 = arith.constant 112 : index
        %swap3A_463 = tpu.vector_load %arg11[%swap3A_461, %swap3A_462] {strides = array<i32>} : memref<48x128xf32, #tpu.memory_space<vmem>>, vector<1x16xf32>,
        %swap3A_464 = vector.shape_cast %swap3A_463 : vector<1x16xf32> to vector<16xf32>
        %swap3A_465 = vector.shape_cast %mul3A_460 : vector<16xf32> to vector<1x16xf32>
        tpu.vector_store %arg11[%swap3A_461, %swap3A_462], %swap3A_465 {strides = array<i32>} : memref<48x128xf32, #tpu.memory_space<vmem>>, vector<1x16xf32>,
      }
      %scan3A_147 = arith.constant 48 : i32
      %dma_start3A_148 = arith.constant 1 : i32
      %dma_start3A_149 = arith.constant 0 : i32
      %dma_start3A_150 = tpu.memref_slice %arg8[%dma_start3A_148, %dma_start3A_149] : memref<3x48xi32, #tpu.memory_space<vmem>> -> memref<1x48xi32, #tpu.memory_space<vmem>>
      %dma_start3A_151 = tpu.memref_squeeze %dma_start3A_150 : memref<1x48xi32, #tpu.memory_space<vmem>> -> memref<48xi32, #tpu.memory_space<vmem>>
      %dma_start3A_152 = arith.constant 0 : i32
      %dma_start3A_153 = arith.constant 0 : i32
      %dma_start3A_154 = tpu.memref_slice %arg14[%dma_start3A_152, %dma_start3A_153] : memref<10240x128xf32, #tpu.memory_space<vmem_shared>> -> memref<10240x128xf32, #tpu.memory_space<vmem_shared>>
      tpu.enqueue_indirect_dma source(%arg11 : memref<48x128xf32, #tpu.memory_space<vmem>>) target(%dma_start3A_154 : memref<10240x128xf32, #tpu.memory_space<vmem_shared>>) offsets(%dma_start3A_151 : memref<48xi32, #tpu.memory_space<vmem>>) semaphore(%arg21 : memref<!tpu.dma_semaphore, #tpu.memory_space<semaphore_mem>>) {add = true}
      %mul3A_155 = arith.constant 6 : i32
      %mul3A_156 = arith.muli %scan3A_58, %mul3A_155 : i32
      %add3A_157 = arith.constant 2 : i32
      %add3A_158 = arith.addi %mul3A_156, %add3A_157 : i32
      %ge3A_159 = arith.constant 1 : i32
      %ge3A_160 = arith.cmpi sge, %add3A_158, %ge3A_159 : i32
      %convert_element_type3A_161 = arith.extui %ge3A_160 : i1 to i32
      %cond3A_162 = arith.constant 0 : i32
      %cond3A_163 = arith.cmpi ne, %convert_element_type3A_161, %cond3A_162 : i32
      scf.if %cond3A_163 {
        %dma_wait3A_355 = arith.constant 1 : i32
        %dma_wait3A_356 = arith.constant 0 : i32
        %dma_wait3A_357 = tpu.memref_slice %arg8[%dma_wait3A_355, %dma_wait3A_356] : memref<3x48xi32, #tpu.memory_space<vmem>> -> memref<1x48xi32, #tpu.memory_space<vmem>>
        %dma_wait3A_358 = tpu.memref_squeeze %dma_wait3A_357 : memref<1x48xi32, #tpu.memory_space<vmem>> -> memref<48xi32, #tpu.memory_space<vmem>>
        %dma_wait3A_359 = arith.constant 0 : i32
        %dma_wait3A_360 = arith.constant 0 : i32
        %dma_wait3A_361 = tpu.memref_slice %arg14[%dma_wait3A_359, %dma_wait3A_360] : memref<10240x128xf32, #tpu.memory_space<vmem_shared>> -> memref<10240x128xf32, #tpu.memory_space<vmem_shared>>
        tpu.wait_indirect_dma semaphore(%arg21 : memref<!tpu.dma_semaphore, #tpu.memory_space<semaphore_mem>>) src(%arg11 : memref<48x128xf32, #tpu.memory_space<vmem>>) dst(%dma_wait3A_361 : memref<10240x128xf32, #tpu.memory_space<vmem_shared>>)
      } else {
      }
      %add3A_164 = arith.constant 1 : i32
      %add3A_165 = arith.addi %add3A_158, %add3A_164 : i32
      %lt3A_166 = arith.constant 210 : i32
      %lt3A_167 = arith.cmpi slt, %add3A_165, %lt3A_166 : i32
      %convert_element_type3A_168 = arith.extui %lt3A_167 : i1 to i32
      %cond3A_169 = arith.constant 0 : i32
      %cond3A_170 = arith.cmpi ne, %convert_element_type3A_168, %cond3A_169 : i32
      scf.if %cond3A_170 {
        %dma_wait3A_355 = arith.constant 0 : i32
        %dma_wait3A_356 = arith.constant 0 : i32
        %dma_wait3A_357 = tpu.memref_slice %arg2[%mul3A_2, %dma_wait3A_355, %dma_wait3A_356] : memref<6720x3x48xi32, #tpu.memory_space<hbm>> -> memref<1x3x48xi32, #tpu.memory_space<hbm>>
        %dma_wait3A_358 = tpu.memref_squeeze %dma_wait3A_357 : memref<1x3x48xi32, #tpu.memory_space<hbm>> -> memref<3x48xi32, #tpu.memory_space<hbm>>
        %dma_wait3A_359 = arith.constant 0 : i32
        %dma_wait3A_360 = arith.constant 0 : i32
        %dma_wait3A_361 = tpu.memref_slice %arg2[%mul3A_2, %dma_wait3A_359, %dma_wait3A_360] : memref<6720x3x48xi32, #tpu.memory_space<hbm>> -> memref<1x3x48xi32, #tpu.memory_space<hbm>>
        %dma_wait3A_362 = tpu.memref_squeeze %dma_wait3A_361 : memref<1x3x48xi32, #tpu.memory_space<hbm>> -> memref<3x48xi32, #tpu.memory_space<hbm>>
        tpu.wait_dma2 semaphore(%arg15 : memref<!tpu.dma_semaphore, #tpu.memory_space<semaphore_mem>>) src(%dma_wait3A_362 : memref<3x48xi32, #tpu.memory_space<hbm>>) dst(%arg7 : memref<3x48xi32, #tpu.memory_space<vmem>>)
        %dma_start3A_363 = arith.constant 0 : i32
        %dma_start3A_364 = arith.constant 0 : i32
        %dma_start3A_365 = tpu.memref_slice %arg7[%dma_start3A_363, %dma_start3A_364] : memref<3x48xi32, #tpu.memory_space<vmem>> -> memref<1x48xi32, #tpu.memory_space<vmem>>
        %dma_start3A_366 = tpu.memref_squeeze %dma_start3A_365 : memref<1x48xi32, #tpu.memory_space<vmem>> -> memref<48xi32, #tpu.memory_space<vmem>>
        %dma_start3A_367 = arith.constant 0 : i32
        %dma_start3A_368 = arith.constant 0 : i32
        %dma_start3A_369 = tpu.memref_slice %arg3[%dma_start3A_367, %dma_start3A_368] : memref<10000x128xf32, #tpu.memory_space<hbm>> -> memref<10000x128xf32, #tpu.memory_space<hbm>>
        tpu.enqueue_indirect_dma source(%dma_start3A_369 : memref<10000x128xf32, #tpu.memory_space<hbm>>) target(%arg11 : memref<48x128xf32, #tpu.memory_space<vmem>>) offsets(%dma_start3A_366 : memref<48xi32, #tpu.memory_space<vmem>>) semaphore(%arg19 : memref<!tpu.dma_semaphore, #tpu.memory_space<semaphore_mem>>)
        %dma_start3A_370 = arith.constant 2 : i32
        %dma_start3A_371 = arith.constant 0 : i32
        %dma_start3A_372 = tpu.memref_slice %arg7[%dma_start3A_370, %dma_start3A_371] : memref<3x48xi32, #tpu.memory_space<vmem>> -> memref<1x48xi32, #tpu.memory_space<vmem>>
        %dma_start3A_373 = tpu.memref_squeeze %dma_start3A_372 : memref<1x48xi32, #tpu.memory_space<vmem>> -> memref<48xi32, #tpu.memory_space<vmem>>
        %dma_start3A_374 = arith.constant 0 : i32
        %dma_start3A_375 = arith.constant 0 : i32
        %dma_start3A_376 = tpu.memref_slice %arg4[%dma_start3A_374, %dma_start3A_375] : memref<200x128xf32, #tpu.memory_space<hbm>> -> memref<200x128xf32, #tpu.memory_space<hbm>>
        tpu.enqueue_indirect_dma source(%dma_start3A_376 : memref<200x128xf32, #tpu.memory_space<hbm>>) target(%arg13 : memref<48x128xf32, #tpu.memory_space<vmem>>) offsets(%dma_start3A_373 : memref<48xi32, #tpu.memory_space<vmem>>) semaphore(%arg19 : memref<!tpu.dma_semaphore, #tpu.memory_space<semaphore_mem>>)
      } else {
      }
      %dma_wait3A_171 = arith.constant 0 : i32
      %dma_wait3A_172 = arith.constant 0 : i32
      %dma_wait3A_173 = tpu.memref_slice %arg9[%dma_wait3A_171, %dma_wait3A_172] : memref<3x48xi32, #tpu.memory_space<vmem>> -> memref<1x48xi32, #tpu.memory_space<vmem>>
      %dma_wait3A_174 = tpu.memref_squeeze %dma_wait3A_173 : memref<1x48xi32, #tpu.memory_space<vmem>> -> memref<48xi32, #tpu.memory_space<vmem>>
      %dma_wait3A_175 = arith.constant 0 : i32
      %dma_wait3A_176 = arith.constant 0 : i32
      %dma_wait3A_177 = tpu.memref_slice %arg3[%dma_wait3A_175, %dma_wait3A_176] : memref<10000x128xf32, #tpu.memory_space<hbm>> -> memref<10000x128xf32, #tpu.memory_space<hbm>>
      tpu.wait_indirect_dma semaphore(%arg18 : memref<!tpu.dma_semaphore, #tpu.memory_space<semaphore_mem>>) src(%dma_wait3A_177 : memref<10000x128xf32, #tpu.memory_space<hbm>>) dst(%arg10 : memref<48x128xf32, #tpu.memory_space<vmem>>)
      %dma_wait3A_178 = arith.constant 2 : i32
      %dma_wait3A_179 = arith.constant 0 : i32
      %dma_wait3A_180 = tpu.memref_slice %arg9[%dma_wait3A_178, %dma_wait3A_179] : memref<3x48xi32, #tpu.memory_space<vmem>> -> memref<1x48xi32, #tpu.memory_space<vmem>>
      %dma_wait3A_181 = tpu.memref_squeeze %dma_wait3A_180 : memref<1x48xi32, #tpu.memory_space<vmem>> -> memref<48xi32, #tpu.memory_space<vmem>>
      %dma_wait3A_182 = arith.constant 0 : i32
      %dma_wait3A_183 = arith.constant 0 : i32
      %dma_wait3A_184 = tpu.memref_slice %arg4[%dma_wait3A_182, %dma_wait3A_183] : memref<200x128xf32, #tpu.memory_space<hbm>> -> memref<200x128xf32, #tpu.memory_space<hbm>>
      tpu.wait_indirect_dma semaphore(%arg18 : memref<!tpu.dma_semaphore, #tpu.memory_space<semaphore_mem>>) src(%dma_wait3A_184 : memref<200x128xf32, #tpu.memory_space<hbm>>) dst(%arg12 : memref<48x128xf32, #tpu.memory_space<vmem>>)
      %add3A_185 = arith.constant 2 : i32
      %add3A_186 = arith.addi %add3A_158, %add3A_185 : i32
      %lt3A_187 = arith.constant 210 : i32
      %lt3A_188 = arith.cmpi slt, %add3A_186, %lt3A_187 : i32
      %convert_element_type3A_189 = arith.extui %lt3A_188 : i1 to i32
      %cond3A_190 = arith.constant 0 : i32
      %cond3A_191 = arith.cmpi ne, %convert_element_type3A_189, %cond3A_190 : i32
      scf.if %cond3A_191 {
        %add3A_355 = arith.constant 2 : i32
        %add3A_356 = arith.addi %add3A_158, %add3A_355 : i32
        %add3A_357 = arith.addi %mul3A_2, %add3A_356 : i32
        %dma_start3A_358 = arith.constant 0 : i32
        %dma_start3A_359 = arith.constant 0 : i32
        %dma_start3A_360 = tpu.memref_slice %arg2[%add3A_357, %dma_start3A_358, %dma_start3A_359] : memref<6720x3x48xi32, #tpu.memory_space<hbm>> -> memref<1x3x48xi32, #tpu.memory_space<hbm>>
        %dma_start3A_361 = tpu.memref_squeeze %dma_start3A_360 : memref<1x3x48xi32, #tpu.memory_space<hbm>> -> memref<3x48xi32, #tpu.memory_space<hbm>>
        %dma_start3A_362 = arith.constant 0 : i32
        %dma_start3A_363 = arith.constant 0 : i32
        %dma_start3A_364 = tpu.memref_slice %arg2[%add3A_357, %dma_start3A_362, %dma_start3A_363] : memref<6720x3x48xi32, #tpu.memory_space<hbm>> -> memref<1x3x48xi32, #tpu.memory_space<hbm>>
        %dma_start3A_365 = tpu.memref_squeeze %dma_start3A_364 : memref<1x3x48xi32, #tpu.memory_space<hbm>> -> memref<3x48xi32, #tpu.memory_space<hbm>>
        tpu.enqueue_dma source(%dma_start3A_365 : memref<3x48xi32, #tpu.memory_space<hbm>>) target(%arg8 : memref<3x48xi32, #tpu.memory_space<vmem>>) target_semaphore(%arg16 : memref<!tpu.dma_semaphore, #tpu.memory_space<semaphore_mem>>)
      } else {
      }
      %scan3A_192 = arith.constant 0 : i32
      %scan3A_193 = arith.constant 0 : i32
      %scan3A_194 = arith.constant 48 : i32
      %scan3A_195 = arith.addi %scan3A_193, %scan3A_194 : i32
      %scan3A_196 = arith.constant 1 : i32
      scf.for %scan3A_355 = %scan3A_193 to %scan3A_195 step %scan3A_196  : i32 {
        %get3A = arith.index_cast %scan3A_355 : i32 to index
        %get3A_356 = arith.constant 0 : index
        %get3A_357 = tpu.vector_load %arg10[%get3A, %get3A_356] {strides = array<i32>} : memref<48x128xf32, #tpu.memory_space<vmem>>, vector<1x16xf32>,
        %get3A_358 = vector.shape_cast %get3A_357 : vector<1x16xf32> to vector<16xf32>
        %get3A_359 = arith.index_cast %scan3A_355 : i32 to index
        %get3A_360 = arith.constant 0 : index
        %get3A_361 = tpu.vector_load %arg12[%get3A_359, %get3A_360] {strides = array<i32>} : memref<48x128xf32, #tpu.memory_space<vmem>>, vector<1x16xf32>,
        %get3A_362 = vector.shape_cast %get3A_361 : vector<1x16xf32> to vector<16xf32>
        %mul3A_363 = arith.mulf %get3A_358, %get3A_362 : vector<16xf32>
        %swap3A = arith.index_cast %scan3A_355 : i32 to index
        %swap3A_364 = arith.constant 0 : index
        %swap3A_365 = tpu.vector_load %arg10[%swap3A, %swap3A_364] {strides = array<i32>} : memref<48x128xf32, #tpu.memory_space<vmem>>, vector<1x16xf32>,
        %swap3A_366 = vector.shape_cast %swap3A_365 : vector<1x16xf32> to vector<16xf32>
        %swap3A_367 = vector.shape_cast %mul3A_363 : vector<16xf32> to vector<1x16xf32>
        tpu.vector_store %arg10[%swap3A, %swap3A_364], %swap3A_367 {strides = array<i32>} : memref<48x128xf32, #tpu.memory_space<vmem>>, vector<1x16xf32>,
        %get3A_368 = arith.index_cast %scan3A_355 : i32 to index
        %get3A_369 = arith.constant 16 : index
        %get3A_370 = tpu.vector_load %arg10[%get3A_368, %get3A_369] {strides = array<i32>} : memref<48x128xf32, #tpu.memory_space<vmem>>, vector<1x16xf32>,
        %get3A_371 = vector.shape_cast %get3A_370 : vector<1x16xf32> to vector<16xf32>
        %get3A_372 = arith.index_cast %scan3A_355 : i32 to index
        %get3A_373 = arith.constant 16 : index
        %get3A_374 = tpu.vector_load %arg12[%get3A_372, %get3A_373] {strides = array<i32>} : memref<48x128xf32, #tpu.memory_space<vmem>>, vector<1x16xf32>,
        %get3A_375 = vector.shape_cast %get3A_374 : vector<1x16xf32> to vector<16xf32>
        %mul3A_376 = arith.mulf %get3A_371, %get3A_375 : vector<16xf32>
        %swap3A_377 = arith.index_cast %scan3A_355 : i32 to index
        %swap3A_378 = arith.constant 16 : index
        %swap3A_379 = tpu.vector_load %arg10[%swap3A_377, %swap3A_378] {strides = array<i32>} : memref<48x128xf32, #tpu.memory_space<vmem>>, vector<1x16xf32>,
        %swap3A_380 = vector.shape_cast %swap3A_379 : vector<1x16xf32> to vector<16xf32>
        %swap3A_381 = vector.shape_cast %mul3A_376 : vector<16xf32> to vector<1x16xf32>
        tpu.vector_store %arg10[%swap3A_377, %swap3A_378], %swap3A_381 {strides = array<i32>} : memref<48x128xf32, #tpu.memory_space<vmem>>, vector<1x16xf32>,
        %get3A_382 = arith.index_cast %scan3A_355 : i32 to index
        %get3A_383 = arith.constant 32 : index
        %get3A_384 = tpu.vector_load %arg10[%get3A_382, %get3A_383] {strides = array<i32>} : memref<48x128xf32, #tpu.memory_space<vmem>>, vector<1x16xf32>,
        %get3A_385 = vector.shape_cast %get3A_384 : vector<1x16xf32> to vector<16xf32>
        %get3A_386 = arith.index_cast %scan3A_355 : i32 to index
        %get3A_387 = arith.constant 32 : index
        %get3A_388 = tpu.vector_load %arg12[%get3A_386, %get3A_387] {strides = array<i32>} : memref<48x128xf32, #tpu.memory_space<vmem>>, vector<1x16xf32>,
        %get3A_389 = vector.shape_cast %get3A_388 : vector<1x16xf32> to vector<16xf32>
        %mul3A_390 = arith.mulf %get3A_385, %get3A_389 : vector<16xf32>
        %swap3A_391 = arith.index_cast %scan3A_355 : i32 to index
        %swap3A_392 = arith.constant 32 : index
        %swap3A_393 = tpu.vector_load %arg10[%swap3A_391, %swap3A_392] {strides = array<i32>} : memref<48x128xf32, #tpu.memory_space<vmem>>, vector<1x16xf32>,
        %swap3A_394 = vector.shape_cast %swap3A_393 : vector<1x16xf32> to vector<16xf32>
        %swap3A_395 = vector.shape_cast %mul3A_390 : vector<16xf32> to vector<1x16xf32>
        tpu.vector_store %arg10[%swap3A_391, %swap3A_392], %swap3A_395 {strides = array<i32>} : memref<48x128xf32, #tpu.memory_space<vmem>>, vector<1x16xf32>,
        %get3A_396 = arith.index_cast %scan3A_355 : i32 to index
        %get3A_397 = arith.constant 48 : index
        %get3A_398 = tpu.vector_load %arg10[%get3A_396, %get3A_397] {strides = array<i32>} : memref<48x128xf32, #tpu.memory_space<vmem>>, vector<1x16xf32>,
        %get3A_399 = vector.shape_cast %get3A_398 : vector<1x16xf32> to vector<16xf32>
        %get3A_400 = arith.index_cast %scan3A_355 : i32 to index
        %get3A_401 = arith.constant 48 : index
        %get3A_402 = tpu.vector_load %arg12[%get3A_400, %get3A_401] {strides = array<i32>} : memref<48x128xf32, #tpu.memory_space<vmem>>, vector<1x16xf32>,
        %get3A_403 = vector.shape_cast %get3A_402 : vector<1x16xf32> to vector<16xf32>
        %mul3A_404 = arith.mulf %get3A_399, %get3A_403 : vector<16xf32>
        %swap3A_405 = arith.index_cast %scan3A_355 : i32 to index
        %swap3A_406 = arith.constant 48 : index
        %swap3A_407 = tpu.vector_load %arg10[%swap3A_405, %swap3A_406] {strides = array<i32>} : memref<48x128xf32, #tpu.memory_space<vmem>>, vector<1x16xf32>,
        %swap3A_408 = vector.shape_cast %swap3A_407 : vector<1x16xf32> to vector<16xf32>
        %swap3A_409 = vector.shape_cast %mul3A_404 : vector<16xf32> to vector<1x16xf32>
        tpu.vector_store %arg10[%swap3A_405, %swap3A_406], %swap3A_409 {strides = array<i32>} : memref<48x128xf32, #tpu.memory_space<vmem>>, vector<1x16xf32>,
        %get3A_410 = arith.index_cast %scan3A_355 : i32 to index
        %get3A_411 = arith.constant 64 : index
        %get3A_412 = tpu.vector_load %arg10[%get3A_410, %get3A_411] {strides = array<i32>} : memref<48x128xf32, #tpu.memory_space<vmem>>, vector<1x16xf32>,
        %get3A_413 = vector.shape_cast %get3A_412 : vector<1x16xf32> to vector<16xf32>
        %get3A_414 = arith.index_cast %scan3A_355 : i32 to index
        %get3A_415 = arith.constant 64 : index
        %get3A_416 = tpu.vector_load %arg12[%get3A_414, %get3A_415] {strides = array<i32>} : memref<48x128xf32, #tpu.memory_space<vmem>>, vector<1x16xf32>,
        %get3A_417 = vector.shape_cast %get3A_416 : vector<1x16xf32> to vector<16xf32>
        %mul3A_418 = arith.mulf %get3A_413, %get3A_417 : vector<16xf32>
        %swap3A_419 = arith.index_cast %scan3A_355 : i32 to index
        %swap3A_420 = arith.constant 64 : index
        %swap3A_421 = tpu.vector_load %arg10[%swap3A_419, %swap3A_420] {strides = array<i32>} : memref<48x128xf32, #tpu.memory_space<vmem>>, vector<1x16xf32>,
        %swap3A_422 = vector.shape_cast %swap3A_421 : vector<1x16xf32> to vector<16xf32>
        %swap3A_423 = vector.shape_cast %mul3A_418 : vector<16xf32> to vector<1x16xf32>
        tpu.vector_store %arg10[%swap3A_419, %swap3A_420], %swap3A_423 {strides = array<i32>} : memref<48x128xf32, #tpu.memory_space<vmem>>, vector<1x16xf32>,
        %get3A_424 = arith.index_cast %scan3A_355 : i32 to index
        %get3A_425 = arith.constant 80 : index
        %get3A_426 = tpu.vector_load %arg10[%get3A_424, %get3A_425] {strides = array<i32>} : memref<48x128xf32, #tpu.memory_space<vmem>>, vector<1x16xf32>,
        %get3A_427 = vector.shape_cast %get3A_426 : vector<1x16xf32> to vector<16xf32>
        %get3A_428 = arith.index_cast %scan3A_355 : i32 to index
        %get3A_429 = arith.constant 80 : index
        %get3A_430 = tpu.vector_load %arg12[%get3A_428, %get3A_429] {strides = array<i32>} : memref<48x128xf32, #tpu.memory_space<vmem>>, vector<1x16xf32>,
        %get3A_431 = vector.shape_cast %get3A_430 : vector<1x16xf32> to vector<16xf32>
        %mul3A_432 = arith.mulf %get3A_427, %get3A_431 : vector<16xf32>
        %swap3A_433 = arith.index_cast %scan3A_355 : i32 to index
        %swap3A_434 = arith.constant 80 : index
        %swap3A_435 = tpu.vector_load %arg10[%swap3A_433, %swap3A_434] {strides = array<i32>} : memref<48x128xf32, #tpu.memory_space<vmem>>, vector<1x16xf32>,
        %swap3A_436 = vector.shape_cast %swap3A_435 : vector<1x16xf32> to vector<16xf32>
        %swap3A_437 = vector.shape_cast %mul3A_432 : vector<16xf32> to vector<1x16xf32>
        tpu.vector_store %arg10[%swap3A_433, %swap3A_434], %swap3A_437 {strides = array<i32>} : memref<48x128xf32, #tpu.memory_space<vmem>>, vector<1x16xf32>,
        %get3A_438 = arith.index_cast %scan3A_355 : i32 to index
        %get3A_439 = arith.constant 96 : index
        %get3A_440 = tpu.vector_load %arg10[%get3A_438, %get3A_439] {strides = array<i32>} : memref<48x128xf32, #tpu.memory_space<vmem>>, vector<1x16xf32>,
        %get3A_441 = vector.shape_cast %get3A_440 : vector<1x16xf32> to vector<16xf32>
        %get3A_442 = arith.index_cast %scan3A_355 : i32 to index
        %get3A_443 = arith.constant 96 : index
        %get3A_444 = tpu.vector_load %arg12[%get3A_442, %get3A_443] {strides = array<i32>} : memref<48x128xf32, #tpu.memory_space<vmem>>, vector<1x16xf32>,
        %get3A_445 = vector.shape_cast %get3A_444 : vector<1x16xf32> to vector<16xf32>
        %mul3A_446 = arith.mulf %get3A_441, %get3A_445 : vector<16xf32>
        %swap3A_447 = arith.index_cast %scan3A_355 : i32 to index
        %swap3A_448 = arith.constant 96 : index
        %swap3A_449 = tpu.vector_load %arg10[%swap3A_447, %swap3A_448] {strides = array<i32>} : memref<48x128xf32, #tpu.memory_space<vmem>>, vector<1x16xf32>,
        %swap3A_450 = vector.shape_cast %swap3A_449 : vector<1x16xf32> to vector<16xf32>
        %swap3A_451 = vector.shape_cast %mul3A_446 : vector<16xf32> to vector<1x16xf32>
        tpu.vector_store %arg10[%swap3A_447, %swap3A_448], %swap3A_451 {strides = array<i32>} : memref<48x128xf32, #tpu.memory_space<vmem>>, vector<1x16xf32>,
        %get3A_452 = arith.index_cast %scan3A_355 : i32 to index
        %get3A_453 = arith.constant 112 : index
        %get3A_454 = tpu.vector_load %arg10[%get3A_452, %get3A_453] {strides = array<i32>} : memref<48x128xf32, #tpu.memory_space<vmem>>, vector<1x16xf32>,
        %get3A_455 = vector.shape_cast %get3A_454 : vector<1x16xf32> to vector<16xf32>
        %get3A_456 = arith.index_cast %scan3A_355 : i32 to index
        %get3A_457 = arith.constant 112 : index
        %get3A_458 = tpu.vector_load %arg12[%get3A_456, %get3A_457] {strides = array<i32>} : memref<48x128xf32, #tpu.memory_space<vmem>>, vector<1x16xf32>,
        %get3A_459 = vector.shape_cast %get3A_458 : vector<1x16xf32> to vector<16xf32>
        %mul3A_460 = arith.mulf %get3A_455, %get3A_459 : vector<16xf32>
        %swap3A_461 = arith.index_cast %scan3A_355 : i32 to index
        %swap3A_462 = arith.constant 112 : index
        %swap3A_463 = tpu.vector_load %arg10[%swap3A_461, %swap3A_462] {strides = array<i32>} : memref<48x128xf32, #tpu.memory_space<vmem>>, vector<1x16xf32>,
        %swap3A_464 = vector.shape_cast %swap3A_463 : vector<1x16xf32> to vector<16xf32>
        %swap3A_465 = vector.shape_cast %mul3A_460 : vector<16xf32> to vector<1x16xf32>
        tpu.vector_store %arg10[%swap3A_461, %swap3A_462], %swap3A_465 {strides = array<i32>} : memref<48x128xf32, #tpu.memory_space<vmem>>, vector<1x16xf32>,
      }
      %scan3A_197 = arith.constant 48 : i32
      %dma_start3A_198 = arith.constant 1 : i32
      %dma_start3A_199 = arith.constant 0 : i32
      %dma_start3A_200 = tpu.memref_slice %arg9[%dma_start3A_198, %dma_start3A_199] : memref<3x48xi32, #tpu.memory_space<vmem>> -> memref<1x48xi32, #tpu.memory_space<vmem>>
      %dma_start3A_201 = tpu.memref_squeeze %dma_start3A_200 : memref<1x48xi32, #tpu.memory_space<vmem>> -> memref<48xi32, #tpu.memory_space<vmem>>
      %dma_start3A_202 = arith.constant 0 : i32
      %dma_start3A_203 = arith.constant 0 : i32
      %dma_start3A_204 = tpu.memref_slice %arg14[%dma_start3A_202, %dma_start3A_203] : memref<10240x128xf32, #tpu.memory_space<vmem_shared>> -> memref<10240x128xf32, #tpu.memory_space<vmem_shared>>
      tpu.enqueue_indirect_dma source(%arg10 : memref<48x128xf32, #tpu.memory_space<vmem>>) target(%dma_start3A_204 : memref<10240x128xf32, #tpu.memory_space<vmem_shared>>) offsets(%dma_start3A_201 : memref<48xi32, #tpu.memory_space<vmem>>) semaphore(%arg20 : memref<!tpu.dma_semaphore, #tpu.memory_space<semaphore_mem>>) {add = true}
      %mul3A_205 = arith.constant 6 : i32
      %mul3A_206 = arith.muli %scan3A_58, %mul3A_205 : i32
      %add3A_207 = arith.constant 3 : i32
      %add3A_208 = arith.addi %mul3A_206, %add3A_207 : i32
      %ge3A_209 = arith.constant 1 : i32
      %ge3A_210 = arith.cmpi sge, %add3A_208, %ge3A_209 : i32
      %convert_element_type3A_211 = arith.extui %ge3A_210 : i1 to i32
      %cond3A_212 = arith.constant 0 : i32
      %cond3A_213 = arith.cmpi ne, %convert_element_type3A_211, %cond3A_212 : i32
      scf.if %cond3A_213 {
        %dma_wait3A_355 = arith.constant 1 : i32
        %dma_wait3A_356 = arith.constant 0 : i32
        %dma_wait3A_357 = tpu.memref_slice %arg9[%dma_wait3A_355, %dma_wait3A_356] : memref<3x48xi32, #tpu.memory_space<vmem>> -> memref<1x48xi32, #tpu.memory_space<vmem>>
        %dma_wait3A_358 = tpu.memref_squeeze %dma_wait3A_357 : memref<1x48xi32, #tpu.memory_space<vmem>> -> memref<48xi32, #tpu.memory_space<vmem>>
        %dma_wait3A_359 = arith.constant 0 : i32
        %dma_wait3A_360 = arith.constant 0 : i32
        %dma_wait3A_361 = tpu.memref_slice %arg14[%dma_wait3A_359, %dma_wait3A_360] : memref<10240x128xf32, #tpu.memory_space<vmem_shared>> -> memref<10240x128xf32, #tpu.memory_space<vmem_shared>>
        tpu.wait_indirect_dma semaphore(%arg20 : memref<!tpu.dma_semaphore, #tpu.memory_space<semaphore_mem>>) src(%arg10 : memref<48x128xf32, #tpu.memory_space<vmem>>) dst(%dma_wait3A_361 : memref<10240x128xf32, #tpu.memory_space<vmem_shared>>)
      } else {
      }
      %add3A_214 = arith.constant 1 : i32
      %add3A_215 = arith.addi %add3A_208, %add3A_214 : i32
      %lt3A_216 = arith.constant 210 : i32
      %lt3A_217 = arith.cmpi slt, %add3A_215, %lt3A_216 : i32
      %convert_element_type3A_218 = arith.extui %lt3A_217 : i1 to i32
      %cond3A_219 = arith.constant 0 : i32
      %cond3A_220 = arith.cmpi ne, %convert_element_type3A_218, %cond3A_219 : i32
      scf.if %cond3A_220 {
        %dma_wait3A_355 = arith.constant 0 : i32
        %dma_wait3A_356 = arith.constant 0 : i32
        %dma_wait3A_357 = tpu.memref_slice %arg2[%mul3A_2, %dma_wait3A_355, %dma_wait3A_356] : memref<6720x3x48xi32, #tpu.memory_space<hbm>> -> memref<1x3x48xi32, #tpu.memory_space<hbm>>
        %dma_wait3A_358 = tpu.memref_squeeze %dma_wait3A_357 : memref<1x3x48xi32, #tpu.memory_space<hbm>> -> memref<3x48xi32, #tpu.memory_space<hbm>>
        %dma_wait3A_359 = arith.constant 0 : i32
        %dma_wait3A_360 = arith.constant 0 : i32
        %dma_wait3A_361 = tpu.memref_slice %arg2[%mul3A_2, %dma_wait3A_359, %dma_wait3A_360] : memref<6720x3x48xi32, #tpu.memory_space<hbm>> -> memref<1x3x48xi32, #tpu.memory_space<hbm>>
        %dma_wait3A_362 = tpu.memref_squeeze %dma_wait3A_361 : memref<1x3x48xi32, #tpu.memory_space<hbm>> -> memref<3x48xi32, #tpu.memory_space<hbm>>
        tpu.wait_dma2 semaphore(%arg16 : memref<!tpu.dma_semaphore, #tpu.memory_space<semaphore_mem>>) src(%dma_wait3A_362 : memref<3x48xi32, #tpu.memory_space<hbm>>) dst(%arg8 : memref<3x48xi32, #tpu.memory_space<vmem>>)
        %dma_start3A_363 = arith.constant 0 : i32
        %dma_start3A_364 = arith.constant 0 : i32
        %dma_start3A_365 = tpu.memref_slice %arg8[%dma_start3A_363, %dma_start3A_364] : memref<3x48xi32, #tpu.memory_space<vmem>> -> memref<1x48xi32, #tpu.memory_space<vmem>>
        %dma_start3A_366 = tpu.memref_squeeze %dma_start3A_365 : memref<1x48xi32, #tpu.memory_space<vmem>> -> memref<48xi32, #tpu.memory_space<vmem>>
        %dma_start3A_367 = arith.constant 0 : i32
        %dma_start3A_368 = arith.constant 0 : i32
        %dma_start3A_369 = tpu.memref_slice %arg3[%dma_start3A_367, %dma_start3A_368] : memref<10000x128xf32, #tpu.memory_space<hbm>> -> memref<10000x128xf32, #tpu.memory_space<hbm>>
        tpu.enqueue_indirect_dma source(%dma_start3A_369 : memref<10000x128xf32, #tpu.memory_space<hbm>>) target(%arg10 : memref<48x128xf32, #tpu.memory_space<vmem>>) offsets(%dma_start3A_366 : memref<48xi32, #tpu.memory_space<vmem>>) semaphore(%arg18 : memref<!tpu.dma_semaphore, #tpu.memory_space<semaphore_mem>>)
        %dma_start3A_370 = arith.constant 2 : i32
        %dma_start3A_371 = arith.constant 0 : i32
        %dma_start3A_372 = tpu.memref_slice %arg8[%dma_start3A_370, %dma_start3A_371] : memref<3x48xi32, #tpu.memory_space<vmem>> -> memref<1x48xi32, #tpu.memory_space<vmem>>
        %dma_start3A_373 = tpu.memref_squeeze %dma_start3A_372 : memref<1x48xi32, #tpu.memory_space<vmem>> -> memref<48xi32, #tpu.memory_space<vmem>>
        %dma_start3A_374 = arith.constant 0 : i32
        %dma_start3A_375 = arith.constant 0 : i32
        %dma_start3A_376 = tpu.memref_slice %arg4[%dma_start3A_374, %dma_start3A_375] : memref<200x128xf32, #tpu.memory_space<hbm>> -> memref<200x128xf32, #tpu.memory_space<hbm>>
        tpu.enqueue_indirect_dma source(%dma_start3A_376 : memref<200x128xf32, #tpu.memory_space<hbm>>) target(%arg12 : memref<48x128xf32, #tpu.memory_space<vmem>>) offsets(%dma_start3A_373 : memref<48xi32, #tpu.memory_space<vmem>>) semaphore(%arg18 : memref<!tpu.dma_semaphore, #tpu.memory_space<semaphore_mem>>)
      } else {
      }
      %dma_wait3A_221 = arith.constant 0 : i32
      %dma_wait3A_222 = arith.constant 0 : i32
      %dma_wait3A_223 = tpu.memref_slice %arg7[%dma_wait3A_221, %dma_wait3A_222] : memref<3x48xi32, #tpu.memory_space<vmem>> -> memref<1x48xi32, #tpu.memory_space<vmem>>
      %dma_wait3A_224 = tpu.memref_squeeze %dma_wait3A_223 : memref<1x48xi32, #tpu.memory_space<vmem>> -> memref<48xi32, #tpu.memory_space<vmem>>
      %dma_wait3A_225 = arith.constant 0 : i32
      %dma_wait3A_226 = arith.constant 0 : i32
      %dma_wait3A_227 = tpu.memref_slice %arg3[%dma_wait3A_225, %dma_wait3A_226] : memref<10000x128xf32, #tpu.memory_space<hbm>> -> memref<10000x128xf32, #tpu.memory_space<hbm>>
      tpu.wait_indirect_dma semaphore(%arg19 : memref<!tpu.dma_semaphore, #tpu.memory_space<semaphore_mem>>) src(%dma_wait3A_227 : memref<10000x128xf32, #tpu.memory_space<hbm>>) dst(%arg11 : memref<48x128xf32, #tpu.memory_space<vmem>>)
      %dma_wait3A_228 = arith.constant 2 : i32
      %dma_wait3A_229 = arith.constant 0 : i32
      %dma_wait3A_230 = tpu.memref_slice %arg7[%dma_wait3A_228, %dma_wait3A_229] : memref<3x48xi32, #tpu.memory_space<vmem>> -> memref<1x48xi32, #tpu.memory_space<vmem>>
      %dma_wait3A_231 = tpu.memref_squeeze %dma_wait3A_230 : memref<1x48xi32, #tpu.memory_space<vmem>> -> memref<48xi32, #tpu.memory_space<vmem>>
      %dma_wait3A_232 = arith.constant 0 : i32
      %dma_wait3A_233 = arith.constant 0 : i32
      %dma_wait3A_234 = tpu.memref_slice %arg4[%dma_wait3A_232, %dma_wait3A_233] : memref<200x128xf32, #tpu.memory_space<hbm>> -> memref<200x128xf32, #tpu.memory_space<hbm>>
      tpu.wait_indirect_dma semaphore(%arg19 : memref<!tpu.dma_semaphore, #tpu.memory_space<semaphore_mem>>) src(%dma_wait3A_234 : memref<200x128xf32, #tpu.memory_space<hbm>>) dst(%arg13 : memref<48x128xf32, #tpu.memory_space<vmem>>)
      %add3A_235 = arith.constant 2 : i32
      %add3A_236 = arith.addi %add3A_208, %add3A_235 : i32
      %lt3A_237 = arith.constant 210 : i32
      %lt3A_238 = arith.cmpi slt, %add3A_236, %lt3A_237 : i32
      %convert_element_type3A_239 = arith.extui %lt3A_238 : i1 to i32
      %cond3A_240 = arith.constant 0 : i32
      %cond3A_241 = arith.cmpi ne, %convert_element_type3A_239, %cond3A_240 : i32
      scf.if %cond3A_241 {
        %add3A_355 = arith.constant 2 : i32
        %add3A_356 = arith.addi %add3A_208, %add3A_355 : i32
        %add3A_357 = arith.addi %mul3A_2, %add3A_356 : i32
        %dma_start3A_358 = arith.constant 0 : i32
        %dma_start3A_359 = arith.constant 0 : i32
        %dma_start3A_360 = tpu.memref_slice %arg2[%add3A_357, %dma_start3A_358, %dma_start3A_359] : memref<6720x3x48xi32, #tpu.memory_space<hbm>> -> memref<1x3x48xi32, #tpu.memory_space<hbm>>
        %dma_start3A_361 = tpu.memref_squeeze %dma_start3A_360 : memref<1x3x48xi32, #tpu.memory_space<hbm>> -> memref<3x48xi32, #tpu.memory_space<hbm>>
        %dma_start3A_362 = arith.constant 0 : i32
        %dma_start3A_363 = arith.constant 0 : i32
        %dma_start3A_364 = tpu.memref_slice %arg2[%add3A_357, %dma_start3A_362, %dma_start3A_363] : memref<6720x3x48xi32, #tpu.memory_space<hbm>> -> memref<1x3x48xi32, #tpu.memory_space<hbm>>
        %dma_start3A_365 = tpu.memref_squeeze %dma_start3A_364 : memref<1x3x48xi32, #tpu.memory_space<hbm>> -> memref<3x48xi32, #tpu.memory_space<hbm>>
        tpu.enqueue_dma source(%dma_start3A_365 : memref<3x48xi32, #tpu.memory_space<hbm>>) target(%arg9 : memref<3x48xi32, #tpu.memory_space<vmem>>) target_semaphore(%arg17 : memref<!tpu.dma_semaphore, #tpu.memory_space<semaphore_mem>>)
      } else {
      }
      %scan3A_242 = arith.constant 0 : i32
      %scan3A_243 = arith.constant 0 : i32
      %scan3A_244 = arith.constant 48 : i32
      %scan3A_245 = arith.addi %scan3A_243, %scan3A_244 : i32
      %scan3A_246 = arith.constant 1 : i32
      scf.for %scan3A_355 = %scan3A_243 to %scan3A_245 step %scan3A_246  : i32 {
        %get3A = arith.index_cast %scan3A_355 : i32 to index
        %get3A_356 = arith.constant 0 : index
        %get3A_357 = tpu.vector_load %arg11[%get3A, %get3A_356] {strides = array<i32>} : memref<48x128xf32, #tpu.memory_space<vmem>>, vector<1x16xf32>,
        %get3A_358 = vector.shape_cast %get3A_357 : vector<1x16xf32> to vector<16xf32>
        %get3A_359 = arith.index_cast %scan3A_355 : i32 to index
        %get3A_360 = arith.constant 0 : index
        %get3A_361 = tpu.vector_load %arg13[%get3A_359, %get3A_360] {strides = array<i32>} : memref<48x128xf32, #tpu.memory_space<vmem>>, vector<1x16xf32>,
        %get3A_362 = vector.shape_cast %get3A_361 : vector<1x16xf32> to vector<16xf32>
        %mul3A_363 = arith.mulf %get3A_358, %get3A_362 : vector<16xf32>
        %swap3A = arith.index_cast %scan3A_355 : i32 to index
        %swap3A_364 = arith.constant 0 : index
        %swap3A_365 = tpu.vector_load %arg11[%swap3A, %swap3A_364] {strides = array<i32>} : memref<48x128xf32, #tpu.memory_space<vmem>>, vector<1x16xf32>,
        %swap3A_366 = vector.shape_cast %swap3A_365 : vector<1x16xf32> to vector<16xf32>
        %swap3A_367 = vector.shape_cast %mul3A_363 : vector<16xf32> to vector<1x16xf32>
        tpu.vector_store %arg11[%swap3A, %swap3A_364], %swap3A_367 {strides = array<i32>} : memref<48x128xf32, #tpu.memory_space<vmem>>, vector<1x16xf32>,
        %get3A_368 = arith.index_cast %scan3A_355 : i32 to index
        %get3A_369 = arith.constant 16 : index
        %get3A_370 = tpu.vector_load %arg11[%get3A_368, %get3A_369] {strides = array<i32>} : memref<48x128xf32, #tpu.memory_space<vmem>>, vector<1x16xf32>,
        %get3A_371 = vector.shape_cast %get3A_370 : vector<1x16xf32> to vector<16xf32>
        %get3A_372 = arith.index_cast %scan3A_355 : i32 to index
        %get3A_373 = arith.constant 16 : index
        %get3A_374 = tpu.vector_load %arg13[%get3A_372, %get3A_373] {strides = array<i32>} : memref<48x128xf32, #tpu.memory_space<vmem>>, vector<1x16xf32>,
        %get3A_375 = vector.shape_cast %get3A_374 : vector<1x16xf32> to vector<16xf32>
        %mul3A_376 = arith.mulf %get3A_371, %get3A_375 : vector<16xf32>
        %swap3A_377 = arith.index_cast %scan3A_355 : i32 to index
        %swap3A_378 = arith.constant 16 : index
        %swap3A_379 = tpu.vector_load %arg11[%swap3A_377, %swap3A_378] {strides = array<i32>} : memref<48x128xf32, #tpu.memory_space<vmem>>, vector<1x16xf32>,
        %swap3A_380 = vector.shape_cast %swap3A_379 : vector<1x16xf32> to vector<16xf32>
        %swap3A_381 = vector.shape_cast %mul3A_376 : vector<16xf32> to vector<1x16xf32>
        tpu.vector_store %arg11[%swap3A_377, %swap3A_378], %swap3A_381 {strides = array<i32>} : memref<48x128xf32, #tpu.memory_space<vmem>>, vector<1x16xf32>,
        %get3A_382 = arith.index_cast %scan3A_355 : i32 to index
        %get3A_383 = arith.constant 32 : index
        %get3A_384 = tpu.vector_load %arg11[%get3A_382, %get3A_383] {strides = array<i32>} : memref<48x128xf32, #tpu.memory_space<vmem>>, vector<1x16xf32>,
        %get3A_385 = vector.shape_cast %get3A_384 : vector<1x16xf32> to vector<16xf32>
        %get3A_386 = arith.index_cast %scan3A_355 : i32 to index
        %get3A_387 = arith.constant 32 : index
        %get3A_388 = tpu.vector_load %arg13[%get3A_386, %get3A_387] {strides = array<i32>} : memref<48x128xf32, #tpu.memory_space<vmem>>, vector<1x16xf32>,
        %get3A_389 = vector.shape_cast %get3A_388 : vector<1x16xf32> to vector<16xf32>
        %mul3A_390 = arith.mulf %get3A_385, %get3A_389 : vector<16xf32>
        %swap3A_391 = arith.index_cast %scan3A_355 : i32 to index
        %swap3A_392 = arith.constant 32 : index
        %swap3A_393 = tpu.vector_load %arg11[%swap3A_391, %swap3A_392] {strides = array<i32>} : memref<48x128xf32, #tpu.memory_space<vmem>>, vector<1x16xf32>,
        %swap3A_394 = vector.shape_cast %swap3A_393 : vector<1x16xf32> to vector<16xf32>
        %swap3A_395 = vector.shape_cast %mul3A_390 : vector<16xf32> to vector<1x16xf32>
        tpu.vector_store %arg11[%swap3A_391, %swap3A_392], %swap3A_395 {strides = array<i32>} : memref<48x128xf32, #tpu.memory_space<vmem>>, vector<1x16xf32>,
        %get3A_396 = arith.index_cast %scan3A_355 : i32 to index
        %get3A_397 = arith.constant 48 : index
        %get3A_398 = tpu.vector_load %arg11[%get3A_396, %get3A_397] {strides = array<i32>} : memref<48x128xf32, #tpu.memory_space<vmem>>, vector<1x16xf32>,
        %get3A_399 = vector.shape_cast %get3A_398 : vector<1x16xf32> to vector<16xf32>
        %get3A_400 = arith.index_cast %scan3A_355 : i32 to index
        %get3A_401 = arith.constant 48 : index
        %get3A_402 = tpu.vector_load %arg13[%get3A_400, %get3A_401] {strides = array<i32>} : memref<48x128xf32, #tpu.memory_space<vmem>>, vector<1x16xf32>,
        %get3A_403 = vector.shape_cast %get3A_402 : vector<1x16xf32> to vector<16xf32>
        %mul3A_404 = arith.mulf %get3A_399, %get3A_403 : vector<16xf32>
        %swap3A_405 = arith.index_cast %scan3A_355 : i32 to index
        %swap3A_406 = arith.constant 48 : index
        %swap3A_407 = tpu.vector_load %arg11[%swap3A_405, %swap3A_406] {strides = array<i32>} : memref<48x128xf32, #tpu.memory_space<vmem>>, vector<1x16xf32>,
        %swap3A_408 = vector.shape_cast %swap3A_407 : vector<1x16xf32> to vector<16xf32>
        %swap3A_409 = vector.shape_cast %mul3A_404 : vector<16xf32> to vector<1x16xf32>
        tpu.vector_store %arg11[%swap3A_405, %swap3A_406], %swap3A_409 {strides = array<i32>} : memref<48x128xf32, #tpu.memory_space<vmem>>, vector<1x16xf32>,
        %get3A_410 = arith.index_cast %scan3A_355 : i32 to index
        %get3A_411 = arith.constant 64 : index
        %get3A_412 = tpu.vector_load %arg11[%get3A_410, %get3A_411] {strides = array<i32>} : memref<48x128xf32, #tpu.memory_space<vmem>>, vector<1x16xf32>,
        %get3A_413 = vector.shape_cast %get3A_412 : vector<1x16xf32> to vector<16xf32>
        %get3A_414 = arith.index_cast %scan3A_355 : i32 to index
        %get3A_415 = arith.constant 64 : index
        %get3A_416 = tpu.vector_load %arg13[%get3A_414, %get3A_415] {strides = array<i32>} : memref<48x128xf32, #tpu.memory_space<vmem>>, vector<1x16xf32>,
        %get3A_417 = vector.shape_cast %get3A_416 : vector<1x16xf32> to vector<16xf32>
        %mul3A_418 = arith.mulf %get3A_413, %get3A_417 : vector<16xf32>
        %swap3A_419 = arith.index_cast %scan3A_355 : i32 to index
        %swap3A_420 = arith.constant 64 : index
        %swap3A_421 = tpu.vector_load %arg11[%swap3A_419, %swap3A_420] {strides = array<i32>} : memref<48x128xf32, #tpu.memory_space<vmem>>, vector<1x16xf32>,
        %swap3A_422 = vector.shape_cast %swap3A_421 : vector<1x16xf32> to vector<16xf32>
        %swap3A_423 = vector.shape_cast %mul3A_418 : vector<16xf32> to vector<1x16xf32>
        tpu.vector_store %arg11[%swap3A_419, %swap3A_420], %swap3A_423 {strides = array<i32>} : memref<48x128xf32, #tpu.memory_space<vmem>>, vector<1x16xf32>,
        %get3A_424 = arith.index_cast %scan3A_355 : i32 to index
        %get3A_425 = arith.constant 80 : index
        %get3A_426 = tpu.vector_load %arg11[%get3A_424, %get3A_425] {strides = array<i32>} : memref<48x128xf32, #tpu.memory_space<vmem>>, vector<1x16xf32>,
        %get3A_427 = vector.shape_cast %get3A_426 : vector<1x16xf32> to vector<16xf32>
        %get3A_428 = arith.index_cast %scan3A_355 : i32 to index
        %get3A_429 = arith.constant 80 : index
        %get3A_430 = tpu.vector_load %arg13[%get3A_428, %get3A_429] {strides = array<i32>} : memref<48x128xf32, #tpu.memory_space<vmem>>, vector<1x16xf32>,
        %get3A_431 = vector.shape_cast %get3A_430 : vector<1x16xf32> to vector<16xf32>
        %mul3A_432 = arith.mulf %get3A_427, %get3A_431 : vector<16xf32>
        %swap3A_433 = arith.index_cast %scan3A_355 : i32 to index
        %swap3A_434 = arith.constant 80 : index
        %swap3A_435 = tpu.vector_load %arg11[%swap3A_433, %swap3A_434] {strides = array<i32>} : memref<48x128xf32, #tpu.memory_space<vmem>>, vector<1x16xf32>,
        %swap3A_436 = vector.shape_cast %swap3A_435 : vector<1x16xf32> to vector<16xf32>
        %swap3A_437 = vector.shape_cast %mul3A_432 : vector<16xf32> to vector<1x16xf32>
        tpu.vector_store %arg11[%swap3A_433, %swap3A_434], %swap3A_437 {strides = array<i32>} : memref<48x128xf32, #tpu.memory_space<vmem>>, vector<1x16xf32>,
        %get3A_438 = arith.index_cast %scan3A_355 : i32 to index
        %get3A_439 = arith.constant 96 : index
        %get3A_440 = tpu.vector_load %arg11[%get3A_438, %get3A_439] {strides = array<i32>} : memref<48x128xf32, #tpu.memory_space<vmem>>, vector<1x16xf32>,
        %get3A_441 = vector.shape_cast %get3A_440 : vector<1x16xf32> to vector<16xf32>
        %get3A_442 = arith.index_cast %scan3A_355 : i32 to index
        %get3A_443 = arith.constant 96 : index
        %get3A_444 = tpu.vector_load %arg13[%get3A_442, %get3A_443] {strides = array<i32>} : memref<48x128xf32, #tpu.memory_space<vmem>>, vector<1x16xf32>,
        %get3A_445 = vector.shape_cast %get3A_444 : vector<1x16xf32> to vector<16xf32>
        %mul3A_446 = arith.mulf %get3A_441, %get3A_445 : vector<16xf32>
        %swap3A_447 = arith.index_cast %scan3A_355 : i32 to index
        %swap3A_448 = arith.constant 96 : index
        %swap3A_449 = tpu.vector_load %arg11[%swap3A_447, %swap3A_448] {strides = array<i32>} : memref<48x128xf32, #tpu.memory_space<vmem>>, vector<1x16xf32>,
        %swap3A_450 = vector.shape_cast %swap3A_449 : vector<1x16xf32> to vector<16xf32>
        %swap3A_451 = vector.shape_cast %mul3A_446 : vector<16xf32> to vector<1x16xf32>
        tpu.vector_store %arg11[%swap3A_447, %swap3A_448], %swap3A_451 {strides = array<i32>} : memref<48x128xf32, #tpu.memory_space<vmem>>, vector<1x16xf32>,
        %get3A_452 = arith.index_cast %scan3A_355 : i32 to index
        %get3A_453 = arith.constant 112 : index
        %get3A_454 = tpu.vector_load %arg11[%get3A_452, %get3A_453] {strides = array<i32>} : memref<48x128xf32, #tpu.memory_space<vmem>>, vector<1x16xf32>,
        %get3A_455 = vector.shape_cast %get3A_454 : vector<1x16xf32> to vector<16xf32>
        %get3A_456 = arith.index_cast %scan3A_355 : i32 to index
        %get3A_457 = arith.constant 112 : index
        %get3A_458 = tpu.vector_load %arg13[%get3A_456, %get3A_457] {strides = array<i32>} : memref<48x128xf32, #tpu.memory_space<vmem>>, vector<1x16xf32>,
        %get3A_459 = vector.shape_cast %get3A_458 : vector<1x16xf32> to vector<16xf32>
        %mul3A_460 = arith.mulf %get3A_455, %get3A_459 : vector<16xf32>
        %swap3A_461 = arith.index_cast %scan3A_355 : i32 to index
        %swap3A_462 = arith.constant 112 : index
        %swap3A_463 = tpu.vector_load %arg11[%swap3A_461, %swap3A_462] {strides = array<i32>} : memref<48x128xf32, #tpu.memory_space<vmem>>, vector<1x16xf32>,
        %swap3A_464 = vector.shape_cast %swap3A_463 : vector<1x16xf32> to vector<16xf32>
        %swap3A_465 = vector.shape_cast %mul3A_460 : vector<16xf32> to vector<1x16xf32>
        tpu.vector_store %arg11[%swap3A_461, %swap3A_462], %swap3A_465 {strides = array<i32>} : memref<48x128xf32, #tpu.memory_space<vmem>>, vector<1x16xf32>,
      }
      %scan3A_247 = arith.constant 48 : i32
      %dma_start3A_248 = arith.constant 1 : i32
      %dma_start3A_249 = arith.constant 0 : i32
      %dma_start3A_250 = tpu.memref_slice %arg7[%dma_start3A_248, %dma_start3A_249] : memref<3x48xi32, #tpu.memory_space<vmem>> -> memref<1x48xi32, #tpu.memory_space<vmem>>
      %dma_start3A_251 = tpu.memref_squeeze %dma_start3A_250 : memref<1x48xi32, #tpu.memory_space<vmem>> -> memref<48xi32, #tpu.memory_space<vmem>>
      %dma_start3A_252 = arith.constant 0 : i32
      %dma_start3A_253 = arith.constant 0 : i32
      %dma_start3A_254 = tpu.memref_slice %arg14[%dma_start3A_252, %dma_start3A_253] : memref<10240x128xf32, #tpu.memory_space<vmem_shared>> -> memref<10240x128xf32, #tpu.memory_space<vmem_shared>>
      tpu.enqueue_indirect_dma source(%arg11 : memref<48x128xf32, #tpu.memory_space<vmem>>) target(%dma_start3A_254 : memref<10240x128xf32, #tpu.memory_space<vmem_shared>>) offsets(%dma_start3A_251 : memref<48xi32, #tpu.memory_space<vmem>>) semaphore(%arg21 : memref<!tpu.dma_semaphore, #tpu.memory_space<semaphore_mem>>) {add = true}
      %mul3A_255 = arith.constant 6 : i32
      %mul3A_256 = arith.muli %scan3A_58, %mul3A_255 : i32
      %add3A_257 = arith.constant 4 : i32
      %add3A_258 = arith.addi %mul3A_256, %add3A_257 : i32
      %ge3A_259 = arith.constant 1 : i32
      %ge3A_260 = arith.cmpi sge, %add3A_258, %ge3A_259 : i32
      %convert_element_type3A_261 = arith.extui %ge3A_260 : i1 to i32
      %cond3A_262 = arith.constant 0 : i32
      %cond3A_263 = arith.cmpi ne, %convert_element_type3A_261, %cond3A_262 : i32
      scf.if %cond3A_263 {
        %dma_wait3A_355 = arith.constant 1 : i32
        %dma_wait3A_356 = arith.constant 0 : i32
        %dma_wait3A_357 = tpu.memref_slice %arg7[%dma_wait3A_355, %dma_wait3A_356] : memref<3x48xi32, #tpu.memory_space<vmem>> -> memref<1x48xi32, #tpu.memory_space<vmem>>
        %dma_wait3A_358 = tpu.memref_squeeze %dma_wait3A_357 : memref<1x48xi32, #tpu.memory_space<vmem>> -> memref<48xi32, #tpu.memory_space<vmem>>
        %dma_wait3A_359 = arith.constant 0 : i32
        %dma_wait3A_360 = arith.constant 0 : i32
        %dma_wait3A_361 = tpu.memref_slice %arg14[%dma_wait3A_359, %dma_wait3A_360] : memref<10240x128xf32, #tpu.memory_space<vmem_shared>> -> memref<10240x128xf32, #tpu.memory_space<vmem_shared>>
        tpu.wait_indirect_dma semaphore(%arg21 : memref<!tpu.dma_semaphore, #tpu.memory_space<semaphore_mem>>) src(%arg11 : memref<48x128xf32, #tpu.memory_space<vmem>>) dst(%dma_wait3A_361 : memref<10240x128xf32, #tpu.memory_space<vmem_shared>>)
      } else {
      }
      %add3A_264 = arith.constant 1 : i32
      %add3A_265 = arith.addi %add3A_258, %add3A_264 : i32
      %lt3A_266 = arith.constant 210 : i32
      %lt3A_267 = arith.cmpi slt, %add3A_265, %lt3A_266 : i32
      %convert_element_type3A_268 = arith.extui %lt3A_267 : i1 to i32
      %cond3A_269 = arith.constant 0 : i32
      %cond3A_270 = arith.cmpi ne, %convert_element_type3A_268, %cond3A_269 : i32
      scf.if %cond3A_270 {
        %dma_wait3A_355 = arith.constant 0 : i32
        %dma_wait3A_356 = arith.constant 0 : i32
        %dma_wait3A_357 = tpu.memref_slice %arg2[%mul3A_2, %dma_wait3A_355, %dma_wait3A_356] : memref<6720x3x48xi32, #tpu.memory_space<hbm>> -> memref<1x3x48xi32, #tpu.memory_space<hbm>>
        %dma_wait3A_358 = tpu.memref_squeeze %dma_wait3A_357 : memref<1x3x48xi32, #tpu.memory_space<hbm>> -> memref<3x48xi32, #tpu.memory_space<hbm>>
        %dma_wait3A_359 = arith.constant 0 : i32
        %dma_wait3A_360 = arith.constant 0 : i32
        %dma_wait3A_361 = tpu.memref_slice %arg2[%mul3A_2, %dma_wait3A_359, %dma_wait3A_360] : memref<6720x3x48xi32, #tpu.memory_space<hbm>> -> memref<1x3x48xi32, #tpu.memory_space<hbm>>
        %dma_wait3A_362 = tpu.memref_squeeze %dma_wait3A_361 : memref<1x3x48xi32, #tpu.memory_space<hbm>> -> memref<3x48xi32, #tpu.memory_space<hbm>>
        tpu.wait_dma2 semaphore(%arg17 : memref<!tpu.dma_semaphore, #tpu.memory_space<semaphore_mem>>) src(%dma_wait3A_362 : memref<3x48xi32, #tpu.memory_space<hbm>>) dst(%arg9 : memref<3x48xi32, #tpu.memory_space<vmem>>)
        %dma_start3A_363 = arith.constant 0 : i32
        %dma_start3A_364 = arith.constant 0 : i32
        %dma_start3A_365 = tpu.memref_slice %arg9[%dma_start3A_363, %dma_start3A_364] : memref<3x48xi32, #tpu.memory_space<vmem>> -> memref<1x48xi32, #tpu.memory_space<vmem>>
        %dma_start3A_366 = tpu.memref_squeeze %dma_start3A_365 : memref<1x48xi32, #tpu.memory_space<vmem>> -> memref<48xi32, #tpu.memory_space<vmem>>
        %dma_start3A_367 = arith.constant 0 : i32
        %dma_start3A_368 = arith.constant 0 : i32
        %dma_start3A_369 = tpu.memref_slice %arg3[%dma_start3A_367, %dma_start3A_368] : memref<10000x128xf32, #tpu.memory_space<hbm>> -> memref<10000x128xf32, #tpu.memory_space<hbm>>
        tpu.enqueue_indirect_dma source(%dma_start3A_369 : memref<10000x128xf32, #tpu.memory_space<hbm>>) target(%arg11 : memref<48x128xf32, #tpu.memory_space<vmem>>) offsets(%dma_start3A_366 : memref<48xi32, #tpu.memory_space<vmem>>) semaphore(%arg19 : memref<!tpu.dma_semaphore, #tpu.memory_space<semaphore_mem>>)
        %dma_start3A_370 = arith.constant 2 : i32
        %dma_start3A_371 = arith.constant 0 : i32
        %dma_start3A_372 = tpu.memref_slice %arg9[%dma_start3A_370, %dma_start3A_371] : memref<3x48xi32, #tpu.memory_space<vmem>> -> memref<1x48xi32, #tpu.memory_space<vmem>>
        %dma_start3A_373 = tpu.memref_squeeze %dma_start3A_372 : memref<1x48xi32, #tpu.memory_space<vmem>> -> memref<48xi32, #tpu.memory_space<vmem>>
        %dma_start3A_374 = arith.constant 0 : i32
        %dma_start3A_375 = arith.constant 0 : i32
        %dma_start3A_376 = tpu.memref_slice %arg4[%dma_start3A_374, %dma_start3A_375] : memref<200x128xf32, #tpu.memory_space<hbm>> -> memref<200x128xf32, #tpu.memory_space<hbm>>
        tpu.enqueue_indirect_dma source(%dma_start3A_376 : memref<200x128xf32, #tpu.memory_space<hbm>>) target(%arg13 : memref<48x128xf32, #tpu.memory_space<vmem>>) offsets(%dma_start3A_373 : memref<48xi32, #tpu.memory_space<vmem>>) semaphore(%arg19 : memref<!tpu.dma_semaphore, #tpu.memory_space<semaphore_mem>>)
      } else {
      }
      %dma_wait3A_271 = arith.constant 0 : i32
      %dma_wait3A_272 = arith.constant 0 : i32
      %dma_wait3A_273 = tpu.memref_slice %arg8[%dma_wait3A_271, %dma_wait3A_272] : memref<3x48xi32, #tpu.memory_space<vmem>> -> memref<1x48xi32, #tpu.memory_space<vmem>>
      %dma_wait3A_274 = tpu.memref_squeeze %dma_wait3A_273 : memref<1x48xi32, #tpu.memory_space<vmem>> -> memref<48xi32, #tpu.memory_space<vmem>>
      %dma_wait3A_275 = arith.constant 0 : i32
      %dma_wait3A_276 = arith.constant 0 : i32
      %dma_wait3A_277 = tpu.memref_slice %arg3[%dma_wait3A_275, %dma_wait3A_276] : memref<10000x128xf32, #tpu.memory_space<hbm>> -> memref<10000x128xf32, #tpu.memory_space<hbm>>
      tpu.wait_indirect_dma semaphore(%arg18 : memref<!tpu.dma_semaphore, #tpu.memory_space<semaphore_mem>>) src(%dma_wait3A_277 : memref<10000x128xf32, #tpu.memory_space<hbm>>) dst(%arg10 : memref<48x128xf32, #tpu.memory_space<vmem>>)
      %dma_wait3A_278 = arith.constant 2 : i32
      %dma_wait3A_279 = arith.constant 0 : i32
      %dma_wait3A_280 = tpu.memref_slice %arg8[%dma_wait3A_278, %dma_wait3A_279] : memref<3x48xi32, #tpu.memory_space<vmem>> -> memref<1x48xi32, #tpu.memory_space<vmem>>
      %dma_wait3A_281 = tpu.memref_squeeze %dma_wait3A_280 : memref<1x48xi32, #tpu.memory_space<vmem>> -> memref<48xi32, #tpu.memory_space<vmem>>
      %dma_wait3A_282 = arith.constant 0 : i32
      %dma_wait3A_283 = arith.constant 0 : i32
      %dma_wait3A_284 = tpu.memref_slice %arg4[%dma_wait3A_282, %dma_wait3A_283] : memref<200x128xf32, #tpu.memory_space<hbm>> -> memref<200x128xf32, #tpu.memory_space<hbm>>
      tpu.wait_indirect_dma semaphore(%arg18 : memref<!tpu.dma_semaphore, #tpu.memory_space<semaphore_mem>>) src(%dma_wait3A_284 : memref<200x128xf32, #tpu.memory_space<hbm>>) dst(%arg12 : memref<48x128xf32, #tpu.memory_space<vmem>>)
      %add3A_285 = arith.constant 2 : i32
      %add3A_286 = arith.addi %add3A_258, %add3A_285 : i32
      %lt3A_287 = arith.constant 210 : i32
      %lt3A_288 = arith.cmpi slt, %add3A_286, %lt3A_287 : i32
      %convert_element_type3A_289 = arith.extui %lt3A_288 : i1 to i32
      %cond3A_290 = arith.constant 0 : i32
      %cond3A_291 = arith.cmpi ne, %convert_element_type3A_289, %cond3A_290 : i32
      scf.if %cond3A_291 {
        %add3A_355 = arith.constant 2 : i32
        %add3A_356 = arith.addi %add3A_258, %add3A_355 : i32
        %add3A_357 = arith.addi %mul3A_2, %add3A_356 : i32
        %dma_start3A_358 = arith.constant 0 : i32
        %dma_start3A_359 = arith.constant 0 : i32
        %dma_start3A_360 = tpu.memref_slice %arg2[%add3A_357, %dma_start3A_358, %dma_start3A_359] : memref<6720x3x48xi32, #tpu.memory_space<hbm>> -> memref<1x3x48xi32, #tpu.memory_space<hbm>>
        %dma_start3A_361 = tpu.memref_squeeze %dma_start3A_360 : memref<1x3x48xi32, #tpu.memory_space<hbm>> -> memref<3x48xi32, #tpu.memory_space<hbm>>
        %dma_start3A_362 = arith.constant 0 : i32
        %dma_start3A_363 = arith.constant 0 : i32
        %dma_start3A_364 = tpu.memref_slice %arg2[%add3A_357, %dma_start3A_362, %dma_start3A_363] : memref<6720x3x48xi32, #tpu.memory_space<hbm>> -> memref<1x3x48xi32, #tpu.memory_space<hbm>>
        %dma_start3A_365 = tpu.memref_squeeze %dma_start3A_364 : memref<1x3x48xi32, #tpu.memory_space<hbm>> -> memref<3x48xi32, #tpu.memory_space<hbm>>
        tpu.enqueue_dma source(%dma_start3A_365 : memref<3x48xi32, #tpu.memory_space<hbm>>) target(%arg7 : memref<3x48xi32, #tpu.memory_space<vmem>>) target_semaphore(%arg15 : memref<!tpu.dma_semaphore, #tpu.memory_space<semaphore_mem>>)
      } else {
      }
      %scan3A_292 = arith.constant 0 : i32
      %scan3A_293 = arith.constant 0 : i32
      %scan3A_294 = arith.constant 48 : i32
      %scan3A_295 = arith.addi %scan3A_293, %scan3A_294 : i32
      %scan3A_296 = arith.constant 1 : i32
      scf.for %scan3A_355 = %scan3A_293 to %scan3A_295 step %scan3A_296  : i32 {
        %get3A = arith.index_cast %scan3A_355 : i32 to index
        %get3A_356 = arith.constant 0 : index
        %get3A_357 = tpu.vector_load %arg10[%get3A, %get3A_356] {strides = array<i32>} : memref<48x128xf32, #tpu.memory_space<vmem>>, vector<1x16xf32>,
        %get3A_358 = vector.shape_cast %get3A_357 : vector<1x16xf32> to vector<16xf32>
        %get3A_359 = arith.index_cast %scan3A_355 : i32 to index
        %get3A_360 = arith.constant 0 : index
        %get3A_361 = tpu.vector_load %arg12[%get3A_359, %get3A_360] {strides = array<i32>} : memref<48x128xf32, #tpu.memory_space<vmem>>, vector<1x16xf32>,
        %get3A_362 = vector.shape_cast %get3A_361 : vector<1x16xf32> to vector<16xf32>
        %mul3A_363 = arith.mulf %get3A_358, %get3A_362 : vector<16xf32>
        %swap3A = arith.index_cast %scan3A_355 : i32 to index
        %swap3A_364 = arith.constant 0 : index
        %swap3A_365 = tpu.vector_load %arg10[%swap3A, %swap3A_364] {strides = array<i32>} : memref<48x128xf32, #tpu.memory_space<vmem>>, vector<1x16xf32>,
        %swap3A_366 = vector.shape_cast %swap3A_365 : vector<1x16xf32> to vector<16xf32>
        %swap3A_367 = vector.shape_cast %mul3A_363 : vector<16xf32> to vector<1x16xf32>
        tpu.vector_store %arg10[%swap3A, %swap3A_364], %swap3A_367 {strides = array<i32>} : memref<48x128xf32, #tpu.memory_space<vmem>>, vector<1x16xf32>,
        %get3A_368 = arith.index_cast %scan3A_355 : i32 to index
        %get3A_369 = arith.constant 16 : index
        %get3A_370 = tpu.vector_load %arg10[%get3A_368, %get3A_369] {strides = array<i32>} : memref<48x128xf32, #tpu.memory_space<vmem>>, vector<1x16xf32>,
        %get3A_371 = vector.shape_cast %get3A_370 : vector<1x16xf32> to vector<16xf32>
        %get3A_372 = arith.index_cast %scan3A_355 : i32 to index
        %get3A_373 = arith.constant 16 : index
        %get3A_374 = tpu.vector_load %arg12[%get3A_372, %get3A_373] {strides = array<i32>} : memref<48x128xf32, #tpu.memory_space<vmem>>, vector<1x16xf32>,
        %get3A_375 = vector.shape_cast %get3A_374 : vector<1x16xf32> to vector<16xf32>
        %mul3A_376 = arith.mulf %get3A_371, %get3A_375 : vector<16xf32>
        %swap3A_377 = arith.index_cast %scan3A_355 : i32 to index
        %swap3A_378 = arith.constant 16 : index
        %swap3A_379 = tpu.vector_load %arg10[%swap3A_377, %swap3A_378] {strides = array<i32>} : memref<48x128xf32, #tpu.memory_space<vmem>>, vector<1x16xf32>,
        %swap3A_380 = vector.shape_cast %swap3A_379 : vector<1x16xf32> to vector<16xf32>
        %swap3A_381 = vector.shape_cast %mul3A_376 : vector<16xf32> to vector<1x16xf32>
        tpu.vector_store %arg10[%swap3A_377, %swap3A_378], %swap3A_381 {strides = array<i32>} : memref<48x128xf32, #tpu.memory_space<vmem>>, vector<1x16xf32>,
        %get3A_382 = arith.index_cast %scan3A_355 : i32 to index
        %get3A_383 = arith.constant 32 : index
        %get3A_384 = tpu.vector_load %arg10[%get3A_382, %get3A_383] {strides = array<i32>} : memref<48x128xf32, #tpu.memory_space<vmem>>, vector<1x16xf32>,
        %get3A_385 = vector.shape_cast %get3A_384 : vector<1x16xf32> to vector<16xf32>
        %get3A_386 = arith.index_cast %scan3A_355 : i32 to index
        %get3A_387 = arith.constant 32 : index
        %get3A_388 = tpu.vector_load %arg12[%get3A_386, %get3A_387] {strides = array<i32>} : memref<48x128xf32, #tpu.memory_space<vmem>>, vector<1x16xf32>,
        %get3A_389 = vector.shape_cast %get3A_388 : vector<1x16xf32> to vector<16xf32>
        %mul3A_390 = arith.mulf %get3A_385, %get3A_389 : vector<16xf32>
        %swap3A_391 = arith.index_cast %scan3A_355 : i32 to index
        %swap3A_392 = arith.constant 32 : index
        %swap3A_393 = tpu.vector_load %arg10[%swap3A_391, %swap3A_392] {strides = array<i32>} : memref<48x128xf32, #tpu.memory_space<vmem>>, vector<1x16xf32>,
        %swap3A_394 = vector.shape_cast %swap3A_393 : vector<1x16xf32> to vector<16xf32>
        %swap3A_395 = vector.shape_cast %mul3A_390 : vector<16xf32> to vector<1x16xf32>
        tpu.vector_store %arg10[%swap3A_391, %swap3A_392], %swap3A_395 {strides = array<i32>} : memref<48x128xf32, #tpu.memory_space<vmem>>, vector<1x16xf32>,
        %get3A_396 = arith.index_cast %scan3A_355 : i32 to index
        %get3A_397 = arith.constant 48 : index
        %get3A_398 = tpu.vector_load %arg10[%get3A_396, %get3A_397] {strides = array<i32>} : memref<48x128xf32, #tpu.memory_space<vmem>>, vector<1x16xf32>,
        %get3A_399 = vector.shape_cast %get3A_398 : vector<1x16xf32> to vector<16xf32>
        %get3A_400 = arith.index_cast %scan3A_355 : i32 to index
        %get3A_401 = arith.constant 48 : index
        %get3A_402 = tpu.vector_load %arg12[%get3A_400, %get3A_401] {strides = array<i32>} : memref<48x128xf32, #tpu.memory_space<vmem>>, vector<1x16xf32>,
        %get3A_403 = vector.shape_cast %get3A_402 : vector<1x16xf32> to vector<16xf32>
        %mul3A_404 = arith.mulf %get3A_399, %get3A_403 : vector<16xf32>
        %swap3A_405 = arith.index_cast %scan3A_355 : i32 to index
        %swap3A_406 = arith.constant 48 : index
        %swap3A_407 = tpu.vector_load %arg10[%swap3A_405, %swap3A_406] {strides = array<i32>} : memref<48x128xf32, #tpu.memory_space<vmem>>, vector<1x16xf32>,
        %swap3A_408 = vector.shape_cast %swap3A_407 : vector<1x16xf32> to vector<16xf32>
        %swap3A_409 = vector.shape_cast %mul3A_404 : vector<16xf32> to vector<1x16xf32>
        tpu.vector_store %arg10[%swap3A_405, %swap3A_406], %swap3A_409 {strides = array<i32>} : memref<48x128xf32, #tpu.memory_space<vmem>>, vector<1x16xf32>,
        %get3A_410 = arith.index_cast %scan3A_355 : i32 to index
        %get3A_411 = arith.constant 64 : index
        %get3A_412 = tpu.vector_load %arg10[%get3A_410, %get3A_411] {strides = array<i32>} : memref<48x128xf32, #tpu.memory_space<vmem>>, vector<1x16xf32>,
        %get3A_413 = vector.shape_cast %get3A_412 : vector<1x16xf32> to vector<16xf32>
        %get3A_414 = arith.index_cast %scan3A_355 : i32 to index
        %get3A_415 = arith.constant 64 : index
        %get3A_416 = tpu.vector_load %arg12[%get3A_414, %get3A_415] {strides = array<i32>} : memref<48x128xf32, #tpu.memory_space<vmem>>, vector<1x16xf32>,
        %get3A_417 = vector.shape_cast %get3A_416 : vector<1x16xf32> to vector<16xf32>
        %mul3A_418 = arith.mulf %get3A_413, %get3A_417 : vector<16xf32>
        %swap3A_419 = arith.index_cast %scan3A_355 : i32 to index
        %swap3A_420 = arith.constant 64 : index
        %swap3A_421 = tpu.vector_load %arg10[%swap3A_419, %swap3A_420] {strides = array<i32>} : memref<48x128xf32, #tpu.memory_space<vmem>>, vector<1x16xf32>,
        %swap3A_422 = vector.shape_cast %swap3A_421 : vector<1x16xf32> to vector<16xf32>
        %swap3A_423 = vector.shape_cast %mul3A_418 : vector<16xf32> to vector<1x16xf32>
        tpu.vector_store %arg10[%swap3A_419, %swap3A_420], %swap3A_423 {strides = array<i32>} : memref<48x128xf32, #tpu.memory_space<vmem>>, vector<1x16xf32>,
        %get3A_424 = arith.index_cast %scan3A_355 : i32 to index
        %get3A_425 = arith.constant 80 : index
        %get3A_426 = tpu.vector_load %arg10[%get3A_424, %get3A_425] {strides = array<i32>} : memref<48x128xf32, #tpu.memory_space<vmem>>, vector<1x16xf32>,
        %get3A_427 = vector.shape_cast %get3A_426 : vector<1x16xf32> to vector<16xf32>
        %get3A_428 = arith.index_cast %scan3A_355 : i32 to index
        %get3A_429 = arith.constant 80 : index
        %get3A_430 = tpu.vector_load %arg12[%get3A_428, %get3A_429] {strides = array<i32>} : memref<48x128xf32, #tpu.memory_space<vmem>>, vector<1x16xf32>,
        %get3A_431 = vector.shape_cast %get3A_430 : vector<1x16xf32> to vector<16xf32>
        %mul3A_432 = arith.mulf %get3A_427, %get3A_431 : vector<16xf32>
        %swap3A_433 = arith.index_cast %scan3A_355 : i32 to index
        %swap3A_434 = arith.constant 80 : index
        %swap3A_435 = tpu.vector_load %arg10[%swap3A_433, %swap3A_434] {strides = array<i32>} : memref<48x128xf32, #tpu.memory_space<vmem>>, vector<1x16xf32>,
        %swap3A_436 = vector.shape_cast %swap3A_435 : vector<1x16xf32> to vector<16xf32>
        %swap3A_437 = vector.shape_cast %mul3A_432 : vector<16xf32> to vector<1x16xf32>
        tpu.vector_store %arg10[%swap3A_433, %swap3A_434], %swap3A_437 {strides = array<i32>} : memref<48x128xf32, #tpu.memory_space<vmem>>, vector<1x16xf32>,
        %get3A_438 = arith.index_cast %scan3A_355 : i32 to index
        %get3A_439 = arith.constant 96 : index
        %get3A_440 = tpu.vector_load %arg10[%get3A_438, %get3A_439] {strides = array<i32>} : memref<48x128xf32, #tpu.memory_space<vmem>>, vector<1x16xf32>,
        %get3A_441 = vector.shape_cast %get3A_440 : vector<1x16xf32> to vector<16xf32>
        %get3A_442 = arith.index_cast %scan3A_355 : i32 to index
        %get3A_443 = arith.constant 96 : index
        %get3A_444 = tpu.vector_load %arg12[%get3A_442, %get3A_443] {strides = array<i32>} : memref<48x128xf32, #tpu.memory_space<vmem>>, vector<1x16xf32>,
        %get3A_445 = vector.shape_cast %get3A_444 : vector<1x16xf32> to vector<16xf32>
        %mul3A_446 = arith.mulf %get3A_441, %get3A_445 : vector<16xf32>
        %swap3A_447 = arith.index_cast %scan3A_355 : i32 to index
        %swap3A_448 = arith.constant 96 : index
        %swap3A_449 = tpu.vector_load %arg10[%swap3A_447, %swap3A_448] {strides = array<i32>} : memref<48x128xf32, #tpu.memory_space<vmem>>, vector<1x16xf32>,
        %swap3A_450 = vector.shape_cast %swap3A_449 : vector<1x16xf32> to vector<16xf32>
        %swap3A_451 = vector.shape_cast %mul3A_446 : vector<16xf32> to vector<1x16xf32>
        tpu.vector_store %arg10[%swap3A_447, %swap3A_448], %swap3A_451 {strides = array<i32>} : memref<48x128xf32, #tpu.memory_space<vmem>>, vector<1x16xf32>,
        %get3A_452 = arith.index_cast %scan3A_355 : i32 to index
        %get3A_453 = arith.constant 112 : index
        %get3A_454 = tpu.vector_load %arg10[%get3A_452, %get3A_453] {strides = array<i32>} : memref<48x128xf32, #tpu.memory_space<vmem>>, vector<1x16xf32>,
        %get3A_455 = vector.shape_cast %get3A_454 : vector<1x16xf32> to vector<16xf32>
        %get3A_456 = arith.index_cast %scan3A_355 : i32 to index
        %get3A_457 = arith.constant 112 : index
        %get3A_458 = tpu.vector_load %arg12[%get3A_456, %get3A_457] {strides = array<i32>} : memref<48x128xf32, #tpu.memory_space<vmem>>, vector<1x16xf32>,
        %get3A_459 = vector.shape_cast %get3A_458 : vector<1x16xf32> to vector<16xf32>
        %mul3A_460 = arith.mulf %get3A_455, %get3A_459 : vector<16xf32>
        %swap3A_461 = arith.index_cast %scan3A_355 : i32 to index
        %swap3A_462 = arith.constant 112 : index
        %swap3A_463 = tpu.vector_load %arg10[%swap3A_461, %swap3A_462] {strides = array<i32>} : memref<48x128xf32, #tpu.memory_space<vmem>>, vector<1x16xf32>,
        %swap3A_464 = vector.shape_cast %swap3A_463 : vector<1x16xf32> to vector<16xf32>
        %swap3A_465 = vector.shape_cast %mul3A_460 : vector<16xf32> to vector<1x16xf32>
        tpu.vector_store %arg10[%swap3A_461, %swap3A_462], %swap3A_465 {strides = array<i32>} : memref<48x128xf32, #tpu.memory_space<vmem>>, vector<1x16xf32>,
      }
      %scan3A_297 = arith.constant 48 : i32
      %dma_start3A_298 = arith.constant 1 : i32
      %dma_start3A_299 = arith.constant 0 : i32
      %dma_start3A_300 = tpu.memref_slice %arg8[%dma_start3A_298, %dma_start3A_299] : memref<3x48xi32, #tpu.memory_space<vmem>> -> memref<1x48xi32, #tpu.memory_space<vmem>>
      %dma_start3A_301 = tpu.memref_squeeze %dma_start3A_300 : memref<1x48xi32, #tpu.memory_space<vmem>> -> memref<48xi32, #tpu.memory_space<vmem>>
      %dma_start3A_302 = arith.constant 0 : i32
      %dma_start3A_303 = arith.constant 0 : i32
      %dma_start3A_304 = tpu.memref_slice %arg14[%dma_start3A_302, %dma_start3A_303] : memref<10240x128xf32, #tpu.memory_space<vmem_shared>> -> memref<10240x128xf32, #tpu.memory_space<vmem_shared>>
      tpu.enqueue_indirect_dma source(%arg10 : memref<48x128xf32, #tpu.memory_space<vmem>>) target(%dma_start3A_304 : memref<10240x128xf32, #tpu.memory_space<vmem_shared>>) offsets(%dma_start3A_301 : memref<48xi32, #tpu.memory_space<vmem>>) semaphore(%arg20 : memref<!tpu.dma_semaphore, #tpu.memory_space<semaphore_mem>>) {add = true}
      %mul3A_305 = arith.constant 6 : i32
      %mul3A_306 = arith.muli %scan3A_58, %mul3A_305 : i32
      %add3A_307 = arith.constant 5 : i32
      %add3A_308 = arith.addi %mul3A_306, %add3A_307 : i32
      %ge3A_309 = arith.constant 1 : i32
      %ge3A_310 = arith.cmpi sge, %add3A_308, %ge3A_309 : i32
      %convert_element_type3A_311 = arith.extui %ge3A_310 : i1 to i32
      %cond3A_312 = arith.constant 0 : i32
      %cond3A_313 = arith.cmpi ne, %convert_element_type3A_311, %cond3A_312 : i32
      scf.if %cond3A_313 {
        %dma_wait3A_355 = arith.constant 1 : i32
        %dma_wait3A_356 = arith.constant 0 : i32
        %dma_wait3A_357 = tpu.memref_slice %arg8[%dma_wait3A_355, %dma_wait3A_356] : memref<3x48xi32, #tpu.memory_space<vmem>> -> memref<1x48xi32, #tpu.memory_space<vmem>>
        %dma_wait3A_358 = tpu.memref_squeeze %dma_wait3A_357 : memref<1x48xi32, #tpu.memory_space<vmem>> -> memref<48xi32, #tpu.memory_space<vmem>>
        %dma_wait3A_359 = arith.constant 0 : i32
        %dma_wait3A_360 = arith.constant 0 : i32
        %dma_wait3A_361 = tpu.memref_slice %arg14[%dma_wait3A_359, %dma_wait3A_360] : memref<10240x128xf32, #tpu.memory_space<vmem_shared>> -> memref<10240x128xf32, #tpu.memory_space<vmem_shared>>
        tpu.wait_indirect_dma semaphore(%arg20 : memref<!tpu.dma_semaphore, #tpu.memory_space<semaphore_mem>>) src(%arg10 : memref<48x128xf32, #tpu.memory_space<vmem>>) dst(%dma_wait3A_361 : memref<10240x128xf32, #tpu.memory_space<vmem_shared>>)
      } else {
      }
      %add3A_314 = arith.constant 1 : i32
      %add3A_315 = arith.addi %add3A_308, %add3A_314 : i32
      %lt3A_316 = arith.constant 210 : i32
      %lt3A_317 = arith.cmpi slt, %add3A_315, %lt3A_316 : i32
      %convert_element_type3A_318 = arith.extui %lt3A_317 : i1 to i32
      %cond3A_319 = arith.constant 0 : i32
      %cond3A_320 = arith.cmpi ne, %convert_element_type3A_318, %cond3A_319 : i32
      scf.if %cond3A_320 {
        %dma_wait3A_355 = arith.constant 0 : i32
        %dma_wait3A_356 = arith.constant 0 : i32
        %dma_wait3A_357 = tpu.memref_slice %arg2[%mul3A_2, %dma_wait3A_355, %dma_wait3A_356] : memref<6720x3x48xi32, #tpu.memory_space<hbm>> -> memref<1x3x48xi32, #tpu.memory_space<hbm>>
        %dma_wait3A_358 = tpu.memref_squeeze %dma_wait3A_357 : memref<1x3x48xi32, #tpu.memory_space<hbm>> -> memref<3x48xi32, #tpu.memory_space<hbm>>
        %dma_wait3A_359 = arith.constant 0 : i32
        %dma_wait3A_360 = arith.constant 0 : i32
        %dma_wait3A_361 = tpu.memref_slice %arg2[%mul3A_2, %dma_wait3A_359, %dma_wait3A_360] : memref<6720x3x48xi32, #tpu.memory_space<hbm>> -> memref<1x3x48xi32, #tpu.memory_space<hbm>>
        %dma_wait3A_362 = tpu.memref_squeeze %dma_wait3A_361 : memref<1x3x48xi32, #tpu.memory_space<hbm>> -> memref<3x48xi32, #tpu.memory_space<hbm>>
        tpu.wait_dma2 semaphore(%arg15 : memref<!tpu.dma_semaphore, #tpu.memory_space<semaphore_mem>>) src(%dma_wait3A_362 : memref<3x48xi32, #tpu.memory_space<hbm>>) dst(%arg7 : memref<3x48xi32, #tpu.memory_space<vmem>>)
        %dma_start3A_363 = arith.constant 0 : i32
        %dma_start3A_364 = arith.constant 0 : i32
        %dma_start3A_365 = tpu.memref_slice %arg7[%dma_start3A_363, %dma_start3A_364] : memref<3x48xi32, #tpu.memory_space<vmem>> -> memref<1x48xi32, #tpu.memory_space<vmem>>
        %dma_start3A_366 = tpu.memref_squeeze %dma_start3A_365 : memref<1x48xi32, #tpu.memory_space<vmem>> -> memref<48xi32, #tpu.memory_space<vmem>>
        %dma_start3A_367 = arith.constant 0 : i32
        %dma_start3A_368 = arith.constant 0 : i32
        %dma_start3A_369 = tpu.memref_slice %arg3[%dma_start3A_367, %dma_start3A_368] : memref<10000x128xf32, #tpu.memory_space<hbm>> -> memref<10000x128xf32, #tpu.memory_space<hbm>>
        tpu.enqueue_indirect_dma source(%dma_start3A_369 : memref<10000x128xf32, #tpu.memory_space<hbm>>) target(%arg10 : memref<48x128xf32, #tpu.memory_space<vmem>>) offsets(%dma_start3A_366 : memref<48xi32, #tpu.memory_space<vmem>>) semaphore(%arg18 : memref<!tpu.dma_semaphore, #tpu.memory_space<semaphore_mem>>)
        %dma_start3A_370 = arith.constant 2 : i32
        %dma_start3A_371 = arith.constant 0 : i32
        %dma_start3A_372 = tpu.memref_slice %arg7[%dma_start3A_370, %dma_start3A_371] : memref<3x48xi32, #tpu.memory_space<vmem>> -> memref<1x48xi32, #tpu.memory_space<vmem>>
        %dma_start3A_373 = tpu.memref_squeeze %dma_start3A_372 : memref<1x48xi32, #tpu.memory_space<vmem>> -> memref<48xi32, #tpu.memory_space<vmem>>
        %dma_start3A_374 = arith.constant 0 : i32
        %dma_start3A_375 = arith.constant 0 : i32
        %dma_start3A_376 = tpu.memref_slice %arg4[%dma_start3A_374, %dma_start3A_375] : memref<200x128xf32, #tpu.memory_space<hbm>> -> memref<200x128xf32, #tpu.memory_space<hbm>>
        tpu.enqueue_indirect_dma source(%dma_start3A_376 : memref<200x128xf32, #tpu.memory_space<hbm>>) target(%arg12 : memref<48x128xf32, #tpu.memory_space<vmem>>) offsets(%dma_start3A_373 : memref<48xi32, #tpu.memory_space<vmem>>) semaphore(%arg18 : memref<!tpu.dma_semaphore, #tpu.memory_space<semaphore_mem>>)
      } else {
      }
      %dma_wait3A_321 = arith.constant 0 : i32
      %dma_wait3A_322 = arith.constant 0 : i32
      %dma_wait3A_323 = tpu.memref_slice %arg9[%dma_wait3A_321, %dma_wait3A_322] : memref<3x48xi32, #tpu.memory_space<vmem>> -> memref<1x48xi32, #tpu.memory_space<vmem>>
      %dma_wait3A_324 = tpu.memref_squeeze %dma_wait3A_323 : memref<1x48xi32, #tpu.memory_space<vmem>> -> memref<48xi32, #tpu.memory_space<vmem>>
      %dma_wait3A_325 = arith.constant 0 : i32
      %dma_wait3A_326 = arith.constant 0 : i32
      %dma_wait3A_327 = tpu.memref_slice %arg3[%dma_wait3A_325, %dma_wait3A_326] : memref<10000x128xf32, #tpu.memory_space<hbm>> -> memref<10000x128xf32, #tpu.memory_space<hbm>>
      tpu.wait_indirect_dma semaphore(%arg19 : memref<!tpu.dma_semaphore, #tpu.memory_space<semaphore_mem>>) src(%dma_wait3A_327 : memref<10000x128xf32, #tpu.memory_space<hbm>>) dst(%arg11 : memref<48x128xf32, #tpu.memory_space<vmem>>)
      %dma_wait3A_328 = arith.constant 2 : i32
      %dma_wait3A_329 = arith.constant 0 : i32
      %dma_wait3A_330 = tpu.memref_slice %arg9[%dma_wait3A_328, %dma_wait3A_329] : memref<3x48xi32, #tpu.memory_space<vmem>> -> memref<1x48xi32, #tpu.memory_space<vmem>>
      %dma_wait3A_331 = tpu.memref_squeeze %dma_wait3A_330 : memref<1x48xi32, #tpu.memory_space<vmem>> -> memref<48xi32, #tpu.memory_space<vmem>>
      %dma_wait3A_332 = arith.constant 0 : i32
      %dma_wait3A_333 = arith.constant 0 : i32
      %dma_wait3A_334 = tpu.memref_slice %arg4[%dma_wait3A_332, %dma_wait3A_333] : memref<200x128xf32, #tpu.memory_space<hbm>> -> memref<200x128xf32, #tpu.memory_space<hbm>>
      tpu.wait_indirect_dma semaphore(%arg19 : memref<!tpu.dma_semaphore, #tpu.memory_space<semaphore_mem>>) src(%dma_wait3A_334 : memref<200x128xf32, #tpu.memory_space<hbm>>) dst(%arg13 : memref<48x128xf32, #tpu.memory_space<vmem>>)
      %add3A_335 = arith.constant 2 : i32
      %add3A_336 = arith.addi %add3A_308, %add3A_335 : i32
      %lt3A_337 = arith.constant 210 : i32
      %lt3A_338 = arith.cmpi slt, %add3A_336, %lt3A_337 : i32
      %convert_element_type3A_339 = arith.extui %lt3A_338 : i1 to i32
      %cond3A_340 = arith.constant 0 : i32
      %cond3A_341 = arith.cmpi ne, %convert_element_type3A_339, %cond3A_340 : i32
      scf.if %cond3A_341 {
        %add3A_355 = arith.constant 2 : i32
        %add3A_356 = arith.addi %add3A_308, %add3A_355 : i32
        %add3A_357 = arith.addi %mul3A_2, %add3A_356 : i32
        %dma_start3A_358 = arith.constant 0 : i32
        %dma_start3A_359 = arith.constant 0 : i32
        %dma_start3A_360 = tpu.memref_slice %arg2[%add3A_357, %dma_start3A_358, %dma_start3A_359] : memref<6720x3x48xi32, #tpu.memory_space<hbm>> -> memref<1x3x48xi32, #tpu.memory_space<hbm>>
        %dma_start3A_361 = tpu.memref_squeeze %dma_start3A_360 : memref<1x3x48xi32, #tpu.memory_space<hbm>> -> memref<3x48xi32, #tpu.memory_space<hbm>>
        %dma_start3A_362 = arith.constant 0 : i32
        %dma_start3A_363 = arith.constant 0 : i32
        %dma_start3A_364 = tpu.memref_slice %arg2[%add3A_357, %dma_start3A_362, %dma_start3A_363] : memref<6720x3x48xi32, #tpu.memory_space<hbm>> -> memref<1x3x48xi32, #tpu.memory_space<hbm>>
        %dma_start3A_365 = tpu.memref_squeeze %dma_start3A_364 : memref<1x3x48xi32, #tpu.memory_space<hbm>> -> memref<3x48xi32, #tpu.memory_space<hbm>>
        tpu.enqueue_dma source(%dma_start3A_365 : memref<3x48xi32, #tpu.memory_space<hbm>>) target(%arg8 : memref<3x48xi32, #tpu.memory_space<vmem>>) target_semaphore(%arg16 : memref<!tpu.dma_semaphore, #tpu.memory_space<semaphore_mem>>)
      } else {
      }
      %scan3A_342 = arith.constant 0 : i32
      %scan3A_343 = arith.constant 0 : i32
      %scan3A_344 = arith.constant 48 : i32
      %scan3A_345 = arith.addi %scan3A_343, %scan3A_344 : i32
      %scan3A_346 = arith.constant 1 : i32
      scf.for %scan3A_355 = %scan3A_343 to %scan3A_345 step %scan3A_346  : i32 {
        %get3A = arith.index_cast %scan3A_355 : i32 to index
        %get3A_356 = arith.constant 0 : index
        %get3A_357 = tpu.vector_load %arg11[%get3A, %get3A_356] {strides = array<i32>} : memref<48x128xf32, #tpu.memory_space<vmem>>, vector<1x16xf32>,
        %get3A_358 = vector.shape_cast %get3A_357 : vector<1x16xf32> to vector<16xf32>
        %get3A_359 = arith.index_cast %scan3A_355 : i32 to index
        %get3A_360 = arith.constant 0 : index
        %get3A_361 = tpu.vector_load %arg13[%get3A_359, %get3A_360] {strides = array<i32>} : memref<48x128xf32, #tpu.memory_space<vmem>>, vector<1x16xf32>,
        %get3A_362 = vector.shape_cast %get3A_361 : vector<1x16xf32> to vector<16xf32>
        %mul3A_363 = arith.mulf %get3A_358, %get3A_362 : vector<16xf32>
        %swap3A = arith.index_cast %scan3A_355 : i32 to index
        %swap3A_364 = arith.constant 0 : index
        %swap3A_365 = tpu.vector_load %arg11[%swap3A, %swap3A_364] {strides = array<i32>} : memref<48x128xf32, #tpu.memory_space<vmem>>, vector<1x16xf32>,
        %swap3A_366 = vector.shape_cast %swap3A_365 : vector<1x16xf32> to vector<16xf32>
        %swap3A_367 = vector.shape_cast %mul3A_363 : vector<16xf32> to vector<1x16xf32>
        tpu.vector_store %arg11[%swap3A, %swap3A_364], %swap3A_367 {strides = array<i32>} : memref<48x128xf32, #tpu.memory_space<vmem>>, vector<1x16xf32>,
        %get3A_368 = arith.index_cast %scan3A_355 : i32 to index
        %get3A_369 = arith.constant 16 : index
        %get3A_370 = tpu.vector_load %arg11[%get3A_368, %get3A_369] {strides = array<i32>} : memref<48x128xf32, #tpu.memory_space<vmem>>, vector<1x16xf32>,
        %get3A_371 = vector.shape_cast %get3A_370 : vector<1x16xf32> to vector<16xf32>
        %get3A_372 = arith.index_cast %scan3A_355 : i32 to index
        %get3A_373 = arith.constant 16 : index
        %get3A_374 = tpu.vector_load %arg13[%get3A_372, %get3A_373] {strides = array<i32>} : memref<48x128xf32, #tpu.memory_space<vmem>>, vector<1x16xf32>,
        %get3A_375 = vector.shape_cast %get3A_374 : vector<1x16xf32> to vector<16xf32>
        %mul3A_376 = arith.mulf %get3A_371, %get3A_375 : vector<16xf32>
        %swap3A_377 = arith.index_cast %scan3A_355 : i32 to index
        %swap3A_378 = arith.constant 16 : index
        %swap3A_379 = tpu.vector_load %arg11[%swap3A_377, %swap3A_378] {strides = array<i32>} : memref<48x128xf32, #tpu.memory_space<vmem>>, vector<1x16xf32>,
        %swap3A_380 = vector.shape_cast %swap3A_379 : vector<1x16xf32> to vector<16xf32>
        %swap3A_381 = vector.shape_cast %mul3A_376 : vector<16xf32> to vector<1x16xf32>
        tpu.vector_store %arg11[%swap3A_377, %swap3A_378], %swap3A_381 {strides = array<i32>} : memref<48x128xf32, #tpu.memory_space<vmem>>, vector<1x16xf32>,
        %get3A_382 = arith.index_cast %scan3A_355 : i32 to index
        %get3A_383 = arith.constant 32 : index
        %get3A_384 = tpu.vector_load %arg11[%get3A_382, %get3A_383] {strides = array<i32>} : memref<48x128xf32, #tpu.memory_space<vmem>>, vector<1x16xf32>,
        %get3A_385 = vector.shape_cast %get3A_384 : vector<1x16xf32> to vector<16xf32>
        %get3A_386 = arith.index_cast %scan3A_355 : i32 to index
        %get3A_387 = arith.constant 32 : index
        %get3A_388 = tpu.vector_load %arg13[%get3A_386, %get3A_387] {strides = array<i32>} : memref<48x128xf32, #tpu.memory_space<vmem>>, vector<1x16xf32>,
        %get3A_389 = vector.shape_cast %get3A_388 : vector<1x16xf32> to vector<16xf32>
        %mul3A_390 = arith.mulf %get3A_385, %get3A_389 : vector<16xf32>
        %swap3A_391 = arith.index_cast %scan3A_355 : i32 to index
        %swap3A_392 = arith.constant 32 : index
        %swap3A_393 = tpu.vector_load %arg11[%swap3A_391, %swap3A_392] {strides = array<i32>} : memref<48x128xf32, #tpu.memory_space<vmem>>, vector<1x16xf32>,
        %swap3A_394 = vector.shape_cast %swap3A_393 : vector<1x16xf32> to vector<16xf32>
        %swap3A_395 = vector.shape_cast %mul3A_390 : vector<16xf32> to vector<1x16xf32>
        tpu.vector_store %arg11[%swap3A_391, %swap3A_392], %swap3A_395 {strides = array<i32>} : memref<48x128xf32, #tpu.memory_space<vmem>>, vector<1x16xf32>,
        %get3A_396 = arith.index_cast %scan3A_355 : i32 to index
        %get3A_397 = arith.constant 48 : index
        %get3A_398 = tpu.vector_load %arg11[%get3A_396, %get3A_397] {strides = array<i32>} : memref<48x128xf32, #tpu.memory_space<vmem>>, vector<1x16xf32>,
        %get3A_399 = vector.shape_cast %get3A_398 : vector<1x16xf32> to vector<16xf32>
        %get3A_400 = arith.index_cast %scan3A_355 : i32 to index
        %get3A_401 = arith.constant 48 : index
        %get3A_402 = tpu.vector_load %arg13[%get3A_400, %get3A_401] {strides = array<i32>} : memref<48x128xf32, #tpu.memory_space<vmem>>, vector<1x16xf32>,
        %get3A_403 = vector.shape_cast %get3A_402 : vector<1x16xf32> to vector<16xf32>
        %mul3A_404 = arith.mulf %get3A_399, %get3A_403 : vector<16xf32>
        %swap3A_405 = arith.index_cast %scan3A_355 : i32 to index
        %swap3A_406 = arith.constant 48 : index
        %swap3A_407 = tpu.vector_load %arg11[%swap3A_405, %swap3A_406] {strides = array<i32>} : memref<48x128xf32, #tpu.memory_space<vmem>>, vector<1x16xf32>,
        %swap3A_408 = vector.shape_cast %swap3A_407 : vector<1x16xf32> to vector<16xf32>
        %swap3A_409 = vector.shape_cast %mul3A_404 : vector<16xf32> to vector<1x16xf32>
        tpu.vector_store %arg11[%swap3A_405, %swap3A_406], %swap3A_409 {strides = array<i32>} : memref<48x128xf32, #tpu.memory_space<vmem>>, vector<1x16xf32>,
        %get3A_410 = arith.index_cast %scan3A_355 : i32 to index
        %get3A_411 = arith.constant 64 : index
        %get3A_412 = tpu.vector_load %arg11[%get3A_410, %get3A_411] {strides = array<i32>} : memref<48x128xf32, #tpu.memory_space<vmem>>, vector<1x16xf32>,
        %get3A_413 = vector.shape_cast %get3A_412 : vector<1x16xf32> to vector<16xf32>
        %get3A_414 = arith.index_cast %scan3A_355 : i32 to index
        %get3A_415 = arith.constant 64 : index
        %get3A_416 = tpu.vector_load %arg13[%get3A_414, %get3A_415] {strides = array<i32>} : memref<48x128xf32, #tpu.memory_space<vmem>>, vector<1x16xf32>,
        %get3A_417 = vector.shape_cast %get3A_416 : vector<1x16xf32> to vector<16xf32>
        %mul3A_418 = arith.mulf %get3A_413, %get3A_417 : vector<16xf32>
        %swap3A_419 = arith.index_cast %scan3A_355 : i32 to index
        %swap3A_420 = arith.constant 64 : index
        %swap3A_421 = tpu.vector_load %arg11[%swap3A_419, %swap3A_420] {strides = array<i32>} : memref<48x128xf32, #tpu.memory_space<vmem>>, vector<1x16xf32>,
        %swap3A_422 = vector.shape_cast %swap3A_421 : vector<1x16xf32> to vector<16xf32>
        %swap3A_423 = vector.shape_cast %mul3A_418 : vector<16xf32> to vector<1x16xf32>
        tpu.vector_store %arg11[%swap3A_419, %swap3A_420], %swap3A_423 {strides = array<i32>} : memref<48x128xf32, #tpu.memory_space<vmem>>, vector<1x16xf32>,
        %get3A_424 = arith.index_cast %scan3A_355 : i32 to index
        %get3A_425 = arith.constant 80 : index
        %get3A_426 = tpu.vector_load %arg11[%get3A_424, %get3A_425] {strides = array<i32>} : memref<48x128xf32, #tpu.memory_space<vmem>>, vector<1x16xf32>,
        %get3A_427 = vector.shape_cast %get3A_426 : vector<1x16xf32> to vector<16xf32>
        %get3A_428 = arith.index_cast %scan3A_355 : i32 to index
        %get3A_429 = arith.constant 80 : index
        %get3A_430 = tpu.vector_load %arg13[%get3A_428, %get3A_429] {strides = array<i32>} : memref<48x128xf32, #tpu.memory_space<vmem>>, vector<1x16xf32>,
        %get3A_431 = vector.shape_cast %get3A_430 : vector<1x16xf32> to vector<16xf32>
        %mul3A_432 = arith.mulf %get3A_427, %get3A_431 : vector<16xf32>
        %swap3A_433 = arith.index_cast %scan3A_355 : i32 to index
        %swap3A_434 = arith.constant 80 : index
        %swap3A_435 = tpu.vector_load %arg11[%swap3A_433, %swap3A_434] {strides = array<i32>} : memref<48x128xf32, #tpu.memory_space<vmem>>, vector<1x16xf32>,
        %swap3A_436 = vector.shape_cast %swap3A_435 : vector<1x16xf32> to vector<16xf32>
        %swap3A_437 = vector.shape_cast %mul3A_432 : vector<16xf32> to vector<1x16xf32>
        tpu.vector_store %arg11[%swap3A_433, %swap3A_434], %swap3A_437 {strides = array<i32>} : memref<48x128xf32, #tpu.memory_space<vmem>>, vector<1x16xf32>,
        %get3A_438 = arith.index_cast %scan3A_355 : i32 to index
        %get3A_439 = arith.constant 96 : index
        %get3A_440 = tpu.vector_load %arg11[%get3A_438, %get3A_439] {strides = array<i32>} : memref<48x128xf32, #tpu.memory_space<vmem>>, vector<1x16xf32>,
        %get3A_441 = vector.shape_cast %get3A_440 : vector<1x16xf32> to vector<16xf32>
        %get3A_442 = arith.index_cast %scan3A_355 : i32 to index
        %get3A_443 = arith.constant 96 : index
        %get3A_444 = tpu.vector_load %arg13[%get3A_442, %get3A_443] {strides = array<i32>} : memref<48x128xf32, #tpu.memory_space<vmem>>, vector<1x16xf32>,
        %get3A_445 = vector.shape_cast %get3A_444 : vector<1x16xf32> to vector<16xf32>
        %mul3A_446 = arith.mulf %get3A_441, %get3A_445 : vector<16xf32>
        %swap3A_447 = arith.index_cast %scan3A_355 : i32 to index
        %swap3A_448 = arith.constant 96 : index
        %swap3A_449 = tpu.vector_load %arg11[%swap3A_447, %swap3A_448] {strides = array<i32>} : memref<48x128xf32, #tpu.memory_space<vmem>>, vector<1x16xf32>,
        %swap3A_450 = vector.shape_cast %swap3A_449 : vector<1x16xf32> to vector<16xf32>
        %swap3A_451 = vector.shape_cast %mul3A_446 : vector<16xf32> to vector<1x16xf32>
        tpu.vector_store %arg11[%swap3A_447, %swap3A_448], %swap3A_451 {strides = array<i32>} : memref<48x128xf32, #tpu.memory_space<vmem>>, vector<1x16xf32>,
        %get3A_452 = arith.index_cast %scan3A_355 : i32 to index
        %get3A_453 = arith.constant 112 : index
        %get3A_454 = tpu.vector_load %arg11[%get3A_452, %get3A_453] {strides = array<i32>} : memref<48x128xf32, #tpu.memory_space<vmem>>, vector<1x16xf32>,
        %get3A_455 = vector.shape_cast %get3A_454 : vector<1x16xf32> to vector<16xf32>
        %get3A_456 = arith.index_cast %scan3A_355 : i32 to index
        %get3A_457 = arith.constant 112 : index
        %get3A_458 = tpu.vector_load %arg13[%get3A_456, %get3A_457] {strides = array<i32>} : memref<48x128xf32, #tpu.memory_space<vmem>>, vector<1x16xf32>,
        %get3A_459 = vector.shape_cast %get3A_458 : vector<1x16xf32> to vector<16xf32>
        %mul3A_460 = arith.mulf %get3A_455, %get3A_459 : vector<16xf32>
        %swap3A_461 = arith.index_cast %scan3A_355 : i32 to index
        %swap3A_462 = arith.constant 112 : index
        %swap3A_463 = tpu.vector_load %arg11[%swap3A_461, %swap3A_462] {strides = array<i32>} : memref<48x128xf32, #tpu.memory_space<vmem>>, vector<1x16xf32>,
        %swap3A_464 = vector.shape_cast %swap3A_463 : vector<1x16xf32> to vector<16xf32>
        %swap3A_465 = vector.shape_cast %mul3A_460 : vector<16xf32> to vector<1x16xf32>
        tpu.vector_store %arg11[%swap3A_461, %swap3A_462], %swap3A_465 {strides = array<i32>} : memref<48x128xf32, #tpu.memory_space<vmem>>, vector<1x16xf32>,
      }
      %scan3A_347 = arith.constant 48 : i32
      %dma_start3A_348 = arith.constant 1 : i32
      %dma_start3A_349 = arith.constant 0 : i32
      %dma_start3A_350 = tpu.memref_slice %arg9[%dma_start3A_348, %dma_start3A_349] : memref<3x48xi32, #tpu.memory_space<vmem>> -> memref<1x48xi32, #tpu.memory_space<vmem>>
      %dma_start3A_351 = tpu.memref_squeeze %dma_start3A_350 : memref<1x48xi32, #tpu.memory_space<vmem>> -> memref<48xi32, #tpu.memory_space<vmem>>
      %dma_start3A_352 = arith.constant 0 : i32
      %dma_start3A_353 = arith.constant 0 : i32
      %dma_start3A_354 = tpu.memref_slice %arg14[%dma_start3A_352, %dma_start3A_353] : memref<10240x128xf32, #tpu.memory_space<vmem_shared>> -> memref<10240x128xf32, #tpu.memory_space<vmem_shared>>
      tpu.enqueue_indirect_dma source(%arg11 : memref<48x128xf32, #tpu.memory_space<vmem>>) target(%dma_start3A_354 : memref<10240x128xf32, #tpu.memory_space<vmem_shared>>) offsets(%dma_start3A_351 : memref<48xi32, #tpu.memory_space<vmem>>) semaphore(%arg21 : memref<!tpu.dma_semaphore, #tpu.memory_space<semaphore_mem>>) {add = true}
    }
    %scan3A_49 = arith.constant 35 : i32
    %dma_wait3A_50 = arith.constant 1 : i32
    %dma_wait3A_51 = arith.constant 0 : i32
    %dma_wait3A_52 = tpu.memref_slice %arg9[%dma_wait3A_50, %dma_wait3A_51] : memref<3x48xi32, #tpu.memory_space<vmem>> -> memref<1x48xi32, #tpu.memory_space<vmem>>
    %dma_wait3A_53 = tpu.memref_squeeze %dma_wait3A_52 : memref<1x48xi32, #tpu.memory_space<vmem>> -> memref<48xi32, #tpu.memory_space<vmem>>
    %dma_wait3A_54 = arith.constant 0 : i32
    %dma_wait3A_55 = arith.constant 0 : i32
    %dma_wait3A_56 = tpu.memref_slice %arg14[%dma_wait3A_54, %dma_wait3A_55] : memref<10240x128xf32, #tpu.memory_space<vmem_shared>> -> memref<10240x128xf32, #tpu.memory_space<vmem_shared>>
    tpu.wait_indirect_dma semaphore(%arg21 : memref<!tpu.dma_semaphore, #tpu.memory_space<semaphore_mem>>) src(%arg11 : memref<48x128xf32, #tpu.memory_space<vmem>>) dst(%dma_wait3A_56 : memref<10240x128xf32, #tpu.memory_space<vmem_shared>>)
    %barrier3A_57 = arith.constant 0 : index
    tpu.barrier barrier_id(%barrier3A_57)
    "tpu.region"() ({
      %run_scoped3A = tpu.sem_alloc : memref<!tpu.dma_semaphore, #tpu.memory_space<semaphore_mem>>
      %dma_start3A_58 = arith.constant 0 : i32
      %dma_start3A_59 = arith.constant 0 : i32
      %dma_start3A_60 = tpu.memref_slice %arg6[%arg0, %dma_start3A_58, %dma_start3A_59] : memref<2x10240x128xf32, #tpu.memory_space<hbm>> -> memref<1x10240x128xf32, #tpu.memory_space<hbm>>
      %dma_start3A_61 = tpu.memref_squeeze %dma_start3A_60 : memref<1x10240x128xf32, #tpu.memory_space<hbm>> -> memref<10240x128xf32, #tpu.memory_space<hbm>>
      %dma_start3A_62 = arith.constant 0 : i32
      %dma_start3A_63 = tpu.memref_slice %dma_start3A_61[%mul3A_4, %dma_start3A_62] : memref<10240x128xf32, #tpu.memory_space<hbm>> -> memref<640x128xf32, #tpu.memory_space<hbm>>
      %dma_start3A_64 = arith.constant 0 : i32
      %dma_start3A_65 = tpu.memref_slice %arg14[%mul3A_4, %dma_start3A_64] : memref<10240x128xf32, #tpu.memory_space<vmem_shared>> -> memref<640x128xf32, #tpu.memory_space<vmem_shared>>
      tpu.enqueue_dma source(%dma_start3A_65 : memref<640x128xf32, #tpu.memory_space<vmem_shared>>) target(%dma_start3A_63 : memref<640x128xf32, #tpu.memory_space<hbm>>) target_semaphore(%run_scoped3A : memref<!tpu.dma_semaphore, #tpu.memory_space<semaphore_mem>>)
      %dma_wait3A_66 = arith.constant 0 : i32
      %dma_wait3A_67 = arith.constant 0 : i32
      %dma_wait3A_68 = tpu.memref_slice %arg6[%arg0, %dma_wait3A_66, %dma_wait3A_67] : memref<2x10240x128xf32, #tpu.memory_space<hbm>> -> memref<1x10240x128xf32, #tpu.memory_space<hbm>>
      %dma_wait3A_69 = tpu.memref_squeeze %dma_wait3A_68 : memref<1x10240x128xf32, #tpu.memory_space<hbm>> -> memref<10240x128xf32, #tpu.memory_space<hbm>>
      %dma_wait3A_70 = arith.constant 0 : i32
      %dma_wait3A_71 = tpu.memref_slice %dma_wait3A_69[%mul3A_4, %dma_wait3A_70] : memref<10240x128xf32, #tpu.memory_space<hbm>> -> memref<640x128xf32, #tpu.memory_space<hbm>>
      %dma_wait3A_72 = arith.constant 0 : i32
      %dma_wait3A_73 = tpu.memref_slice %arg14[%mul3A_4, %dma_wait3A_72] : memref<10240x128xf32, #tpu.memory_space<vmem_shared>> -> memref<640x128xf32, #tpu.memory_space<vmem_shared>>
      tpu.wait_dma2 semaphore(%run_scoped3A : memref<!tpu.dma_semaphore, #tpu.memory_space<semaphore_mem>>) src(%dma_wait3A_73 : memref<640x128xf32, #tpu.memory_space<vmem_shared>>) dst(%dma_wait3A_71 : memref<640x128xf32, #tpu.memory_space<hbm>>)
      tpu.yield
    }) : () -> ()
    return
  }
}

#map = affine_map<(d0, d1) -> (0)>
#map1 = affine_map<(d0, d1) -> (0, 0)>
#map2 = affine_map<(d0, d1) -> (0, 0, 0)>
module attributes {stable_mosaic.version = 14 : i64} {
  func.func @body(%arg0: i32, %arg1: i32, %arg2: memref<327680xi32, #tpu.memory_space<hbm>>, %arg3: memref<640x128xf32, #tpu.memory_space<hbm>>, %arg4: memref<2x10240x128xf32, #tpu.memory_space<hbm>>, %arg5: memref<256xi32, #tpu.memory_space<vmem>>, %arg6: memref<256x128xf32, #tpu.memory_space<vmem>>, %arg7: memref<10240x128xf32, #tpu.memory_space<vmem_shared>>) attributes {dimension_semantics = [#tpu.dimension_semantics<core_parallel>, #tpu.dimension_semantics<subcore_parallel>], iteration_bounds = array<i64: 2, 16>, scalar_prefetch = 0 : i64, scratch_operands = 3 : i64, tpu.core_type = #tpu.core_type<sc_vector_subcore>, window_params = [{transform_indices = #map}, {transform_indices = #map1}, {transform_indices = #map2}]} {
    %mul3A = arith.constant 16 : i32
    %mul3A_0 = arith.muli %arg0, %mul3A : i32
    %add3A = arith.addi %mul3A_0, %arg1 : i32
    %mul3A_1 = arith.constant 640 : i32
    %mul3A_2 = arith.muli %arg1, %mul3A_1 : i32
    %broadcast_in_dim3A = arith.constant 1.000000e+00 : f32
    %broadcast_in_dim3A_3 = vector.broadcast %broadcast_in_dim3A : f32 to vector<16xf32>
    "tpu.region"() ({
      %run_scoped3A = tpu.sem_alloc : memref<!tpu.dma_semaphore, #tpu.memory_space<semaphore_mem>>
      %dma_start3A = arith.constant 0 : i32
      %dma_start3A_16 = tpu.memref_slice %arg7[%mul3A_2, %dma_start3A] : memref<10240x128xf32, #tpu.memory_space<vmem_shared>> -> memref<640x128xf32, #tpu.memory_space<vmem_shared>>
      tpu.enqueue_dma source(%arg3 : memref<640x128xf32, #tpu.memory_space<hbm>>) target(%dma_start3A_16 : memref<640x128xf32, #tpu.memory_space<vmem_shared>>) target_semaphore(%run_scoped3A : memref<!tpu.dma_semaphore, #tpu.memory_space<semaphore_mem>>)
      %dma_wait3A = arith.constant 0 : i32
      %dma_wait3A_17 = tpu.memref_slice %arg7[%mul3A_2, %dma_wait3A] : memref<10240x128xf32, #tpu.memory_space<vmem_shared>> -> memref<640x128xf32, #tpu.memory_space<vmem_shared>>
      tpu.wait_dma2 semaphore(%run_scoped3A : memref<!tpu.dma_semaphore, #tpu.memory_space<semaphore_mem>>) src(%arg3 : memref<640x128xf32, #tpu.memory_space<hbm>>) dst(%dma_wait3A_17 : memref<640x128xf32, #tpu.memory_space<vmem_shared>>)
      tpu.yield
    }) : () -> ()
    %scan3A = arith.constant 0 : i32
    %scan3A_4 = arith.constant 0 : i32
    %scan3A_5 = arith.constant 256 : i32
    %scan3A_6 = arith.addi %scan3A_4, %scan3A_5 : i32
    %scan3A_7 = arith.constant 1 : i32
    scf.for %scan3A_16 = %scan3A_4 to %scan3A_6 step %scan3A_7  : i32 {
      %swap3A = arith.index_cast %scan3A_16 : i32 to index
      %swap3A_17 = arith.constant 0 : index
      %swap3A_18 = tpu.vector_load %arg6[%swap3A, %swap3A_17] {strides = array<i32>} : memref<256x128xf32, #tpu.memory_space<vmem>>, vector<1x16xf32>,
      %swap3A_19 = vector.shape_cast %swap3A_18 : vector<1x16xf32> to vector<16xf32>
      %swap3A_20 = vector.shape_cast %broadcast_in_dim3A_3 : vector<16xf32> to vector<1x16xf32>
      tpu.vector_store %arg6[%swap3A, %swap3A_17], %swap3A_20 {strides = array<i32>} : memref<256x128xf32, #tpu.memory_space<vmem>>, vector<1x16xf32>,
      %swap3A_21 = arith.index_cast %scan3A_16 : i32 to index
      %swap3A_22 = arith.constant 16 : index
      %swap3A_23 = tpu.vector_load %arg6[%swap3A_21, %swap3A_22] {strides = array<i32>} : memref<256x128xf32, #tpu.memory_space<vmem>>, vector<1x16xf32>,
      %swap3A_24 = vector.shape_cast %swap3A_23 : vector<1x16xf32> to vector<16xf32>
      %swap3A_25 = vector.shape_cast %broadcast_in_dim3A_3 : vector<16xf32> to vector<1x16xf32>
      tpu.vector_store %arg6[%swap3A_21, %swap3A_22], %swap3A_25 {strides = array<i32>} : memref<256x128xf32, #tpu.memory_space<vmem>>, vector<1x16xf32>,
      %swap3A_26 = arith.index_cast %scan3A_16 : i32 to index
      %swap3A_27 = arith.constant 32 : index
      %swap3A_28 = tpu.vector_load %arg6[%swap3A_26, %swap3A_27] {strides = array<i32>} : memref<256x128xf32, #tpu.memory_space<vmem>>, vector<1x16xf32>,
      %swap3A_29 = vector.shape_cast %swap3A_28 : vector<1x16xf32> to vector<16xf32>
      %swap3A_30 = vector.shape_cast %broadcast_in_dim3A_3 : vector<16xf32> to vector<1x16xf32>
      tpu.vector_store %arg6[%swap3A_26, %swap3A_27], %swap3A_30 {strides = array<i32>} : memref<256x128xf32, #tpu.memory_space<vmem>>, vector<1x16xf32>,
      %swap3A_31 = arith.index_cast %scan3A_16 : i32 to index
      %swap3A_32 = arith.constant 48 : index
      %swap3A_33 = tpu.vector_load %arg6[%swap3A_31, %swap3A_32] {strides = array<i32>} : memref<256x128xf32, #tpu.memory_space<vmem>>, vector<1x16xf32>,
      %swap3A_34 = vector.shape_cast %swap3A_33 : vector<1x16xf32> to vector<16xf32>
      %swap3A_35 = vector.shape_cast %broadcast_in_dim3A_3 : vector<16xf32> to vector<1x16xf32>
      tpu.vector_store %arg6[%swap3A_31, %swap3A_32], %swap3A_35 {strides = array<i32>} : memref<256x128xf32, #tpu.memory_space<vmem>>, vector<1x16xf32>,
      %swap3A_36 = arith.index_cast %scan3A_16 : i32 to index
      %swap3A_37 = arith.constant 64 : index
      %swap3A_38 = tpu.vector_load %arg6[%swap3A_36, %swap3A_37] {strides = array<i32>} : memref<256x128xf32, #tpu.memory_space<vmem>>, vector<1x16xf32>,
      %swap3A_39 = vector.shape_cast %swap3A_38 : vector<1x16xf32> to vector<16xf32>
      %swap3A_40 = vector.shape_cast %broadcast_in_dim3A_3 : vector<16xf32> to vector<1x16xf32>
      tpu.vector_store %arg6[%swap3A_36, %swap3A_37], %swap3A_40 {strides = array<i32>} : memref<256x128xf32, #tpu.memory_space<vmem>>, vector<1x16xf32>,
      %swap3A_41 = arith.index_cast %scan3A_16 : i32 to index
      %swap3A_42 = arith.constant 80 : index
      %swap3A_43 = tpu.vector_load %arg6[%swap3A_41, %swap3A_42] {strides = array<i32>} : memref<256x128xf32, #tpu.memory_space<vmem>>, vector<1x16xf32>,
      %swap3A_44 = vector.shape_cast %swap3A_43 : vector<1x16xf32> to vector<16xf32>
      %swap3A_45 = vector.shape_cast %broadcast_in_dim3A_3 : vector<16xf32> to vector<1x16xf32>
      tpu.vector_store %arg6[%swap3A_41, %swap3A_42], %swap3A_45 {strides = array<i32>} : memref<256x128xf32, #tpu.memory_space<vmem>>, vector<1x16xf32>,
      %swap3A_46 = arith.index_cast %scan3A_16 : i32 to index
      %swap3A_47 = arith.constant 96 : index
      %swap3A_48 = tpu.vector_load %arg6[%swap3A_46, %swap3A_47] {strides = array<i32>} : memref<256x128xf32, #tpu.memory_space<vmem>>, vector<1x16xf32>,
      %swap3A_49 = vector.shape_cast %swap3A_48 : vector<1x16xf32> to vector<16xf32>
      %swap3A_50 = vector.shape_cast %broadcast_in_dim3A_3 : vector<16xf32> to vector<1x16xf32>
      tpu.vector_store %arg6[%swap3A_46, %swap3A_47], %swap3A_50 {strides = array<i32>} : memref<256x128xf32, #tpu.memory_space<vmem>>, vector<1x16xf32>,
      %swap3A_51 = arith.index_cast %scan3A_16 : i32 to index
      %swap3A_52 = arith.constant 112 : index
      %swap3A_53 = tpu.vector_load %arg6[%swap3A_51, %swap3A_52] {strides = array<i32>} : memref<256x128xf32, #tpu.memory_space<vmem>>, vector<1x16xf32>,
      %swap3A_54 = vector.shape_cast %swap3A_53 : vector<1x16xf32> to vector<16xf32>
      %swap3A_55 = vector.shape_cast %broadcast_in_dim3A_3 : vector<16xf32> to vector<1x16xf32>
      tpu.vector_store %arg6[%swap3A_51, %swap3A_52], %swap3A_55 {strides = array<i32>} : memref<256x128xf32, #tpu.memory_space<vmem>>, vector<1x16xf32>,
    }
    %scan3A_8 = arith.constant 256 : i32
    %barrier3A = arith.constant 0 : index
    tpu.barrier barrier_id(%barrier3A)
    %scan3A_9 = arith.constant 0 : i32
    %scan3A_10 = arith.constant 0 : i32
    %scan3A_11 = arith.constant 40 : i32
    %scan3A_12 = arith.addi %scan3A_10, %scan3A_11 : i32
    %scan3A_13 = arith.constant 1 : i32
    scf.for %scan3A_16 = %scan3A_10 to %scan3A_12 step %scan3A_13  : i32 {
      %mul3A_17 = arith.constant 40 : i32
      %mul3A_18 = arith.muli %add3A, %mul3A_17 : i32
      %add3A_19 = arith.addi %mul3A_18, %scan3A_16 : i32
      %mul3A_20 = arith.constant 256 : i32
      %mul3A_21 = arith.muli %add3A_19, %mul3A_20 : i32
      "tpu.region"() ({
        %run_scoped3A = tpu.sem_alloc : memref<!tpu.dma_semaphore, #tpu.memory_space<semaphore_mem>>
        %dma_start3A = tpu.memref_slice %arg2[%mul3A_21] : memref<327680xi32, #tpu.memory_space<hbm>> -> memref<256xi32, #tpu.memory_space<hbm>>
        %dma_start3A_22 = tpu.memref_slice %arg2[%mul3A_21] : memref<327680xi32, #tpu.memory_space<hbm>> -> memref<256xi32, #tpu.memory_space<hbm>>
        tpu.enqueue_dma source(%dma_start3A_22 : memref<256xi32, #tpu.memory_space<hbm>>) target(%arg5 : memref<256xi32, #tpu.memory_space<vmem>>) target_semaphore(%run_scoped3A : memref<!tpu.dma_semaphore, #tpu.memory_space<semaphore_mem>>)
        %dma_wait3A = tpu.memref_slice %arg2[%mul3A_21] : memref<327680xi32, #tpu.memory_space<hbm>> -> memref<256xi32, #tpu.memory_space<hbm>>
        %dma_wait3A_23 = tpu.memref_slice %arg2[%mul3A_21] : memref<327680xi32, #tpu.memory_space<hbm>> -> memref<256xi32, #tpu.memory_space<hbm>>
        tpu.wait_dma2 semaphore(%run_scoped3A : memref<!tpu.dma_semaphore, #tpu.memory_space<semaphore_mem>>) src(%dma_wait3A_23 : memref<256xi32, #tpu.memory_space<hbm>>) dst(%arg5 : memref<256xi32, #tpu.memory_space<vmem>>)
        tpu.yield
      }) : () -> ()
      "tpu.region"() ({
        %run_scoped3A = tpu.sem_alloc : memref<!tpu.dma_semaphore, #tpu.memory_space<semaphore_mem>>
        %dma_start3A = arith.constant 0 : i32
        %dma_start3A_22 = arith.constant 0 : i32
        %dma_start3A_23 = tpu.memref_slice %arg7[%dma_start3A, %dma_start3A_22] : memref<10240x128xf32, #tpu.memory_space<vmem_shared>> -> memref<10240x128xf32, #tpu.memory_space<vmem_shared>>
        tpu.enqueue_indirect_dma source(%arg6 : memref<256x128xf32, #tpu.memory_space<vmem>>) target(%dma_start3A_23 : memref<10240x128xf32, #tpu.memory_space<vmem_shared>>) offsets(%arg5 : memref<256xi32, #tpu.memory_space<vmem>>) semaphore(%run_scoped3A : memref<!tpu.dma_semaphore, #tpu.memory_space<semaphore_mem>>) {add = true}
        %dma_wait3A = arith.constant 0 : i32
        %dma_wait3A_24 = arith.constant 0 : i32
        %dma_wait3A_25 = tpu.memref_slice %arg7[%dma_wait3A, %dma_wait3A_24] : memref<10240x128xf32, #tpu.memory_space<vmem_shared>> -> memref<10240x128xf32, #tpu.memory_space<vmem_shared>>
        tpu.wait_indirect_dma semaphore(%run_scoped3A : memref<!tpu.dma_semaphore, #tpu.memory_space<semaphore_mem>>) src(%arg6 : memref<256x128xf32, #tpu.memory_space<vmem>>) dst(%dma_wait3A_25 : memref<10240x128xf32, #tpu.memory_space<vmem_shared>>)
        tpu.yield
      }) : () -> ()
    }
    %scan3A_14 = arith.constant 40 : i32
    %barrier3A_15 = arith.constant 0 : index
    tpu.barrier barrier_id(%barrier3A_15)
    "tpu.region"() ({
      %run_scoped3A = tpu.sem_alloc : memref<!tpu.dma_semaphore, #tpu.memory_space<semaphore_mem>>
      %dma_start3A = arith.constant 0 : i32
      %dma_start3A_16 = arith.constant 0 : i32
      %dma_start3A_17 = tpu.memref_slice %arg4[%arg0, %dma_start3A, %dma_start3A_16] : memref<2x10240x128xf32, #tpu.memory_space<hbm>> -> memref<1x10240x128xf32, #tpu.memory_space<hbm>>
      %dma_start3A_18 = tpu.memref_squeeze %dma_start3A_17 : memref<1x10240x128xf32, #tpu.memory_space<hbm>> -> memref<10240x128xf32, #tpu.memory_space<hbm>>
      %dma_start3A_19 = arith.constant 0 : i32
      %dma_start3A_20 = tpu.memref_slice %dma_start3A_18[%mul3A_2, %dma_start3A_19] : memref<10240x128xf32, #tpu.memory_space<hbm>> -> memref<640x128xf32, #tpu.memory_space<hbm>>
      %dma_start3A_21 = arith.constant 0 : i32
      %dma_start3A_22 = tpu.memref_slice %arg7[%mul3A_2, %dma_start3A_21] : memref<10240x128xf32, #tpu.memory_space<vmem_shared>> -> memref<640x128xf32, #tpu.memory_space<vmem_shared>>
      tpu.enqueue_dma source(%dma_start3A_22 : memref<640x128xf32, #tpu.memory_space<vmem_shared>>) target(%dma_start3A_20 : memref<640x128xf32, #tpu.memory_space<hbm>>) target_semaphore(%run_scoped3A : memref<!tpu.dma_semaphore, #tpu.memory_space<semaphore_mem>>)
      %dma_wait3A = arith.constant 0 : i32
      %dma_wait3A_23 = arith.constant 0 : i32
      %dma_wait3A_24 = tpu.memref_slice %arg4[%arg0, %dma_wait3A, %dma_wait3A_23] : memref<2x10240x128xf32, #tpu.memory_space<hbm>> -> memref<1x10240x128xf32, #tpu.memory_space<hbm>>
      %dma_wait3A_25 = tpu.memref_squeeze %dma_wait3A_24 : memref<1x10240x128xf32, #tpu.memory_space<hbm>> -> memref<10240x128xf32, #tpu.memory_space<hbm>>
      %dma_wait3A_26 = arith.constant 0 : i32
      %dma_wait3A_27 = tpu.memref_slice %dma_wait3A_25[%mul3A_2, %dma_wait3A_26] : memref<10240x128xf32, #tpu.memory_space<hbm>> -> memref<640x128xf32, #tpu.memory_space<hbm>>
      %dma_wait3A_28 = arith.constant 0 : i32
      %dma_wait3A_29 = tpu.memref_slice %arg7[%mul3A_2, %dma_wait3A_28] : memref<10240x128xf32, #tpu.memory_space<vmem_shared>> -> memref<640x128xf32, #tpu.memory_space<vmem_shared>>
      tpu.wait_dma2 semaphore(%run_scoped3A : memref<!tpu.dma_semaphore, #tpu.memory_space<semaphore_mem>>) src(%dma_wait3A_29 : memref<640x128xf32, #tpu.memory_space<vmem_shared>>) dst(%dma_wait3A_27 : memref<640x128xf32, #tpu.memory_space<hbm>>)
      tpu.yield
    }) : () -> ()
    return
  }
}

#map = affine_map<(d0, d1) -> (0, 0, 0)>
#map1 = affine_map<(d0, d1) -> (0, 0)>
module attributes {stable_mosaic.version = 14 : i64} {
  func.func @body(%arg0: i32, %arg1: i32, %arg2: memref<6720x3x48xi32, #tpu.memory_space<hbm>>, %arg3: memref<10000x128xf32, #tpu.memory_space<hbm>>, %arg4: memref<200x128xf32, #tpu.memory_space<hbm>>, %arg5: memref<640x128xf32, #tpu.memory_space<hbm>>, %arg6: memref<2x10240x128xf32, #tpu.memory_space<hbm>>, %arg7: memref<3x48xi32, #tpu.memory_space<vmem>>, %arg8: memref<3x48xi32, #tpu.memory_space<vmem>>, %arg9: memref<3x48xi32, #tpu.memory_space<vmem>>, %arg10: memref<48x128xf32, #tpu.memory_space<vmem>>, %arg11: memref<48x128xf32, #tpu.memory_space<vmem>>, %arg12: memref<48x128xf32, #tpu.memory_space<vmem>>, %arg13: memref<48x128xf32, #tpu.memory_space<vmem>>, %arg14: memref<10240x128xf32, #tpu.memory_space<vmem_shared>>, %arg15: memref<!tpu.dma_semaphore, #tpu.memory_space<semaphore_mem>>, %arg16: memref<!tpu.dma_semaphore, #tpu.memory_space<semaphore_mem>>, %arg17: memref<!tpu.dma_semaphore, #tpu.memory_space<semaphore_mem>>, %arg18: memref<!tpu.dma_semaphore, #tpu.memory_space<semaphore_mem>>, %arg19: memref<!tpu.dma_semaphore, #tpu.memory_space<semaphore_mem>>, %arg20: memref<!tpu.dma_semaphore, #tpu.memory_space<semaphore_mem>>, %arg21: memref<!tpu.dma_semaphore, #tpu.memory_space<semaphore_mem>>) attributes {dimension_semantics = [#tpu.dimension_semantics<core_parallel>, #tpu.dimension_semantics<subcore_parallel>], iteration_bounds = array<i64: 2, 16>, scalar_prefetch = 0 : i64, scratch_operands = 15 : i64, tpu.core_type = #tpu.core_type<sc_vector_subcore>, window_params = [{transform_indices = #map}, {transform_indices = #map1}, {transform_indices = #map1}, {transform_indices = #map1}, {transform_indices = #map}]} {
    %mul3A = arith.constant 16 : i32
    %mul3A_0 = arith.muli %arg0, %mul3A : i32
    %add3A = arith.addi %mul3A_0, %arg1 : i32
    %mul3A_1 = arith.constant 210 : i32
    %mul3A_2 = arith.muli %add3A, %mul3A_1 : i32
    %mul3A_3 = arith.constant 640 : i32
    %mul3A_4 = arith.muli %arg1, %mul3A_3 : i32
    "tpu.region"() ({
      %run_scoped3A = tpu.sem_alloc : memref<!tpu.dma_semaphore, #tpu.memory_space<semaphore_mem>>
      %dma_start3A_58 = arith.constant 0 : i32
      %dma_start3A_59 = tpu.memref_slice %arg14[%mul3A_4, %dma_start3A_58] : memref<10240x128xf32, #tpu.memory_space<vmem_shared>> -> memref<640x128xf32, #tpu.memory_space<vmem_shared>>
      tpu.enqueue_dma source(%arg5 : memref<640x128xf32, #tpu.memory_space<hbm>>) target(%dma_start3A_59 : memref<640x128xf32, #tpu.memory_space<vmem_shared>>) target_semaphore(%run_scoped3A : memref<!tpu.dma_semaphore, #tpu.memory_space<semaphore_mem>>)
      %dma_wait3A_60 = arith.constant 0 : i32
      %dma_wait3A_61 = tpu.memref_slice %arg14[%mul3A_4, %dma_wait3A_60] : memref<10240x128xf32, #tpu.memory_space<vmem_shared>> -> memref<640x128xf32, #tpu.memory_space<vmem_shared>>
      tpu.wait_dma2 semaphore(%run_scoped3A : memref<!tpu.dma_semaphore, #tpu.memory_space<semaphore_mem>>) src(%arg5 : memref<640x128xf32, #tpu.memory_space<hbm>>) dst(%dma_wait3A_61 : memref<640x128xf32, #tpu.memory_space<vmem_shared>>)
      tpu.yield
    }) : () -> ()
    %add3A_5 = arith.constant 0 : i32
    %add3A_6 = arith.addi %mul3A_2, %add3A_5 : i32
    %dma_start3A = arith.constant 0 : i32
    %dma_start3A_7 = arith.constant 0 : i32
    %dma_start3A_8 = tpu.memref_slice %arg2[%add3A_6, %dma_start3A, %dma_start3A_7] : memref<6720x3x48xi32, #tpu.memory_space<hbm>> -> memref<1x3x48xi32, #tpu.memory_space<hbm>>
    %dma_start3A_9 = tpu.memref_squeeze %dma_start3A_8 : memref<1x3x48xi32, #tpu.memory_space<hbm>> -> memref<3x48xi32, #tpu.memory_space<hbm>>
    %dma_start3A_10 = arith.constant 0 : i32
    %dma_start3A_11 = arith.constant 0 : i32
    %dma_start3A_12 = tpu.memref_slice %arg2[%add3A_6, %dma_start3A_10, %dma_start3A_11] : memref<6720x3x48xi32, #tpu.memory_space<hbm>> -> memref<1x3x48xi32, #tpu.memory_space<hbm>>
    %dma_start3A_13 = tpu.memref_squeeze %dma_start3A_12 : memref<1x3x48xi32, #tpu.memory_space<hbm>> -> memref<3x48xi32, #tpu.memory_space<hbm>>
    tpu.enqueue_dma source(%dma_start3A_13 : memref<3x48xi32, #tpu.memory_space<hbm>>) target(%arg7 : memref<3x48xi32, #tpu.memory_space<vmem>>) target_semaphore(%arg15 : memref<!tpu.dma_semaphore, #tpu.memory_space<semaphore_mem>>)
    %add3A_14 = arith.constant 1 : i32
    %add3A_15 = arith.addi %mul3A_2, %add3A_14 : i32
    %dma_start3A_16 = arith.constant 0 : i32
    %dma_start3A_17 = arith.constant 0 : i32
    %dma_start3A_18 = tpu.memref_slice %arg2[%add3A_15, %dma_start3A_16, %dma_start3A_17] : memref<6720x3x48xi32, #tpu.memory_space<hbm>> -> memref<1x3x48xi32, #tpu.memory_space<hbm>>
    %dma_start3A_19 = tpu.memref_squeeze %dma_start3A_18 : memref<1x3x48xi32, #tpu.memory_space<hbm>> -> memref<3x48xi32, #tpu.memory_space<hbm>>
    %dma_start3A_20 = arith.constant 0 : i32
    %dma_start3A_21 = arith.constant 0 : i32
    %dma_start3A_22 = tpu.memref_slice %arg2[%add3A_15, %dma_start3A_20, %dma_start3A_21] : memref<6720x3x48xi32, #tpu.memory_space<hbm>> -> memref<1x3x48xi32, #tpu.memory_space<hbm>>
    %dma_start3A_23 = tpu.memref_squeeze %dma_start3A_22 : memref<1x3x48xi32, #tpu.memory_space<hbm>> -> memref<3x48xi32, #tpu.memory_space<hbm>>
    tpu.enqueue_dma source(%dma_start3A_23 : memref<3x48xi32, #tpu.memory_space<hbm>>) target(%arg8 : memref<3x48xi32, #tpu.memory_space<vmem>>) target_semaphore(%arg16 : memref<!tpu.dma_semaphore, #tpu.memory_space<semaphore_mem>>)
    %dma_wait3A = arith.constant 0 : i32
    %dma_wait3A_24 = arith.constant 0 : i32
    %dma_wait3A_25 = tpu.memref_slice %arg2[%mul3A_2, %dma_wait3A, %dma_wait3A_24] : memref<6720x3x48xi32, #tpu.memory_space<hbm>> -> memref<1x3x48xi32, #tpu.memory_space<hbm>>
    %dma_wait3A_26 = tpu.memref_squeeze %dma_wait3A_25 : memref<1x3x48xi32, #tpu.memory_space<hbm>> -> memref<3x48xi32, #tpu.memory_space<hbm>>
    %dma_wait3A_27 = arith.constant 0 : i32
    %dma_wait3A_28 = arith.constant 0 : i32
    %dma_wait3A_29 = tpu.memref_slice %arg2[%mul3A_2, %dma_wait3A_27, %dma_wait3A_28] : memref<6720x3x48xi32, #tpu.memory_space<hbm>> -> memref<1x3x48xi32, #tpu.memory_space<hbm>>
    %dma_wait3A_30 = tpu.memref_squeeze %dma_wait3A_29 : memref<1x3x48xi32, #tpu.memory_space<hbm>> -> memref<3x48xi32, #tpu.memory_space<hbm>>
    tpu.wait_dma2 semaphore(%arg15 : memref<!tpu.dma_semaphore, #tpu.memory_space<semaphore_mem>>) src(%dma_wait3A_30 : memref<3x48xi32, #tpu.memory_space<hbm>>) dst(%arg7 : memref<3x48xi32, #tpu.memory_space<vmem>>)
    %dma_start3A_31 = arith.constant 0 : i32
    %dma_start3A_32 = arith.constant 0 : i32
    %dma_start3A_33 = tpu.memref_slice %arg7[%dma_start3A_31, %dma_start3A_32] : memref<3x48xi32, #tpu.memory_space<vmem>> -> memref<1x48xi32, #tpu.memory_space<vmem>>
    %dma_start3A_34 = tpu.memref_squeeze %dma_start3A_33 : memref<1x48xi32, #tpu.memory_space<vmem>> -> memref<48xi32, #tpu.memory_space<vmem>>
    %dma_start3A_35 = arith.constant 0 : i32
    %dma_start3A_36 = arith.constant 0 : i32
    %dma_start3A_37 = tpu.memref_slice %arg3[%dma_start3A_35, %dma_start3A_36] : memref<10000x128xf32, #tpu.memory_space<hbm>> -> memref<10000x128xf32, #tpu.memory_space<hbm>>
    tpu.enqueue_indirect_dma source(%dma_start3A_37 : memref<10000x128xf32, #tpu.memory_space<hbm>>) target(%arg10 : memref<48x128xf32, #tpu.memory_space<vmem>>) offsets(%dma_start3A_34 : memref<48xi32, #tpu.memory_space<vmem>>) semaphore(%arg18 : memref<!tpu.dma_semaphore, #tpu.memory_space<semaphore_mem>>)
    %dma_start3A_38 = arith.constant 2 : i32
    %dma_start3A_39 = arith.constant 0 : i32
    %dma_start3A_40 = tpu.memref_slice %arg7[%dma_start3A_38, %dma_start3A_39] : memref<3x48xi32, #tpu.memory_space<vmem>> -> memref<1x48xi32, #tpu.memory_space<vmem>>
    %dma_start3A_41 = tpu.memref_squeeze %dma_start3A_40 : memref<1x48xi32, #tpu.memory_space<vmem>> -> memref<48xi32, #tpu.memory_space<vmem>>
    %dma_start3A_42 = arith.constant 0 : i32
    %dma_start3A_43 = arith.constant 0 : i32
    %dma_start3A_44 = tpu.memref_slice %arg4[%dma_start3A_42, %dma_start3A_43] : memref<200x128xf32, #tpu.memory_space<hbm>> -> memref<200x128xf32, #tpu.memory_space<hbm>>
    tpu.enqueue_indirect_dma source(%dma_start3A_44 : memref<200x128xf32, #tpu.memory_space<hbm>>) target(%arg12 : memref<48x128xf32, #tpu.memory_space<vmem>>) offsets(%dma_start3A_41 : memref<48xi32, #tpu.memory_space<vmem>>) semaphore(%arg18 : memref<!tpu.dma_semaphore, #tpu.memory_space<semaphore_mem>>)
    %barrier3A = arith.constant 0 : index
    tpu.barrier barrier_id(%barrier3A)
    %scan3A = arith.constant 0 : i32
    %scan3A_45 = arith.constant 0 : i32
    %scan3A_46 = arith.constant 35 : i32
    %scan3A_47 = arith.addi %scan3A_45, %scan3A_46 : i32
    %scan3A_48 = arith.constant 1 : i32
    scf.for %scan3A_58 = %scan3A_45 to %scan3A_47 step %scan3A_48  : i32 {
      %mul3A_59 = arith.constant 6 : i32
      %mul3A_60 = arith.muli %scan3A_58, %mul3A_59 : i32
      %add3A_61 = arith.constant 0 : i32
      %add3A_62 = arith.addi %mul3A_60, %add3A_61 : i32
      %ge3A = arith.constant 1 : i32
      %ge3A_63 = arith.cmpi sge, %add3A_62, %ge3A : i32
      %convert_element_type3A = arith.extui %ge3A_63 : i1 to i32
      %cond3A = arith.constant 0 : i32
      %cond3A_64 = arith.cmpi ne, %convert_element_type3A, %cond3A : i32
      scf.if %cond3A_64 {
        %dma_wait3A_355 = arith.constant 1 : i32
        %dma_wait3A_356 = arith.constant 0 : i32
        %dma_wait3A_357 = tpu.memref_slice %arg9[%dma_wait3A_355, %dma_wait3A_356] : memref<3x48xi32, #tpu.memory_space<vmem>> -> memref<1x48xi32, #tpu.memory_space<vmem>>
        %dma_wait3A_358 = tpu.memref_squeeze %dma_wait3A_357 : memref<1x48xi32, #tpu.memory_space<vmem>> -> memref<48xi32, #tpu.memory_space<vmem>>
        %dma_wait3A_359 = arith.constant 0 : i32
        %dma_wait3A_360 = arith.constant 0 : i32
        %dma_wait3A_361 = tpu.memref_slice %arg14[%dma_wait3A_359, %dma_wait3A_360] : memref<10240x128xf32, #tpu.memory_space<vmem_shared>> -> memref<10240x128xf32, #tpu.memory_space<vmem_shared>>
        tpu.wait_indirect_dma semaphore(%arg21 : memref<!tpu.dma_semaphore, #tpu.memory_space<semaphore_mem>>) src(%arg11 : memref<48x128xf32, #tpu.memory_space<vmem>>) dst(%dma_wait3A_361 : memref<10240x128xf32, #tpu.memory_space<vmem_shared>>)
      } else {
      }
      %add3A_65 = arith.constant 1 : i32
      %add3A_66 = arith.addi %add3A_62, %add3A_65 : i32
      %lt3A = arith.constant 210 : i32
      %lt3A_67 = arith.cmpi slt, %add3A_66, %lt3A : i32
      %convert_element_type3A_68 = arith.extui %lt3A_67 : i1 to i32
      %cond3A_69 = arith.constant 0 : i32
      %cond3A_70 = arith.cmpi ne, %convert_element_type3A_68, %cond3A_69 : i32
      scf.if %cond3A_70 {
        %dma_wait3A_355 = arith.constant 0 : i32
        %dma_wait3A_356 = arith.constant 0 : i32
        %dma_wait3A_357 = tpu.memref_slice %arg2[%mul3A_2, %dma_wait3A_355, %dma_wait3A_356] : memref<6720x3x48xi32, #tpu.memory_space<hbm>> -> memref<1x3x48xi32, #tpu.memory_space<hbm>>
        %dma_wait3A_358 = tpu.memref_squeeze %dma_wait3A_357 : memref<1x3x48xi32, #tpu.memory_space<hbm>> -> memref<3x48xi32, #tpu.memory_space<hbm>>
        %dma_wait3A_359 = arith.constant 0 : i32
        %dma_wait3A_360 = arith.constant 0 : i32
        %dma_wait3A_361 = tpu.memref_slice %arg2[%mul3A_2, %dma_wait3A_359, %dma_wait3A_360] : memref<6720x3x48xi32, #tpu.memory_space<hbm>> -> memref<1x3x48xi32, #tpu.memory_space<hbm>>
        %dma_wait3A_362 = tpu.memref_squeeze %dma_wait3A_361 : memref<1x3x48xi32, #tpu.memory_space<hbm>> -> memref<3x48xi32, #tpu.memory_space<hbm>>
        tpu.wait_dma2 semaphore(%arg16 : memref<!tpu.dma_semaphore, #tpu.memory_space<semaphore_mem>>) src(%dma_wait3A_362 : memref<3x48xi32, #tpu.memory_space<hbm>>) dst(%arg8 : memref<3x48xi32, #tpu.memory_space<vmem>>)
        %dma_start3A_363 = arith.constant 0 : i32
        %dma_start3A_364 = arith.constant 0 : i32
        %dma_start3A_365 = tpu.memref_slice %arg8[%dma_start3A_363, %dma_start3A_364] : memref<3x48xi32, #tpu.memory_space<vmem>> -> memref<1x48xi32, #tpu.memory_space<vmem>>
        %dma_start3A_366 = tpu.memref_squeeze %dma_start3A_365 : memref<1x48xi32, #tpu.memory_space<vmem>> -> memref<48xi32, #tpu.memory_space<vmem>>
        %dma_start3A_367 = arith.constant 0 : i32
        %dma_start3A_368 = arith.constant 0 : i32
        %dma_start3A_369 = tpu.memref_slice %arg3[%dma_start3A_367, %dma_start3A_368] : memref<10000x128xf32, #tpu.memory_space<hbm>> -> memref<10000x128xf32, #tpu.memory_space<hbm>>
        tpu.enqueue_indirect_dma source(%dma_start3A_369 : memref<10000x128xf32, #tpu.memory_space<hbm>>) target(%arg11 : memref<48x128xf32, #tpu.memory_space<vmem>>) offsets(%dma_start3A_366 : memref<48xi32, #tpu.memory_space<vmem>>) semaphore(%arg19 : memref<!tpu.dma_semaphore, #tpu.memory_space<semaphore_mem>>)
        %dma_start3A_370 = arith.constant 2 : i32
        %dma_start3A_371 = arith.constant 0 : i32
        %dma_start3A_372 = tpu.memref_slice %arg8[%dma_start3A_370, %dma_start3A_371] : memref<3x48xi32, #tpu.memory_space<vmem>> -> memref<1x48xi32, #tpu.memory_space<vmem>>
        %dma_start3A_373 = tpu.memref_squeeze %dma_start3A_372 : memref<1x48xi32, #tpu.memory_space<vmem>> -> memref<48xi32, #tpu.memory_space<vmem>>
        %dma_start3A_374 = arith.constant 0 : i32
        %dma_start3A_375 = arith.constant 0 : i32
        %dma_start3A_376 = tpu.memref_slice %arg4[%dma_start3A_374, %dma_start3A_375] : memref<200x128xf32, #tpu.memory_space<hbm>> -> memref<200x128xf32, #tpu.memory_space<hbm>>
        tpu.enqueue_indirect_dma source(%dma_start3A_376 : memref<200x128xf32, #tpu.memory_space<hbm>>) target(%arg13 : memref<48x128xf32, #tpu.memory_space<vmem>>) offsets(%dma_start3A_373 : memref<48xi32, #tpu.memory_space<vmem>>) semaphore(%arg19 : memref<!tpu.dma_semaphore, #tpu.memory_space<semaphore_mem>>)
      } else {
      }
      %dma_wait3A_71 = arith.constant 0 : i32
      %dma_wait3A_72 = arith.constant 0 : i32
      %dma_wait3A_73 = tpu.memref_slice %arg7[%dma_wait3A_71, %dma_wait3A_72] : memref<3x48xi32, #tpu.memory_space<vmem>> -> memref<1x48xi32, #tpu.memory_space<vmem>>
      %dma_wait3A_74 = tpu.memref_squeeze %dma_wait3A_73 : memref<1x48xi32, #tpu.memory_space<vmem>> -> memref<48xi32, #tpu.memory_space<vmem>>
      %dma_wait3A_75 = arith.constant 0 : i32
      %dma_wait3A_76 = arith.constant 0 : i32
      %dma_wait3A_77 = tpu.memref_slice %arg3[%dma_wait3A_75, %dma_wait3A_76] : memref<10000x128xf32, #tpu.memory_space<hbm>> -> memref<10000x128xf32, #tpu.memory_space<hbm>>
      tpu.wait_indirect_dma semaphore(%arg18 : memref<!tpu.dma_semaphore, #tpu.memory_space<semaphore_mem>>) src(%dma_wait3A_77 : memref<10000x128xf32, #tpu.memory_space<hbm>>) dst(%arg10 : memref<48x128xf32, #tpu.memory_space<vmem>>)
      %dma_wait3A_78 = arith.constant 2 : i32
      %dma_wait3A_79 = arith.constant 0 : i32
      %dma_wait3A_80 = tpu.memref_slice %arg7[%dma_wait3A_78, %dma_wait3A_79] : memref<3x48xi32, #tpu.memory_space<vmem>> -> memref<1x48xi32, #tpu.memory_space<vmem>>
      %dma_wait3A_81 = tpu.memref_squeeze %dma_wait3A_80 : memref<1x48xi32, #tpu.memory_space<vmem>> -> memref<48xi32, #tpu.memory_space<vmem>>
      %dma_wait3A_82 = arith.constant 0 : i32
      %dma_wait3A_83 = arith.constant 0 : i32
      %dma_wait3A_84 = tpu.memref_slice %arg4[%dma_wait3A_82, %dma_wait3A_83] : memref<200x128xf32, #tpu.memory_space<hbm>> -> memref<200x128xf32, #tpu.memory_space<hbm>>
      tpu.wait_indirect_dma semaphore(%arg18 : memref<!tpu.dma_semaphore, #tpu.memory_space<semaphore_mem>>) src(%dma_wait3A_84 : memref<200x128xf32, #tpu.memory_space<hbm>>) dst(%arg12 : memref<48x128xf32, #tpu.memory_space<vmem>>)
      %add3A_85 = arith.constant 2 : i32
      %add3A_86 = arith.addi %add3A_62, %add3A_85 : i32
      %lt3A_87 = arith.constant 210 : i32
      %lt3A_88 = arith.cmpi slt, %add3A_86, %lt3A_87 : i32
      %convert_element_type3A_89 = arith.extui %lt3A_88 : i1 to i32
      %cond3A_90 = arith.constant 0 : i32
      %cond3A_91 = arith.cmpi ne, %convert_element_type3A_89, %cond3A_90 : i32
      scf.if %cond3A_91 {
        %add3A_355 = arith.constant 2 : i32
        %add3A_356 = arith.addi %add3A_62, %add3A_355 : i32
        %add3A_357 = arith.addi %mul3A_2, %add3A_356 : i32
        %dma_start3A_358 = arith.constant 0 : i32
        %dma_start3A_359 = arith.constant 0 : i32
        %dma_start3A_360 = tpu.memref_slice %arg2[%add3A_357, %dma_start3A_358, %dma_start3A_359] : memref<6720x3x48xi32, #tpu.memory_space<hbm>> -> memref<1x3x48xi32, #tpu.memory_space<hbm>>
        %dma_start3A_361 = tpu.memref_squeeze %dma_start3A_360 : memref<1x3x48xi32, #tpu.memory_space<hbm>> -> memref<3x48xi32, #tpu.memory_space<hbm>>
        %dma_start3A_362 = arith.constant 0 : i32
        %dma_start3A_363 = arith.constant 0 : i32
        %dma_start3A_364 = tpu.memref_slice %arg2[%add3A_357, %dma_start3A_362, %dma_start3A_363] : memref<6720x3x48xi32, #tpu.memory_space<hbm>> -> memref<1x3x48xi32, #tpu.memory_space<hbm>>
        %dma_start3A_365 = tpu.memref_squeeze %dma_start3A_364 : memref<1x3x48xi32, #tpu.memory_space<hbm>> -> memref<3x48xi32, #tpu.memory_space<hbm>>
        tpu.enqueue_dma source(%dma_start3A_365 : memref<3x48xi32, #tpu.memory_space<hbm>>) target(%arg9 : memref<3x48xi32, #tpu.memory_space<vmem>>) target_semaphore(%arg17 : memref<!tpu.dma_semaphore, #tpu.memory_space<semaphore_mem>>)
      } else {
      }
      %scan3A_92 = arith.constant 0 : i32
      %scan3A_93 = arith.constant 0 : i32
      %scan3A_94 = arith.constant 48 : i32
      %scan3A_95 = arith.addi %scan3A_93, %scan3A_94 : i32
      %scan3A_96 = arith.constant 1 : i32
      scf.for %scan3A_355 = %scan3A_93 to %scan3A_95 step %scan3A_96  : i32 {
        %get3A = arith.index_cast %scan3A_355 : i32 to index
        %get3A_356 = arith.constant 0 : index
        %get3A_357 = tpu.vector_load %arg10[%get3A, %get3A_356] {strides = array<i32>} : memref<48x128xf32, #tpu.memory_space<vmem>>, vector<1x16xf32>,
        %get3A_358 = vector.shape_cast %get3A_357 : vector<1x16xf32> to vector<16xf32>
        %get3A_359 = arith.index_cast %scan3A_355 : i32 to index
        %get3A_360 = arith.constant 0 : index
        %get3A_361 = tpu.vector_load %arg12[%get3A_359, %get3A_360] {strides = array<i32>} : memref<48x128xf32, #tpu.memory_space<vmem>>, vector<1x16xf32>,
        %get3A_362 = vector.shape_cast %get3A_361 : vector<1x16xf32> to vector<16xf32>
        %mul3A_363 = arith.mulf %get3A_358, %get3A_362 : vector<16xf32>
        %swap3A = arith.index_cast %scan3A_355 : i32 to index
        %swap3A_364 = arith.constant 0 : index
        %swap3A_365 = tpu.vector_load %arg10[%swap3A, %swap3A_364] {strides = array<i32>} : memref<48x128xf32, #tpu.memory_space<vmem>>, vector<1x16xf32>,
        %swap3A_366 = vector.shape_cast %swap3A_365 : vector<1x16xf32> to vector<16xf32>
        %swap3A_367 = vector.shape_cast %mul3A_363 : vector<16xf32> to vector<1x16xf32>
        tpu.vector_store %arg10[%swap3A, %swap3A_364], %swap3A_367 {strides = array<i32>} : memref<48x128xf32, #tpu.memory_space<vmem>>, vector<1x16xf32>,
        %get3A_368 = arith.index_cast %scan3A_355 : i32 to index
        %get3A_369 = arith.constant 16 : index
        %get3A_370 = tpu.vector_load %arg10[%get3A_368, %get3A_369] {strides = array<i32>} : memref<48x128xf32, #tpu.memory_space<vmem>>, vector<1x16xf32>,
        %get3A_371 = vector.shape_cast %get3A_370 : vector<1x16xf32> to vector<16xf32>
        %get3A_372 = arith.index_cast %scan3A_355 : i32 to index
        %get3A_373 = arith.constant 16 : index
        %get3A_374 = tpu.vector_load %arg12[%get3A_372, %get3A_373] {strides = array<i32>} : memref<48x128xf32, #tpu.memory_space<vmem>>, vector<1x16xf32>,
        %get3A_375 = vector.shape_cast %get3A_374 : vector<1x16xf32> to vector<16xf32>
        %mul3A_376 = arith.mulf %get3A_371, %get3A_375 : vector<16xf32>
        %swap3A_377 = arith.index_cast %scan3A_355 : i32 to index
        %swap3A_378 = arith.constant 16 : index
        %swap3A_379 = tpu.vector_load %arg10[%swap3A_377, %swap3A_378] {strides = array<i32>} : memref<48x128xf32, #tpu.memory_space<vmem>>, vector<1x16xf32>,
        %swap3A_380 = vector.shape_cast %swap3A_379 : vector<1x16xf32> to vector<16xf32>
        %swap3A_381 = vector.shape_cast %mul3A_376 : vector<16xf32> to vector<1x16xf32>
        tpu.vector_store %arg10[%swap3A_377, %swap3A_378], %swap3A_381 {strides = array<i32>} : memref<48x128xf32, #tpu.memory_space<vmem>>, vector<1x16xf32>,
        %get3A_382 = arith.index_cast %scan3A_355 : i32 to index
        %get3A_383 = arith.constant 32 : index
        %get3A_384 = tpu.vector_load %arg10[%get3A_382, %get3A_383] {strides = array<i32>} : memref<48x128xf32, #tpu.memory_space<vmem>>, vector<1x16xf32>,
        %get3A_385 = vector.shape_cast %get3A_384 : vector<1x16xf32> to vector<16xf32>
        %get3A_386 = arith.index_cast %scan3A_355 : i32 to index
        %get3A_387 = arith.constant 32 : index
        %get3A_388 = tpu.vector_load %arg12[%get3A_386, %get3A_387] {strides = array<i32>} : memref<48x128xf32, #tpu.memory_space<vmem>>, vector<1x16xf32>,
        %get3A_389 = vector.shape_cast %get3A_388 : vector<1x16xf32> to vector<16xf32>
        %mul3A_390 = arith.mulf %get3A_385, %get3A_389 : vector<16xf32>
        %swap3A_391 = arith.index_cast %scan3A_355 : i32 to index
        %swap3A_392 = arith.constant 32 : index
        %swap3A_393 = tpu.vector_load %arg10[%swap3A_391, %swap3A_392] {strides = array<i32>} : memref<48x128xf32, #tpu.memory_space<vmem>>, vector<1x16xf32>,
        %swap3A_394 = vector.shape_cast %swap3A_393 : vector<1x16xf32> to vector<16xf32>
        %swap3A_395 = vector.shape_cast %mul3A_390 : vector<16xf32> to vector<1x16xf32>
        tpu.vector_store %arg10[%swap3A_391, %swap3A_392], %swap3A_395 {strides = array<i32>} : memref<48x128xf32, #tpu.memory_space<vmem>>, vector<1x16xf32>,
        %get3A_396 = arith.index_cast %scan3A_355 : i32 to index
        %get3A_397 = arith.constant 48 : index
        %get3A_398 = tpu.vector_load %arg10[%get3A_396, %get3A_397] {strides = array<i32>} : memref<48x128xf32, #tpu.memory_space<vmem>>, vector<1x16xf32>,
        %get3A_399 = vector.shape_cast %get3A_398 : vector<1x16xf32> to vector<16xf32>
        %get3A_400 = arith.index_cast %scan3A_355 : i32 to index
        %get3A_401 = arith.constant 48 : index
        %get3A_402 = tpu.vector_load %arg12[%get3A_400, %get3A_401] {strides = array<i32>} : memref<48x128xf32, #tpu.memory_space<vmem>>, vector<1x16xf32>,
        %get3A_403 = vector.shape_cast %get3A_402 : vector<1x16xf32> to vector<16xf32>
        %mul3A_404 = arith.mulf %get3A_399, %get3A_403 : vector<16xf32>
        %swap3A_405 = arith.index_cast %scan3A_355 : i32 to index
        %swap3A_406 = arith.constant 48 : index
        %swap3A_407 = tpu.vector_load %arg10[%swap3A_405, %swap3A_406] {strides = array<i32>} : memref<48x128xf32, #tpu.memory_space<vmem>>, vector<1x16xf32>,
        %swap3A_408 = vector.shape_cast %swap3A_407 : vector<1x16xf32> to vector<16xf32>
        %swap3A_409 = vector.shape_cast %mul3A_404 : vector<16xf32> to vector<1x16xf32>
        tpu.vector_store %arg10[%swap3A_405, %swap3A_406], %swap3A_409 {strides = array<i32>} : memref<48x128xf32, #tpu.memory_space<vmem>>, vector<1x16xf32>,
        %get3A_410 = arith.index_cast %scan3A_355 : i32 to index
        %get3A_411 = arith.constant 64 : index
        %get3A_412 = tpu.vector_load %arg10[%get3A_410, %get3A_411] {strides = array<i32>} : memref<48x128xf32, #tpu.memory_space<vmem>>, vector<1x16xf32>,
        %get3A_413 = vector.shape_cast %get3A_412 : vector<1x16xf32> to vector<16xf32>
        %get3A_414 = arith.index_cast %scan3A_355 : i32 to index
        %get3A_415 = arith.constant 64 : index
        %get3A_416 = tpu.vector_load %arg12[%get3A_414, %get3A_415] {strides = array<i32>} : memref<48x128xf32, #tpu.memory_space<vmem>>, vector<1x16xf32>,
        %get3A_417 = vector.shape_cast %get3A_416 : vector<1x16xf32> to vector<16xf32>
        %mul3A_418 = arith.mulf %get3A_413, %get3A_417 : vector<16xf32>
        %swap3A_419 = arith.index_cast %scan3A_355 : i32 to index
        %swap3A_420 = arith.constant 64 : index
        %swap3A_421 = tpu.vector_load %arg10[%swap3A_419, %swap3A_420] {strides = array<i32>} : memref<48x128xf32, #tpu.memory_space<vmem>>, vector<1x16xf32>,
        %swap3A_422 = vector.shape_cast %swap3A_421 : vector<1x16xf32> to vector<16xf32>
        %swap3A_423 = vector.shape_cast %mul3A_418 : vector<16xf32> to vector<1x16xf32>
        tpu.vector_store %arg10[%swap3A_419, %swap3A_420], %swap3A_423 {strides = array<i32>} : memref<48x128xf32, #tpu.memory_space<vmem>>, vector<1x16xf32>,
        %get3A_424 = arith.index_cast %scan3A_355 : i32 to index
        %get3A_425 = arith.constant 80 : index
        %get3A_426 = tpu.vector_load %arg10[%get3A_424, %get3A_425] {strides = array<i32>} : memref<48x128xf32, #tpu.memory_space<vmem>>, vector<1x16xf32>,
        %get3A_427 = vector.shape_cast %get3A_426 : vector<1x16xf32> to vector<16xf32>
        %get3A_428 = arith.index_cast %scan3A_355 : i32 to index
        %get3A_429 = arith.constant 80 : index
        %get3A_430 = tpu.vector_load %arg12[%get3A_428, %get3A_429] {strides = array<i32>} : memref<48x128xf32, #tpu.memory_space<vmem>>, vector<1x16xf32>,
        %get3A_431 = vector.shape_cast %get3A_430 : vector<1x16xf32> to vector<16xf32>
        %mul3A_432 = arith.mulf %get3A_427, %get3A_431 : vector<16xf32>
        %swap3A_433 = arith.index_cast %scan3A_355 : i32 to index
        %swap3A_434 = arith.constant 80 : index
        %swap3A_435 = tpu.vector_load %arg10[%swap3A_433, %swap3A_434] {strides = array<i32>} : memref<48x128xf32, #tpu.memory_space<vmem>>, vector<1x16xf32>,
        %swap3A_436 = vector.shape_cast %swap3A_435 : vector<1x16xf32> to vector<16xf32>
        %swap3A_437 = vector.shape_cast %mul3A_432 : vector<16xf32> to vector<1x16xf32>
        tpu.vector_store %arg10[%swap3A_433, %swap3A_434], %swap3A_437 {strides = array<i32>} : memref<48x128xf32, #tpu.memory_space<vmem>>, vector<1x16xf32>,
        %get3A_438 = arith.index_cast %scan3A_355 : i32 to index
        %get3A_439 = arith.constant 96 : index
        %get3A_440 = tpu.vector_load %arg10[%get3A_438, %get3A_439] {strides = array<i32>} : memref<48x128xf32, #tpu.memory_space<vmem>>, vector<1x16xf32>,
        %get3A_441 = vector.shape_cast %get3A_440 : vector<1x16xf32> to vector<16xf32>
        %get3A_442 = arith.index_cast %scan3A_355 : i32 to index
        %get3A_443 = arith.constant 96 : index
        %get3A_444 = tpu.vector_load %arg12[%get3A_442, %get3A_443] {strides = array<i32>} : memref<48x128xf32, #tpu.memory_space<vmem>>, vector<1x16xf32>,
        %get3A_445 = vector.shape_cast %get3A_444 : vector<1x16xf32> to vector<16xf32>
        %mul3A_446 = arith.mulf %get3A_441, %get3A_445 : vector<16xf32>
        %swap3A_447 = arith.index_cast %scan3A_355 : i32 to index
        %swap3A_448 = arith.constant 96 : index
        %swap3A_449 = tpu.vector_load %arg10[%swap3A_447, %swap3A_448] {strides = array<i32>} : memref<48x128xf32, #tpu.memory_space<vmem>>, vector<1x16xf32>,
        %swap3A_450 = vector.shape_cast %swap3A_449 : vector<1x16xf32> to vector<16xf32>
        %swap3A_451 = vector.shape_cast %mul3A_446 : vector<16xf32> to vector<1x16xf32>
        tpu.vector_store %arg10[%swap3A_447, %swap3A_448], %swap3A_451 {strides = array<i32>} : memref<48x128xf32, #tpu.memory_space<vmem>>, vector<1x16xf32>,
        %get3A_452 = arith.index_cast %scan3A_355 : i32 to index
        %get3A_453 = arith.constant 112 : index
        %get3A_454 = tpu.vector_load %arg10[%get3A_452, %get3A_453] {strides = array<i32>} : memref<48x128xf32, #tpu.memory_space<vmem>>, vector<1x16xf32>,
        %get3A_455 = vector.shape_cast %get3A_454 : vector<1x16xf32> to vector<16xf32>
        %get3A_456 = arith.index_cast %scan3A_355 : i32 to index
        %get3A_457 = arith.constant 112 : index
        %get3A_458 = tpu.vector_load %arg12[%get3A_456, %get3A_457] {strides = array<i32>} : memref<48x128xf32, #tpu.memory_space<vmem>>, vector<1x16xf32>,
        %get3A_459 = vector.shape_cast %get3A_458 : vector<1x16xf32> to vector<16xf32>
        %mul3A_460 = arith.mulf %get3A_455, %get3A_459 : vector<16xf32>
        %swap3A_461 = arith.index_cast %scan3A_355 : i32 to index
        %swap3A_462 = arith.constant 112 : index
        %swap3A_463 = tpu.vector_load %arg10[%swap3A_461, %swap3A_462] {strides = array<i32>} : memref<48x128xf32, #tpu.memory_space<vmem>>, vector<1x16xf32>,
        %swap3A_464 = vector.shape_cast %swap3A_463 : vector<1x16xf32> to vector<16xf32>
        %swap3A_465 = vector.shape_cast %mul3A_460 : vector<16xf32> to vector<1x16xf32>
        tpu.vector_store %arg10[%swap3A_461, %swap3A_462], %swap3A_465 {strides = array<i32>} : memref<48x128xf32, #tpu.memory_space<vmem>>, vector<1x16xf32>,
      }
      %scan3A_97 = arith.constant 48 : i32
      %dma_start3A_98 = arith.constant 1 : i32
      %dma_start3A_99 = arith.constant 0 : i32
      %dma_start3A_100 = tpu.memref_slice %arg7[%dma_start3A_98, %dma_start3A_99] : memref<3x48xi32, #tpu.memory_space<vmem>> -> memref<1x48xi32, #tpu.memory_space<vmem>>
      %dma_start3A_101 = tpu.memref_squeeze %dma_start3A_100 : memref<1x48xi32, #tpu.memory_space<vmem>> -> memref<48xi32, #tpu.memory_space<vmem>>
      %dma_start3A_102 = arith.constant 0 : i32
      %dma_start3A_103 = arith.constant 0 : i32
      %dma_start3A_104 = tpu.memref_slice %arg14[%dma_start3A_102, %dma_start3A_103] : memref<10240x128xf32, #tpu.memory_space<vmem_shared>> -> memref<10240x128xf32, #tpu.memory_space<vmem_shared>>
      tpu.enqueue_indirect_dma source(%arg10 : memref<48x128xf32, #tpu.memory_space<vmem>>) target(%dma_start3A_104 : memref<10240x128xf32, #tpu.memory_space<vmem_shared>>) offsets(%dma_start3A_101 : memref<48xi32, #tpu.memory_space<vmem>>) semaphore(%arg20 : memref<!tpu.dma_semaphore, #tpu.memory_space<semaphore_mem>>) {add = true}
      %mul3A_105 = arith.constant 6 : i32
      %mul3A_106 = arith.muli %scan3A_58, %mul3A_105 : i32
      %add3A_107 = arith.constant 1 : i32
      %add3A_108 = arith.addi %mul3A_106, %add3A_107 : i32
      %ge3A_109 = arith.constant 1 : i32
      %ge3A_110 = arith.cmpi sge, %add3A_108, %ge3A_109 : i32
      %convert_element_type3A_111 = arith.extui %ge3A_110 : i1 to i32
      %cond3A_112 = arith.constant 0 : i32
      %cond3A_113 = arith.cmpi ne, %convert_element_type3A_111, %cond3A_112 : i32
      scf.if %cond3A_113 {
        %dma_wait3A_355 = arith.constant 1 : i32
        %dma_wait3A_356 = arith.constant 0 : i32
        %dma_wait3A_357 = tpu.memref_slice %arg7[%dma_wait3A_355, %dma_wait3A_356] : memref<3x48xi32, #tpu.memory_space<vmem>> -> memref<1x48xi32, #tpu.memory_space<vmem>>
        %dma_wait3A_358 = tpu.memref_squeeze %dma_wait3A_357 : memref<1x48xi32, #tpu.memory_space<vmem>> -> memref<48xi32, #tpu.memory_space<vmem>>
        %dma_wait3A_359 = arith.constant 0 : i32
        %dma_wait3A_360 = arith.constant 0 : i32
        %dma_wait3A_361 = tpu.memref_slice %arg14[%dma_wait3A_359, %dma_wait3A_360] : memref<10240x128xf32, #tpu.memory_space<vmem_shared>> -> memref<10240x128xf32, #tpu.memory_space<vmem_shared>>
        tpu.wait_indirect_dma semaphore(%arg20 : memref<!tpu.dma_semaphore, #tpu.memory_space<semaphore_mem>>) src(%arg10 : memref<48x128xf32, #tpu.memory_space<vmem>>) dst(%dma_wait3A_361 : memref<10240x128xf32, #tpu.memory_space<vmem_shared>>)
      } else {
      }
      %add3A_114 = arith.constant 1 : i32
      %add3A_115 = arith.addi %add3A_108, %add3A_114 : i32
      %lt3A_116 = arith.constant 210 : i32
      %lt3A_117 = arith.cmpi slt, %add3A_115, %lt3A_116 : i32
      %convert_element_type3A_118 = arith.extui %lt3A_117 : i1 to i32
      %cond3A_119 = arith.constant 0 : i32
      %cond3A_120 = arith.cmpi ne, %convert_element_type3A_118, %cond3A_119 : i32
      scf.if %cond3A_120 {
        %dma_wait3A_355 = arith.constant 0 : i32
        %dma_wait3A_356 = arith.constant 0 : i32
        %dma_wait3A_357 = tpu.memref_slice %arg2[%mul3A_2, %dma_wait3A_355, %dma_wait3A_356] : memref<6720x3x48xi32, #tpu.memory_space<hbm>> -> memref<1x3x48xi32, #tpu.memory_space<hbm>>
        %dma_wait3A_358 = tpu.memref_squeeze %dma_wait3A_357 : memref<1x3x48xi32, #tpu.memory_space<hbm>> -> memref<3x48xi32, #tpu.memory_space<hbm>>
        %dma_wait3A_359 = arith.constant 0 : i32
        %dma_wait3A_360 = arith.constant 0 : i32
        %dma_wait3A_361 = tpu.memref_slice %arg2[%mul3A_2, %dma_wait3A_359, %dma_wait3A_360] : memref<6720x3x48xi32, #tpu.memory_space<hbm>> -> memref<1x3x48xi32, #tpu.memory_space<hbm>>
        %dma_wait3A_362 = tpu.memref_squeeze %dma_wait3A_361 : memref<1x3x48xi32, #tpu.memory_space<hbm>> -> memref<3x48xi32, #tpu.memory_space<hbm>>
        tpu.wait_dma2 semaphore(%arg17 : memref<!tpu.dma_semaphore, #tpu.memory_space<semaphore_mem>>) src(%dma_wait3A_362 : memref<3x48xi32, #tpu.memory_space<hbm>>) dst(%arg9 : memref<3x48xi32, #tpu.memory_space<vmem>>)
        %dma_start3A_363 = arith.constant 0 : i32
        %dma_start3A_364 = arith.constant 0 : i32
        %dma_start3A_365 = tpu.memref_slice %arg9[%dma_start3A_363, %dma_start3A_364] : memref<3x48xi32, #tpu.memory_space<vmem>> -> memref<1x48xi32, #tpu.memory_space<vmem>>
        %dma_start3A_366 = tpu.memref_squeeze %dma_start3A_365 : memref<1x48xi32, #tpu.memory_space<vmem>> -> memref<48xi32, #tpu.memory_space<vmem>>
        %dma_start3A_367 = arith.constant 0 : i32
        %dma_start3A_368 = arith.constant 0 : i32
        %dma_start3A_369 = tpu.memref_slice %arg3[%dma_start3A_367, %dma_start3A_368] : memref<10000x128xf32, #tpu.memory_space<hbm>> -> memref<10000x128xf32, #tpu.memory_space<hbm>>
        tpu.enqueue_indirect_dma source(%dma_start3A_369 : memref<10000x128xf32, #tpu.memory_space<hbm>>) target(%arg10 : memref<48x128xf32, #tpu.memory_space<vmem>>) offsets(%dma_start3A_366 : memref<48xi32, #tpu.memory_space<vmem>>) semaphore(%arg18 : memref<!tpu.dma_semaphore, #tpu.memory_space<semaphore_mem>>)
        %dma_start3A_370 = arith.constant 2 : i32
        %dma_start3A_371 = arith.constant 0 : i32
        %dma_start3A_372 = tpu.memref_slice %arg9[%dma_start3A_370, %dma_start3A_371] : memref<3x48xi32, #tpu.memory_space<vmem>> -> memref<1x48xi32, #tpu.memory_space<vmem>>
        %dma_start3A_373 = tpu.memref_squeeze %dma_start3A_372 : memref<1x48xi32, #tpu.memory_space<vmem>> -> memref<48xi32, #tpu.memory_space<vmem>>
        %dma_start3A_374 = arith.constant 0 : i32
        %dma_start3A_375 = arith.constant 0 : i32
        %dma_start3A_376 = tpu.memref_slice %arg4[%dma_start3A_374, %dma_start3A_375] : memref<200x128xf32, #tpu.memory_space<hbm>> -> memref<200x128xf32, #tpu.memory_space<hbm>>
        tpu.enqueue_indirect_dma source(%dma_start3A_376 : memref<200x128xf32, #tpu.memory_space<hbm>>) target(%arg12 : memref<48x128xf32, #tpu.memory_space<vmem>>) offsets(%dma_start3A_373 : memref<48xi32, #tpu.memory_space<vmem>>) semaphore(%arg18 : memref<!tpu.dma_semaphore, #tpu.memory_space<semaphore_mem>>)
      } else {
      }
      %dma_wait3A_121 = arith.constant 0 : i32
      %dma_wait3A_122 = arith.constant 0 : i32
      %dma_wait3A_123 = tpu.memref_slice %arg8[%dma_wait3A_121, %dma_wait3A_122] : memref<3x48xi32, #tpu.memory_space<vmem>> -> memref<1x48xi32, #tpu.memory_space<vmem>>
      %dma_wait3A_124 = tpu.memref_squeeze %dma_wait3A_123 : memref<1x48xi32, #tpu.memory_space<vmem>> -> memref<48xi32, #tpu.memory_space<vmem>>
      %dma_wait3A_125 = arith.constant 0 : i32
      %dma_wait3A_126 = arith.constant 0 : i32
      %dma_wait3A_127 = tpu.memref_slice %arg3[%dma_wait3A_125, %dma_wait3A_126] : memref<10000x128xf32, #tpu.memory_space<hbm>> -> memref<10000x128xf32, #tpu.memory_space<hbm>>
      tpu.wait_indirect_dma semaphore(%arg19 : memref<!tpu.dma_semaphore, #tpu.memory_space<semaphore_mem>>) src(%dma_wait3A_127 : memref<10000x128xf32, #tpu.memory_space<hbm>>) dst(%arg11 : memref<48x128xf32, #tpu.memory_space<vmem>>)
      %dma_wait3A_128 = arith.constant 2 : i32
      %dma_wait3A_129 = arith.constant 0 : i32
      %dma_wait3A_130 = tpu.memref_slice %arg8[%dma_wait3A_128, %dma_wait3A_129] : memref<3x48xi32, #tpu.memory_space<vmem>> -> memref<1x48xi32, #tpu.memory_space<vmem>>
      %dma_wait3A_131 = tpu.memref_squeeze %dma_wait3A_130 : memref<1x48xi32, #tpu.memory_space<vmem>> -> memref<48xi32, #tpu.memory_space<vmem>>
      %dma_wait3A_132 = arith.constant 0 : i32
      %dma_wait3A_133 = arith.constant 0 : i32
      %dma_wait3A_134 = tpu.memref_slice %arg4[%dma_wait3A_132, %dma_wait3A_133] : memref<200x128xf32, #tpu.memory_space<hbm>> -> memref<200x128xf32, #tpu.memory_space<hbm>>
      tpu.wait_indirect_dma semaphore(%arg19 : memref<!tpu.dma_semaphore, #tpu.memory_space<semaphore_mem>>) src(%dma_wait3A_134 : memref<200x128xf32, #tpu.memory_space<hbm>>) dst(%arg13 : memref<48x128xf32, #tpu.memory_space<vmem>>)
      %add3A_135 = arith.constant 2 : i32
      %add3A_136 = arith.addi %add3A_108, %add3A_135 : i32
      %lt3A_137 = arith.constant 210 : i32
      %lt3A_138 = arith.cmpi slt, %add3A_136, %lt3A_137 : i32
      %convert_element_type3A_139 = arith.extui %lt3A_138 : i1 to i32
      %cond3A_140 = arith.constant 0 : i32
      %cond3A_141 = arith.cmpi ne, %convert_element_type3A_139, %cond3A_140 : i32
      scf.if %cond3A_141 {
        %add3A_355 = arith.constant 2 : i32
        %add3A_356 = arith.addi %add3A_108, %add3A_355 : i32
        %add3A_357 = arith.addi %mul3A_2, %add3A_356 : i32
        %dma_start3A_358 = arith.constant 0 : i32
        %dma_start3A_359 = arith.constant 0 : i32
        %dma_start3A_360 = tpu.memref_slice %arg2[%add3A_357, %dma_start3A_358, %dma_start3A_359] : memref<6720x3x48xi32, #tpu.memory_space<hbm>> -> memref<1x3x48xi32, #tpu.memory_space<hbm>>
        %dma_start3A_361 = tpu.memref_squeeze %dma_start3A_360 : memref<1x3x48xi32, #tpu.memory_space<hbm>> -> memref<3x48xi32, #tpu.memory_space<hbm>>
        %dma_start3A_362 = arith.constant 0 : i32
        %dma_start3A_363 = arith.constant 0 : i32
        %dma_start3A_364 = tpu.memref_slice %arg2[%add3A_357, %dma_start3A_362, %dma_start3A_363] : memref<6720x3x48xi32, #tpu.memory_space<hbm>> -> memref<1x3x48xi32, #tpu.memory_space<hbm>>
        %dma_start3A_365 = tpu.memref_squeeze %dma_start3A_364 : memref<1x3x48xi32, #tpu.memory_space<hbm>> -> memref<3x48xi32, #tpu.memory_space<hbm>>
        tpu.enqueue_dma source(%dma_start3A_365 : memref<3x48xi32, #tpu.memory_space<hbm>>) target(%arg7 : memref<3x48xi32, #tpu.memory_space<vmem>>) target_semaphore(%arg15 : memref<!tpu.dma_semaphore, #tpu.memory_space<semaphore_mem>>)
      } else {
      }
      %scan3A_142 = arith.constant 0 : i32
      %scan3A_143 = arith.constant 0 : i32
      %scan3A_144 = arith.constant 48 : i32
      %scan3A_145 = arith.addi %scan3A_143, %scan3A_144 : i32
      %scan3A_146 = arith.constant 1 : i32
      scf.for %scan3A_355 = %scan3A_143 to %scan3A_145 step %scan3A_146  : i32 {
        %get3A = arith.index_cast %scan3A_355 : i32 to index
        %get3A_356 = arith.constant 0 : index
        %get3A_357 = tpu.vector_load %arg11[%get3A, %get3A_356] {strides = array<i32>} : memref<48x128xf32, #tpu.memory_space<vmem>>, vector<1x16xf32>,
        %get3A_358 = vector.shape_cast %get3A_357 : vector<1x16xf32> to vector<16xf32>
        %get3A_359 = arith.index_cast %scan3A_355 : i32 to index
        %get3A_360 = arith.constant 0 : index
        %get3A_361 = tpu.vector_load %arg13[%get3A_359, %get3A_360] {strides = array<i32>} : memref<48x128xf32, #tpu.memory_space<vmem>>, vector<1x16xf32>,
        %get3A_362 = vector.shape_cast %get3A_361 : vector<1x16xf32> to vector<16xf32>
        %mul3A_363 = arith.mulf %get3A_358, %get3A_362 : vector<16xf32>
        %swap3A = arith.index_cast %scan3A_355 : i32 to index
        %swap3A_364 = arith.constant 0 : index
        %swap3A_365 = tpu.vector_load %arg11[%swap3A, %swap3A_364] {strides = array<i32>} : memref<48x128xf32, #tpu.memory_space<vmem>>, vector<1x16xf32>,
        %swap3A_366 = vector.shape_cast %swap3A_365 : vector<1x16xf32> to vector<16xf32>
        %swap3A_367 = vector.shape_cast %mul3A_363 : vector<16xf32> to vector<1x16xf32>
        tpu.vector_store %arg11[%swap3A, %swap3A_364], %swap3A_367 {strides = array<i32>} : memref<48x128xf32, #tpu.memory_space<vmem>>, vector<1x16xf32>,
        %get3A_368 = arith.index_cast %scan3A_355 : i32 to index
        %get3A_369 = arith.constant 16 : index
        %get3A_370 = tpu.vector_load %arg11[%get3A_368, %get3A_369] {strides = array<i32>} : memref<48x128xf32, #tpu.memory_space<vmem>>, vector<1x16xf32>,
        %get3A_371 = vector.shape_cast %get3A_370 : vector<1x16xf32> to vector<16xf32>
        %get3A_372 = arith.index_cast %scan3A_355 : i32 to index
        %get3A_373 = arith.constant 16 : index
        %get3A_374 = tpu.vector_load %arg13[%get3A_372, %get3A_373] {strides = array<i32>} : memref<48x128xf32, #tpu.memory_space<vmem>>, vector<1x16xf32>,
        %get3A_375 = vector.shape_cast %get3A_374 : vector<1x16xf32> to vector<16xf32>
        %mul3A_376 = arith.mulf %get3A_371, %get3A_375 : vector<16xf32>
        %swap3A_377 = arith.index_cast %scan3A_355 : i32 to index
        %swap3A_378 = arith.constant 16 : index
        %swap3A_379 = tpu.vector_load %arg11[%swap3A_377, %swap3A_378] {strides = array<i32>} : memref<48x128xf32, #tpu.memory_space<vmem>>, vector<1x16xf32>,
        %swap3A_380 = vector.shape_cast %swap3A_379 : vector<1x16xf32> to vector<16xf32>
        %swap3A_381 = vector.shape_cast %mul3A_376 : vector<16xf32> to vector<1x16xf32>
        tpu.vector_store %arg11[%swap3A_377, %swap3A_378], %swap3A_381 {strides = array<i32>} : memref<48x128xf32, #tpu.memory_space<vmem>>, vector<1x16xf32>,
        %get3A_382 = arith.index_cast %scan3A_355 : i32 to index
        %get3A_383 = arith.constant 32 : index
        %get3A_384 = tpu.vector_load %arg11[%get3A_382, %get3A_383] {strides = array<i32>} : memref<48x128xf32, #tpu.memory_space<vmem>>, vector<1x16xf32>,
        %get3A_385 = vector.shape_cast %get3A_384 : vector<1x16xf32> to vector<16xf32>
        %get3A_386 = arith.index_cast %scan3A_355 : i32 to index
        %get3A_387 = arith.constant 32 : index
        %get3A_388 = tpu.vector_load %arg13[%get3A_386, %get3A_387] {strides = array<i32>} : memref<48x128xf32, #tpu.memory_space<vmem>>, vector<1x16xf32>,
        %get3A_389 = vector.shape_cast %get3A_388 : vector<1x16xf32> to vector<16xf32>
        %mul3A_390 = arith.mulf %get3A_385, %get3A_389 : vector<16xf32>
        %swap3A_391 = arith.index_cast %scan3A_355 : i32 to index
        %swap3A_392 = arith.constant 32 : index
        %swap3A_393 = tpu.vector_load %arg11[%swap3A_391, %swap3A_392] {strides = array<i32>} : memref<48x128xf32, #tpu.memory_space<vmem>>, vector<1x16xf32>,
        %swap3A_394 = vector.shape_cast %swap3A_393 : vector<1x16xf32> to vector<16xf32>
        %swap3A_395 = vector.shape_cast %mul3A_390 : vector<16xf32> to vector<1x16xf32>
        tpu.vector_store %arg11[%swap3A_391, %swap3A_392], %swap3A_395 {strides = array<i32>} : memref<48x128xf32, #tpu.memory_space<vmem>>, vector<1x16xf32>,
        %get3A_396 = arith.index_cast %scan3A_355 : i32 to index
        %get3A_397 = arith.constant 48 : index
        %get3A_398 = tpu.vector_load %arg11[%get3A_396, %get3A_397] {strides = array<i32>} : memref<48x128xf32, #tpu.memory_space<vmem>>, vector<1x16xf32>,
        %get3A_399 = vector.shape_cast %get3A_398 : vector<1x16xf32> to vector<16xf32>
        %get3A_400 = arith.index_cast %scan3A_355 : i32 to index
        %get3A_401 = arith.constant 48 : index
        %get3A_402 = tpu.vector_load %arg13[%get3A_400, %get3A_401] {strides = array<i32>} : memref<48x128xf32, #tpu.memory_space<vmem>>, vector<1x16xf32>,
        %get3A_403 = vector.shape_cast %get3A_402 : vector<1x16xf32> to vector<16xf32>
        %mul3A_404 = arith.mulf %get3A_399, %get3A_403 : vector<16xf32>
        %swap3A_405 = arith.index_cast %scan3A_355 : i32 to index
        %swap3A_406 = arith.constant 48 : index
        %swap3A_407 = tpu.vector_load %arg11[%swap3A_405, %swap3A_406] {strides = array<i32>} : memref<48x128xf32, #tpu.memory_space<vmem>>, vector<1x16xf32>,
        %swap3A_408 = vector.shape_cast %swap3A_407 : vector<1x16xf32> to vector<16xf32>
        %swap3A_409 = vector.shape_cast %mul3A_404 : vector<16xf32> to vector<1x16xf32>
        tpu.vector_store %arg11[%swap3A_405, %swap3A_406], %swap3A_409 {strides = array<i32>} : memref<48x128xf32, #tpu.memory_space<vmem>>, vector<1x16xf32>,
        %get3A_410 = arith.index_cast %scan3A_355 : i32 to index
        %get3A_411 = arith.constant 64 : index
        %get3A_412 = tpu.vector_load %arg11[%get3A_410, %get3A_411] {strides = array<i32>} : memref<48x128xf32, #tpu.memory_space<vmem>>, vector<1x16xf32>,
        %get3A_413 = vector.shape_cast %get3A_412 : vector<1x16xf32> to vector<16xf32>
        %get3A_414 = arith.index_cast %scan3A_355 : i32 to index
        %get3A_415 = arith.constant 64 : index
        %get3A_416 = tpu.vector_load %arg13[%get3A_414, %get3A_415] {strides = array<i32>} : memref<48x128xf32, #tpu.memory_space<vmem>>, vector<1x16xf32>,
        %get3A_417 = vector.shape_cast %get3A_416 : vector<1x16xf32> to vector<16xf32>
        %mul3A_418 = arith.mulf %get3A_413, %get3A_417 : vector<16xf32>
        %swap3A_419 = arith.index_cast %scan3A_355 : i32 to index
        %swap3A_420 = arith.constant 64 : index
        %swap3A_421 = tpu.vector_load %arg11[%swap3A_419, %swap3A_420] {strides = array<i32>} : memref<48x128xf32, #tpu.memory_space<vmem>>, vector<1x16xf32>,
        %swap3A_422 = vector.shape_cast %swap3A_421 : vector<1x16xf32> to vector<16xf32>
        %swap3A_423 = vector.shape_cast %mul3A_418 : vector<16xf32> to vector<1x16xf32>
        tpu.vector_store %arg11[%swap3A_419, %swap3A_420], %swap3A_423 {strides = array<i32>} : memref<48x128xf32, #tpu.memory_space<vmem>>, vector<1x16xf32>,
        %get3A_424 = arith.index_cast %scan3A_355 : i32 to index
        %get3A_425 = arith.constant 80 : index
        %get3A_426 = tpu.vector_load %arg11[%get3A_424, %get3A_425] {strides = array<i32>} : memref<48x128xf32, #tpu.memory_space<vmem>>, vector<1x16xf32>,
        %get3A_427 = vector.shape_cast %get3A_426 : vector<1x16xf32> to vector<16xf32>
        %get3A_428 = arith.index_cast %scan3A_355 : i32 to index
        %get3A_429 = arith.constant 80 : index
        %get3A_430 = tpu.vector_load %arg13[%get3A_428, %get3A_429] {strides = array<i32>} : memref<48x128xf32, #tpu.memory_space<vmem>>, vector<1x16xf32>,
        %get3A_431 = vector.shape_cast %get3A_430 : vector<1x16xf32> to vector<16xf32>
        %mul3A_432 = arith.mulf %get3A_427, %get3A_431 : vector<16xf32>
        %swap3A_433 = arith.index_cast %scan3A_355 : i32 to index
        %swap3A_434 = arith.constant 80 : index
        %swap3A_435 = tpu.vector_load %arg11[%swap3A_433, %swap3A_434] {strides = array<i32>} : memref<48x128xf32, #tpu.memory_space<vmem>>, vector<1x16xf32>,
        %swap3A_436 = vector.shape_cast %swap3A_435 : vector<1x16xf32> to vector<16xf32>
        %swap3A_437 = vector.shape_cast %mul3A_432 : vector<16xf32> to vector<1x16xf32>
        tpu.vector_store %arg11[%swap3A_433, %swap3A_434], %swap3A_437 {strides = array<i32>} : memref<48x128xf32, #tpu.memory_space<vmem>>, vector<1x16xf32>,
        %get3A_438 = arith.index_cast %scan3A_355 : i32 to index
        %get3A_439 = arith.constant 96 : index
        %get3A_440 = tpu.vector_load %arg11[%get3A_438, %get3A_439] {strides = array<i32>} : memref<48x128xf32, #tpu.memory_space<vmem>>, vector<1x16xf32>,
        %get3A_441 = vector.shape_cast %get3A_440 : vector<1x16xf32> to vector<16xf32>
        %get3A_442 = arith.index_cast %scan3A_355 : i32 to index
        %get3A_443 = arith.constant 96 : index
        %get3A_444 = tpu.vector_load %arg13[%get3A_442, %get3A_443] {strides = array<i32>} : memref<48x128xf32, #tpu.memory_space<vmem>>, vector<1x16xf32>,
        %get3A_445 = vector.shape_cast %get3A_444 : vector<1x16xf32> to vector<16xf32>
        %mul3A_446 = arith.mulf %get3A_441, %get3A_445 : vector<16xf32>
        %swap3A_447 = arith.index_cast %scan3A_355 : i32 to index
        %swap3A_448 = arith.constant 96 : index
        %swap3A_449 = tpu.vector_load %arg11[%swap3A_447, %swap3A_448] {strides = array<i32>} : memref<48x128xf32, #tpu.memory_space<vmem>>, vector<1x16xf32>,
        %swap3A_450 = vector.shape_cast %swap3A_449 : vector<1x16xf32> to vector<16xf32>
        %swap3A_451 = vector.shape_cast %mul3A_446 : vector<16xf32> to vector<1x16xf32>
        tpu.vector_store %arg11[%swap3A_447, %swap3A_448], %swap3A_451 {strides = array<i32>} : memref<48x128xf32, #tpu.memory_space<vmem>>, vector<1x16xf32>,
        %get3A_452 = arith.index_cast %scan3A_355 : i32 to index
        %get3A_453 = arith.constant 112 : index
        %get3A_454 = tpu.vector_load %arg11[%get3A_452, %get3A_453] {strides = array<i32>} : memref<48x128xf32, #tpu.memory_space<vmem>>, vector<1x16xf32>,
        %get3A_455 = vector.shape_cast %get3A_454 : vector<1x16xf32> to vector<16xf32>
        %get3A_456 = arith.index_cast %scan3A_355 : i32 to index
        %get3A_457 = arith.constant 112 : index
        %get3A_458 = tpu.vector_load %arg13[%get3A_456, %get3A_457] {strides = array<i32>} : memref<48x128xf32, #tpu.memory_space<vmem>>, vector<1x16xf32>,
        %get3A_459 = vector.shape_cast %get3A_458 : vector<1x16xf32> to vector<16xf32>
        %mul3A_460 = arith.mulf %get3A_455, %get3A_459 : vector<16xf32>
        %swap3A_461 = arith.index_cast %scan3A_355 : i32 to index
        %swap3A_462 = arith.constant 112 : index
        %swap3A_463 = tpu.vector_load %arg11[%swap3A_461, %swap3A_462] {strides = array<i32>} : memref<48x128xf32, #tpu.memory_space<vmem>>, vector<1x16xf32>,
        %swap3A_464 = vector.shape_cast %swap3A_463 : vector<1x16xf32> to vector<16xf32>
        %swap3A_465 = vector.shape_cast %mul3A_460 : vector<16xf32> to vector<1x16xf32>
        tpu.vector_store %arg11[%swap3A_461, %swap3A_462], %swap3A_465 {strides = array<i32>} : memref<48x128xf32, #tpu.memory_space<vmem>>, vector<1x16xf32>,
      }
      %scan3A_147 = arith.constant 48 : i32
      %dma_start3A_148 = arith.constant 1 : i32
      %dma_start3A_149 = arith.constant 0 : i32
      %dma_start3A_150 = tpu.memref_slice %arg8[%dma_start3A_148, %dma_start3A_149] : memref<3x48xi32, #tpu.memory_space<vmem>> -> memref<1x48xi32, #tpu.memory_space<vmem>>
      %dma_start3A_151 = tpu.memref_squeeze %dma_start3A_150 : memref<1x48xi32, #tpu.memory_space<vmem>> -> memref<48xi32, #tpu.memory_space<vmem>>
      %dma_start3A_152 = arith.constant 0 : i32
      %dma_start3A_153 = arith.constant 0 : i32
      %dma_start3A_154 = tpu.memref_slice %arg14[%dma_start3A_152, %dma_start3A_153] : memref<10240x128xf32, #tpu.memory_space<vmem_shared>> -> memref<10240x128xf32, #tpu.memory_space<vmem_shared>>
      tpu.enqueue_indirect_dma source(%arg11 : memref<48x128xf32, #tpu.memory_space<vmem>>) target(%dma_start3A_154 : memref<10240x128xf32, #tpu.memory_space<vmem_shared>>) offsets(%dma_start3A_151 : memref<48xi32, #tpu.memory_space<vmem>>) semaphore(%arg21 : memref<!tpu.dma_semaphore, #tpu.memory_space<semaphore_mem>>) {add = true}
      %mul3A_155 = arith.constant 6 : i32
      %mul3A_156 = arith.muli %scan3A_58, %mul3A_155 : i32
      %add3A_157 = arith.constant 2 : i32
      %add3A_158 = arith.addi %mul3A_156, %add3A_157 : i32
      %ge3A_159 = arith.constant 1 : i32
      %ge3A_160 = arith.cmpi sge, %add3A_158, %ge3A_159 : i32
      %convert_element_type3A_161 = arith.extui %ge3A_160 : i1 to i32
      %cond3A_162 = arith.constant 0 : i32
      %cond3A_163 = arith.cmpi ne, %convert_element_type3A_161, %cond3A_162 : i32
      scf.if %cond3A_163 {
        %dma_wait3A_355 = arith.constant 1 : i32
        %dma_wait3A_356 = arith.constant 0 : i32
        %dma_wait3A_357 = tpu.memref_slice %arg8[%dma_wait3A_355, %dma_wait3A_356] : memref<3x48xi32, #tpu.memory_space<vmem>> -> memref<1x48xi32, #tpu.memory_space<vmem>>
        %dma_wait3A_358 = tpu.memref_squeeze %dma_wait3A_357 : memref<1x48xi32, #tpu.memory_space<vmem>> -> memref<48xi32, #tpu.memory_space<vmem>>
        %dma_wait3A_359 = arith.constant 0 : i32
        %dma_wait3A_360 = arith.constant 0 : i32
        %dma_wait3A_361 = tpu.memref_slice %arg14[%dma_wait3A_359, %dma_wait3A_360] : memref<10240x128xf32, #tpu.memory_space<vmem_shared>> -> memref<10240x128xf32, #tpu.memory_space<vmem_shared>>
        tpu.wait_indirect_dma semaphore(%arg21 : memref<!tpu.dma_semaphore, #tpu.memory_space<semaphore_mem>>) src(%arg11 : memref<48x128xf32, #tpu.memory_space<vmem>>) dst(%dma_wait3A_361 : memref<10240x128xf32, #tpu.memory_space<vmem_shared>>)
      } else {
      }
      %add3A_164 = arith.constant 1 : i32
      %add3A_165 = arith.addi %add3A_158, %add3A_164 : i32
      %lt3A_166 = arith.constant 210 : i32
      %lt3A_167 = arith.cmpi slt, %add3A_165, %lt3A_166 : i32
      %convert_element_type3A_168 = arith.extui %lt3A_167 : i1 to i32
      %cond3A_169 = arith.constant 0 : i32
      %cond3A_170 = arith.cmpi ne, %convert_element_type3A_168, %cond3A_169 : i32
      scf.if %cond3A_170 {
        %dma_wait3A_355 = arith.constant 0 : i32
        %dma_wait3A_356 = arith.constant 0 : i32
        %dma_wait3A_357 = tpu.memref_slice %arg2[%mul3A_2, %dma_wait3A_355, %dma_wait3A_356] : memref<6720x3x48xi32, #tpu.memory_space<hbm>> -> memref<1x3x48xi32, #tpu.memory_space<hbm>>
        %dma_wait3A_358 = tpu.memref_squeeze %dma_wait3A_357 : memref<1x3x48xi32, #tpu.memory_space<hbm>> -> memref<3x48xi32, #tpu.memory_space<hbm>>
        %dma_wait3A_359 = arith.constant 0 : i32
        %dma_wait3A_360 = arith.constant 0 : i32
        %dma_wait3A_361 = tpu.memref_slice %arg2[%mul3A_2, %dma_wait3A_359, %dma_wait3A_360] : memref<6720x3x48xi32, #tpu.memory_space<hbm>> -> memref<1x3x48xi32, #tpu.memory_space<hbm>>
        %dma_wait3A_362 = tpu.memref_squeeze %dma_wait3A_361 : memref<1x3x48xi32, #tpu.memory_space<hbm>> -> memref<3x48xi32, #tpu.memory_space<hbm>>
        tpu.wait_dma2 semaphore(%arg15 : memref<!tpu.dma_semaphore, #tpu.memory_space<semaphore_mem>>) src(%dma_wait3A_362 : memref<3x48xi32, #tpu.memory_space<hbm>>) dst(%arg7 : memref<3x48xi32, #tpu.memory_space<vmem>>)
        %dma_start3A_363 = arith.constant 0 : i32
        %dma_start3A_364 = arith.constant 0 : i32
        %dma_start3A_365 = tpu.memref_slice %arg7[%dma_start3A_363, %dma_start3A_364] : memref<3x48xi32, #tpu.memory_space<vmem>> -> memref<1x48xi32, #tpu.memory_space<vmem>>
        %dma_start3A_366 = tpu.memref_squeeze %dma_start3A_365 : memref<1x48xi32, #tpu.memory_space<vmem>> -> memref<48xi32, #tpu.memory_space<vmem>>
        %dma_start3A_367 = arith.constant 0 : i32
        %dma_start3A_368 = arith.constant 0 : i32
        %dma_start3A_369 = tpu.memref_slice %arg3[%dma_start3A_367, %dma_start3A_368] : memref<10000x128xf32, #tpu.memory_space<hbm>> -> memref<10000x128xf32, #tpu.memory_space<hbm>>
        tpu.enqueue_indirect_dma source(%dma_start3A_369 : memref<10000x128xf32, #tpu.memory_space<hbm>>) target(%arg11 : memref<48x128xf32, #tpu.memory_space<vmem>>) offsets(%dma_start3A_366 : memref<48xi32, #tpu.memory_space<vmem>>) semaphore(%arg19 : memref<!tpu.dma_semaphore, #tpu.memory_space<semaphore_mem>>)
        %dma_start3A_370 = arith.constant 2 : i32
        %dma_start3A_371 = arith.constant 0 : i32
        %dma_start3A_372 = tpu.memref_slice %arg7[%dma_start3A_370, %dma_start3A_371] : memref<3x48xi32, #tpu.memory_space<vmem>> -> memref<1x48xi32, #tpu.memory_space<vmem>>
        %dma_start3A_373 = tpu.memref_squeeze %dma_start3A_372 : memref<1x48xi32, #tpu.memory_space<vmem>> -> memref<48xi32, #tpu.memory_space<vmem>>
        %dma_start3A_374 = arith.constant 0 : i32
        %dma_start3A_375 = arith.constant 0 : i32
        %dma_start3A_376 = tpu.memref_slice %arg4[%dma_start3A_374, %dma_start3A_375] : memref<200x128xf32, #tpu.memory_space<hbm>> -> memref<200x128xf32, #tpu.memory_space<hbm>>
        tpu.enqueue_indirect_dma source(%dma_start3A_376 : memref<200x128xf32, #tpu.memory_space<hbm>>) target(%arg13 : memref<48x128xf32, #tpu.memory_space<vmem>>) offsets(%dma_start3A_373 : memref<48xi32, #tpu.memory_space<vmem>>) semaphore(%arg19 : memref<!tpu.dma_semaphore, #tpu.memory_space<semaphore_mem>>)
      } else {
      }
      %dma_wait3A_171 = arith.constant 0 : i32
      %dma_wait3A_172 = arith.constant 0 : i32
      %dma_wait3A_173 = tpu.memref_slice %arg9[%dma_wait3A_171, %dma_wait3A_172] : memref<3x48xi32, #tpu.memory_space<vmem>> -> memref<1x48xi32, #tpu.memory_space<vmem>>
      %dma_wait3A_174 = tpu.memref_squeeze %dma_wait3A_173 : memref<1x48xi32, #tpu.memory_space<vmem>> -> memref<48xi32, #tpu.memory_space<vmem>>
      %dma_wait3A_175 = arith.constant 0 : i32
      %dma_wait3A_176 = arith.constant 0 : i32
      %dma_wait3A_177 = tpu.memref_slice %arg3[%dma_wait3A_175, %dma_wait3A_176] : memref<10000x128xf32, #tpu.memory_space<hbm>> -> memref<10000x128xf32, #tpu.memory_space<hbm>>
      tpu.wait_indirect_dma semaphore(%arg18 : memref<!tpu.dma_semaphore, #tpu.memory_space<semaphore_mem>>) src(%dma_wait3A_177 : memref<10000x128xf32, #tpu.memory_space<hbm>>) dst(%arg10 : memref<48x128xf32, #tpu.memory_space<vmem>>)
      %dma_wait3A_178 = arith.constant 2 : i32
      %dma_wait3A_179 = arith.constant 0 : i32
      %dma_wait3A_180 = tpu.memref_slice %arg9[%dma_wait3A_178, %dma_wait3A_179] : memref<3x48xi32, #tpu.memory_space<vmem>> -> memref<1x48xi32, #tpu.memory_space<vmem>>
      %dma_wait3A_181 = tpu.memref_squeeze %dma_wait3A_180 : memref<1x48xi32, #tpu.memory_space<vmem>> -> memref<48xi32, #tpu.memory_space<vmem>>
      %dma_wait3A_182 = arith.constant 0 : i32
      %dma_wait3A_183 = arith.constant 0 : i32
      %dma_wait3A_184 = tpu.memref_slice %arg4[%dma_wait3A_182, %dma_wait3A_183] : memref<200x128xf32, #tpu.memory_space<hbm>> -> memref<200x128xf32, #tpu.memory_space<hbm>>
      tpu.wait_indirect_dma semaphore(%arg18 : memref<!tpu.dma_semaphore, #tpu.memory_space<semaphore_mem>>) src(%dma_wait3A_184 : memref<200x128xf32, #tpu.memory_space<hbm>>) dst(%arg12 : memref<48x128xf32, #tpu.memory_space<vmem>>)
      %add3A_185 = arith.constant 2 : i32
      %add3A_186 = arith.addi %add3A_158, %add3A_185 : i32
      %lt3A_187 = arith.constant 210 : i32
      %lt3A_188 = arith.cmpi slt, %add3A_186, %lt3A_187 : i32
      %convert_element_type3A_189 = arith.extui %lt3A_188 : i1 to i32
      %cond3A_190 = arith.constant 0 : i32
      %cond3A_191 = arith.cmpi ne, %convert_element_type3A_189, %cond3A_190 : i32
      scf.if %cond3A_191 {
        %add3A_355 = arith.constant 2 : i32
        %add3A_356 = arith.addi %add3A_158, %add3A_355 : i32
        %add3A_357 = arith.addi %mul3A_2, %add3A_356 : i32
        %dma_start3A_358 = arith.constant 0 : i32
        %dma_start3A_359 = arith.constant 0 : i32
        %dma_start3A_360 = tpu.memref_slice %arg2[%add3A_357, %dma_start3A_358, %dma_start3A_359] : memref<6720x3x48xi32, #tpu.memory_space<hbm>> -> memref<1x3x48xi32, #tpu.memory_space<hbm>>
        %dma_start3A_361 = tpu.memref_squeeze %dma_start3A_360 : memref<1x3x48xi32, #tpu.memory_space<hbm>> -> memref<3x48xi32, #tpu.memory_space<hbm>>
        %dma_start3A_362 = arith.constant 0 : i32
        %dma_start3A_363 = arith.constant 0 : i32
        %dma_start3A_364 = tpu.memref_slice %arg2[%add3A_357, %dma_start3A_362, %dma_start3A_363] : memref<6720x3x48xi32, #tpu.memory_space<hbm>> -> memref<1x3x48xi32, #tpu.memory_space<hbm>>
        %dma_start3A_365 = tpu.memref_squeeze %dma_start3A_364 : memref<1x3x48xi32, #tpu.memory_space<hbm>> -> memref<3x48xi32, #tpu.memory_space<hbm>>
        tpu.enqueue_dma source(%dma_start3A_365 : memref<3x48xi32, #tpu.memory_space<hbm>>) target(%arg8 : memref<3x48xi32, #tpu.memory_space<vmem>>) target_semaphore(%arg16 : memref<!tpu.dma_semaphore, #tpu.memory_space<semaphore_mem>>)
      } else {
      }
      %scan3A_192 = arith.constant 0 : i32
      %scan3A_193 = arith.constant 0 : i32
      %scan3A_194 = arith.constant 48 : i32
      %scan3A_195 = arith.addi %scan3A_193, %scan3A_194 : i32
      %scan3A_196 = arith.constant 1 : i32
      scf.for %scan3A_355 = %scan3A_193 to %scan3A_195 step %scan3A_196  : i32 {
        %get3A = arith.index_cast %scan3A_355 : i32 to index
        %get3A_356 = arith.constant 0 : index
        %get3A_357 = tpu.vector_load %arg10[%get3A, %get3A_356] {strides = array<i32>} : memref<48x128xf32, #tpu.memory_space<vmem>>, vector<1x16xf32>,
        %get3A_358 = vector.shape_cast %get3A_357 : vector<1x16xf32> to vector<16xf32>
        %get3A_359 = arith.index_cast %scan3A_355 : i32 to index
        %get3A_360 = arith.constant 0 : index
        %get3A_361 = tpu.vector_load %arg12[%get3A_359, %get3A_360] {strides = array<i32>} : memref<48x128xf32, #tpu.memory_space<vmem>>, vector<1x16xf32>,
        %get3A_362 = vector.shape_cast %get3A_361 : vector<1x16xf32> to vector<16xf32>
        %mul3A_363 = arith.mulf %get3A_358, %get3A_362 : vector<16xf32>
        %swap3A = arith.index_cast %scan3A_355 : i32 to index
        %swap3A_364 = arith.constant 0 : index
        %swap3A_365 = tpu.vector_load %arg10[%swap3A, %swap3A_364] {strides = array<i32>} : memref<48x128xf32, #tpu.memory_space<vmem>>, vector<1x16xf32>,
        %swap3A_366 = vector.shape_cast %swap3A_365 : vector<1x16xf32> to vector<16xf32>
        %swap3A_367 = vector.shape_cast %mul3A_363 : vector<16xf32> to vector<1x16xf32>
        tpu.vector_store %arg10[%swap3A, %swap3A_364], %swap3A_367 {strides = array<i32>} : memref<48x128xf32, #tpu.memory_space<vmem>>, vector<1x16xf32>,
        %get3A_368 = arith.index_cast %scan3A_355 : i32 to index
        %get3A_369 = arith.constant 16 : index
        %get3A_370 = tpu.vector_load %arg10[%get3A_368, %get3A_369] {strides = array<i32>} : memref<48x128xf32, #tpu.memory_space<vmem>>, vector<1x16xf32>,
        %get3A_371 = vector.shape_cast %get3A_370 : vector<1x16xf32> to vector<16xf32>
        %get3A_372 = arith.index_cast %scan3A_355 : i32 to index
        %get3A_373 = arith.constant 16 : index
        %get3A_374 = tpu.vector_load %arg12[%get3A_372, %get3A_373] {strides = array<i32>} : memref<48x128xf32, #tpu.memory_space<vmem>>, vector<1x16xf32>,
        %get3A_375 = vector.shape_cast %get3A_374 : vector<1x16xf32> to vector<16xf32>
        %mul3A_376 = arith.mulf %get3A_371, %get3A_375 : vector<16xf32>
        %swap3A_377 = arith.index_cast %scan3A_355 : i32 to index
        %swap3A_378 = arith.constant 16 : index
        %swap3A_379 = tpu.vector_load %arg10[%swap3A_377, %swap3A_378] {strides = array<i32>} : memref<48x128xf32, #tpu.memory_space<vmem>>, vector<1x16xf32>,
        %swap3A_380 = vector.shape_cast %swap3A_379 : vector<1x16xf32> to vector<16xf32>
        %swap3A_381 = vector.shape_cast %mul3A_376 : vector<16xf32> to vector<1x16xf32>
        tpu.vector_store %arg10[%swap3A_377, %swap3A_378], %swap3A_381 {strides = array<i32>} : memref<48x128xf32, #tpu.memory_space<vmem>>, vector<1x16xf32>,
        %get3A_382 = arith.index_cast %scan3A_355 : i32 to index
        %get3A_383 = arith.constant 32 : index
        %get3A_384 = tpu.vector_load %arg10[%get3A_382, %get3A_383] {strides = array<i32>} : memref<48x128xf32, #tpu.memory_space<vmem>>, vector<1x16xf32>,
        %get3A_385 = vector.shape_cast %get3A_384 : vector<1x16xf32> to vector<16xf32>
        %get3A_386 = arith.index_cast %scan3A_355 : i32 to index
        %get3A_387 = arith.constant 32 : index
        %get3A_388 = tpu.vector_load %arg12[%get3A_386, %get3A_387] {strides = array<i32>} : memref<48x128xf32, #tpu.memory_space<vmem>>, vector<1x16xf32>,
        %get3A_389 = vector.shape_cast %get3A_388 : vector<1x16xf32> to vector<16xf32>
        %mul3A_390 = arith.mulf %get3A_385, %get3A_389 : vector<16xf32>
        %swap3A_391 = arith.index_cast %scan3A_355 : i32 to index
        %swap3A_392 = arith.constant 32 : index
        %swap3A_393 = tpu.vector_load %arg10[%swap3A_391, %swap3A_392] {strides = array<i32>} : memref<48x128xf32, #tpu.memory_space<vmem>>, vector<1x16xf32>,
        %swap3A_394 = vector.shape_cast %swap3A_393 : vector<1x16xf32> to vector<16xf32>
        %swap3A_395 = vector.shape_cast %mul3A_390 : vector<16xf32> to vector<1x16xf32>
        tpu.vector_store %arg10[%swap3A_391, %swap3A_392], %swap3A_395 {strides = array<i32>} : memref<48x128xf32, #tpu.memory_space<vmem>>, vector<1x16xf32>,
        %get3A_396 = arith.index_cast %scan3A_355 : i32 to index
        %get3A_397 = arith.constant 48 : index
        %get3A_398 = tpu.vector_load %arg10[%get3A_396, %get3A_397] {strides = array<i32>} : memref<48x128xf32, #tpu.memory_space<vmem>>, vector<1x16xf32>,
        %get3A_399 = vector.shape_cast %get3A_398 : vector<1x16xf32> to vector<16xf32>
        %get3A_400 = arith.index_cast %scan3A_355 : i32 to index
        %get3A_401 = arith.constant 48 : index
        %get3A_402 = tpu.vector_load %arg12[%get3A_400, %get3A_401] {strides = array<i32>} : memref<48x128xf32, #tpu.memory_space<vmem>>, vector<1x16xf32>,
        %get3A_403 = vector.shape_cast %get3A_402 : vector<1x16xf32> to vector<16xf32>
        %mul3A_404 = arith.mulf %get3A_399, %get3A_403 : vector<16xf32>
        %swap3A_405 = arith.index_cast %scan3A_355 : i32 to index
        %swap3A_406 = arith.constant 48 : index
        %swap3A_407 = tpu.vector_load %arg10[%swap3A_405, %swap3A_406] {strides = array<i32>} : memref<48x128xf32, #tpu.memory_space<vmem>>, vector<1x16xf32>,
        %swap3A_408 = vector.shape_cast %swap3A_407 : vector<1x16xf32> to vector<16xf32>
        %swap3A_409 = vector.shape_cast %mul3A_404 : vector<16xf32> to vector<1x16xf32>
        tpu.vector_store %arg10[%swap3A_405, %swap3A_406], %swap3A_409 {strides = array<i32>} : memref<48x128xf32, #tpu.memory_space<vmem>>, vector<1x16xf32>,
        %get3A_410 = arith.index_cast %scan3A_355 : i32 to index
        %get3A_411 = arith.constant 64 : index
        %get3A_412 = tpu.vector_load %arg10[%get3A_410, %get3A_411] {strides = array<i32>} : memref<48x128xf32, #tpu.memory_space<vmem>>, vector<1x16xf32>,
        %get3A_413 = vector.shape_cast %get3A_412 : vector<1x16xf32> to vector<16xf32>
        %get3A_414 = arith.index_cast %scan3A_355 : i32 to index
        %get3A_415 = arith.constant 64 : index
        %get3A_416 = tpu.vector_load %arg12[%get3A_414, %get3A_415] {strides = array<i32>} : memref<48x128xf32, #tpu.memory_space<vmem>>, vector<1x16xf32>,
        %get3A_417 = vector.shape_cast %get3A_416 : vector<1x16xf32> to vector<16xf32>
        %mul3A_418 = arith.mulf %get3A_413, %get3A_417 : vector<16xf32>
        %swap3A_419 = arith.index_cast %scan3A_355 : i32 to index
        %swap3A_420 = arith.constant 64 : index
        %swap3A_421 = tpu.vector_load %arg10[%swap3A_419, %swap3A_420] {strides = array<i32>} : memref<48x128xf32, #tpu.memory_space<vmem>>, vector<1x16xf32>,
        %swap3A_422 = vector.shape_cast %swap3A_421 : vector<1x16xf32> to vector<16xf32>
        %swap3A_423 = vector.shape_cast %mul3A_418 : vector<16xf32> to vector<1x16xf32>
        tpu.vector_store %arg10[%swap3A_419, %swap3A_420], %swap3A_423 {strides = array<i32>} : memref<48x128xf32, #tpu.memory_space<vmem>>, vector<1x16xf32>,
        %get3A_424 = arith.index_cast %scan3A_355 : i32 to index
        %get3A_425 = arith.constant 80 : index
        %get3A_426 = tpu.vector_load %arg10[%get3A_424, %get3A_425] {strides = array<i32>} : memref<48x128xf32, #tpu.memory_space<vmem>>, vector<1x16xf32>,
        %get3A_427 = vector.shape_cast %get3A_426 : vector<1x16xf32> to vector<16xf32>
        %get3A_428 = arith.index_cast %scan3A_355 : i32 to index
        %get3A_429 = arith.constant 80 : index
        %get3A_430 = tpu.vector_load %arg12[%get3A_428, %get3A_429] {strides = array<i32>} : memref<48x128xf32, #tpu.memory_space<vmem>>, vector<1x16xf32>,
        %get3A_431 = vector.shape_cast %get3A_430 : vector<1x16xf32> to vector<16xf32>
        %mul3A_432 = arith.mulf %get3A_427, %get3A_431 : vector<16xf32>
        %swap3A_433 = arith.index_cast %scan3A_355 : i32 to index
        %swap3A_434 = arith.constant 80 : index
        %swap3A_435 = tpu.vector_load %arg10[%swap3A_433, %swap3A_434] {strides = array<i32>} : memref<48x128xf32, #tpu.memory_space<vmem>>, vector<1x16xf32>,
        %swap3A_436 = vector.shape_cast %swap3A_435 : vector<1x16xf32> to vector<16xf32>
        %swap3A_437 = vector.shape_cast %mul3A_432 : vector<16xf32> to vector<1x16xf32>
        tpu.vector_store %arg10[%swap3A_433, %swap3A_434], %swap3A_437 {strides = array<i32>} : memref<48x128xf32, #tpu.memory_space<vmem>>, vector<1x16xf32>,
        %get3A_438 = arith.index_cast %scan3A_355 : i32 to index
        %get3A_439 = arith.constant 96 : index
        %get3A_440 = tpu.vector_load %arg10[%get3A_438, %get3A_439] {strides = array<i32>} : memref<48x128xf32, #tpu.memory_space<vmem>>, vector<1x16xf32>,
        %get3A_441 = vector.shape_cast %get3A_440 : vector<1x16xf32> to vector<16xf32>
        %get3A_442 = arith.index_cast %scan3A_355 : i32 to index
        %get3A_443 = arith.constant 96 : index
        %get3A_444 = tpu.vector_load %arg12[%get3A_442, %get3A_443] {strides = array<i32>} : memref<48x128xf32, #tpu.memory_space<vmem>>, vector<1x16xf32>,
        %get3A_445 = vector.shape_cast %get3A_444 : vector<1x16xf32> to vector<16xf32>
        %mul3A_446 = arith.mulf %get3A_441, %get3A_445 : vector<16xf32>
        %swap3A_447 = arith.index_cast %scan3A_355 : i32 to index
        %swap3A_448 = arith.constant 96 : index
        %swap3A_449 = tpu.vector_load %arg10[%swap3A_447, %swap3A_448] {strides = array<i32>} : memref<48x128xf32, #tpu.memory_space<vmem>>, vector<1x16xf32>,
        %swap3A_450 = vector.shape_cast %swap3A_449 : vector<1x16xf32> to vector<16xf32>
        %swap3A_451 = vector.shape_cast %mul3A_446 : vector<16xf32> to vector<1x16xf32>
        tpu.vector_store %arg10[%swap3A_447, %swap3A_448], %swap3A_451 {strides = array<i32>} : memref<48x128xf32, #tpu.memory_space<vmem>>, vector<1x16xf32>,
        %get3A_452 = arith.index_cast %scan3A_355 : i32 to index
        %get3A_453 = arith.constant 112 : index
        %get3A_454 = tpu.vector_load %arg10[%get3A_452, %get3A_453] {strides = array<i32>} : memref<48x128xf32, #tpu.memory_space<vmem>>, vector<1x16xf32>,
        %get3A_455 = vector.shape_cast %get3A_454 : vector<1x16xf32> to vector<16xf32>
        %get3A_456 = arith.index_cast %scan3A_355 : i32 to index
        %get3A_457 = arith.constant 112 : index
        %get3A_458 = tpu.vector_load %arg12[%get3A_456, %get3A_457] {strides = array<i32>} : memref<48x128xf32, #tpu.memory_space<vmem>>, vector<1x16xf32>,
        %get3A_459 = vector.shape_cast %get3A_458 : vector<1x16xf32> to vector<16xf32>
        %mul3A_460 = arith.mulf %get3A_455, %get3A_459 : vector<16xf32>
        %swap3A_461 = arith.index_cast %scan3A_355 : i32 to index
        %swap3A_462 = arith.constant 112 : index
        %swap3A_463 = tpu.vector_load %arg10[%swap3A_461, %swap3A_462] {strides = array<i32>} : memref<48x128xf32, #tpu.memory_space<vmem>>, vector<1x16xf32>,
        %swap3A_464 = vector.shape_cast %swap3A_463 : vector<1x16xf32> to vector<16xf32>
        %swap3A_465 = vector.shape_cast %mul3A_460 : vector<16xf32> to vector<1x16xf32>
        tpu.vector_store %arg10[%swap3A_461, %swap3A_462], %swap3A_465 {strides = array<i32>} : memref<48x128xf32, #tpu.memory_space<vmem>>, vector<1x16xf32>,
      }
      %scan3A_197 = arith.constant 48 : i32
      %dma_start3A_198 = arith.constant 1 : i32
      %dma_start3A_199 = arith.constant 0 : i32
      %dma_start3A_200 = tpu.memref_slice %arg9[%dma_start3A_198, %dma_start3A_199] : memref<3x48xi32, #tpu.memory_space<vmem>> -> memref<1x48xi32, #tpu.memory_space<vmem>>
      %dma_start3A_201 = tpu.memref_squeeze %dma_start3A_200 : memref<1x48xi32, #tpu.memory_space<vmem>> -> memref<48xi32, #tpu.memory_space<vmem>>
      %dma_start3A_202 = arith.constant 0 : i32
      %dma_start3A_203 = arith.constant 0 : i32
      %dma_start3A_204 = tpu.memref_slice %arg14[%dma_start3A_202, %dma_start3A_203] : memref<10240x128xf32, #tpu.memory_space<vmem_shared>> -> memref<10240x128xf32, #tpu.memory_space<vmem_shared>>
      tpu.enqueue_indirect_dma source(%arg10 : memref<48x128xf32, #tpu.memory_space<vmem>>) target(%dma_start3A_204 : memref<10240x128xf32, #tpu.memory_space<vmem_shared>>) offsets(%dma_start3A_201 : memref<48xi32, #tpu.memory_space<vmem>>) semaphore(%arg20 : memref<!tpu.dma_semaphore, #tpu.memory_space<semaphore_mem>>) {add = true}
      %mul3A_205 = arith.constant 6 : i32
      %mul3A_206 = arith.muli %scan3A_58, %mul3A_205 : i32
      %add3A_207 = arith.constant 3 : i32
      %add3A_208 = arith.addi %mul3A_206, %add3A_207 : i32
      %ge3A_209 = arith.constant 1 : i32
      %ge3A_210 = arith.cmpi sge, %add3A_208, %ge3A_209 : i32
      %convert_element_type3A_211 = arith.extui %ge3A_210 : i1 to i32
      %cond3A_212 = arith.constant 0 : i32
      %cond3A_213 = arith.cmpi ne, %convert_element_type3A_211, %cond3A_212 : i32
      scf.if %cond3A_213 {
        %dma_wait3A_355 = arith.constant 1 : i32
        %dma_wait3A_356 = arith.constant 0 : i32
        %dma_wait3A_357 = tpu.memref_slice %arg9[%dma_wait3A_355, %dma_wait3A_356] : memref<3x48xi32, #tpu.memory_space<vmem>> -> memref<1x48xi32, #tpu.memory_space<vmem>>
        %dma_wait3A_358 = tpu.memref_squeeze %dma_wait3A_357 : memref<1x48xi32, #tpu.memory_space<vmem>> -> memref<48xi32, #tpu.memory_space<vmem>>
        %dma_wait3A_359 = arith.constant 0 : i32
        %dma_wait3A_360 = arith.constant 0 : i32
        %dma_wait3A_361 = tpu.memref_slice %arg14[%dma_wait3A_359, %dma_wait3A_360] : memref<10240x128xf32, #tpu.memory_space<vmem_shared>> -> memref<10240x128xf32, #tpu.memory_space<vmem_shared>>
        tpu.wait_indirect_dma semaphore(%arg20 : memref<!tpu.dma_semaphore, #tpu.memory_space<semaphore_mem>>) src(%arg10 : memref<48x128xf32, #tpu.memory_space<vmem>>) dst(%dma_wait3A_361 : memref<10240x128xf32, #tpu.memory_space<vmem_shared>>)
      } else {
      }
      %add3A_214 = arith.constant 1 : i32
      %add3A_215 = arith.addi %add3A_208, %add3A_214 : i32
      %lt3A_216 = arith.constant 210 : i32
      %lt3A_217 = arith.cmpi slt, %add3A_215, %lt3A_216 : i32
      %convert_element_type3A_218 = arith.extui %lt3A_217 : i1 to i32
      %cond3A_219 = arith.constant 0 : i32
      %cond3A_220 = arith.cmpi ne, %convert_element_type3A_218, %cond3A_219 : i32
      scf.if %cond3A_220 {
        %dma_wait3A_355 = arith.constant 0 : i32
        %dma_wait3A_356 = arith.constant 0 : i32
        %dma_wait3A_357 = tpu.memref_slice %arg2[%mul3A_2, %dma_wait3A_355, %dma_wait3A_356] : memref<6720x3x48xi32, #tpu.memory_space<hbm>> -> memref<1x3x48xi32, #tpu.memory_space<hbm>>
        %dma_wait3A_358 = tpu.memref_squeeze %dma_wait3A_357 : memref<1x3x48xi32, #tpu.memory_space<hbm>> -> memref<3x48xi32, #tpu.memory_space<hbm>>
        %dma_wait3A_359 = arith.constant 0 : i32
        %dma_wait3A_360 = arith.constant 0 : i32
        %dma_wait3A_361 = tpu.memref_slice %arg2[%mul3A_2, %dma_wait3A_359, %dma_wait3A_360] : memref<6720x3x48xi32, #tpu.memory_space<hbm>> -> memref<1x3x48xi32, #tpu.memory_space<hbm>>
        %dma_wait3A_362 = tpu.memref_squeeze %dma_wait3A_361 : memref<1x3x48xi32, #tpu.memory_space<hbm>> -> memref<3x48xi32, #tpu.memory_space<hbm>>
        tpu.wait_dma2 semaphore(%arg16 : memref<!tpu.dma_semaphore, #tpu.memory_space<semaphore_mem>>) src(%dma_wait3A_362 : memref<3x48xi32, #tpu.memory_space<hbm>>) dst(%arg8 : memref<3x48xi32, #tpu.memory_space<vmem>>)
        %dma_start3A_363 = arith.constant 0 : i32
        %dma_start3A_364 = arith.constant 0 : i32
        %dma_start3A_365 = tpu.memref_slice %arg8[%dma_start3A_363, %dma_start3A_364] : memref<3x48xi32, #tpu.memory_space<vmem>> -> memref<1x48xi32, #tpu.memory_space<vmem>>
        %dma_start3A_366 = tpu.memref_squeeze %dma_start3A_365 : memref<1x48xi32, #tpu.memory_space<vmem>> -> memref<48xi32, #tpu.memory_space<vmem>>
        %dma_start3A_367 = arith.constant 0 : i32
        %dma_start3A_368 = arith.constant 0 : i32
        %dma_start3A_369 = tpu.memref_slice %arg3[%dma_start3A_367, %dma_start3A_368] : memref<10000x128xf32, #tpu.memory_space<hbm>> -> memref<10000x128xf32, #tpu.memory_space<hbm>>
        tpu.enqueue_indirect_dma source(%dma_start3A_369 : memref<10000x128xf32, #tpu.memory_space<hbm>>) target(%arg10 : memref<48x128xf32, #tpu.memory_space<vmem>>) offsets(%dma_start3A_366 : memref<48xi32, #tpu.memory_space<vmem>>) semaphore(%arg18 : memref<!tpu.dma_semaphore, #tpu.memory_space<semaphore_mem>>)
        %dma_start3A_370 = arith.constant 2 : i32
        %dma_start3A_371 = arith.constant 0 : i32
        %dma_start3A_372 = tpu.memref_slice %arg8[%dma_start3A_370, %dma_start3A_371] : memref<3x48xi32, #tpu.memory_space<vmem>> -> memref<1x48xi32, #tpu.memory_space<vmem>>
        %dma_start3A_373 = tpu.memref_squeeze %dma_start3A_372 : memref<1x48xi32, #tpu.memory_space<vmem>> -> memref<48xi32, #tpu.memory_space<vmem>>
        %dma_start3A_374 = arith.constant 0 : i32
        %dma_start3A_375 = arith.constant 0 : i32
        %dma_start3A_376 = tpu.memref_slice %arg4[%dma_start3A_374, %dma_start3A_375] : memref<200x128xf32, #tpu.memory_space<hbm>> -> memref<200x128xf32, #tpu.memory_space<hbm>>
        tpu.enqueue_indirect_dma source(%dma_start3A_376 : memref<200x128xf32, #tpu.memory_space<hbm>>) target(%arg12 : memref<48x128xf32, #tpu.memory_space<vmem>>) offsets(%dma_start3A_373 : memref<48xi32, #tpu.memory_space<vmem>>) semaphore(%arg18 : memref<!tpu.dma_semaphore, #tpu.memory_space<semaphore_mem>>)
      } else {
      }
      %dma_wait3A_221 = arith.constant 0 : i32
      %dma_wait3A_222 = arith.constant 0 : i32
      %dma_wait3A_223 = tpu.memref_slice %arg7[%dma_wait3A_221, %dma_wait3A_222] : memref<3x48xi32, #tpu.memory_space<vmem>> -> memref<1x48xi32, #tpu.memory_space<vmem>>
      %dma_wait3A_224 = tpu.memref_squeeze %dma_wait3A_223 : memref<1x48xi32, #tpu.memory_space<vmem>> -> memref<48xi32, #tpu.memory_space<vmem>>
      %dma_wait3A_225 = arith.constant 0 : i32
      %dma_wait3A_226 = arith.constant 0 : i32
      %dma_wait3A_227 = tpu.memref_slice %arg3[%dma_wait3A_225, %dma_wait3A_226] : memref<10000x128xf32, #tpu.memory_space<hbm>> -> memref<10000x128xf32, #tpu.memory_space<hbm>>
      tpu.wait_indirect_dma semaphore(%arg19 : memref<!tpu.dma_semaphore, #tpu.memory_space<semaphore_mem>>) src(%dma_wait3A_227 : memref<10000x128xf32, #tpu.memory_space<hbm>>) dst(%arg11 : memref<48x128xf32, #tpu.memory_space<vmem>>)
      %dma_wait3A_228 = arith.constant 2 : i32
      %dma_wait3A_229 = arith.constant 0 : i32
      %dma_wait3A_230 = tpu.memref_slice %arg7[%dma_wait3A_228, %dma_wait3A_229] : memref<3x48xi32, #tpu.memory_space<vmem>> -> memref<1x48xi32, #tpu.memory_space<vmem>>
      %dma_wait3A_231 = tpu.memref_squeeze %dma_wait3A_230 : memref<1x48xi32, #tpu.memory_space<vmem>> -> memref<48xi32, #tpu.memory_space<vmem>>
      %dma_wait3A_232 = arith.constant 0 : i32
      %dma_wait3A_233 = arith.constant 0 : i32
      %dma_wait3A_234 = tpu.memref_slice %arg4[%dma_wait3A_232, %dma_wait3A_233] : memref<200x128xf32, #tpu.memory_space<hbm>> -> memref<200x128xf32, #tpu.memory_space<hbm>>
      tpu.wait_indirect_dma semaphore(%arg19 : memref<!tpu.dma_semaphore, #tpu.memory_space<semaphore_mem>>) src(%dma_wait3A_234 : memref<200x128xf32, #tpu.memory_space<hbm>>) dst(%arg13 : memref<48x128xf32, #tpu.memory_space<vmem>>)
      %add3A_235 = arith.constant 2 : i32
      %add3A_236 = arith.addi %add3A_208, %add3A_235 : i32
      %lt3A_237 = arith.constant 210 : i32
      %lt3A_238 = arith.cmpi slt, %add3A_236, %lt3A_237 : i32
      %convert_element_type3A_239 = arith.extui %lt3A_238 : i1 to i32
      %cond3A_240 = arith.constant 0 : i32
      %cond3A_241 = arith.cmpi ne, %convert_element_type3A_239, %cond3A_240 : i32
      scf.if %cond3A_241 {
        %add3A_355 = arith.constant 2 : i32
        %add3A_356 = arith.addi %add3A_208, %add3A_355 : i32
        %add3A_357 = arith.addi %mul3A_2, %add3A_356 : i32
        %dma_start3A_358 = arith.constant 0 : i32
        %dma_start3A_359 = arith.constant 0 : i32
        %dma_start3A_360 = tpu.memref_slice %arg2[%add3A_357, %dma_start3A_358, %dma_start3A_359] : memref<6720x3x48xi32, #tpu.memory_space<hbm>> -> memref<1x3x48xi32, #tpu.memory_space<hbm>>
        %dma_start3A_361 = tpu.memref_squeeze %dma_start3A_360 : memref<1x3x48xi32, #tpu.memory_space<hbm>> -> memref<3x48xi32, #tpu.memory_space<hbm>>
        %dma_start3A_362 = arith.constant 0 : i32
        %dma_start3A_363 = arith.constant 0 : i32
        %dma_start3A_364 = tpu.memref_slice %arg2[%add3A_357, %dma_start3A_362, %dma_start3A_363] : memref<6720x3x48xi32, #tpu.memory_space<hbm>> -> memref<1x3x48xi32, #tpu.memory_space<hbm>>
        %dma_start3A_365 = tpu.memref_squeeze %dma_start3A_364 : memref<1x3x48xi32, #tpu.memory_space<hbm>> -> memref<3x48xi32, #tpu.memory_space<hbm>>
        tpu.enqueue_dma source(%dma_start3A_365 : memref<3x48xi32, #tpu.memory_space<hbm>>) target(%arg9 : memref<3x48xi32, #tpu.memory_space<vmem>>) target_semaphore(%arg17 : memref<!tpu.dma_semaphore, #tpu.memory_space<semaphore_mem>>)
      } else {
      }
      %scan3A_242 = arith.constant 0 : i32
      %scan3A_243 = arith.constant 0 : i32
      %scan3A_244 = arith.constant 48 : i32
      %scan3A_245 = arith.addi %scan3A_243, %scan3A_244 : i32
      %scan3A_246 = arith.constant 1 : i32
      scf.for %scan3A_355 = %scan3A_243 to %scan3A_245 step %scan3A_246  : i32 {
        %get3A = arith.index_cast %scan3A_355 : i32 to index
        %get3A_356 = arith.constant 0 : index
        %get3A_357 = tpu.vector_load %arg11[%get3A, %get3A_356] {strides = array<i32>} : memref<48x128xf32, #tpu.memory_space<vmem>>, vector<1x16xf32>,
        %get3A_358 = vector.shape_cast %get3A_357 : vector<1x16xf32> to vector<16xf32>
        %get3A_359 = arith.index_cast %scan3A_355 : i32 to index
        %get3A_360 = arith.constant 0 : index
        %get3A_361 = tpu.vector_load %arg13[%get3A_359, %get3A_360] {strides = array<i32>} : memref<48x128xf32, #tpu.memory_space<vmem>>, vector<1x16xf32>,
        %get3A_362 = vector.shape_cast %get3A_361 : vector<1x16xf32> to vector<16xf32>
        %mul3A_363 = arith.mulf %get3A_358, %get3A_362 : vector<16xf32>
        %swap3A = arith.index_cast %scan3A_355 : i32 to index
        %swap3A_364 = arith.constant 0 : index
        %swap3A_365 = tpu.vector_load %arg11[%swap3A, %swap3A_364] {strides = array<i32>} : memref<48x128xf32, #tpu.memory_space<vmem>>, vector<1x16xf32>,
        %swap3A_366 = vector.shape_cast %swap3A_365 : vector<1x16xf32> to vector<16xf32>
        %swap3A_367 = vector.shape_cast %mul3A_363 : vector<16xf32> to vector<1x16xf32>
        tpu.vector_store %arg11[%swap3A, %swap3A_364], %swap3A_367 {strides = array<i32>} : memref<48x128xf32, #tpu.memory_space<vmem>>, vector<1x16xf32>,
        %get3A_368 = arith.index_cast %scan3A_355 : i32 to index
        %get3A_369 = arith.constant 16 : index
        %get3A_370 = tpu.vector_load %arg11[%get3A_368, %get3A_369] {strides = array<i32>} : memref<48x128xf32, #tpu.memory_space<vmem>>, vector<1x16xf32>,
        %get3A_371 = vector.shape_cast %get3A_370 : vector<1x16xf32> to vector<16xf32>
        %get3A_372 = arith.index_cast %scan3A_355 : i32 to index
        %get3A_373 = arith.constant 16 : index
        %get3A_374 = tpu.vector_load %arg13[%get3A_372, %get3A_373] {strides = array<i32>} : memref<48x128xf32, #tpu.memory_space<vmem>>, vector<1x16xf32>,
        %get3A_375 = vector.shape_cast %get3A_374 : vector<1x16xf32> to vector<16xf32>
        %mul3A_376 = arith.mulf %get3A_371, %get3A_375 : vector<16xf32>
        %swap3A_377 = arith.index_cast %scan3A_355 : i32 to index
        %swap3A_378 = arith.constant 16 : index
        %swap3A_379 = tpu.vector_load %arg11[%swap3A_377, %swap3A_378] {strides = array<i32>} : memref<48x128xf32, #tpu.memory_space<vmem>>, vector<1x16xf32>,
        %swap3A_380 = vector.shape_cast %swap3A_379 : vector<1x16xf32> to vector<16xf32>
        %swap3A_381 = vector.shape_cast %mul3A_376 : vector<16xf32> to vector<1x16xf32>
        tpu.vector_store %arg11[%swap3A_377, %swap3A_378], %swap3A_381 {strides = array<i32>} : memref<48x128xf32, #tpu.memory_space<vmem>>, vector<1x16xf32>,
        %get3A_382 = arith.index_cast %scan3A_355 : i32 to index
        %get3A_383 = arith.constant 32 : index
        %get3A_384 = tpu.vector_load %arg11[%get3A_382, %get3A_383] {strides = array<i32>} : memref<48x128xf32, #tpu.memory_space<vmem>>, vector<1x16xf32>,
        %get3A_385 = vector.shape_cast %get3A_384 : vector<1x16xf32> to vector<16xf32>
        %get3A_386 = arith.index_cast %scan3A_355 : i32 to index
        %get3A_387 = arith.constant 32 : index
        %get3A_388 = tpu.vector_load %arg13[%get3A_386, %get3A_387] {strides = array<i32>} : memref<48x128xf32, #tpu.memory_space<vmem>>, vector<1x16xf32>,
        %get3A_389 = vector.shape_cast %get3A_388 : vector<1x16xf32> to vector<16xf32>
        %mul3A_390 = arith.mulf %get3A_385, %get3A_389 : vector<16xf32>
        %swap3A_391 = arith.index_cast %scan3A_355 : i32 to index
        %swap3A_392 = arith.constant 32 : index
        %swap3A_393 = tpu.vector_load %arg11[%swap3A_391, %swap3A_392] {strides = array<i32>} : memref<48x128xf32, #tpu.memory_space<vmem>>, vector<1x16xf32>,
        %swap3A_394 = vector.shape_cast %swap3A_393 : vector<1x16xf32> to vector<16xf32>
        %swap3A_395 = vector.shape_cast %mul3A_390 : vector<16xf32> to vector<1x16xf32>
        tpu.vector_store %arg11[%swap3A_391, %swap3A_392], %swap3A_395 {strides = array<i32>} : memref<48x128xf32, #tpu.memory_space<vmem>>, vector<1x16xf32>,
        %get3A_396 = arith.index_cast %scan3A_355 : i32 to index
        %get3A_397 = arith.constant 48 : index
        %get3A_398 = tpu.vector_load %arg11[%get3A_396, %get3A_397] {strides = array<i32>} : memref<48x128xf32, #tpu.memory_space<vmem>>, vector<1x16xf32>,
        %get3A_399 = vector.shape_cast %get3A_398 : vector<1x16xf32> to vector<16xf32>
        %get3A_400 = arith.index_cast %scan3A_355 : i32 to index
        %get3A_401 = arith.constant 48 : index
        %get3A_402 = tpu.vector_load %arg13[%get3A_400, %get3A_401] {strides = array<i32>} : memref<48x128xf32, #tpu.memory_space<vmem>>, vector<1x16xf32>,
        %get3A_403 = vector.shape_cast %get3A_402 : vector<1x16xf32> to vector<16xf32>
        %mul3A_404 = arith.mulf %get3A_399, %get3A_403 : vector<16xf32>
        %swap3A_405 = arith.index_cast %scan3A_355 : i32 to index
        %swap3A_406 = arith.constant 48 : index
        %swap3A_407 = tpu.vector_load %arg11[%swap3A_405, %swap3A_406] {strides = array<i32>} : memref<48x128xf32, #tpu.memory_space<vmem>>, vector<1x16xf32>,
        %swap3A_408 = vector.shape_cast %swap3A_407 : vector<1x16xf32> to vector<16xf32>
        %swap3A_409 = vector.shape_cast %mul3A_404 : vector<16xf32> to vector<1x16xf32>
        tpu.vector_store %arg11[%swap3A_405, %swap3A_406], %swap3A_409 {strides = array<i32>} : memref<48x128xf32, #tpu.memory_space<vmem>>, vector<1x16xf32>,
        %get3A_410 = arith.index_cast %scan3A_355 : i32 to index
        %get3A_411 = arith.constant 64 : index
        %get3A_412 = tpu.vector_load %arg11[%get3A_410, %get3A_411] {strides = array<i32>} : memref<48x128xf32, #tpu.memory_space<vmem>>, vector<1x16xf32>,
        %get3A_413 = vector.shape_cast %get3A_412 : vector<1x16xf32> to vector<16xf32>
        %get3A_414 = arith.index_cast %scan3A_355 : i32 to index
        %get3A_415 = arith.constant 64 : index
        %get3A_416 = tpu.vector_load %arg13[%get3A_414, %get3A_415] {strides = array<i32>} : memref<48x128xf32, #tpu.memory_space<vmem>>, vector<1x16xf32>,
        %get3A_417 = vector.shape_cast %get3A_416 : vector<1x16xf32> to vector<16xf32>
        %mul3A_418 = arith.mulf %get3A_413, %get3A_417 : vector<16xf32>
        %swap3A_419 = arith.index_cast %scan3A_355 : i32 to index
        %swap3A_420 = arith.constant 64 : index
        %swap3A_421 = tpu.vector_load %arg11[%swap3A_419, %swap3A_420] {strides = array<i32>} : memref<48x128xf32, #tpu.memory_space<vmem>>, vector<1x16xf32>,
        %swap3A_422 = vector.shape_cast %swap3A_421 : vector<1x16xf32> to vector<16xf32>
        %swap3A_423 = vector.shape_cast %mul3A_418 : vector<16xf32> to vector<1x16xf32>
        tpu.vector_store %arg11[%swap3A_419, %swap3A_420], %swap3A_423 {strides = array<i32>} : memref<48x128xf32, #tpu.memory_space<vmem>>, vector<1x16xf32>,
        %get3A_424 = arith.index_cast %scan3A_355 : i32 to index
        %get3A_425 = arith.constant 80 : index
        %get3A_426 = tpu.vector_load %arg11[%get3A_424, %get3A_425] {strides = array<i32>} : memref<48x128xf32, #tpu.memory_space<vmem>>, vector<1x16xf32>,
        %get3A_427 = vector.shape_cast %get3A_426 : vector<1x16xf32> to vector<16xf32>
        %get3A_428 = arith.index_cast %scan3A_355 : i32 to index
        %get3A_429 = arith.constant 80 : index
        %get3A_430 = tpu.vector_load %arg13[%get3A_428, %get3A_429] {strides = array<i32>} : memref<48x128xf32, #tpu.memory_space<vmem>>, vector<1x16xf32>,
        %get3A_431 = vector.shape_cast %get3A_430 : vector<1x16xf32> to vector<16xf32>
        %mul3A_432 = arith.mulf %get3A_427, %get3A_431 : vector<16xf32>
        %swap3A_433 = arith.index_cast %scan3A_355 : i32 to index
        %swap3A_434 = arith.constant 80 : index
        %swap3A_435 = tpu.vector_load %arg11[%swap3A_433, %swap3A_434] {strides = array<i32>} : memref<48x128xf32, #tpu.memory_space<vmem>>, vector<1x16xf32>,
        %swap3A_436 = vector.shape_cast %swap3A_435 : vector<1x16xf32> to vector<16xf32>
        %swap3A_437 = vector.shape_cast %mul3A_432 : vector<16xf32> to vector<1x16xf32>
        tpu.vector_store %arg11[%swap3A_433, %swap3A_434], %swap3A_437 {strides = array<i32>} : memref<48x128xf32, #tpu.memory_space<vmem>>, vector<1x16xf32>,
        %get3A_438 = arith.index_cast %scan3A_355 : i32 to index
        %get3A_439 = arith.constant 96 : index
        %get3A_440 = tpu.vector_load %arg11[%get3A_438, %get3A_439] {strides = array<i32>} : memref<48x128xf32, #tpu.memory_space<vmem>>, vector<1x16xf32>,
        %get3A_441 = vector.shape_cast %get3A_440 : vector<1x16xf32> to vector<16xf32>
        %get3A_442 = arith.index_cast %scan3A_355 : i32 to index
        %get3A_443 = arith.constant 96 : index
        %get3A_444 = tpu.vector_load %arg13[%get3A_442, %get3A_443] {strides = array<i32>} : memref<48x128xf32, #tpu.memory_space<vmem>>, vector<1x16xf32>,
        %get3A_445 = vector.shape_cast %get3A_444 : vector<1x16xf32> to vector<16xf32>
        %mul3A_446 = arith.mulf %get3A_441, %get3A_445 : vector<16xf32>
        %swap3A_447 = arith.index_cast %scan3A_355 : i32 to index
        %swap3A_448 = arith.constant 96 : index
        %swap3A_449 = tpu.vector_load %arg11[%swap3A_447, %swap3A_448] {strides = array<i32>} : memref<48x128xf32, #tpu.memory_space<vmem>>, vector<1x16xf32>,
        %swap3A_450 = vector.shape_cast %swap3A_449 : vector<1x16xf32> to vector<16xf32>
        %swap3A_451 = vector.shape_cast %mul3A_446 : vector<16xf32> to vector<1x16xf32>
        tpu.vector_store %arg11[%swap3A_447, %swap3A_448], %swap3A_451 {strides = array<i32>} : memref<48x128xf32, #tpu.memory_space<vmem>>, vector<1x16xf32>,
        %get3A_452 = arith.index_cast %scan3A_355 : i32 to index
        %get3A_453 = arith.constant 112 : index
        %get3A_454 = tpu.vector_load %arg11[%get3A_452, %get3A_453] {strides = array<i32>} : memref<48x128xf32, #tpu.memory_space<vmem>>, vector<1x16xf32>,
        %get3A_455 = vector.shape_cast %get3A_454 : vector<1x16xf32> to vector<16xf32>
        %get3A_456 = arith.index_cast %scan3A_355 : i32 to index
        %get3A_457 = arith.constant 112 : index
        %get3A_458 = tpu.vector_load %arg13[%get3A_456, %get3A_457] {strides = array<i32>} : memref<48x128xf32, #tpu.memory_space<vmem>>, vector<1x16xf32>,
        %get3A_459 = vector.shape_cast %get3A_458 : vector<1x16xf32> to vector<16xf32>
        %mul3A_460 = arith.mulf %get3A_455, %get3A_459 : vector<16xf32>
        %swap3A_461 = arith.index_cast %scan3A_355 : i32 to index
        %swap3A_462 = arith.constant 112 : index
        %swap3A_463 = tpu.vector_load %arg11[%swap3A_461, %swap3A_462] {strides = array<i32>} : memref<48x128xf32, #tpu.memory_space<vmem>>, vector<1x16xf32>,
        %swap3A_464 = vector.shape_cast %swap3A_463 : vector<1x16xf32> to vector<16xf32>
        %swap3A_465 = vector.shape_cast %mul3A_460 : vector<16xf32> to vector<1x16xf32>
        tpu.vector_store %arg11[%swap3A_461, %swap3A_462], %swap3A_465 {strides = array<i32>} : memref<48x128xf32, #tpu.memory_space<vmem>>, vector<1x16xf32>,
      }
      %scan3A_247 = arith.constant 48 : i32
      %dma_start3A_248 = arith.constant 1 : i32
      %dma_start3A_249 = arith.constant 0 : i32
      %dma_start3A_250 = tpu.memref_slice %arg7[%dma_start3A_248, %dma_start3A_249] : memref<3x48xi32, #tpu.memory_space<vmem>> -> memref<1x48xi32, #tpu.memory_space<vmem>>
      %dma_start3A_251 = tpu.memref_squeeze %dma_start3A_250 : memref<1x48xi32, #tpu.memory_space<vmem>> -> memref<48xi32, #tpu.memory_space<vmem>>
      %dma_start3A_252 = arith.constant 0 : i32
      %dma_start3A_253 = arith.constant 0 : i32
      %dma_start3A_254 = tpu.memref_slice %arg14[%dma_start3A_252, %dma_start3A_253] : memref<10240x128xf32, #tpu.memory_space<vmem_shared>> -> memref<10240x128xf32, #tpu.memory_space<vmem_shared>>
      tpu.enqueue_indirect_dma source(%arg11 : memref<48x128xf32, #tpu.memory_space<vmem>>) target(%dma_start3A_254 : memref<10240x128xf32, #tpu.memory_space<vmem_shared>>) offsets(%dma_start3A_251 : memref<48xi32, #tpu.memory_space<vmem>>) semaphore(%arg21 : memref<!tpu.dma_semaphore, #tpu.memory_space<semaphore_mem>>) {add = true}
      %mul3A_255 = arith.constant 6 : i32
      %mul3A_256 = arith.muli %scan3A_58, %mul3A_255 : i32
      %add3A_257 = arith.constant 4 : i32
      %add3A_258 = arith.addi %mul3A_256, %add3A_257 : i32
      %ge3A_259 = arith.constant 1 : i32
      %ge3A_260 = arith.cmpi sge, %add3A_258, %ge3A_259 : i32
      %convert_element_type3A_261 = arith.extui %ge3A_260 : i1 to i32
      %cond3A_262 = arith.constant 0 : i32
      %cond3A_263 = arith.cmpi ne, %convert_element_type3A_261, %cond3A_262 : i32
      scf.if %cond3A_263 {
        %dma_wait3A_355 = arith.constant 1 : i32
        %dma_wait3A_356 = arith.constant 0 : i32
        %dma_wait3A_357 = tpu.memref_slice %arg7[%dma_wait3A_355, %dma_wait3A_356] : memref<3x48xi32, #tpu.memory_space<vmem>> -> memref<1x48xi32, #tpu.memory_space<vmem>>
        %dma_wait3A_358 = tpu.memref_squeeze %dma_wait3A_357 : memref<1x48xi32, #tpu.memory_space<vmem>> -> memref<48xi32, #tpu.memory_space<vmem>>
        %dma_wait3A_359 = arith.constant 0 : i32
        %dma_wait3A_360 = arith.constant 0 : i32
        %dma_wait3A_361 = tpu.memref_slice %arg14[%dma_wait3A_359, %dma_wait3A_360] : memref<10240x128xf32, #tpu.memory_space<vmem_shared>> -> memref<10240x128xf32, #tpu.memory_space<vmem_shared>>
        tpu.wait_indirect_dma semaphore(%arg21 : memref<!tpu.dma_semaphore, #tpu.memory_space<semaphore_mem>>) src(%arg11 : memref<48x128xf32, #tpu.memory_space<vmem>>) dst(%dma_wait3A_361 : memref<10240x128xf32, #tpu.memory_space<vmem_shared>>)
      } else {
      }
      %add3A_264 = arith.constant 1 : i32
      %add3A_265 = arith.addi %add3A_258, %add3A_264 : i32
      %lt3A_266 = arith.constant 210 : i32
      %lt3A_267 = arith.cmpi slt, %add3A_265, %lt3A_266 : i32
      %convert_element_type3A_268 = arith.extui %lt3A_267 : i1 to i32
      %cond3A_269 = arith.constant 0 : i32
      %cond3A_270 = arith.cmpi ne, %convert_element_type3A_268, %cond3A_269 : i32
      scf.if %cond3A_270 {
        %dma_wait3A_355 = arith.constant 0 : i32
        %dma_wait3A_356 = arith.constant 0 : i32
        %dma_wait3A_357 = tpu.memref_slice %arg2[%mul3A_2, %dma_wait3A_355, %dma_wait3A_356] : memref<6720x3x48xi32, #tpu.memory_space<hbm>> -> memref<1x3x48xi32, #tpu.memory_space<hbm>>
        %dma_wait3A_358 = tpu.memref_squeeze %dma_wait3A_357 : memref<1x3x48xi32, #tpu.memory_space<hbm>> -> memref<3x48xi32, #tpu.memory_space<hbm>>
        %dma_wait3A_359 = arith.constant 0 : i32
        %dma_wait3A_360 = arith.constant 0 : i32
        %dma_wait3A_361 = tpu.memref_slice %arg2[%mul3A_2, %dma_wait3A_359, %dma_wait3A_360] : memref<6720x3x48xi32, #tpu.memory_space<hbm>> -> memref<1x3x48xi32, #tpu.memory_space<hbm>>
        %dma_wait3A_362 = tpu.memref_squeeze %dma_wait3A_361 : memref<1x3x48xi32, #tpu.memory_space<hbm>> -> memref<3x48xi32, #tpu.memory_space<hbm>>
        tpu.wait_dma2 semaphore(%arg17 : memref<!tpu.dma_semaphore, #tpu.memory_space<semaphore_mem>>) src(%dma_wait3A_362 : memref<3x48xi32, #tpu.memory_space<hbm>>) dst(%arg9 : memref<3x48xi32, #tpu.memory_space<vmem>>)
        %dma_start3A_363 = arith.constant 0 : i32
        %dma_start3A_364 = arith.constant 0 : i32
        %dma_start3A_365 = tpu.memref_slice %arg9[%dma_start3A_363, %dma_start3A_364] : memref<3x48xi32, #tpu.memory_space<vmem>> -> memref<1x48xi32, #tpu.memory_space<vmem>>
        %dma_start3A_366 = tpu.memref_squeeze %dma_start3A_365 : memref<1x48xi32, #tpu.memory_space<vmem>> -> memref<48xi32, #tpu.memory_space<vmem>>
        %dma_start3A_367 = arith.constant 0 : i32
        %dma_start3A_368 = arith.constant 0 : i32
        %dma_start3A_369 = tpu.memref_slice %arg3[%dma_start3A_367, %dma_start3A_368] : memref<10000x128xf32, #tpu.memory_space<hbm>> -> memref<10000x128xf32, #tpu.memory_space<hbm>>
        tpu.enqueue_indirect_dma source(%dma_start3A_369 : memref<10000x128xf32, #tpu.memory_space<hbm>>) target(%arg11 : memref<48x128xf32, #tpu.memory_space<vmem>>) offsets(%dma_start3A_366 : memref<48xi32, #tpu.memory_space<vmem>>) semaphore(%arg19 : memref<!tpu.dma_semaphore, #tpu.memory_space<semaphore_mem>>)
        %dma_start3A_370 = arith.constant 2 : i32
        %dma_start3A_371 = arith.constant 0 : i32
        %dma_start3A_372 = tpu.memref_slice %arg9[%dma_start3A_370, %dma_start3A_371] : memref<3x48xi32, #tpu.memory_space<vmem>> -> memref<1x48xi32, #tpu.memory_space<vmem>>
        %dma_start3A_373 = tpu.memref_squeeze %dma_start3A_372 : memref<1x48xi32, #tpu.memory_space<vmem>> -> memref<48xi32, #tpu.memory_space<vmem>>
        %dma_start3A_374 = arith.constant 0 : i32
        %dma_start3A_375 = arith.constant 0 : i32
        %dma_start3A_376 = tpu.memref_slice %arg4[%dma_start3A_374, %dma_start3A_375] : memref<200x128xf32, #tpu.memory_space<hbm>> -> memref<200x128xf32, #tpu.memory_space<hbm>>
        tpu.enqueue_indirect_dma source(%dma_start3A_376 : memref<200x128xf32, #tpu.memory_space<hbm>>) target(%arg13 : memref<48x128xf32, #tpu.memory_space<vmem>>) offsets(%dma_start3A_373 : memref<48xi32, #tpu.memory_space<vmem>>) semaphore(%arg19 : memref<!tpu.dma_semaphore, #tpu.memory_space<semaphore_mem>>)
      } else {
      }
      %dma_wait3A_271 = arith.constant 0 : i32
      %dma_wait3A_272 = arith.constant 0 : i32
      %dma_wait3A_273 = tpu.memref_slice %arg8[%dma_wait3A_271, %dma_wait3A_272] : memref<3x48xi32, #tpu.memory_space<vmem>> -> memref<1x48xi32, #tpu.memory_space<vmem>>
      %dma_wait3A_274 = tpu.memref_squeeze %dma_wait3A_273 : memref<1x48xi32, #tpu.memory_space<vmem>> -> memref<48xi32, #tpu.memory_space<vmem>>
      %dma_wait3A_275 = arith.constant 0 : i32
      %dma_wait3A_276 = arith.constant 0 : i32
      %dma_wait3A_277 = tpu.memref_slice %arg3[%dma_wait3A_275, %dma_wait3A_276] : memref<10000x128xf32, #tpu.memory_space<hbm>> -> memref<10000x128xf32, #tpu.memory_space<hbm>>
      tpu.wait_indirect_dma semaphore(%arg18 : memref<!tpu.dma_semaphore, #tpu.memory_space<semaphore_mem>>) src(%dma_wait3A_277 : memref<10000x128xf32, #tpu.memory_space<hbm>>) dst(%arg10 : memref<48x128xf32, #tpu.memory_space<vmem>>)
      %dma_wait3A_278 = arith.constant 2 : i32
      %dma_wait3A_279 = arith.constant 0 : i32
      %dma_wait3A_280 = tpu.memref_slice %arg8[%dma_wait3A_278, %dma_wait3A_279] : memref<3x48xi32, #tpu.memory_space<vmem>> -> memref<1x48xi32, #tpu.memory_space<vmem>>
      %dma_wait3A_281 = tpu.memref_squeeze %dma_wait3A_280 : memref<1x48xi32, #tpu.memory_space<vmem>> -> memref<48xi32, #tpu.memory_space<vmem>>
      %dma_wait3A_282 = arith.constant 0 : i32
      %dma_wait3A_283 = arith.constant 0 : i32
      %dma_wait3A_284 = tpu.memref_slice %arg4[%dma_wait3A_282, %dma_wait3A_283] : memref<200x128xf32, #tpu.memory_space<hbm>> -> memref<200x128xf32, #tpu.memory_space<hbm>>
      tpu.wait_indirect_dma semaphore(%arg18 : memref<!tpu.dma_semaphore, #tpu.memory_space<semaphore_mem>>) src(%dma_wait3A_284 : memref<200x128xf32, #tpu.memory_space<hbm>>) dst(%arg12 : memref<48x128xf32, #tpu.memory_space<vmem>>)
      %add3A_285 = arith.constant 2 : i32
      %add3A_286 = arith.addi %add3A_258, %add3A_285 : i32
      %lt3A_287 = arith.constant 210 : i32
      %lt3A_288 = arith.cmpi slt, %add3A_286, %lt3A_287 : i32
      %convert_element_type3A_289 = arith.extui %lt3A_288 : i1 to i32
      %cond3A_290 = arith.constant 0 : i32
      %cond3A_291 = arith.cmpi ne, %convert_element_type3A_289, %cond3A_290 : i32
      scf.if %cond3A_291 {
        %add3A_355 = arith.constant 2 : i32
        %add3A_356 = arith.addi %add3A_258, %add3A_355 : i32
        %add3A_357 = arith.addi %mul3A_2, %add3A_356 : i32
        %dma_start3A_358 = arith.constant 0 : i32
        %dma_start3A_359 = arith.constant 0 : i32
        %dma_start3A_360 = tpu.memref_slice %arg2[%add3A_357, %dma_start3A_358, %dma_start3A_359] : memref<6720x3x48xi32, #tpu.memory_space<hbm>> -> memref<1x3x48xi32, #tpu.memory_space<hbm>>
        %dma_start3A_361 = tpu.memref_squeeze %dma_start3A_360 : memref<1x3x48xi32, #tpu.memory_space<hbm>> -> memref<3x48xi32, #tpu.memory_space<hbm>>
        %dma_start3A_362 = arith.constant 0 : i32
        %dma_start3A_363 = arith.constant 0 : i32
        %dma_start3A_364 = tpu.memref_slice %arg2[%add3A_357, %dma_start3A_362, %dma_start3A_363] : memref<6720x3x48xi32, #tpu.memory_space<hbm>> -> memref<1x3x48xi32, #tpu.memory_space<hbm>>
        %dma_start3A_365 = tpu.memref_squeeze %dma_start3A_364 : memref<1x3x48xi32, #tpu.memory_space<hbm>> -> memref<3x48xi32, #tpu.memory_space<hbm>>
        tpu.enqueue_dma source(%dma_start3A_365 : memref<3x48xi32, #tpu.memory_space<hbm>>) target(%arg7 : memref<3x48xi32, #tpu.memory_space<vmem>>) target_semaphore(%arg15 : memref<!tpu.dma_semaphore, #tpu.memory_space<semaphore_mem>>)
      } else {
      }
      %scan3A_292 = arith.constant 0 : i32
      %scan3A_293 = arith.constant 0 : i32
      %scan3A_294 = arith.constant 48 : i32
      %scan3A_295 = arith.addi %scan3A_293, %scan3A_294 : i32
      %scan3A_296 = arith.constant 1 : i32
      scf.for %scan3A_355 = %scan3A_293 to %scan3A_295 step %scan3A_296  : i32 {
        %get3A = arith.index_cast %scan3A_355 : i32 to index
        %get3A_356 = arith.constant 0 : index
        %get3A_357 = tpu.vector_load %arg10[%get3A, %get3A_356] {strides = array<i32>} : memref<48x128xf32, #tpu.memory_space<vmem>>, vector<1x16xf32>,
        %get3A_358 = vector.shape_cast %get3A_357 : vector<1x16xf32> to vector<16xf32>
        %get3A_359 = arith.index_cast %scan3A_355 : i32 to index
        %get3A_360 = arith.constant 0 : index
        %get3A_361 = tpu.vector_load %arg12[%get3A_359, %get3A_360] {strides = array<i32>} : memref<48x128xf32, #tpu.memory_space<vmem>>, vector<1x16xf32>,
        %get3A_362 = vector.shape_cast %get3A_361 : vector<1x16xf32> to vector<16xf32>
        %mul3A_363 = arith.mulf %get3A_358, %get3A_362 : vector<16xf32>
        %swap3A = arith.index_cast %scan3A_355 : i32 to index
        %swap3A_364 = arith.constant 0 : index
        %swap3A_365 = tpu.vector_load %arg10[%swap3A, %swap3A_364] {strides = array<i32>} : memref<48x128xf32, #tpu.memory_space<vmem>>, vector<1x16xf32>,
        %swap3A_366 = vector.shape_cast %swap3A_365 : vector<1x16xf32> to vector<16xf32>
        %swap3A_367 = vector.shape_cast %mul3A_363 : vector<16xf32> to vector<1x16xf32>
        tpu.vector_store %arg10[%swap3A, %swap3A_364], %swap3A_367 {strides = array<i32>} : memref<48x128xf32, #tpu.memory_space<vmem>>, vector<1x16xf32>,
        %get3A_368 = arith.index_cast %scan3A_355 : i32 to index
        %get3A_369 = arith.constant 16 : index
        %get3A_370 = tpu.vector_load %arg10[%get3A_368, %get3A_369] {strides = array<i32>} : memref<48x128xf32, #tpu.memory_space<vmem>>, vector<1x16xf32>,
        %get3A_371 = vector.shape_cast %get3A_370 : vector<1x16xf32> to vector<16xf32>
        %get3A_372 = arith.index_cast %scan3A_355 : i32 to index
        %get3A_373 = arith.constant 16 : index
        %get3A_374 = tpu.vector_load %arg12[%get3A_372, %get3A_373] {strides = array<i32>} : memref<48x128xf32, #tpu.memory_space<vmem>>, vector<1x16xf32>,
        %get3A_375 = vector.shape_cast %get3A_374 : vector<1x16xf32> to vector<16xf32>
        %mul3A_376 = arith.mulf %get3A_371, %get3A_375 : vector<16xf32>
        %swap3A_377 = arith.index_cast %scan3A_355 : i32 to index
        %swap3A_378 = arith.constant 16 : index
        %swap3A_379 = tpu.vector_load %arg10[%swap3A_377, %swap3A_378] {strides = array<i32>} : memref<48x128xf32, #tpu.memory_space<vmem>>, vector<1x16xf32>,
        %swap3A_380 = vector.shape_cast %swap3A_379 : vector<1x16xf32> to vector<16xf32>
        %swap3A_381 = vector.shape_cast %mul3A_376 : vector<16xf32> to vector<1x16xf32>
        tpu.vector_store %arg10[%swap3A_377, %swap3A_378], %swap3A_381 {strides = array<i32>} : memref<48x128xf32, #tpu.memory_space<vmem>>, vector<1x16xf32>,
        %get3A_382 = arith.index_cast %scan3A_355 : i32 to index
        %get3A_383 = arith.constant 32 : index
        %get3A_384 = tpu.vector_load %arg10[%get3A_382, %get3A_383] {strides = array<i32>} : memref<48x128xf32, #tpu.memory_space<vmem>>, vector<1x16xf32>,
        %get3A_385 = vector.shape_cast %get3A_384 : vector<1x16xf32> to vector<16xf32>
        %get3A_386 = arith.index_cast %scan3A_355 : i32 to index
        %get3A_387 = arith.constant 32 : index
        %get3A_388 = tpu.vector_load %arg12[%get3A_386, %get3A_387] {strides = array<i32>} : memref<48x128xf32, #tpu.memory_space<vmem>>, vector<1x16xf32>,
        %get3A_389 = vector.shape_cast %get3A_388 : vector<1x16xf32> to vector<16xf32>
        %mul3A_390 = arith.mulf %get3A_385, %get3A_389 : vector<16xf32>
        %swap3A_391 = arith.index_cast %scan3A_355 : i32 to index
        %swap3A_392 = arith.constant 32 : index
        %swap3A_393 = tpu.vector_load %arg10[%swap3A_391, %swap3A_392] {strides = array<i32>} : memref<48x128xf32, #tpu.memory_space<vmem>>, vector<1x16xf32>,
        %swap3A_394 = vector.shape_cast %swap3A_393 : vector<1x16xf32> to vector<16xf32>
        %swap3A_395 = vector.shape_cast %mul3A_390 : vector<16xf32> to vector<1x16xf32>
        tpu.vector_store %arg10[%swap3A_391, %swap3A_392], %swap3A_395 {strides = array<i32>} : memref<48x128xf32, #tpu.memory_space<vmem>>, vector<1x16xf32>,
        %get3A_396 = arith.index_cast %scan3A_355 : i32 to index
        %get3A_397 = arith.constant 48 : index
        %get3A_398 = tpu.vector_load %arg10[%get3A_396, %get3A_397] {strides = array<i32>} : memref<48x128xf32, #tpu.memory_space<vmem>>, vector<1x16xf32>,
        %get3A_399 = vector.shape_cast %get3A_398 : vector<1x16xf32> to vector<16xf32>
        %get3A_400 = arith.index_cast %scan3A_355 : i32 to index
        %get3A_401 = arith.constant 48 : index
        %get3A_402 = tpu.vector_load %arg12[%get3A_400, %get3A_401] {strides = array<i32>} : memref<48x128xf32, #tpu.memory_space<vmem>>, vector<1x16xf32>,
        %get3A_403 = vector.shape_cast %get3A_402 : vector<1x16xf32> to vector<16xf32>
        %mul3A_404 = arith.mulf %get3A_399, %get3A_403 : vector<16xf32>
        %swap3A_405 = arith.index_cast %scan3A_355 : i32 to index
        %swap3A_406 = arith.constant 48 : index
        %swap3A_407 = tpu.vector_load %arg10[%swap3A_405, %swap3A_406] {strides = array<i32>} : memref<48x128xf32, #tpu.memory_space<vmem>>, vector<1x16xf32>,
        %swap3A_408 = vector.shape_cast %swap3A_407 : vector<1x16xf32> to vector<16xf32>
        %swap3A_409 = vector.shape_cast %mul3A_404 : vector<16xf32> to vector<1x16xf32>
        tpu.vector_store %arg10[%swap3A_405, %swap3A_406], %swap3A_409 {strides = array<i32>} : memref<48x128xf32, #tpu.memory_space<vmem>>, vector<1x16xf32>,
        %get3A_410 = arith.index_cast %scan3A_355 : i32 to index
        %get3A_411 = arith.constant 64 : index
        %get3A_412 = tpu.vector_load %arg10[%get3A_410, %get3A_411] {strides = array<i32>} : memref<48x128xf32, #tpu.memory_space<vmem>>, vector<1x16xf32>,
        %get3A_413 = vector.shape_cast %get3A_412 : vector<1x16xf32> to vector<16xf32>
        %get3A_414 = arith.index_cast %scan3A_355 : i32 to index
        %get3A_415 = arith.constant 64 : index
        %get3A_416 = tpu.vector_load %arg12[%get3A_414, %get3A_415] {strides = array<i32>} : memref<48x128xf32, #tpu.memory_space<vmem>>, vector<1x16xf32>,
        %get3A_417 = vector.shape_cast %get3A_416 : vector<1x16xf32> to vector<16xf32>
        %mul3A_418 = arith.mulf %get3A_413, %get3A_417 : vector<16xf32>
        %swap3A_419 = arith.index_cast %scan3A_355 : i32 to index
        %swap3A_420 = arith.constant 64 : index
        %swap3A_421 = tpu.vector_load %arg10[%swap3A_419, %swap3A_420] {strides = array<i32>} : memref<48x128xf32, #tpu.memory_space<vmem>>, vector<1x16xf32>,
        %swap3A_422 = vector.shape_cast %swap3A_421 : vector<1x16xf32> to vector<16xf32>
        %swap3A_423 = vector.shape_cast %mul3A_418 : vector<16xf32> to vector<1x16xf32>
        tpu.vector_store %arg10[%swap3A_419, %swap3A_420], %swap3A_423 {strides = array<i32>} : memref<48x128xf32, #tpu.memory_space<vmem>>, vector<1x16xf32>,
        %get3A_424 = arith.index_cast %scan3A_355 : i32 to index
        %get3A_425 = arith.constant 80 : index
        %get3A_426 = tpu.vector_load %arg10[%get3A_424, %get3A_425] {strides = array<i32>} : memref<48x128xf32, #tpu.memory_space<vmem>>, vector<1x16xf32>,
        %get3A_427 = vector.shape_cast %get3A_426 : vector<1x16xf32> to vector<16xf32>
        %get3A_428 = arith.index_cast %scan3A_355 : i32 to index
        %get3A_429 = arith.constant 80 : index
        %get3A_430 = tpu.vector_load %arg12[%get3A_428, %get3A_429] {strides = array<i32>} : memref<48x128xf32, #tpu.memory_space<vmem>>, vector<1x16xf32>,
        %get3A_431 = vector.shape_cast %get3A_430 : vector<1x16xf32> to vector<16xf32>
        %mul3A_432 = arith.mulf %get3A_427, %get3A_431 : vector<16xf32>
        %swap3A_433 = arith.index_cast %scan3A_355 : i32 to index
        %swap3A_434 = arith.constant 80 : index
        %swap3A_435 = tpu.vector_load %arg10[%swap3A_433, %swap3A_434] {strides = array<i32>} : memref<48x128xf32, #tpu.memory_space<vmem>>, vector<1x16xf32>,
        %swap3A_436 = vector.shape_cast %swap3A_435 : vector<1x16xf32> to vector<16xf32>
        %swap3A_437 = vector.shape_cast %mul3A_432 : vector<16xf32> to vector<1x16xf32>
        tpu.vector_store %arg10[%swap3A_433, %swap3A_434], %swap3A_437 {strides = array<i32>} : memref<48x128xf32, #tpu.memory_space<vmem>>, vector<1x16xf32>,
        %get3A_438 = arith.index_cast %scan3A_355 : i32 to index
        %get3A_439 = arith.constant 96 : index
        %get3A_440 = tpu.vector_load %arg10[%get3A_438, %get3A_439] {strides = array<i32>} : memref<48x128xf32, #tpu.memory_space<vmem>>, vector<1x16xf32>,
        %get3A_441 = vector.shape_cast %get3A_440 : vector<1x16xf32> to vector<16xf32>
        %get3A_442 = arith.index_cast %scan3A_355 : i32 to index
        %get3A_443 = arith.constant 96 : index
        %get3A_444 = tpu.vector_load %arg12[%get3A_442, %get3A_443] {strides = array<i32>} : memref<48x128xf32, #tpu.memory_space<vmem>>, vector<1x16xf32>,
        %get3A_445 = vector.shape_cast %get3A_444 : vector<1x16xf32> to vector<16xf32>
        %mul3A_446 = arith.mulf %get3A_441, %get3A_445 : vector<16xf32>
        %swap3A_447 = arith.index_cast %scan3A_355 : i32 to index
        %swap3A_448 = arith.constant 96 : index
        %swap3A_449 = tpu.vector_load %arg10[%swap3A_447, %swap3A_448] {strides = array<i32>} : memref<48x128xf32, #tpu.memory_space<vmem>>, vector<1x16xf32>,
        %swap3A_450 = vector.shape_cast %swap3A_449 : vector<1x16xf32> to vector<16xf32>
        %swap3A_451 = vector.shape_cast %mul3A_446 : vector<16xf32> to vector<1x16xf32>
        tpu.vector_store %arg10[%swap3A_447, %swap3A_448], %swap3A_451 {strides = array<i32>} : memref<48x128xf32, #tpu.memory_space<vmem>>, vector<1x16xf32>,
        %get3A_452 = arith.index_cast %scan3A_355 : i32 to index
        %get3A_453 = arith.constant 112 : index
        %get3A_454 = tpu.vector_load %arg10[%get3A_452, %get3A_453] {strides = array<i32>} : memref<48x128xf32, #tpu.memory_space<vmem>>, vector<1x16xf32>,
        %get3A_455 = vector.shape_cast %get3A_454 : vector<1x16xf32> to vector<16xf32>
        %get3A_456 = arith.index_cast %scan3A_355 : i32 to index
        %get3A_457 = arith.constant 112 : index
        %get3A_458 = tpu.vector_load %arg12[%get3A_456, %get3A_457] {strides = array<i32>} : memref<48x128xf32, #tpu.memory_space<vmem>>, vector<1x16xf32>,
        %get3A_459 = vector.shape_cast %get3A_458 : vector<1x16xf32> to vector<16xf32>
        %mul3A_460 = arith.mulf %get3A_455, %get3A_459 : vector<16xf32>
        %swap3A_461 = arith.index_cast %scan3A_355 : i32 to index
        %swap3A_462 = arith.constant 112 : index
        %swap3A_463 = tpu.vector_load %arg10[%swap3A_461, %swap3A_462] {strides = array<i32>} : memref<48x128xf32, #tpu.memory_space<vmem>>, vector<1x16xf32>,
        %swap3A_464 = vector.shape_cast %swap3A_463 : vector<1x16xf32> to vector<16xf32>
        %swap3A_465 = vector.shape_cast %mul3A_460 : vector<16xf32> to vector<1x16xf32>
        tpu.vector_store %arg10[%swap3A_461, %swap3A_462], %swap3A_465 {strides = array<i32>} : memref<48x128xf32, #tpu.memory_space<vmem>>, vector<1x16xf32>,
      }
      %scan3A_297 = arith.constant 48 : i32
      %dma_start3A_298 = arith.constant 1 : i32
      %dma_start3A_299 = arith.constant 0 : i32
      %dma_start3A_300 = tpu.memref_slice %arg8[%dma_start3A_298, %dma_start3A_299] : memref<3x48xi32, #tpu.memory_space<vmem>> -> memref<1x48xi32, #tpu.memory_space<vmem>>
      %dma_start3A_301 = tpu.memref_squeeze %dma_start3A_300 : memref<1x48xi32, #tpu.memory_space<vmem>> -> memref<48xi32, #tpu.memory_space<vmem>>
      %dma_start3A_302 = arith.constant 0 : i32
      %dma_start3A_303 = arith.constant 0 : i32
      %dma_start3A_304 = tpu.memref_slice %arg14[%dma_start3A_302, %dma_start3A_303] : memref<10240x128xf32, #tpu.memory_space<vmem_shared>> -> memref<10240x128xf32, #tpu.memory_space<vmem_shared>>
      tpu.enqueue_indirect_dma source(%arg10 : memref<48x128xf32, #tpu.memory_space<vmem>>) target(%dma_start3A_304 : memref<10240x128xf32, #tpu.memory_space<vmem_shared>>) offsets(%dma_start3A_301 : memref<48xi32, #tpu.memory_space<vmem>>) semaphore(%arg20 : memref<!tpu.dma_semaphore, #tpu.memory_space<semaphore_mem>>) {add = true}
      %mul3A_305 = arith.constant 6 : i32
      %mul3A_306 = arith.muli %scan3A_58, %mul3A_305 : i32
      %add3A_307 = arith.constant 5 : i32
      %add3A_308 = arith.addi %mul3A_306, %add3A_307 : i32
      %ge3A_309 = arith.constant 1 : i32
      %ge3A_310 = arith.cmpi sge, %add3A_308, %ge3A_309 : i32
      %convert_element_type3A_311 = arith.extui %ge3A_310 : i1 to i32
      %cond3A_312 = arith.constant 0 : i32
      %cond3A_313 = arith.cmpi ne, %convert_element_type3A_311, %cond3A_312 : i32
      scf.if %cond3A_313 {
        %dma_wait3A_355 = arith.constant 1 : i32
        %dma_wait3A_356 = arith.constant 0 : i32
        %dma_wait3A_357 = tpu.memref_slice %arg8[%dma_wait3A_355, %dma_wait3A_356] : memref<3x48xi32, #tpu.memory_space<vmem>> -> memref<1x48xi32, #tpu.memory_space<vmem>>
        %dma_wait3A_358 = tpu.memref_squeeze %dma_wait3A_357 : memref<1x48xi32, #tpu.memory_space<vmem>> -> memref<48xi32, #tpu.memory_space<vmem>>
        %dma_wait3A_359 = arith.constant 0 : i32
        %dma_wait3A_360 = arith.constant 0 : i32
        %dma_wait3A_361 = tpu.memref_slice %arg14[%dma_wait3A_359, %dma_wait3A_360] : memref<10240x128xf32, #tpu.memory_space<vmem_shared>> -> memref<10240x128xf32, #tpu.memory_space<vmem_shared>>
        tpu.wait_indirect_dma semaphore(%arg20 : memref<!tpu.dma_semaphore, #tpu.memory_space<semaphore_mem>>) src(%arg10 : memref<48x128xf32, #tpu.memory_space<vmem>>) dst(%dma_wait3A_361 : memref<10240x128xf32, #tpu.memory_space<vmem_shared>>)
      } else {
      }
      %add3A_314 = arith.constant 1 : i32
      %add3A_315 = arith.addi %add3A_308, %add3A_314 : i32
      %lt3A_316 = arith.constant 210 : i32
      %lt3A_317 = arith.cmpi slt, %add3A_315, %lt3A_316 : i32
      %convert_element_type3A_318 = arith.extui %lt3A_317 : i1 to i32
      %cond3A_319 = arith.constant 0 : i32
      %cond3A_320 = arith.cmpi ne, %convert_element_type3A_318, %cond3A_319 : i32
      scf.if %cond3A_320 {
        %dma_wait3A_355 = arith.constant 0 : i32
        %dma_wait3A_356 = arith.constant 0 : i32
        %dma_wait3A_357 = tpu.memref_slice %arg2[%mul3A_2, %dma_wait3A_355, %dma_wait3A_356] : memref<6720x3x48xi32, #tpu.memory_space<hbm>> -> memref<1x3x48xi32, #tpu.memory_space<hbm>>
        %dma_wait3A_358 = tpu.memref_squeeze %dma_wait3A_357 : memref<1x3x48xi32, #tpu.memory_space<hbm>> -> memref<3x48xi32, #tpu.memory_space<hbm>>
        %dma_wait3A_359 = arith.constant 0 : i32
        %dma_wait3A_360 = arith.constant 0 : i32
        %dma_wait3A_361 = tpu.memref_slice %arg2[%mul3A_2, %dma_wait3A_359, %dma_wait3A_360] : memref<6720x3x48xi32, #tpu.memory_space<hbm>> -> memref<1x3x48xi32, #tpu.memory_space<hbm>>
        %dma_wait3A_362 = tpu.memref_squeeze %dma_wait3A_361 : memref<1x3x48xi32, #tpu.memory_space<hbm>> -> memref<3x48xi32, #tpu.memory_space<hbm>>
        tpu.wait_dma2 semaphore(%arg15 : memref<!tpu.dma_semaphore, #tpu.memory_space<semaphore_mem>>) src(%dma_wait3A_362 : memref<3x48xi32, #tpu.memory_space<hbm>>) dst(%arg7 : memref<3x48xi32, #tpu.memory_space<vmem>>)
        %dma_start3A_363 = arith.constant 0 : i32
        %dma_start3A_364 = arith.constant 0 : i32
        %dma_start3A_365 = tpu.memref_slice %arg7[%dma_start3A_363, %dma_start3A_364] : memref<3x48xi32, #tpu.memory_space<vmem>> -> memref<1x48xi32, #tpu.memory_space<vmem>>
        %dma_start3A_366 = tpu.memref_squeeze %dma_start3A_365 : memref<1x48xi32, #tpu.memory_space<vmem>> -> memref<48xi32, #tpu.memory_space<vmem>>
        %dma_start3A_367 = arith.constant 0 : i32
        %dma_start3A_368 = arith.constant 0 : i32
        %dma_start3A_369 = tpu.memref_slice %arg3[%dma_start3A_367, %dma_start3A_368] : memref<10000x128xf32, #tpu.memory_space<hbm>> -> memref<10000x128xf32, #tpu.memory_space<hbm>>
        tpu.enqueue_indirect_dma source(%dma_start3A_369 : memref<10000x128xf32, #tpu.memory_space<hbm>>) target(%arg10 : memref<48x128xf32, #tpu.memory_space<vmem>>) offsets(%dma_start3A_366 : memref<48xi32, #tpu.memory_space<vmem>>) semaphore(%arg18 : memref<!tpu.dma_semaphore, #tpu.memory_space<semaphore_mem>>)
        %dma_start3A_370 = arith.constant 2 : i32
        %dma_start3A_371 = arith.constant 0 : i32
        %dma_start3A_372 = tpu.memref_slice %arg7[%dma_start3A_370, %dma_start3A_371] : memref<3x48xi32, #tpu.memory_space<vmem>> -> memref<1x48xi32, #tpu.memory_space<vmem>>
        %dma_start3A_373 = tpu.memref_squeeze %dma_start3A_372 : memref<1x48xi32, #tpu.memory_space<vmem>> -> memref<48xi32, #tpu.memory_space<vmem>>
        %dma_start3A_374 = arith.constant 0 : i32
        %dma_start3A_375 = arith.constant 0 : i32
        %dma_start3A_376 = tpu.memref_slice %arg4[%dma_start3A_374, %dma_start3A_375] : memref<200x128xf32, #tpu.memory_space<hbm>> -> memref<200x128xf32, #tpu.memory_space<hbm>>
        tpu.enqueue_indirect_dma source(%dma_start3A_376 : memref<200x128xf32, #tpu.memory_space<hbm>>) target(%arg12 : memref<48x128xf32, #tpu.memory_space<vmem>>) offsets(%dma_start3A_373 : memref<48xi32, #tpu.memory_space<vmem>>) semaphore(%arg18 : memref<!tpu.dma_semaphore, #tpu.memory_space<semaphore_mem>>)
      } else {
      }
      %dma_wait3A_321 = arith.constant 0 : i32
      %dma_wait3A_322 = arith.constant 0 : i32
      %dma_wait3A_323 = tpu.memref_slice %arg9[%dma_wait3A_321, %dma_wait3A_322] : memref<3x48xi32, #tpu.memory_space<vmem>> -> memref<1x48xi32, #tpu.memory_space<vmem>>
      %dma_wait3A_324 = tpu.memref_squeeze %dma_wait3A_323 : memref<1x48xi32, #tpu.memory_space<vmem>> -> memref<48xi32, #tpu.memory_space<vmem>>
      %dma_wait3A_325 = arith.constant 0 : i32
      %dma_wait3A_326 = arith.constant 0 : i32
      %dma_wait3A_327 = tpu.memref_slice %arg3[%dma_wait3A_325, %dma_wait3A_326] : memref<10000x128xf32, #tpu.memory_space<hbm>> -> memref<10000x128xf32, #tpu.memory_space<hbm>>
      tpu.wait_indirect_dma semaphore(%arg19 : memref<!tpu.dma_semaphore, #tpu.memory_space<semaphore_mem>>) src(%dma_wait3A_327 : memref<10000x128xf32, #tpu.memory_space<hbm>>) dst(%arg11 : memref<48x128xf32, #tpu.memory_space<vmem>>)
      %dma_wait3A_328 = arith.constant 2 : i32
      %dma_wait3A_329 = arith.constant 0 : i32
      %dma_wait3A_330 = tpu.memref_slice %arg9[%dma_wait3A_328, %dma_wait3A_329] : memref<3x48xi32, #tpu.memory_space<vmem>> -> memref<1x48xi32, #tpu.memory_space<vmem>>
      %dma_wait3A_331 = tpu.memref_squeeze %dma_wait3A_330 : memref<1x48xi32, #tpu.memory_space<vmem>> -> memref<48xi32, #tpu.memory_space<vmem>>
      %dma_wait3A_332 = arith.constant 0 : i32
      %dma_wait3A_333 = arith.constant 0 : i32
      %dma_wait3A_334 = tpu.memref_slice %arg4[%dma_wait3A_332, %dma_wait3A_333] : memref<200x128xf32, #tpu.memory_space<hbm>> -> memref<200x128xf32, #tpu.memory_space<hbm>>
      tpu.wait_indirect_dma semaphore(%arg19 : memref<!tpu.dma_semaphore, #tpu.memory_space<semaphore_mem>>) src(%dma_wait3A_334 : memref<200x128xf32, #tpu.memory_space<hbm>>) dst(%arg13 : memref<48x128xf32, #tpu.memory_space<vmem>>)
      %add3A_335 = arith.constant 2 : i32
      %add3A_336 = arith.addi %add3A_308, %add3A_335 : i32
      %lt3A_337 = arith.constant 210 : i32
      %lt3A_338 = arith.cmpi slt, %add3A_336, %lt3A_337 : i32
      %convert_element_type3A_339 = arith.extui %lt3A_338 : i1 to i32
      %cond3A_340 = arith.constant 0 : i32
      %cond3A_341 = arith.cmpi ne, %convert_element_type3A_339, %cond3A_340 : i32
      scf.if %cond3A_341 {
        %add3A_355 = arith.constant 2 : i32
        %add3A_356 = arith.addi %add3A_308, %add3A_355 : i32
        %add3A_357 = arith.addi %mul3A_2, %add3A_356 : i32
        %dma_start3A_358 = arith.constant 0 : i32
        %dma_start3A_359 = arith.constant 0 : i32
        %dma_start3A_360 = tpu.memref_slice %arg2[%add3A_357, %dma_start3A_358, %dma_start3A_359] : memref<6720x3x48xi32, #tpu.memory_space<hbm>> -> memref<1x3x48xi32, #tpu.memory_space<hbm>>
        %dma_start3A_361 = tpu.memref_squeeze %dma_start3A_360 : memref<1x3x48xi32, #tpu.memory_space<hbm>> -> memref<3x48xi32, #tpu.memory_space<hbm>>
        %dma_start3A_362 = arith.constant 0 : i32
        %dma_start3A_363 = arith.constant 0 : i32
        %dma_start3A_364 = tpu.memref_slice %arg2[%add3A_357, %dma_start3A_362, %dma_start3A_363] : memref<6720x3x48xi32, #tpu.memory_space<hbm>> -> memref<1x3x48xi32, #tpu.memory_space<hbm>>
        %dma_start3A_365 = tpu.memref_squeeze %dma_start3A_364 : memref<1x3x48xi32, #tpu.memory_space<hbm>> -> memref<3x48xi32, #tpu.memory_space<hbm>>
        tpu.enqueue_dma source(%dma_start3A_365 : memref<3x48xi32, #tpu.memory_space<hbm>>) target(%arg8 : memref<3x48xi32, #tpu.memory_space<vmem>>) target_semaphore(%arg16 : memref<!tpu.dma_semaphore, #tpu.memory_space<semaphore_mem>>)
      } else {
      }
      %scan3A_342 = arith.constant 0 : i32
      %scan3A_343 = arith.constant 0 : i32
      %scan3A_344 = arith.constant 48 : i32
      %scan3A_345 = arith.addi %scan3A_343, %scan3A_344 : i32
      %scan3A_346 = arith.constant 1 : i32
      scf.for %scan3A_355 = %scan3A_343 to %scan3A_345 step %scan3A_346  : i32 {
        %get3A = arith.index_cast %scan3A_355 : i32 to index
        %get3A_356 = arith.constant 0 : index
        %get3A_357 = tpu.vector_load %arg11[%get3A, %get3A_356] {strides = array<i32>} : memref<48x128xf32, #tpu.memory_space<vmem>>, vector<1x16xf32>,
        %get3A_358 = vector.shape_cast %get3A_357 : vector<1x16xf32> to vector<16xf32>
        %get3A_359 = arith.index_cast %scan3A_355 : i32 to index
        %get3A_360 = arith.constant 0 : index
        %get3A_361 = tpu.vector_load %arg13[%get3A_359, %get3A_360] {strides = array<i32>} : memref<48x128xf32, #tpu.memory_space<vmem>>, vector<1x16xf32>,
        %get3A_362 = vector.shape_cast %get3A_361 : vector<1x16xf32> to vector<16xf32>
        %mul3A_363 = arith.mulf %get3A_358, %get3A_362 : vector<16xf32>
        %swap3A = arith.index_cast %scan3A_355 : i32 to index
        %swap3A_364 = arith.constant 0 : index
        %swap3A_365 = tpu.vector_load %arg11[%swap3A, %swap3A_364] {strides = array<i32>} : memref<48x128xf32, #tpu.memory_space<vmem>>, vector<1x16xf32>,
        %swap3A_366 = vector.shape_cast %swap3A_365 : vector<1x16xf32> to vector<16xf32>
        %swap3A_367 = vector.shape_cast %mul3A_363 : vector<16xf32> to vector<1x16xf32>
        tpu.vector_store %arg11[%swap3A, %swap3A_364], %swap3A_367 {strides = array<i32>} : memref<48x128xf32, #tpu.memory_space<vmem>>, vector<1x16xf32>,
        %get3A_368 = arith.index_cast %scan3A_355 : i32 to index
        %get3A_369 = arith.constant 16 : index
        %get3A_370 = tpu.vector_load %arg11[%get3A_368, %get3A_369] {strides = array<i32>} : memref<48x128xf32, #tpu.memory_space<vmem>>, vector<1x16xf32>,
        %get3A_371 = vector.shape_cast %get3A_370 : vector<1x16xf32> to vector<16xf32>
        %get3A_372 = arith.index_cast %scan3A_355 : i32 to index
        %get3A_373 = arith.constant 16 : index
        %get3A_374 = tpu.vector_load %arg13[%get3A_372, %get3A_373] {strides = array<i32>} : memref<48x128xf32, #tpu.memory_space<vmem>>, vector<1x16xf32>,
        %get3A_375 = vector.shape_cast %get3A_374 : vector<1x16xf32> to vector<16xf32>
        %mul3A_376 = arith.mulf %get3A_371, %get3A_375 : vector<16xf32>
        %swap3A_377 = arith.index_cast %scan3A_355 : i32 to index
        %swap3A_378 = arith.constant 16 : index
        %swap3A_379 = tpu.vector_load %arg11[%swap3A_377, %swap3A_378] {strides = array<i32>} : memref<48x128xf32, #tpu.memory_space<vmem>>, vector<1x16xf32>,
        %swap3A_380 = vector.shape_cast %swap3A_379 : vector<1x16xf32> to vector<16xf32>
        %swap3A_381 = vector.shape_cast %mul3A_376 : vector<16xf32> to vector<1x16xf32>
        tpu.vector_store %arg11[%swap3A_377, %swap3A_378], %swap3A_381 {strides = array<i32>} : memref<48x128xf32, #tpu.memory_space<vmem>>, vector<1x16xf32>,
        %get3A_382 = arith.index_cast %scan3A_355 : i32 to index
        %get3A_383 = arith.constant 32 : index
        %get3A_384 = tpu.vector_load %arg11[%get3A_382, %get3A_383] {strides = array<i32>} : memref<48x128xf32, #tpu.memory_space<vmem>>, vector<1x16xf32>,
        %get3A_385 = vector.shape_cast %get3A_384 : vector<1x16xf32> to vector<16xf32>
        %get3A_386 = arith.index_cast %scan3A_355 : i32 to index
        %get3A_387 = arith.constant 32 : index
        %get3A_388 = tpu.vector_load %arg13[%get3A_386, %get3A_387] {strides = array<i32>} : memref<48x128xf32, #tpu.memory_space<vmem>>, vector<1x16xf32>,
        %get3A_389 = vector.shape_cast %get3A_388 : vector<1x16xf32> to vector<16xf32>
        %mul3A_390 = arith.mulf %get3A_385, %get3A_389 : vector<16xf32>
        %swap3A_391 = arith.index_cast %scan3A_355 : i32 to index
        %swap3A_392 = arith.constant 32 : index
        %swap3A_393 = tpu.vector_load %arg11[%swap3A_391, %swap3A_392] {strides = array<i32>} : memref<48x128xf32, #tpu.memory_space<vmem>>, vector<1x16xf32>,
        %swap3A_394 = vector.shape_cast %swap3A_393 : vector<1x16xf32> to vector<16xf32>
        %swap3A_395 = vector.shape_cast %mul3A_390 : vector<16xf32> to vector<1x16xf32>
        tpu.vector_store %arg11[%swap3A_391, %swap3A_392], %swap3A_395 {strides = array<i32>} : memref<48x128xf32, #tpu.memory_space<vmem>>, vector<1x16xf32>,
        %get3A_396 = arith.index_cast %scan3A_355 : i32 to index
        %get3A_397 = arith.constant 48 : index
        %get3A_398 = tpu.vector_load %arg11[%get3A_396, %get3A_397] {strides = array<i32>} : memref<48x128xf32, #tpu.memory_space<vmem>>, vector<1x16xf32>,
        %get3A_399 = vector.shape_cast %get3A_398 : vector<1x16xf32> to vector<16xf32>
        %get3A_400 = arith.index_cast %scan3A_355 : i32 to index
        %get3A_401 = arith.constant 48 : index
        %get3A_402 = tpu.vector_load %arg13[%get3A_400, %get3A_401] {strides = array<i32>} : memref<48x128xf32, #tpu.memory_space<vmem>>, vector<1x16xf32>,
        %get3A_403 = vector.shape_cast %get3A_402 : vector<1x16xf32> to vector<16xf32>
        %mul3A_404 = arith.mulf %get3A_399, %get3A_403 : vector<16xf32>
        %swap3A_405 = arith.index_cast %scan3A_355 : i32 to index
        %swap3A_406 = arith.constant 48 : index
        %swap3A_407 = tpu.vector_load %arg11[%swap3A_405, %swap3A_406] {strides = array<i32>} : memref<48x128xf32, #tpu.memory_space<vmem>>, vector<1x16xf32>,
        %swap3A_408 = vector.shape_cast %swap3A_407 : vector<1x16xf32> to vector<16xf32>
        %swap3A_409 = vector.shape_cast %mul3A_404 : vector<16xf32> to vector<1x16xf32>
        tpu.vector_store %arg11[%swap3A_405, %swap3A_406], %swap3A_409 {strides = array<i32>} : memref<48x128xf32, #tpu.memory_space<vmem>>, vector<1x16xf32>,
        %get3A_410 = arith.index_cast %scan3A_355 : i32 to index
        %get3A_411 = arith.constant 64 : index
        %get3A_412 = tpu.vector_load %arg11[%get3A_410, %get3A_411] {strides = array<i32>} : memref<48x128xf32, #tpu.memory_space<vmem>>, vector<1x16xf32>,
        %get3A_413 = vector.shape_cast %get3A_412 : vector<1x16xf32> to vector<16xf32>
        %get3A_414 = arith.index_cast %scan3A_355 : i32 to index
        %get3A_415 = arith.constant 64 : index
        %get3A_416 = tpu.vector_load %arg13[%get3A_414, %get3A_415] {strides = array<i32>} : memref<48x128xf32, #tpu.memory_space<vmem>>, vector<1x16xf32>,
        %get3A_417 = vector.shape_cast %get3A_416 : vector<1x16xf32> to vector<16xf32>
        %mul3A_418 = arith.mulf %get3A_413, %get3A_417 : vector<16xf32>
        %swap3A_419 = arith.index_cast %scan3A_355 : i32 to index
        %swap3A_420 = arith.constant 64 : index
        %swap3A_421 = tpu.vector_load %arg11[%swap3A_419, %swap3A_420] {strides = array<i32>} : memref<48x128xf32, #tpu.memory_space<vmem>>, vector<1x16xf32>,
        %swap3A_422 = vector.shape_cast %swap3A_421 : vector<1x16xf32> to vector<16xf32>
        %swap3A_423 = vector.shape_cast %mul3A_418 : vector<16xf32> to vector<1x16xf32>
        tpu.vector_store %arg11[%swap3A_419, %swap3A_420], %swap3A_423 {strides = array<i32>} : memref<48x128xf32, #tpu.memory_space<vmem>>, vector<1x16xf32>,
        %get3A_424 = arith.index_cast %scan3A_355 : i32 to index
        %get3A_425 = arith.constant 80 : index
        %get3A_426 = tpu.vector_load %arg11[%get3A_424, %get3A_425] {strides = array<i32>} : memref<48x128xf32, #tpu.memory_space<vmem>>, vector<1x16xf32>,
        %get3A_427 = vector.shape_cast %get3A_426 : vector<1x16xf32> to vector<16xf32>
        %get3A_428 = arith.index_cast %scan3A_355 : i32 to index
        %get3A_429 = arith.constant 80 : index
        %get3A_430 = tpu.vector_load %arg13[%get3A_428, %get3A_429] {strides = array<i32>} : memref<48x128xf32, #tpu.memory_space<vmem>>, vector<1x16xf32>,
        %get3A_431 = vector.shape_cast %get3A_430 : vector<1x16xf32> to vector<16xf32>
        %mul3A_432 = arith.mulf %get3A_427, %get3A_431 : vector<16xf32>
        %swap3A_433 = arith.index_cast %scan3A_355 : i32 to index
        %swap3A_434 = arith.constant 80 : index
        %swap3A_435 = tpu.vector_load %arg11[%swap3A_433, %swap3A_434] {strides = array<i32>} : memref<48x128xf32, #tpu.memory_space<vmem>>, vector<1x16xf32>,
        %swap3A_436 = vector.shape_cast %swap3A_435 : vector<1x16xf32> to vector<16xf32>
        %swap3A_437 = vector.shape_cast %mul3A_432 : vector<16xf32> to vector<1x16xf32>
        tpu.vector_store %arg11[%swap3A_433, %swap3A_434], %swap3A_437 {strides = array<i32>} : memref<48x128xf32, #tpu.memory_space<vmem>>, vector<1x16xf32>,
        %get3A_438 = arith.index_cast %scan3A_355 : i32 to index
        %get3A_439 = arith.constant 96 : index
        %get3A_440 = tpu.vector_load %arg11[%get3A_438, %get3A_439] {strides = array<i32>} : memref<48x128xf32, #tpu.memory_space<vmem>>, vector<1x16xf32>,
        %get3A_441 = vector.shape_cast %get3A_440 : vector<1x16xf32> to vector<16xf32>
        %get3A_442 = arith.index_cast %scan3A_355 : i32 to index
        %get3A_443 = arith.constant 96 : index
        %get3A_444 = tpu.vector_load %arg13[%get3A_442, %get3A_443] {strides = array<i32>} : memref<48x128xf32, #tpu.memory_space<vmem>>, vector<1x16xf32>,
        %get3A_445 = vector.shape_cast %get3A_444 : vector<1x16xf32> to vector<16xf32>
        %mul3A_446 = arith.mulf %get3A_441, %get3A_445 : vector<16xf32>
        %swap3A_447 = arith.index_cast %scan3A_355 : i32 to index
        %swap3A_448 = arith.constant 96 : index
        %swap3A_449 = tpu.vector_load %arg11[%swap3A_447, %swap3A_448] {strides = array<i32>} : memref<48x128xf32, #tpu.memory_space<vmem>>, vector<1x16xf32>,
        %swap3A_450 = vector.shape_cast %swap3A_449 : vector<1x16xf32> to vector<16xf32>
        %swap3A_451 = vector.shape_cast %mul3A_446 : vector<16xf32> to vector<1x16xf32>
        tpu.vector_store %arg11[%swap3A_447, %swap3A_448], %swap3A_451 {strides = array<i32>} : memref<48x128xf32, #tpu.memory_space<vmem>>, vector<1x16xf32>,
        %get3A_452 = arith.index_cast %scan3A_355 : i32 to index
        %get3A_453 = arith.constant 112 : index
        %get3A_454 = tpu.vector_load %arg11[%get3A_452, %get3A_453] {strides = array<i32>} : memref<48x128xf32, #tpu.memory_space<vmem>>, vector<1x16xf32>,
        %get3A_455 = vector.shape_cast %get3A_454 : vector<1x16xf32> to vector<16xf32>
        %get3A_456 = arith.index_cast %scan3A_355 : i32 to index
        %get3A_457 = arith.constant 112 : index
        %get3A_458 = tpu.vector_load %arg13[%get3A_456, %get3A_457] {strides = array<i32>} : memref<48x128xf32, #tpu.memory_space<vmem>>, vector<1x16xf32>,
        %get3A_459 = vector.shape_cast %get3A_458 : vector<1x16xf32> to vector<16xf32>
        %mul3A_460 = arith.mulf %get3A_455, %get3A_459 : vector<16xf32>
        %swap3A_461 = arith.index_cast %scan3A_355 : i32 to index
        %swap3A_462 = arith.constant 112 : index
        %swap3A_463 = tpu.vector_load %arg11[%swap3A_461, %swap3A_462] {strides = array<i32>} : memref<48x128xf32, #tpu.memory_space<vmem>>, vector<1x16xf32>,
        %swap3A_464 = vector.shape_cast %swap3A_463 : vector<1x16xf32> to vector<16xf32>
        %swap3A_465 = vector.shape_cast %mul3A_460 : vector<16xf32> to vector<1x16xf32>
        tpu.vector_store %arg11[%swap3A_461, %swap3A_462], %swap3A_465 {strides = array<i32>} : memref<48x128xf32, #tpu.memory_space<vmem>>, vector<1x16xf32>,
      }
      %scan3A_347 = arith.constant 48 : i32
      %dma_start3A_348 = arith.constant 1 : i32
      %dma_start3A_349 = arith.constant 0 : i32
      %dma_start3A_350 = tpu.memref_slice %arg9[%dma_start3A_348, %dma_start3A_349] : memref<3x48xi32, #tpu.memory_space<vmem>> -> memref<1x48xi32, #tpu.memory_space<vmem>>
      %dma_start3A_351 = tpu.memref_squeeze %dma_start3A_350 : memref<1x48xi32, #tpu.memory_space<vmem>> -> memref<48xi32, #tpu.memory_space<vmem>>
      %dma_start3A_352 = arith.constant 0 : i32
      %dma_start3A_353 = arith.constant 0 : i32
      %dma_start3A_354 = tpu.memref_slice %arg14[%dma_start3A_352, %dma_start3A_353] : memref<10240x128xf32, #tpu.memory_space<vmem_shared>> -> memref<10240x128xf32, #tpu.memory_space<vmem_shared>>
      tpu.enqueue_indirect_dma source(%arg11 : memref<48x128xf32, #tpu.memory_space<vmem>>) target(%dma_start3A_354 : memref<10240x128xf32, #tpu.memory_space<vmem_shared>>) offsets(%dma_start3A_351 : memref<48xi32, #tpu.memory_space<vmem>>) semaphore(%arg21 : memref<!tpu.dma_semaphore, #tpu.memory_space<semaphore_mem>>) {add = true}
    }
    %scan3A_49 = arith.constant 35 : i32
    %dma_wait3A_50 = arith.constant 1 : i32
    %dma_wait3A_51 = arith.constant 0 : i32
    %dma_wait3A_52 = tpu.memref_slice %arg9[%dma_wait3A_50, %dma_wait3A_51] : memref<3x48xi32, #tpu.memory_space<vmem>> -> memref<1x48xi32, #tpu.memory_space<vmem>>
    %dma_wait3A_53 = tpu.memref_squeeze %dma_wait3A_52 : memref<1x48xi32, #tpu.memory_space<vmem>> -> memref<48xi32, #tpu.memory_space<vmem>>
    %dma_wait3A_54 = arith.constant 0 : i32
    %dma_wait3A_55 = arith.constant 0 : i32
    %dma_wait3A_56 = tpu.memref_slice %arg14[%dma_wait3A_54, %dma_wait3A_55] : memref<10240x128xf32, #tpu.memory_space<vmem_shared>> -> memref<10240x128xf32, #tpu.memory_space<vmem_shared>>
    tpu.wait_indirect_dma semaphore(%arg21 : memref<!tpu.dma_semaphore, #tpu.memory_space<semaphore_mem>>) src(%arg11 : memref<48x128xf32, #tpu.memory_space<vmem>>) dst(%dma_wait3A_56 : memref<10240x128xf32, #tpu.memory_space<vmem_shared>>)
    %barrier3A_57 = arith.constant 0 : index
    tpu.barrier barrier_id(%barrier3A_57)
    "tpu.region"() ({
      %run_scoped3A = tpu.sem_alloc : memref<!tpu.dma_semaphore, #tpu.memory_space<semaphore_mem>>
      %dma_start3A_58 = arith.constant 0 : i32
      %dma_start3A_59 = arith.constant 0 : i32
      %dma_start3A_60 = tpu.memref_slice %arg6[%arg0, %dma_start3A_58, %dma_start3A_59] : memref<2x10240x128xf32, #tpu.memory_space<hbm>> -> memref<1x10240x128xf32, #tpu.memory_space<hbm>>
      %dma_start3A_61 = tpu.memref_squeeze %dma_start3A_60 : memref<1x10240x128xf32, #tpu.memory_space<hbm>> -> memref<10240x128xf32, #tpu.memory_space<hbm>>
      %dma_start3A_62 = arith.constant 0 : i32
      %dma_start3A_63 = tpu.memref_slice %dma_start3A_61[%mul3A_4, %dma_start3A_62] : memref<10240x128xf32, #tpu.memory_space<hbm>> -> memref<640x128xf32, #tpu.memory_space<hbm>>
      %dma_start3A_64 = arith.constant 0 : i32
      %dma_start3A_65 = tpu.memref_slice %arg14[%mul3A_4, %dma_start3A_64] : memref<10240x128xf32, #tpu.memory_space<vmem_shared>> -> memref<640x128xf32, #tpu.memory_space<vmem_shared>>
      tpu.enqueue_dma source(%dma_start3A_65 : memref<640x128xf32, #tpu.memory_space<vmem_shared>>) target(%dma_start3A_63 : memref<640x128xf32, #tpu.memory_space<hbm>>) target_semaphore(%run_scoped3A : memref<!tpu.dma_semaphore, #tpu.memory_space<semaphore_mem>>)
      %dma_wait3A_66 = arith.constant 0 : i32
      %dma_wait3A_67 = arith.constant 0 : i32
      %dma_wait3A_68 = tpu.memref_slice %arg6[%arg0, %dma_wait3A_66, %dma_wait3A_67] : memref<2x10240x128xf32, #tpu.memory_space<hbm>> -> memref<1x10240x128xf32, #tpu.memory_space<hbm>>
      %dma_wait3A_69 = tpu.memref_squeeze %dma_wait3A_68 : memref<1x10240x128xf32, #tpu.memory_space<hbm>> -> memref<10240x128xf32, #tpu.memory_space<hbm>>
      %dma_wait3A_70 = arith.constant 0 : i32
      %dma_wait3A_71 = tpu.memref_slice %dma_wait3A_69[%mul3A_4, %dma_wait3A_70] : memref<10240x128xf32, #tpu.memory_space<hbm>> -> memref<640x128xf32, #tpu.memory_space<hbm>>
      %dma_wait3A_72 = arith.constant 0 : i32
      %dma_wait3A_73 = tpu.memref_slice %arg14[%mul3A_4, %dma_wait3A_72] : memref<10240x128xf32, #tpu.memory_space<vmem_shared>> -> memref<640x128xf32, #tpu.memory_space<vmem_shared>>
      tpu.wait_dma2 semaphore(%run_scoped3A : memref<!tpu.dma_semaphore, #tpu.memory_space<semaphore_mem>>) src(%dma_wait3A_73 : memref<640x128xf32, #tpu.memory_space<vmem_shared>>) dst(%dma_wait3A_71 : memref<640x128xf32, #tpu.memory_space<hbm>>)
      tpu.yield
    }) : () -> ()
    return
  }
}

module attributes {stable_mosaic.version = 14 : i64} {
  func.func @_time_body(%arg0: i32, %arg1: memref<2000x128xf32, #tpu.memory_space<vmem>>, %arg2: memref<128x128xf32, #tpu.memory_space<vmem>>, %arg3: memref<1x128xf32, #tpu.memory_space<vmem>>, %arg4: memref<1x128xf32, #tpu.memory_space<vmem>>, %arg5: memref<1x128xf32, #tpu.memory_space<vmem>>, %arg6: memref<2000x128xf32, #tpu.memory_space<vmem>>) attributes {dimension_semantics = [#tpu.dimension_semantics<arbitrary>], iteration_bounds = array<i64: 5>, scalar_prefetch = 0 : i64, scratch_operands = 0 : i64, tpu.core_type = #tpu.core_type<tc>, window_params = [{transform_indices = @transform_0, window_bounds = array<i64: 2000, 128>}, {pipeline_mode = #tpu.pipeline_mode<synchronous>, transform_indices = @transform_1, window_bounds = array<i64: 128, 128>}, {pipeline_mode = #tpu.pipeline_mode<synchronous>, transform_indices = @transform_2, window_bounds = array<i64: 1, 128>}, {pipeline_mode = #tpu.pipeline_mode<synchronous>, transform_indices = @transform_3, window_bounds = array<i64: 1, 128>}, {pipeline_mode = #tpu.pipeline_mode<synchronous>, transform_indices = @transform_4, window_bounds = array<i64: 1, 128>}, {transform_indices = @transform_5, window_bounds = array<i64: 2000, 128>}]} {
    %get3A = arith.constant 0 : index
    %get3A_0 = arith.constant 0 : index
    %get3A_1 = vector.load %arg1[%get3A, %get3A_0] : memref<2000x128xf32, #tpu.memory_space<vmem>>, vector<2000x128xf32>
    %get3A_2 = arith.constant 0 : index
    %get3A_3 = arith.constant 0 : index
    %get3A_4 = vector.load %arg2[%get3A_2, %get3A_3] : memref<128x128xf32, #tpu.memory_space<vmem>>, vector<128x128xf32>
    %dot_general3A = arith.constant dense<0.000000e+00> : vector<2000x128xf32>
    %dot_general3A_5 = tpu.matmul %get3A_1, %get3A_4, %dot_general3A {dimension_numbers = #tpu.dot_dimension_numbers<[1], [0], [0], [1], [0, 0, 1, 1], [], []>, transpose_lhs_hint = false} : vector<2000x128xf32>, vector<128x128xf32>, vector<2000x128xf32> -> vector<2000x128xf32>
    %get3A_6 = arith.constant 0 : index
    %get3A_7 = arith.constant 0 : index
    %get3A_8 = vector.load %arg3[%get3A_6, %get3A_7] : memref<1x128xf32, #tpu.memory_space<vmem>>, vector<1x128xf32>
    %add3A = vector.broadcast %get3A_8 : vector<1x128xf32> to vector<2000x128xf32>
    %add3A_9 = arith.addf %dot_general3A_5, %add3A : vector<2000x128xf32>
    %get3A_10 = arith.constant 0 : index
    %get3A_11 = arith.constant 0 : index
    %get3A_12 = vector.load %arg4[%get3A_10, %get3A_11] : memref<1x128xf32, #tpu.memory_space<vmem>>, vector<1x128xf32>
    %get3A_13 = arith.constant 0 : index
    %get3A_14 = arith.constant 0 : index
    %get3A_15 = vector.load %arg5[%get3A_13, %get3A_14] : memref<1x128xf32, #tpu.memory_space<vmem>>, vector<1x128xf32>
    %reduce_sum3A = arith.constant dense<0.000000e+00> : vector<2000xf32>
    %reduce_sum3A_16 = vector.multi_reduction <add>, %add3A_9, %reduce_sum3A [1] : vector<2000x128xf32> to vector<2000xf32>
    %broadcast_in_dim3A = vector.shape_cast %reduce_sum3A_16 : vector<2000xf32> to vector<2000x1xf32>
    %div3A = arith.constant 1.280000e+02 : f32
    %div3A_17 = vector.broadcast %div3A : f32 to vector<2000x1xf32>
    %div3A_18 = arith.divf %broadcast_in_dim3A, %div3A_17 : vector<2000x1xf32>
    %sub3A = vector.broadcast %div3A_18 : vector<2000x1xf32> to vector<2000x128xf32>
    %sub3A_19 = arith.subf %add3A_9, %sub3A : vector<2000x128xf32>
    %integer_pow3A = arith.mulf %sub3A_19, %sub3A_19 : vector<2000x128xf32>
    %reduce_sum3A_20 = arith.constant dense<0.000000e+00> : vector<2000xf32>
    %reduce_sum3A_21 = vector.multi_reduction <add>, %integer_pow3A, %reduce_sum3A_20 [1] : vector<2000x128xf32> to vector<2000xf32>
    %broadcast_in_dim3A_22 = vector.shape_cast %reduce_sum3A_21 : vector<2000xf32> to vector<2000x1xf32>
    %div3A_23 = arith.constant 1.280000e+02 : f32
    %div3A_24 = vector.broadcast %div3A_23 : f32 to vector<2000x1xf32>
    %div3A_25 = arith.divf %broadcast_in_dim3A_22, %div3A_24 : vector<2000x1xf32>
    %sub3A_26 = vector.broadcast %div3A_18 : vector<2000x1xf32> to vector<2000x128xf32>
    %sub3A_27 = arith.subf %add3A_9, %sub3A_26 : vector<2000x128xf32>
    %add3A_28 = arith.constant 9.99999974E-6 : f32
    %add3A_29 = vector.broadcast %add3A_28 : f32 to vector<2000x1xf32>
    %add3A_30 = arith.addf %div3A_25, %add3A_29 : vector<2000x1xf32>
    %sqrt3A = math.sqrt %add3A_30 : vector<2000x1xf32>
    %div3A_31 = vector.broadcast %sqrt3A : vector<2000x1xf32> to vector<2000x128xf32>
    %div3A_32 = arith.divf %sub3A_27, %div3A_31 : vector<2000x128xf32>
    %mul3A = vector.broadcast %get3A_12 : vector<1x128xf32> to vector<2000x128xf32>
    %mul3A_33 = arith.mulf %div3A_32, %mul3A : vector<2000x128xf32>
    %add3A_34 = vector.broadcast %get3A_15 : vector<1x128xf32> to vector<2000x128xf32>
    %add3A_35 = arith.addf %mul3A_33, %add3A_34 : vector<2000x128xf32>
    %swap3A = arith.constant 0 : index
    %swap3A_36 = arith.constant 0 : index
    %swap3A_37 = vector.load %arg6[%swap3A, %swap3A_36] : memref<2000x128xf32, #tpu.memory_space<vmem>>, vector<2000x128xf32>
    tpu.vector_store %arg6[%swap3A, %swap3A_36], %add3A_35 {strides = array<i32>} : memref<2000x128xf32, #tpu.memory_space<vmem>>, vector<2000x128xf32>,
    return
  }
  func.func @transform_0(%arg0: i32) -> (i32, i32) {
    %c0_i32 = arith.constant 0 : i32
    %c0_i32_0 = arith.constant 0 : i32
    return %arg0, %c0_i32 : i32, i32
  }
  func.func @transform_1(%arg0: i32) -> (i32, i32) {
    %c0_i32 = arith.constant 0 : i32
    %c0_i32_0 = arith.constant 0 : i32
    %c0_i32_1 = arith.constant 0 : i32
    return %c0_i32, %c0_i32_0 : i32, i32
  }
  func.func @transform_2(%arg0: i32) -> (i32, i32) {
    %c0_i32 = arith.constant 0 : i32
    %c0_i32_0 = arith.constant 0 : i32
    %c0_i32_1 = arith.constant 0 : i32
    return %c0_i32, %c0_i32_0 : i32, i32
  }
  func.func @transform_3(%arg0: i32) -> (i32, i32) {
    %c0_i32 = arith.constant 0 : i32
    %c0_i32_0 = arith.constant 0 : i32
    %c0_i32_1 = arith.constant 0 : i32
    return %c0_i32, %c0_i32_0 : i32, i32
  }
  func.func @transform_4(%arg0: i32) -> (i32, i32) {
    %c0_i32 = arith.constant 0 : i32
    %c0_i32_0 = arith.constant 0 : i32
    %c0_i32_1 = arith.constant 0 : i32
    return %c0_i32, %c0_i32_0 : i32, i32
  }
  func.func @transform_5(%arg0: i32) -> (i32, i32) {
    %c0_i32 = arith.constant 0 : i32
    %c0_i32_0 = arith.constant 0 : i32
    return %arg0, %c0_i32 : i32, i32
  }
}

module attributes {stable_mosaic.version = 14 : i64} {
  func.func @_rel_body(%arg0: memref<200x128xf32, #tpu.memory_space<vmem>>, %arg1: memref<128x128xf32, #tpu.memory_space<vmem>>, %arg2: memref<1x128xf32, #tpu.memory_space<vmem>>, %arg3: memref<1x128xf32, #tpu.memory_space<vmem>>, %arg4: memref<128x128xf32, #tpu.memory_space<vmem>>, %arg5: memref<1x128xf32, #tpu.memory_space<vmem>>, %arg6: memref<1x128xf32, #tpu.memory_space<vmem>>, %arg7: memref<200x128xf32, #tpu.memory_space<vmem>>, %arg8: memref<200x128xf32, #tpu.memory_space<vmem>>) attributes {dimension_semantics = [], scalar_prefetch = 0 : i64, scratch_operands = 0 : i64, tpu.core_type = #tpu.core_type<tc>} {
    %get3A = arith.constant 0 : index
    %get3A_0 = arith.constant 0 : index
    %get3A_1 = vector.load %arg0[%get3A, %get3A_0] : memref<200x128xf32, #tpu.memory_space<vmem>>, vector<200x128xf32>
    %get3A_2 = arith.constant 0 : index
    %get3A_3 = arith.constant 0 : index
    %get3A_4 = vector.load %arg1[%get3A_2, %get3A_3] : memref<128x128xf32, #tpu.memory_space<vmem>>, vector<128x128xf32>
    %dot_general3A = arith.constant dense<0.000000e+00> : vector<200x128xf32>
    %dot_general3A_5 = tpu.matmul %get3A_1, %get3A_4, %dot_general3A {dimension_numbers = #tpu.dot_dimension_numbers<[1], [0], [0], [1], [0, 0, 1, 1], [], []>, transpose_lhs_hint = false} : vector<200x128xf32>, vector<128x128xf32>, vector<200x128xf32> -> vector<200x128xf32>
    %get3A_6 = arith.constant 0 : index
    %get3A_7 = arith.constant 0 : index
    %get3A_8 = vector.load %arg2[%get3A_6, %get3A_7] : memref<1x128xf32, #tpu.memory_space<vmem>>, vector<1x128xf32>
    %get3A_9 = arith.constant 0 : index
    %get3A_10 = arith.constant 0 : index
    %get3A_11 = vector.load %arg3[%get3A_9, %get3A_10] : memref<1x128xf32, #tpu.memory_space<vmem>>, vector<1x128xf32>
    %reduce_sum3A = arith.constant dense<0.000000e+00> : vector<200xf32>
    %reduce_sum3A_12 = vector.multi_reduction <add>, %dot_general3A_5, %reduce_sum3A [1] : vector<200x128xf32> to vector<200xf32>
    %broadcast_in_dim3A = vector.shape_cast %reduce_sum3A_12 : vector<200xf32> to vector<200x1xf32>
    %div3A = arith.constant 1.280000e+02 : f32
    %div3A_13 = vector.broadcast %div3A : f32 to vector<200x1xf32>
    %div3A_14 = arith.divf %broadcast_in_dim3A, %div3A_13 : vector<200x1xf32>
    %sub3A = vector.broadcast %div3A_14 : vector<200x1xf32> to vector<200x128xf32>
    %sub3A_15 = arith.subf %dot_general3A_5, %sub3A : vector<200x128xf32>
    %integer_pow3A = arith.mulf %sub3A_15, %sub3A_15 : vector<200x128xf32>
    %reduce_sum3A_16 = arith.constant dense<0.000000e+00> : vector<200xf32>
    %reduce_sum3A_17 = vector.multi_reduction <add>, %integer_pow3A, %reduce_sum3A_16 [1] : vector<200x128xf32> to vector<200xf32>
    %broadcast_in_dim3A_18 = vector.shape_cast %reduce_sum3A_17 : vector<200xf32> to vector<200x1xf32>
    %div3A_19 = arith.constant 1.280000e+02 : f32
    %div3A_20 = vector.broadcast %div3A_19 : f32 to vector<200x1xf32>
    %div3A_21 = arith.divf %broadcast_in_dim3A_18, %div3A_20 : vector<200x1xf32>
    %sub3A_22 = vector.broadcast %div3A_14 : vector<200x1xf32> to vector<200x128xf32>
    %sub3A_23 = arith.subf %dot_general3A_5, %sub3A_22 : vector<200x128xf32>
    %add3A = arith.constant 9.99999974E-6 : f32
    %add3A_24 = vector.broadcast %add3A : f32 to vector<200x1xf32>
    %add3A_25 = arith.addf %div3A_21, %add3A_24 : vector<200x1xf32>
    %sqrt3A = math.sqrt %add3A_25 : vector<200x1xf32>
    %div3A_26 = vector.broadcast %sqrt3A : vector<200x1xf32> to vector<200x128xf32>
    %div3A_27 = arith.divf %sub3A_23, %div3A_26 : vector<200x128xf32>
    %mul3A = vector.broadcast %get3A_8 : vector<1x128xf32> to vector<200x128xf32>
    %mul3A_28 = arith.mulf %div3A_27, %mul3A : vector<200x128xf32>
    %add3A_29 = vector.broadcast %get3A_11 : vector<1x128xf32> to vector<200x128xf32>
    %add3A_30 = arith.addf %mul3A_28, %add3A_29 : vector<200x128xf32>
    %tanh3A = math.tanh %add3A_30 : vector<200x128xf32>
    %swap3A = arith.constant 0 : index
    %swap3A_31 = arith.constant 0 : index
    %swap3A_32 = vector.load %arg7[%swap3A, %swap3A_31] : memref<200x128xf32, #tpu.memory_space<vmem>>, vector<200x128xf32>
    tpu.vector_store %arg7[%swap3A, %swap3A_31], %tanh3A {strides = array<i32>} : memref<200x128xf32, #tpu.memory_space<vmem>>, vector<200x128xf32>,
    %get3A_33 = arith.constant 0 : index
    %get3A_34 = arith.constant 0 : index
    %get3A_35 = vector.load %arg4[%get3A_33, %get3A_34] : memref<128x128xf32, #tpu.memory_space<vmem>>, vector<128x128xf32>
    %dot_general3A_36 = arith.constant dense<0.000000e+00> : vector<200x128xf32>
    %dot_general3A_37 = tpu.matmul %tanh3A, %get3A_35, %dot_general3A_36 {dimension_numbers = #tpu.dot_dimension_numbers<[1], [0], [0], [1], [0, 0, 1, 1], [], []>, transpose_lhs_hint = false} : vector<200x128xf32>, vector<128x128xf32>, vector<200x128xf32> -> vector<200x128xf32>
    %get3A_38 = arith.constant 0 : index
    %get3A_39 = arith.constant 0 : index
    %get3A_40 = vector.load %arg5[%get3A_38, %get3A_39] : memref<1x128xf32, #tpu.memory_space<vmem>>, vector<1x128xf32>
    %get3A_41 = arith.constant 0 : index
    %get3A_42 = arith.constant 0 : index
    %get3A_43 = vector.load %arg6[%get3A_41, %get3A_42] : memref<1x128xf32, #tpu.memory_space<vmem>>, vector<1x128xf32>
    %reduce_sum3A_44 = arith.constant dense<0.000000e+00> : vector<200xf32>
    %reduce_sum3A_45 = vector.multi_reduction <add>, %dot_general3A_37, %reduce_sum3A_44 [1] : vector<200x128xf32> to vector<200xf32>
    %broadcast_in_dim3A_46 = vector.shape_cast %reduce_sum3A_45 : vector<200xf32> to vector<200x1xf32>
    %div3A_47 = arith.constant 1.280000e+02 : f32
    %div3A_48 = vector.broadcast %div3A_47 : f32 to vector<200x1xf32>
    %div3A_49 = arith.divf %broadcast_in_dim3A_46, %div3A_48 : vector<200x1xf32>
    %sub3A_50 = vector.broadcast %div3A_49 : vector<200x1xf32> to vector<200x128xf32>
    %sub3A_51 = arith.subf %dot_general3A_37, %sub3A_50 : vector<200x128xf32>
    %integer_pow3A_52 = arith.mulf %sub3A_51, %sub3A_51 : vector<200x128xf32>
    %reduce_sum3A_53 = arith.constant dense<0.000000e+00> : vector<200xf32>
    %reduce_sum3A_54 = vector.multi_reduction <add>, %integer_pow3A_52, %reduce_sum3A_53 [1] : vector<200x128xf32> to vector<200xf32>
    %broadcast_in_dim3A_55 = vector.shape_cast %reduce_sum3A_54 : vector<200xf32> to vector<200x1xf32>
    %div3A_56 = arith.constant 1.280000e+02 : f32
    %div3A_57 = vector.broadcast %div3A_56 : f32 to vector<200x1xf32>
    %div3A_58 = arith.divf %broadcast_in_dim3A_55, %div3A_57 : vector<200x1xf32>
    %sub3A_59 = vector.broadcast %div3A_49 : vector<200x1xf32> to vector<200x128xf32>
    %sub3A_60 = arith.subf %dot_general3A_37, %sub3A_59 : vector<200x128xf32>
    %add3A_61 = arith.constant 9.99999974E-6 : f32
    %add3A_62 = vector.broadcast %add3A_61 : f32 to vector<200x1xf32>
    %add3A_63 = arith.addf %div3A_58, %add3A_62 : vector<200x1xf32>
    %sqrt3A_64 = math.sqrt %add3A_63 : vector<200x1xf32>
    %div3A_65 = vector.broadcast %sqrt3A_64 : vector<200x1xf32> to vector<200x128xf32>
    %div3A_66 = arith.divf %sub3A_60, %div3A_65 : vector<200x128xf32>
    %mul3A_67 = vector.broadcast %get3A_40 : vector<1x128xf32> to vector<200x128xf32>
    %mul3A_68 = arith.mulf %div3A_66, %mul3A_67 : vector<200x128xf32>
    %add3A_69 = vector.broadcast %get3A_43 : vector<1x128xf32> to vector<200x128xf32>
    %add3A_70 = arith.addf %mul3A_68, %add3A_69 : vector<200x128xf32>
    %tanh3A_71 = math.tanh %add3A_70 : vector<200x128xf32>
    %swap3A_72 = arith.constant 0 : index
    %swap3A_73 = arith.constant 0 : index
    %swap3A_74 = vector.load %arg8[%swap3A_72, %swap3A_73] : memref<200x128xf32, #tpu.memory_space<vmem>>, vector<200x128xf32>
    tpu.vector_store %arg8[%swap3A_72, %swap3A_73], %tanh3A_71 {strides = array<i32>} : memref<200x128xf32, #tpu.memory_space<vmem>>, vector<200x128xf32>,
    return
  }
}

module attributes {stable_mosaic.version = 14 : i64} {
  func.func @_layer_body(%arg0: i32, %arg1: memref<2000x128xf32, #tpu.memory_space<vmem>>, %arg2: memref<2000x128xf32, #tpu.memory_space<vmem>>, %arg3: memref<2000x128xf32, #tpu.memory_space<vmem>>, %arg4: memref<2000x128xf32, #tpu.memory_space<vmem>>, %arg5: memref<2000x128xf32, #tpu.memory_space<vmem>>, %arg6: memref<2000x128xf32, #tpu.memory_space<vmem>>, %arg7: memref<128x128xf32, #tpu.memory_space<vmem>>, %arg8: memref<128x128xf32, #tpu.memory_space<vmem>>, %arg9: memref<1x128xf32, #tpu.memory_space<vmem>>, %arg10: memref<1x128xf32, #tpu.memory_space<vmem>>, %arg11: memref<1x128xf32, #tpu.memory_space<vmem>>, %arg12: memref<2000x128xf32, #tpu.memory_space<vmem>>) attributes {dimension_semantics = [#tpu.dimension_semantics<arbitrary>], iteration_bounds = array<i64: 5>, scalar_prefetch = 0 : i64, scratch_operands = 0 : i64, tpu.core_type = #tpu.core_type<tc>, window_params = [{transform_indices = @transform_0, window_bounds = array<i64: 2000, 128>}, {transform_indices = @transform_1, window_bounds = array<i64: 2000, 128>}, {transform_indices = @transform_2, window_bounds = array<i64: 2000, 128>}, {transform_indices = @transform_3, window_bounds = array<i64: 2000, 128>}, {transform_indices = @transform_4, window_bounds = array<i64: 2000, 128>}, {transform_indices = @transform_5, window_bounds = array<i64: 2000, 128>}, {pipeline_mode = #tpu.pipeline_mode<synchronous>, transform_indices = @transform_6, window_bounds = array<i64: 128, 128>}, {pipeline_mode = #tpu.pipeline_mode<synchronous>, transform_indices = @transform_7, window_bounds = array<i64: 128, 128>}, {pipeline_mode = #tpu.pipeline_mode<synchronous>, transform_indices = @transform_8, window_bounds = array<i64: 1, 128>}, {pipeline_mode = #tpu.pipeline_mode<synchronous>, transform_indices = @transform_9, window_bounds = array<i64: 1, 128>}, {pipeline_mode = #tpu.pipeline_mode<synchronous>, transform_indices = @transform_10, window_bounds = array<i64: 1, 128>}, {transform_indices = @transform_11, window_bounds = array<i64: 2000, 128>}]} {
    %get3A = arith.constant 0 : index
    %get3A_0 = arith.constant 0 : index
    %get3A_1 = vector.load %arg1[%get3A, %get3A_0] : memref<2000x128xf32, #tpu.memory_space<vmem>>, vector<2000x128xf32>
    %get3A_2 = arith.constant 0 : index
    %get3A_3 = arith.constant 0 : index
    %get3A_4 = vector.load %arg2[%get3A_2, %get3A_3] : memref<2000x128xf32, #tpu.memory_space<vmem>>, vector<2000x128xf32>
    %add3A = arith.addf %get3A_1, %get3A_4 : vector<2000x128xf32>
    %get3A_5 = arith.constant 0 : index
    %get3A_6 = arith.constant 0 : index
    %get3A_7 = vector.load %arg3[%get3A_5, %get3A_6] : memref<2000x128xf32, #tpu.memory_space<vmem>>, vector<2000x128xf32>
    %get3A_8 = arith.constant 0 : index
    %get3A_9 = arith.constant 0 : index
    %get3A_10 = vector.load %arg4[%get3A_8, %get3A_9] : memref<2000x128xf32, #tpu.memory_space<vmem>>, vector<2000x128xf32>
    %add3A_11 = arith.addf %get3A_7, %get3A_10 : vector<2000x128xf32>
    %slice3A = vector.extract_strided_slice %add3A_11 {offsets = [0, 0], sizes = [2000, 1], strides = [1, 1]} : vector<2000x128xf32> to vector<2000x1xf32>
    %get3A_12 = arith.constant 0 : index
    %get3A_13 = arith.constant 0 : index
    %get3A_14 = vector.load %arg7[%get3A_12, %get3A_13] : memref<128x128xf32, #tpu.memory_space<vmem>>, vector<128x128xf32>
    %dot_general3A = arith.constant dense<0.000000e+00> : vector<2000x128xf32>
    %dot_general3A_15 = tpu.matmul %add3A, %get3A_14, %dot_general3A {dimension_numbers = #tpu.dot_dimension_numbers<[1], [0], [0], [1], [0, 0, 1, 1], [], []>, transpose_lhs_hint = false} : vector<2000x128xf32>, vector<128x128xf32>, vector<2000x128xf32> -> vector<2000x128xf32>
    %max3A = arith.constant 1.000000e+00 : f32
    %max3A_16 = vector.broadcast %max3A : f32 to vector<2000x1xf32>
    %max3A_17 = arith.maximumf %slice3A, %max3A_16 : vector<2000x1xf32>
    %div3A = vector.broadcast %max3A_17 : vector<2000x1xf32> to vector<2000x128xf32>
    %div3A_18 = arith.divf %dot_general3A_15, %div3A : vector<2000x128xf32>
    %get3A_19 = arith.constant 0 : index
    %get3A_20 = arith.constant 0 : index
    %get3A_21 = vector.load %arg5[%get3A_19, %get3A_20] : memref<2000x128xf32, #tpu.memory_space<vmem>>, vector<2000x128xf32>
    %get3A_22 = arith.constant 0 : index
    %get3A_23 = arith.constant 0 : index
    %get3A_24 = vector.load %arg8[%get3A_22, %get3A_23] : memref<128x128xf32, #tpu.memory_space<vmem>>, vector<128x128xf32>
    %dot_general3A_25 = arith.constant dense<0.000000e+00> : vector<2000x128xf32>
    %dot_general3A_26 = tpu.matmul %get3A_21, %get3A_24, %dot_general3A_25 {dimension_numbers = #tpu.dot_dimension_numbers<[1], [0], [0], [1], [0, 0, 1, 1], [], []>, transpose_lhs_hint = false} : vector<2000x128xf32>, vector<128x128xf32>, vector<2000x128xf32> -> vector<2000x128xf32>
    %add3A_27 = arith.addf %div3A_18, %dot_general3A_26 : vector<2000x128xf32>
    %get3A_28 = arith.constant 0 : index
    %get3A_29 = arith.constant 0 : index
    %get3A_30 = vector.load %arg9[%get3A_28, %get3A_29] : memref<1x128xf32, #tpu.memory_space<vmem>>, vector<1x128xf32>
    %add3A_31 = vector.broadcast %get3A_30 : vector<1x128xf32> to vector<2000x128xf32>
    %add3A_32 = arith.addf %add3A_27, %add3A_31 : vector<2000x128xf32>
    %get3A_33 = arith.constant 0 : index
    %get3A_34 = arith.constant 0 : index
    %get3A_35 = vector.load %arg6[%get3A_33, %get3A_34] : memref<2000x128xf32, #tpu.memory_space<vmem>>, vector<2000x128xf32>
    %add3A_36 = arith.addf %add3A_32, %get3A_35 : vector<2000x128xf32>
    %get3A_37 = arith.constant 0 : index
    %get3A_38 = arith.constant 0 : index
    %get3A_39 = vector.load %arg10[%get3A_37, %get3A_38] : memref<1x128xf32, #tpu.memory_space<vmem>>, vector<1x128xf32>
    %get3A_40 = arith.constant 0 : index
    %get3A_41 = arith.constant 0 : index
    %get3A_42 = vector.load %arg11[%get3A_40, %get3A_41] : memref<1x128xf32, #tpu.memory_space<vmem>>, vector<1x128xf32>
    %reduce_sum3A = arith.constant dense<0.000000e+00> : vector<2000xf32>
    %reduce_sum3A_43 = vector.multi_reduction <add>, %add3A_36, %reduce_sum3A [1] : vector<2000x128xf32> to vector<2000xf32>
    %broadcast_in_dim3A = vector.shape_cast %reduce_sum3A_43 : vector<2000xf32> to vector<2000x1xf32>
    %div3A_44 = arith.constant 1.280000e+02 : f32
    %div3A_45 = vector.broadcast %div3A_44 : f32 to vector<2000x1xf32>
    %div3A_46 = arith.divf %broadcast_in_dim3A, %div3A_45 : vector<2000x1xf32>
    %sub3A = vector.broadcast %div3A_46 : vector<2000x1xf32> to vector<2000x128xf32>
    %sub3A_47 = arith.subf %add3A_36, %sub3A : vector<2000x128xf32>
    %integer_pow3A = arith.mulf %sub3A_47, %sub3A_47 : vector<2000x128xf32>
    %reduce_sum3A_48 = arith.constant dense<0.000000e+00> : vector<2000xf32>
    %reduce_sum3A_49 = vector.multi_reduction <add>, %integer_pow3A, %reduce_sum3A_48 [1] : vector<2000x128xf32> to vector<2000xf32>
    %broadcast_in_dim3A_50 = vector.shape_cast %reduce_sum3A_49 : vector<2000xf32> to vector<2000x1xf32>
    %div3A_51 = arith.constant 1.280000e+02 : f32
    %div3A_52 = vector.broadcast %div3A_51 : f32 to vector<2000x1xf32>
    %div3A_53 = arith.divf %broadcast_in_dim3A_50, %div3A_52 : vector<2000x1xf32>
    %sub3A_54 = vector.broadcast %div3A_46 : vector<2000x1xf32> to vector<2000x128xf32>
    %sub3A_55 = arith.subf %add3A_36, %sub3A_54 : vector<2000x128xf32>
    %add3A_56 = arith.constant 9.99999974E-6 : f32
    %add3A_57 = vector.broadcast %add3A_56 : f32 to vector<2000x1xf32>
    %add3A_58 = arith.addf %div3A_53, %add3A_57 : vector<2000x1xf32>
    %sqrt3A = math.sqrt %add3A_58 : vector<2000x1xf32>
    %div3A_59 = vector.broadcast %sqrt3A : vector<2000x1xf32> to vector<2000x128xf32>
    %div3A_60 = arith.divf %sub3A_55, %div3A_59 : vector<2000x128xf32>
    %mul3A = vector.broadcast %get3A_39 : vector<1x128xf32> to vector<2000x128xf32>
    %mul3A_61 = arith.mulf %div3A_60, %mul3A : vector<2000x128xf32>
    %add3A_62 = vector.broadcast %get3A_42 : vector<1x128xf32> to vector<2000x128xf32>
    %add3A_63 = arith.addf %mul3A_61, %add3A_62 : vector<2000x128xf32>
    %tanh3A = math.tanh %add3A_63 : vector<2000x128xf32>
    %swap3A = arith.constant 0 : index
    %swap3A_64 = arith.constant 0 : index
    %swap3A_65 = vector.load %arg12[%swap3A, %swap3A_64] : memref<2000x128xf32, #tpu.memory_space<vmem>>, vector<2000x128xf32>
    tpu.vector_store %arg12[%swap3A, %swap3A_64], %tanh3A {strides = array<i32>} : memref<2000x128xf32, #tpu.memory_space<vmem>>, vector<2000x128xf32>,
    return
  }
  func.func @transform_0(%arg0: i32) -> (i32, i32) {
    %c0_i32 = arith.constant 0 : i32
    %c0_i32_0 = arith.constant 0 : i32
    return %arg0, %c0_i32 : i32, i32
  }
  func.func @transform_1(%arg0: i32) -> (i32, i32) {
    %c0_i32 = arith.constant 0 : i32
    %c0_i32_0 = arith.constant 0 : i32
    return %arg0, %c0_i32 : i32, i32
  }
  func.func @transform_2(%arg0: i32) -> (i32, i32) {
    %c0_i32 = arith.constant 0 : i32
    %c0_i32_0 = arith.constant 0 : i32
    return %arg0, %c0_i32 : i32, i32
  }
  func.func @transform_3(%arg0: i32) -> (i32, i32) {
    %c0_i32 = arith.constant 0 : i32
    %c0_i32_0 = arith.constant 0 : i32
    return %arg0, %c0_i32 : i32, i32
  }
  func.func @transform_4(%arg0: i32) -> (i32, i32) {
    %c0_i32 = arith.constant 0 : i32
    %c0_i32_0 = arith.constant 0 : i32
    return %arg0, %c0_i32 : i32, i32
  }
  func.func @transform_5(%arg0: i32) -> (i32, i32) {
    %c0_i32 = arith.constant 0 : i32
    %c0_i32_0 = arith.constant 0 : i32
    return %arg0, %c0_i32 : i32, i32
  }
  func.func @transform_6(%arg0: i32) -> (i32, i32) {
    %c0_i32 = arith.constant 0 : i32
    %c0_i32_0 = arith.constant 0 : i32
    %c0_i32_1 = arith.constant 0 : i32
    return %c0_i32, %c0_i32_0 : i32, i32
  }
  func.func @transform_7(%arg0: i32) -> (i32, i32) {
    %c0_i32 = arith.constant 0 : i32
    %c0_i32_0 = arith.constant 0 : i32
    %c0_i32_1 = arith.constant 0 : i32
    return %c0_i32, %c0_i32_0 : i32, i32
  }
  func.func @transform_8(%arg0: i32) -> (i32, i32) {
    %c0_i32 = arith.constant 0 : i32
    %c0_i32_0 = arith.constant 0 : i32
    %c0_i32_1 = arith.constant 0 : i32
    return %c0_i32, %c0_i32_0 : i32, i32
  }
  func.func @transform_9(%arg0: i32) -> (i32, i32) {
    %c0_i32 = arith.constant 0 : i32
    %c0_i32_0 = arith.constant 0 : i32
    %c0_i32_1 = arith.constant 0 : i32
    return %c0_i32, %c0_i32_0 : i32, i32
  }
  func.func @transform_10(%arg0: i32) -> (i32, i32) {
    %c0_i32 = arith.constant 0 : i32
    %c0_i32_0 = arith.constant 0 : i32
    %c0_i32_1 = arith.constant 0 : i32
    return %c0_i32, %c0_i32_0 : i32, i32
  }
  func.func @transform_11(%arg0: i32) -> (i32, i32) {
    %c0_i32 = arith.constant 0 : i32
    %c0_i32_0 = arith.constant 0 : i32
    return %arg0, %c0_i32 : i32, i32
  }
}

module attributes {stable_mosaic.version = 14 : i64} {
  func.func @_layer_body(%arg0: i32, %arg1: memref<2000x128xf32, #tpu.memory_space<vmem>>, %arg2: memref<2000x128xf32, #tpu.memory_space<vmem>>, %arg3: memref<2000x128xf32, #tpu.memory_space<vmem>>, %arg4: memref<2000x128xf32, #tpu.memory_space<vmem>>, %arg5: memref<2000x128xf32, #tpu.memory_space<vmem>>, %arg6: memref<2000x128xf32, #tpu.memory_space<vmem>>, %arg7: memref<128x128xf32, #tpu.memory_space<vmem>>, %arg8: memref<128x128xf32, #tpu.memory_space<vmem>>, %arg9: memref<1x128xf32, #tpu.memory_space<vmem>>, %arg10: memref<1x128xf32, #tpu.memory_space<vmem>>, %arg11: memref<1x128xf32, #tpu.memory_space<vmem>>, %arg12: memref<2000x128xf32, #tpu.memory_space<vmem>>) attributes {dimension_semantics = [#tpu.dimension_semantics<arbitrary>], iteration_bounds = array<i64: 5>, scalar_prefetch = 0 : i64, scratch_operands = 0 : i64, tpu.core_type = #tpu.core_type<tc>, window_params = [{transform_indices = @transform_0, window_bounds = array<i64: 2000, 128>}, {transform_indices = @transform_1, window_bounds = array<i64: 2000, 128>}, {transform_indices = @transform_2, window_bounds = array<i64: 2000, 128>}, {transform_indices = @transform_3, window_bounds = array<i64: 2000, 128>}, {transform_indices = @transform_4, window_bounds = array<i64: 2000, 128>}, {transform_indices = @transform_5, window_bounds = array<i64: 2000, 128>}, {pipeline_mode = #tpu.pipeline_mode<synchronous>, transform_indices = @transform_6, window_bounds = array<i64: 128, 128>}, {pipeline_mode = #tpu.pipeline_mode<synchronous>, transform_indices = @transform_7, window_bounds = array<i64: 128, 128>}, {pipeline_mode = #tpu.pipeline_mode<synchronous>, transform_indices = @transform_8, window_bounds = array<i64: 1, 128>}, {pipeline_mode = #tpu.pipeline_mode<synchronous>, transform_indices = @transform_9, window_bounds = array<i64: 1, 128>}, {pipeline_mode = #tpu.pipeline_mode<synchronous>, transform_indices = @transform_10, window_bounds = array<i64: 1, 128>}, {transform_indices = @transform_11, window_bounds = array<i64: 2000, 128>}]} {
    %get3A = arith.constant 0 : index
    %get3A_0 = arith.constant 0 : index
    %get3A_1 = vector.load %arg1[%get3A, %get3A_0] : memref<2000x128xf32, #tpu.memory_space<vmem>>, vector<2000x128xf32>
    %get3A_2 = arith.constant 0 : index
    %get3A_3 = arith.constant 0 : index
    %get3A_4 = vector.load %arg2[%get3A_2, %get3A_3] : memref<2000x128xf32, #tpu.memory_space<vmem>>, vector<2000x128xf32>
    %add3A = arith.addf %get3A_1, %get3A_4 : vector<2000x128xf32>
    %get3A_5 = arith.constant 0 : index
    %get3A_6 = arith.constant 0 : index
    %get3A_7 = vector.load %arg3[%get3A_5, %get3A_6] : memref<2000x128xf32, #tpu.memory_space<vmem>>, vector<2000x128xf32>
    %get3A_8 = arith.constant 0 : index
    %get3A_9 = arith.constant 0 : index
    %get3A_10 = vector.load %arg4[%get3A_8, %get3A_9] : memref<2000x128xf32, #tpu.memory_space<vmem>>, vector<2000x128xf32>
    %add3A_11 = arith.addf %get3A_7, %get3A_10 : vector<2000x128xf32>
    %slice3A = vector.extract_strided_slice %add3A_11 {offsets = [0, 0], sizes = [2000, 1], strides = [1, 1]} : vector<2000x128xf32> to vector<2000x1xf32>
    %get3A_12 = arith.constant 0 : index
    %get3A_13 = arith.constant 0 : index
    %get3A_14 = vector.load %arg7[%get3A_12, %get3A_13] : memref<128x128xf32, #tpu.memory_space<vmem>>, vector<128x128xf32>
    %dot_general3A = arith.constant dense<0.000000e+00> : vector<2000x128xf32>
    %dot_general3A_15 = tpu.matmul %add3A, %get3A_14, %dot_general3A {dimension_numbers = #tpu.dot_dimension_numbers<[1], [0], [0], [1], [0, 0, 1, 1], [], []>, transpose_lhs_hint = false} : vector<2000x128xf32>, vector<128x128xf32>, vector<2000x128xf32> -> vector<2000x128xf32>
    %max3A = arith.constant 1.000000e+00 : f32
    %max3A_16 = vector.broadcast %max3A : f32 to vector<2000x1xf32>
    %max3A_17 = arith.maximumf %slice3A, %max3A_16 : vector<2000x1xf32>
    %div3A = vector.broadcast %max3A_17 : vector<2000x1xf32> to vector<2000x128xf32>
    %div3A_18 = arith.divf %dot_general3A_15, %div3A : vector<2000x128xf32>
    %get3A_19 = arith.constant 0 : index
    %get3A_20 = arith.constant 0 : index
    %get3A_21 = vector.load %arg5[%get3A_19, %get3A_20] : memref<2000x128xf32, #tpu.memory_space<vmem>>, vector<2000x128xf32>
    %get3A_22 = arith.constant 0 : index
    %get3A_23 = arith.constant 0 : index
    %get3A_24 = vector.load %arg8[%get3A_22, %get3A_23] : memref<128x128xf32, #tpu.memory_space<vmem>>, vector<128x128xf32>
    %dot_general3A_25 = arith.constant dense<0.000000e+00> : vector<2000x128xf32>
    %dot_general3A_26 = tpu.matmul %get3A_21, %get3A_24, %dot_general3A_25 {dimension_numbers = #tpu.dot_dimension_numbers<[1], [0], [0], [1], [0, 0, 1, 1], [], []>, transpose_lhs_hint = false} : vector<2000x128xf32>, vector<128x128xf32>, vector<2000x128xf32> -> vector<2000x128xf32>
    %add3A_27 = arith.addf %div3A_18, %dot_general3A_26 : vector<2000x128xf32>
    %get3A_28 = arith.constant 0 : index
    %get3A_29 = arith.constant 0 : index
    %get3A_30 = vector.load %arg9[%get3A_28, %get3A_29] : memref<1x128xf32, #tpu.memory_space<vmem>>, vector<1x128xf32>
    %add3A_31 = vector.broadcast %get3A_30 : vector<1x128xf32> to vector<2000x128xf32>
    %add3A_32 = arith.addf %add3A_27, %add3A_31 : vector<2000x128xf32>
    %get3A_33 = arith.constant 0 : index
    %get3A_34 = arith.constant 0 : index
    %get3A_35 = vector.load %arg6[%get3A_33, %get3A_34] : memref<2000x128xf32, #tpu.memory_space<vmem>>, vector<2000x128xf32>
    %add3A_36 = arith.addf %add3A_32, %get3A_35 : vector<2000x128xf32>
    %get3A_37 = arith.constant 0 : index
    %get3A_38 = arith.constant 0 : index
    %get3A_39 = vector.load %arg10[%get3A_37, %get3A_38] : memref<1x128xf32, #tpu.memory_space<vmem>>, vector<1x128xf32>
    %get3A_40 = arith.constant 0 : index
    %get3A_41 = arith.constant 0 : index
    %get3A_42 = vector.load %arg11[%get3A_40, %get3A_41] : memref<1x128xf32, #tpu.memory_space<vmem>>, vector<1x128xf32>
    %reduce_sum3A = arith.constant dense<0.000000e+00> : vector<2000xf32>
    %reduce_sum3A_43 = vector.multi_reduction <add>, %add3A_36, %reduce_sum3A [1] : vector<2000x128xf32> to vector<2000xf32>
    %broadcast_in_dim3A = vector.shape_cast %reduce_sum3A_43 : vector<2000xf32> to vector<2000x1xf32>
    %div3A_44 = arith.constant 1.280000e+02 : f32
    %div3A_45 = vector.broadcast %div3A_44 : f32 to vector<2000x1xf32>
    %div3A_46 = arith.divf %broadcast_in_dim3A, %div3A_45 : vector<2000x1xf32>
    %sub3A = vector.broadcast %div3A_46 : vector<2000x1xf32> to vector<2000x128xf32>
    %sub3A_47 = arith.subf %add3A_36, %sub3A : vector<2000x128xf32>
    %integer_pow3A = arith.mulf %sub3A_47, %sub3A_47 : vector<2000x128xf32>
    %reduce_sum3A_48 = arith.constant dense<0.000000e+00> : vector<2000xf32>
    %reduce_sum3A_49 = vector.multi_reduction <add>, %integer_pow3A, %reduce_sum3A_48 [1] : vector<2000x128xf32> to vector<2000xf32>
    %broadcast_in_dim3A_50 = vector.shape_cast %reduce_sum3A_49 : vector<2000xf32> to vector<2000x1xf32>
    %div3A_51 = arith.constant 1.280000e+02 : f32
    %div3A_52 = vector.broadcast %div3A_51 : f32 to vector<2000x1xf32>
    %div3A_53 = arith.divf %broadcast_in_dim3A_50, %div3A_52 : vector<2000x1xf32>
    %sub3A_54 = vector.broadcast %div3A_46 : vector<2000x1xf32> to vector<2000x128xf32>
    %sub3A_55 = arith.subf %add3A_36, %sub3A_54 : vector<2000x128xf32>
    %add3A_56 = arith.constant 9.99999974E-6 : f32
    %add3A_57 = vector.broadcast %add3A_56 : f32 to vector<2000x1xf32>
    %add3A_58 = arith.addf %div3A_53, %add3A_57 : vector<2000x1xf32>
    %sqrt3A = math.sqrt %add3A_58 : vector<2000x1xf32>
    %div3A_59 = vector.broadcast %sqrt3A : vector<2000x1xf32> to vector<2000x128xf32>
    %div3A_60 = arith.divf %sub3A_55, %div3A_59 : vector<2000x128xf32>
    %mul3A = vector.broadcast %get3A_39 : vector<1x128xf32> to vector<2000x128xf32>
    %mul3A_61 = arith.mulf %div3A_60, %mul3A : vector<2000x128xf32>
    %add3A_62 = vector.broadcast %get3A_42 : vector<1x128xf32> to vector<2000x128xf32>
    %add3A_63 = arith.addf %mul3A_61, %add3A_62 : vector<2000x128xf32>
    %tanh3A = math.tanh %add3A_63 : vector<2000x128xf32>
    %swap3A = arith.constant 0 : index
    %swap3A_64 = arith.constant 0 : index
    %swap3A_65 = vector.load %arg12[%swap3A, %swap3A_64] : memref<2000x128xf32, #tpu.memory_space<vmem>>, vector<2000x128xf32>
    tpu.vector_store %arg12[%swap3A, %swap3A_64], %tanh3A {strides = array<i32>} : memref<2000x128xf32, #tpu.memory_space<vmem>>, vector<2000x128xf32>,
    return
  }
  func.func @transform_0(%arg0: i32) -> (i32, i32) {
    %c0_i32 = arith.constant 0 : i32
    %c0_i32_0 = arith.constant 0 : i32
    return %arg0, %c0_i32 : i32, i32
  }
  func.func @transform_1(%arg0: i32) -> (i32, i32) {
    %c0_i32 = arith.constant 0 : i32
    %c0_i32_0 = arith.constant 0 : i32
    return %arg0, %c0_i32 : i32, i32
  }
  func.func @transform_2(%arg0: i32) -> (i32, i32) {
    %c0_i32 = arith.constant 0 : i32
    %c0_i32_0 = arith.constant 0 : i32
    return %arg0, %c0_i32 : i32, i32
  }
  func.func @transform_3(%arg0: i32) -> (i32, i32) {
    %c0_i32 = arith.constant 0 : i32
    %c0_i32_0 = arith.constant 0 : i32
    return %arg0, %c0_i32 : i32, i32
  }
  func.func @transform_4(%arg0: i32) -> (i32, i32) {
    %c0_i32 = arith.constant 0 : i32
    %c0_i32_0 = arith.constant 0 : i32
    return %arg0, %c0_i32 : i32, i32
  }
  func.func @transform_5(%arg0: i32) -> (i32, i32) {
    %c0_i32 = arith.constant 0 : i32
    %c0_i32_0 = arith.constant 0 : i32
    return %arg0, %c0_i32 : i32, i32
  }
  func.func @transform_6(%arg0: i32) -> (i32, i32) {
    %c0_i32 = arith.constant 0 : i32
    %c0_i32_0 = arith.constant 0 : i32
    %c0_i32_1 = arith.constant 0 : i32
    return %c0_i32, %c0_i32_0 : i32, i32
  }
  func.func @transform_7(%arg0: i32) -> (i32, i32) {
    %c0_i32 = arith.constant 0 : i32
    %c0_i32_0 = arith.constant 0 : i32
    %c0_i32_1 = arith.constant 0 : i32
    return %c0_i32, %c0_i32_0 : i32, i32
  }
  func.func @transform_8(%arg0: i32) -> (i32, i32) {
    %c0_i32 = arith.constant 0 : i32
    %c0_i32_0 = arith.constant 0 : i32
    %c0_i32_1 = arith.constant 0 : i32
    return %c0_i32, %c0_i32_0 : i32, i32
  }
  func.func @transform_9(%arg0: i32) -> (i32, i32) {
    %c0_i32 = arith.constant 0 : i32
    %c0_i32_0 = arith.constant 0 : i32
    %c0_i32_1 = arith.constant 0 : i32
    return %c0_i32, %c0_i32_0 : i32, i32
  }
  func.func @transform_10(%arg0: i32) -> (i32, i32) {
    %c0_i32 = arith.constant 0 : i32
    %c0_i32_0 = arith.constant 0 : i32
    %c0_i32_1 = arith.constant 0 : i32
    return %c0_i32, %c0_i32_0 : i32, i32
  }
  func.func @transform_11(%arg0: i32) -> (i32, i32) {
    %c0_i32 = arith.constant 0 : i32
    %c0_i32_0 = arith.constant 0 : i32
    return %arg0, %c0_i32 : i32, i32
  }
}

</mosaic_0001>

<sc_bundles>
// kernel: kernel.12.cloned.1.call-start
scs
__scs_entry_jumppad:
0x0: {  	(pc) =	sbr.rel $0x88, $3  }
0x1: {  	(tag) =	ssettag $0x0;
	lr =	simm.s32 $0x1  }
0x2: {  	[smem:$0x3F88] =	sst lr;
	_ =	strace $0xD0000000  }
0x3: {  	_ = 	snop  }
0x4: {  	_ = 	snop  }
0x5: {  	_ = 	snop  }
0x6: {  	_ = 	snop  }
0x7: {  	_ = 	snop  }
__scs_overlays_trampoline_lowered:
0x8: {  	[smem:$0x3F97] =	sst s0  }
0x9: {  	[smem:$0x3F98] =	sst s1  }
0xa: {  	[smem:$0x3F99] =	sst s2  }
0xb: {  	[smem:$0x3F9A] =	sst s3  }
0xc: {  	[smem:$0x3F9B] =	sst s4  }
0xd: {  	[smem:$0x3F9C] =	sst s5  }
0xe: {  	[smem:$0x3F9D] =	sst s6  }
0xf: {  	[smem:$0x3F9E] =	sst s7  }
0x10: {  	[smem:$0x3F9F] =	sst s8  }
0x11: {  	[smem:$0x3FA0] =	sst s9;
	s0 =	simm.s32 @!p0 $0x0  }
0x12: {  	s1 =	sld [smem:$0x3F86];
	s0 =	simm.s32 @p0 $0x1  }
0x13: {  	[smem:$0x3FA1] =	sst s0;
	s0 =	simm.s32 @!p1 $0x0  }
0x14: {  	s2 =	sld [smem:$0x3F85];
	s0 =	simm.s32 @p1 $0x1  }
0x15: {  	[smem:$0x3FA2] =	sst s0;
	s0 =	simm.s32 @!p2 $0x0  }
0x16: {  	s3 =	sld [smem:$0x3FDB];
	s0 =	simm.s32 @p2 $0x1  }
0x17: {  	s4 =	simm.s32 $0x1BF5;
	[smem:$0x3FA4] =	sst s0  }
0x18: {  	s0 =	sld [smem:$0x3F87];
	_ =	swait.ge [sflag:s4], $0x0  }
0x19: {  	s7 =	sld [smem:$0x3F88]  }
0x1a: {  	s8 =	sadd.s32 $0xFFFFE003, lr  }
0x1b: {  	s9 =	sadd.s32 $0xFFFFFEF7, lr;
	s5 =	simm.s32 $0xFFFFFFFF;
	p2 =	slt.u32 s8, $0xFFFFF086  }
0x1c: {  	p1 =	slt.u32 s9, $0xF7A;
	s5 =	simm.s32 @!p2 $0x0  }
0x1d: {  	s5 =	simm.s32 @p1 $0x1;
	p0 =	seq.s32 s7, s2  }
0x1e: {  	s7 =	smul.u32 @!p0 $0xF7A, s2;
	p2 =	seq.s32 @!p0 s5, $0x0  }
0x1f: {  	s9 =	smul.u32 $0xF7A, s1;
	s8 =	simm.s32 @!p0 $0x1BF5;
	p2 =	por !p2, p0  }
0x20: {  	[sflag:s8] =	ssyncset.s32 @!p0 $0xFFFFF086;
	s6 =	sadd.s32 @!p0 s3, s7;
	s7 =	simm.s32 @!p0 $0x108  }
0x21: {  	s3 =	sadd.s32 s3, s9;
	s6 =	sadd.s32 @!p0 $0x88, s6;
	s7 =	simm.s32 @p2 $0x1082  }
0x22: {  	[simem:s7], [sflag:s8] =	dma.local @!p0 [hbm:s6], $0xF7A  }
0x23: {  	s9 =	sor.u32 $0xD0000000, s2;
	s6 =	simm.s32 $0x108;
	_ =	swait.ge @!p0 [sflag:s8], $0x0  }
0x24: {  	s3 =	sadd.s32 $0x88, s3;
	s6 =	simm.s32 @!p1 $0x1082;
	[sflag:s4] =	ssyncset.s32 $0xFFFFF086  }
0x25: {  	[simem:s6], [sflag:s4] =	dma.local [hbm:s3], $0xF7A  }
0x26: {  	[smem:$0x3F88] =	sst s1;
	(tag) =	ssettag s2;
	_ =	strace s9  }
0x27: {  	s1 =	sld [smem:$0x3F98]  }
0x28: {  	s2 =	sld [smem:$0x3F99]  }
0x29: {  	s4 =	sld [smem:$0x3F9B]  }
0x2a: {  	p0 =	seq.s32 s5, $0x0;
	s5 =	sld [smem:$0x3F9C]  }
0x2b: {  	s6 =	sld [smem:$0x3F9D]  }
0x2c: {  	s7 =	sld [smem:$0x3F9E]  }
0x2d: {  	s3 =	simm.s32 $0x108;
	s8 =	sld [smem:$0x3F9F]  }
0x2e: {  	s3 =	simm.s32 @!p0 $0x1082;
	s9 =	sld [smem:$0x3FA0]  }
0x2f: {  	lr =	sadd.s32 s0, s3;
	s0 =	sld [smem:$0x3F97]  }
0x30: {  	s3 =	sld [smem:$0x3F9A]  }
0x31: {  	[smem:$0x3FA3] =	sst s10  }
0x32: {  	s10 =	sld [smem:$0x3FA1];
	_ =	sdelay $0x3  }
0x33: {  	p0 =	seq.s32 s10, $0x1;
	s10 =	sld [smem:$0x3FA3];
	_ =	sdelay $0x3  }
0x34: {  	[smem:$0x3FA3] =	sst s10  }
0x35: {  	s10 =	sld [smem:$0x3FA2];
	_ =	sdelay $0x3  }
0x36: {  	p1 =	seq.s32 s10, $0x1;
	s10 =	sld [smem:$0x3FA3];
	_ =	sdelay $0x3  }
0x37: {  	[smem:$0x3FA3] =	sst s10  }
0x38: {  	s10 =	sld [smem:$0x3FA4]  }
0x39: {  	_ = 	snop;
	(pc) =	sbr.ind lr, $3  }
0x3a: {  	_ = 	snop  }
0x3b: {  	_ = 	snop  }
0x3c: {  	p2 =	seq.s32 s10, $0x1;
	s10 =	sld [smem:$0x3FA3]  }
0x3d: {  	_ =	shalt  }
0x3e: {  	_ =	shalt  }
0x3f: {  	_ =	shalt  }
0x40: {  	_ =	shalt  }
0x41: {  	_ =	shalt  }
0x42: {  	_ =	shalt  }
0x43: {  	_ =	shalt  }
0x44: {  	_ =	shalt  }
0x45: {  	_ =	shalt  }
0x46: {  	_ =	shalt  }
0x47: {  	_ =	shalt  }
0x48: {  	_ =	shalt  }
0x49: {  	_ =	shalt  }
0x4a: {  	_ =	shalt  }
0x4b: {  	_ =	shalt  }
0x4c: {  	_ =	shalt  }
0x4d: {  	_ =	shalt  }
0x4e: {  	_ =	shalt  }
0x4f: {  	_ =	shalt  }
0x50: {  	_ =	shalt  }
0x51: {  	_ =	shalt  }
0x52: {  	_ =	shalt  }
0x53: {  	_ =	shalt  }
0x54: {  	_ =	shalt  }
0x55: {  	_ =	shalt  }
0x56: {  	_ =	shalt  }
0x57: {  	_ =	shalt  }
0x58: {  	_ =	shalt  }
0x59: {  	_ =	shalt  }
0x5a: {  	_ =	shalt  }
0x5b: {  	_ =	shalt  }
0x5c: {  	_ =	shalt  }
0x5d: {  	_ =	shalt  }
0x5e: {  	_ =	shalt  }
0x5f: {  	_ =	shalt  }
0x60: {  	_ =	shalt  }
0x61: {  	_ =	shalt  }
0x62: {  	_ =	shalt  }
0x63: {  	_ =	shalt  }
0x64: {  	_ =	shalt  }
0x65: {  	_ =	shalt  }
0x66: {  	_ =	shalt  }
0x67: {  	_ =	shalt  }
0x68: {  	_ =	shalt  }
0x69: {  	_ =	shalt  }
0x6a: {  	_ =	shalt  }
0x6b: {  	_ =	shalt  }
0x6c: {  	_ =	shalt  }
0x6d: {  	_ =	shalt  }
0x6e: {  	_ =	shalt  }
0x6f: {  	_ =	shalt  }
0x70: {  	_ =	shalt  }
0x71: {  	_ =	shalt  }
0x72: {  	_ =	shalt  }
0x73: {  	_ =	shalt  }
0x74: {  	_ =	shalt  }
0x75: {  	_ =	shalt  }
0x76: {  	_ =	shalt  }
0x77: {  	_ =	shalt  }
0x78: {  	_ =	shalt  }
0x79: {  	_ =	shalt  }
0x7a: {  	_ =	shalt  }
0x7b: {  	_ =	shalt  }
0x7c: {  	_ =	shalt  }
0x7d: {  	_ =	shalt  }
0x7e: {  	_ =	shalt  }
0x7f: {  	_ =	shalt  }
0x80: {  	_ =	shalt  }
0x81: {  	_ =	shalt  }
0x82: {  	_ =	shalt  }
0x83: {  	_ =	shalt  }
0x84: {  	_ =	shalt  }
0x85: {  	_ =	shalt  }
0x86: {  	_ =	shalt  }
0x87: {  	_ =	shalt  }
.Lfunc_end0:
.L_simem_size_0:
called_computation.1_lowered:
.L_overlay_start_0:
0x88: {  	s2 =	sld [smem:$0x3FD9]  }
0x89: {  	s3 =	sld [smem:$0x3FFE];
	_ =	sdelay $0x1  }
0x8a: {  	s1 =	srdreg.scid  }
0x8b: {  	s0 =	sand.u32 $0x1, s1  }
0x8c: {  	s17 =	sshll.u32 s0, $0xA;
	s2 =	sadd.s32 s3, s2  }
0x8d: {  	s2 =	sadd.s32 s2, s17  }
0x8e: {  	[smem:$0x3FAF] =	sst s2  }
0x8f: {  	_ = 	snop  }
0x90: {  	s2 =	sld [smem:$0x3FC6]  }
0x91: {  	s18 =	sld [smem:$0x3FC5];
	(tm) =	ssettm $0x1  }
0x92: {  	s4 =	sld [smem:$0x3FFB];
	_ =	sdelay $0x3  }
0x93: {  	_ =	strace s4  }
0x94: {  	s4 =	sld [smem:$0x3FFC];
	_ =	sdelay $0x3  }
0x95: {  	_ =	strace s4  }
0x96: {  	s4 =	sld [smem:$0x3FFD];
	_ =	sdelay $0x3  }
0x97: {  	_ =	strace s4  }
0x98: {  	_ =	strace $0x8FFFFFFF  }
0x99: {  	s19 =	sld [smem:$0x3FDB];
	_ =	sdelay $0x1  }
0x9a: {  	s5 =	simm.s32 $_scs_section_size  }
0x9b: {  	s6 =	simm.s32 $_size__tile_overlayer_lowered;
	s7 =	simm.s32 $_tile_overlayer_lowered  }
0x9c: {  	s22 =	simm.s32 $0x1BFF;
	s21 =	sshll.u32 s7, $0x1;
	s4 =	sadd.s32 s5, s19  }
0x9d: {  	s8 =	simm.s32 $0x0;
	s20 =	sshll.u32 s6, $0x1;
	s6 =	sadd.s32 s21, s4  }
0x9e: {  	[timem:s8], [sflag:s22] =	dma.local [hbm:s6], s20  }
0x9f: {  	_ =	swait.ge [sflag:s22], s20  }
0xa0: {  	s5 =	ssub.s32 $0x0, s20;
	[sflag:s22] =	ssyncset.done $0x0  }
0xa1: {  	[sflag:s22] =	ssyncadd.s32 s5;
	_ =	sdelay $0x1  }
0xa2: {  	s23 =	simm.s32 $0x1B8B  }
0xa3: {  	_ =	swait.ge [sflag:s23], $0x1  }
0xa4: {  	[sflag:s23] =	ssyncset.done $0x0  }
0xa5: {  	s25 =	simm.s32 $0x1B8E;
	s24 =	sld [smem:$0x3FFE];
	[sflag:s23] =	ssyncadd.s32 $0xFFFFFFFF  }
0xa6: {  	s26 =	simm.s32 $execute0_lowered;
	[smem:$0x3FD2] =	sst s25  }
0xa7: {  	s6 =	sshll.u32 s26, $0x1;
	_ =	strace $0x80000049;
	[dreg:$0x1] =	wrdreg $0xFFFFFFFF  }
0xa8: {  	s28 =	simm.s32 $_size_execute0_lowered;
	s4 =	sadd.s32 s4, s6;
	[dreg:$0x0] =	wrdreg $0x0  }
0xa9: {  	s6 =	sshll.u32 s28, $0x1;
	[dreg:$0x2] =	wrdreg s4  }
0xaa: {  	[dreg:$0x3] =	wrdreg s6  }
0xab: {  	[dreg:$0x4] =	wrdreg $0xC0  }
0xac: {  	_ =	task [dreg:s8], $0x5FFFF  }
0xad: {  	[dreg:$0x1] =	wrdreg $0xFFFFFFFF  }
0xae: {  	[dreg:$0x0] =	wrdreg $0x60  }
0xaf: {  	[dreg:$0x2] =	wrdreg s24  }
0xb0: {  	[dreg:$0x3] =	wrdreg s2  }
0xb1: {  	[dreg:$0x4] =	wrdreg s18  }
0xb2: {  	[dreg:$0x5] =	wrdreg $0x66000  }
0xb3: {  	[dreg:$0x6] =	wrdreg $0x9  }
0xb4: {  	_ =	task.clear_ibuf [dreg:s8], $0x7FFFF;
	_ =	strace $0x90000049  }
0xb5: {  	s29 =	simm.s32 $0x9;
	_ =	strace $0x8000004B  }
0xb6: {  	_ =	swait.ge [sflag:s29], $0x1  }
0xb7: {  	[sflag:s29] =	ssyncadd.s32 $0xFFFFFFFF  }
0xb8: {  	_ =	strace $0x9000004B  }
0xb9: {  	_ =	sfence  }
0xba: {  	s30 =	sld [smem:$0x0];
	_ =	sdelay $0x2  }
0xbb: {  	s31 =	sshll.u32 s1, $0xD;
	s1 =	sshrl.u32 s1, $0x2  }
0xbc: {  	s3 =	sand.u32 $0x4000, s31;
	s1 =	sadd.s32 s1, s30  }
0xbd: {  	s0 =	sor.u32 s3, s0;
	s1 =	sshll.u32 s1, $0x11  }
0xbe: {  	s0 =	sor.u32 s1, s0  }
0xbf: {  	s0 =	sadd.s32 $0x8F2B, s0  }
0xc0: {  	[sflag:s0] =	ssyncadd.remote.s32 $0x1  }
0xc1: {  	_ =	sfence.sel $0xFFFF  }
0xc2: {  	[dreg:$0x0] =	wrdreg $0xFFFFFFFF;
	(pc) =	sbr.abs _section_cstart, $3  }
0xc3: {  	[dreg:$0x1] =	wrdreg $0xFFFFFFFF  }
0xc4: {  	_ =	task.clear_ibuf [dreg:s8], $0x2FFFF;
	_ =	strace $0x9FFFFFFF  }
0xc5: {  	(tm) =	ssettm $0x7FFFFFFF  }
tec
execute0_lowered:
.L_overlay_start_1:
0x0: {  	(tag) =	ssettag $0x1  }
0x1: {  	s0 =	rddreg [dreg:$0x0]  }
0x2: {  	s1 =	rddreg [dreg:$0x1]  }
0x3: {  	s2 =	rddreg [dreg:$0x2]  }
0x4: {  	s3 =	rddreg [dreg:$0x3];
	s4 =	simm.s32 $0x0  }
0x5: {  	s15 =	srdreg.scid;
	s11 =	stileid.u32;
	s14 =	simm.s32 $0x8  }
0x6: {  	s28 =	simm.s32 $0x2;
	s29 =	simm.s32 $0x1E00;
	s30 =	simm.s32 $0x300  }
0x7: {  	s31 =	simm.s32 $0x4E00;
	[smem:$0x7FF] =	sst s4;
	s6 =	sadd.s32 $0x58000, s0  }
0x8: {  	s4 =	sand.u32 $0x1, s15;
	s8 =	smul.u32 $0x50000, s11;
	s9 =	sadd.s32 $0x5800, s0  }
0x9: {  	s19 =	sshll.u32 s11, $0x6;
	s26 =	smul.u32 $0x2800, s11;
	_ =	strace $0x8000004A  }
0xa: {  	s5 =	smul.u32 $0x28000, s4;
	s7 =	sshll.u32 s4, $0x4;
	s4 =	ssub.s32 $0x2, s4  }
0xb: {  	[dreg:$0x5] =	wrdreg s9;
	s12 =	sor.u32 $0x1C08, s19;
	s9 =	simm.s32 $0x7  }
0xc: {  	s19 =	simm.s32 $0x0;
	s7 =	sor.u32 s11, s7;
	s16 =	sshrl.u32 s4, $0x1  }
0xd: {  	s18 =	sshrl.u32 s8, $0x2;
	s8 =	simm.s32 $0x5;
	[dreg:$0x7] =	wrdreg s12  }
0xe: {  	s10 =	smul.u32 $0x3480, s7;
	s0 =	sadd.s32 s5, s0;
	s4 =	ssub.s32 s4, s16  }
0xf: {  	s17 =	smul.u32 $0xD2, s7;
	s7 =	sadd.s32 s18, s3;
	s5 =	simm.s32 $0x400  }
0x10: {  	s18 =	simm.s32 $0x480;
	s0 =	sadd.s32 $0xC1000, s0;
	s4 =	smax.u32 s4, $0x1  }
0x11: {  	s13 =	sshrl.u32 s7, $0x3;
	s7 =	simm.s32 $0x80;
	s20 =	sadd.s32 s6, s10  }
0x12: {  	s22 =	sadd.s32 $0x2, s17;
	s23 =	sadd.s32 $0x3, s17;
	[dreg:$0xd] =	wrdreg s4  }
0x13: {  	s24 =	sadd.s32 $0x4, s17;
	s25 =	sadd.s32 $0x5, s17;
	[dreg:$0xe] =	wrdreg s13  }
0x14: {  	s15 =	sadd.s32 $0x6, s17;
	s16 =	sadd.s32 $0x7, s17;
	[dreg:$0x6] =	wrdreg s20  }
0x15: {  	s0 =	sadd.s32 s26, s0;
	s26 =	simm.s32 $0x3600;
	[dreg:$0x9] =	wrdreg s22  }
0x16: {  	s10 =	simm.s32 $0x6;
	s17 =	simm.s32 $0x3;
	[dreg:$0xa] =	wrdreg s23  }
0x17: {  	s4 =	simm.s32 $0x280;
	s21 =	sadd.s32 $0x40, s20;
	[dreg:$0xb] =	wrdreg s24  }
0x18: {  	[dreg:$0xc] =	wrdreg s25;
	s20 =	simm.s32 $0x200;
	s22 =	simm.s32 $0x30  }
0x19: {  	s23 =	simm.s32 $0x600;
	[dreg:$0xf] =	wrdreg s0;
	s0 =	simm.s32 $0x4  }
0x1a: {  	s24 =	simm.s32 $0x500;
	[dreg:$0x8] =	wrdreg s21;
	s21 =	simm.s32 $0x1  }
.LBB2_1:
0x1b: {  	[dreg:$0x10] =	wrdreg s19  }
0x1c: {  	s11 =	rddreg [dreg:$0x5]  }
0x1d: {  	[spmem:s13], [sflag:s12] =	dma.local [hbm:s11], $0x2800  }
0x1e: {  	_ =	swait.ge [sflag:s14], $0x2800  }
0x1f: {  	[sflag:s14] =	ssyncset.done $0x0  }
0x20: {  	s13 =	simm.s32 $0x0;
	[sflag:s14] =	ssyncadd.s32 $0xFFFFD800;
	s14 =	rddreg [dreg:$0x6]  }
0x21: {  	[tilespmem:s13], [sflag:$0x1] =	stream.linear.gather [hbm4b:s14+s13], $0x180, $0x38;
	[tilespmem:$0x1A600] =	vst v63  }
0x22: {  	s19 =	rddreg [dreg:$0x8]  }
0x23: {  	[tilespmem:s20], [sflag:$0x2] =	stream.linear.gather [hbm4b:s19+s13], $0x180, $0x38;
	[tilespmem:$0x1A600] =	vst v63  }
0x24: {  	_ =	swait.ge [sflag:s21], $0x180  }
0x25: {  	[sflag:s21] =	ssyncset.done $0x0  }
0x26: {  	[sflag:s21] =	ssyncadd.s32 $0xFFFFFE80  }
0x27: {  	[tilespmem:s23], [sflag:$0x4] =	stream.indirect.gather [hbm4b:s1+s22], $0x80, s13, s22, $0xb8;
	[tilespmem:$0x1A600] =	vst v63  }
0x28: {  	s25 =	simm.s32 $0x100  }
0x29: {  	[tilespmem:s26], [sflag:$0x4] =	stream.indirect.gather [hbm4b:s2+s22], $0x80, s25, s22, $0xb8;
	[tilespmem:$0x1A600] =	vst v63  }
0x2a: {  	s19 =	simm.s32 $0x0;
	[bflag:$0x0] =	sbarrier.arrive $0xFFFF  }
.LBB2_2:
0x2b: {  	p0 =	seq.s32 s19, $0x0  }
0x2c: {  	s11 =	simm.s32 @!p0 $0x7  }
0x2d: {  	_ =	swait.ge @!p0 [sflag:s11], $0x1800  }
0x2e: {  	[sflag:s11] =	ssyncset.done @!p0 $0x0  }
0x2f: {  	[sflag:s11] =	ssyncadd.s32 @!p0 $0xFFFFE800  }
0x30: {  	_ =	swait.ge [sflag:s28], $0x180  }
0x31: {  	[sflag:s28] =	ssyncset.done $0x0  }
0x32: {  	[sflag:s28] =	ssyncadd.s32 $0xFFFFFE80  }
0x33: {  	[tilespmem:s29], [sflag:$0x5] =	stream.indirect.gather [hbm4b:s1+s22], $0x80, s20, s22, $0xb8;
	[tilespmem:$0x1A600] =	vst v63  }
0x34: {  	_ = 	snop  }
0x35: {  	[tilespmem:s31], [sflag:$0x5] =	stream.indirect.gather [hbm4b:s2+s22], $0x80, s30, s22, $0xb8;
	[tilespmem:$0x1A600] =	vst v63  }
0x36: {  	s25 =	smul.u32 $0x6, s19;
	_ =	swait.ge [sflag:s0], $0x1800  }
0x37: {  	[sflag:s0] =	ssyncset.done $0x0;
	s14 =	rddreg [dreg:$0x9]  }
0x38: {  	[sflag:s0] =	ssyncadd.s32 $0xFFFFE800;
	s11 =	sadd.s32 s25, s14  }
0x39: {  	_ =	swait.ge [sflag:s0], $0x1800;
	s11 =	sshll.u32 s11, $0x6  }
0x3a: {  	[sflag:s0] =	ssyncset.done $0x0;
	s11 =	sand.u32 $0x1FFFFF80, s11  }
0x3b: {  	s12 =	simm.s32 $0x0;
	[sflag:s0] =	ssyncadd.s32 $0xFFFFE800;
	s11 =	sadd.s32 s6, s11  }
0x3c: {  	[tilespmem:s5], [sflag:$0x3] =	stream.linear.gather [hbm4b:s11+s12], $0x180, $0x38;
	[tilespmem:$0x1A600] =	vst v63  }
0x3d: {  	s11 =	simm.s32 $0x0  }
0x3e: {  	v7 =	vld [tilespmem:s11+$0x3600]  }
0x3f: {  	v11 =	vld [tilespmem:s11+$0x3610]  }
0x40: {  	v5 =	vld [tilespmem:s11+$0x3620]  }
0x41: {  	v4 =	vld [tilespmem:s11+$0x3630]  }
0x42: {  	v3 =	vld [tilespmem:s11+$0x3640]  }
0x43: {  	v2 =	vld [tilespmem:s11+$0x3650]  }
0x44: {  	v1 =	vld [tilespmem:s11+$0x3660]  }
0x45: {  	v0 =	vld [tilespmem:s11+$0x3670]  }
0x46: {  	v12 =	vld [tilespmem:s11+$0x600]  }
0x47: {  	v13 =	vld [tilespmem:s11+$0x610]  }
0x48: {  	v10 =	vld [tilespmem:s11+$0x620]  }
0x49: {  	v9 =	vld [tilespmem:s11+$0x630]  }
0x4a: {  	v8 =	vld [tilespmem:s11+$0x640]  }
0x4b: {  	v6 =	vld [tilespmem:s11+$0x650];
	v12 =	vmul.f32 v7, v12  }
0x4c: {  	s12 =	simm.s32 $0x200;
	v11 =	vmul.f32 v11, v13;
	v7 =	vld [tilespmem:s11+$0x660]  }
.LBB2_3:
0x4d: {  	s13 =	sshra.s32 s12, $0x2;
	p0 =	sne.s32 s12, $0x5E00;
	[tilespmem:s11+$0x600] =	vst v12;
	v5 =	vmul.f32 v5, v10;
	v10 =	vld [tilespmem:s11+$0x670]  }
0x4e: {  	v12 =	vld [tilespmem:s13+$0x3600];
	[tilespmem:s11+$0x610] =	vst v11;
	v4 =	vmul.f32 v4, v9  }
0x4f: {  	v11 =	vld [tilespmem:s13+$0x3610];
	[tilespmem:s11+$0x620] =	vst v5;
	v3 =	vmul.f32 v3, v8  }
0x50: {  	v5 =	vld [tilespmem:s13+$0x3620];
	[tilespmem:s11+$0x630] =	vst v4;
	v2 =	vmul.f32 v2, v6  }
0x51: {  	v4 =	vld [tilespmem:s13+$0x3630];
	[tilespmem:s11+$0x640] =	vst v3;
	v1 =	vmul.f32 v1, v7  }
0x52: {  	v3 =	vld [tilespmem:s13+$0x3640];
	[tilespmem:s11+$0x650] =	vst v2;
	v0 =	vmul.f32 v0, v10  }
0x53: {  	v2 =	vld [tilespmem:s13+$0x3650];
	[tilespmem:s11+$0x660] =	vst v1  }
0x54: {  	v1 =	vld [tilespmem:s13+$0x3660];
	[tilespmem:s11+$0x670] =	vst v0;
	s11 =	smov.u32 s13  }
0x55: {  	v0 =	vld [tilespmem:s11+$0x3670]  }
0x56: {  	v6 =	vld [tilespmem:s11+$0x600]  }
0x57: {  	v7 =	vld [tilespmem:s11+$0x610]  }
.Ltmp0:
0x58: {  	v10 =	vld [tilespmem:s11+$0x620];
	(pc) =	sbr.rel @p0 .LBB2_3-.Ltmp0, $4  }
0x59: {  	v9 =	vld [tilespmem:s11+$0x630]  }
0x5a: {  	v8 =	vld [tilespmem:s11+$0x640]  }
0x5b: {  	v12 =	vmul.f32 v12, v6;
	v6 =	vld [tilespmem:s11+$0x650]  }
0x5c: {  	s12 =	sadd.s32 $0x200, s12;
	v11 =	vmul.f32 v11, v7;
	v7 =	vld [tilespmem:s11+$0x660]  }
0x5d: {  	[tilespmem:s11+$0x600] =	vst v12;
	v5 =	vmul.f32 v5, v10;
	v10 =	vld [tilespmem:s11+$0x670]  }
0x5e: {  	[tilespmem:s11+$0x610] =	vst v11;
	v4 =	vmul.f32 v4, v9  }
0x5f: {  	[tilespmem:s11+$0x620] =	vst v5;
	v3 =	vmul.f32 v3, v8  }
0x60: {  	[tilespmem:s11+$0x630] =	vst v4;
	v2 =	vmul.f32 v2, v6  }
0x61: {  	[tilespmem:s11+$0x640] =	vst v3;
	v1 =	vmul.f32 v1, v7  }
0x62: {  	[tilespmem:s11+$0x650] =	vst v2;
	v0 =	vmul.f32 v0, v10  }
0x63: {  	[tilespmem:s11+$0x660] =	vst v1  }
0x64: {  	[tilespmem:s11+$0x670] =	vst v0  }
0x65: {  	[spmem:s3] =	stream.indirect.scatter.add.f32 [tilespmem:s23], [sflag:$0x6], $0x80, s7, s22, $0xb8;
	[tilespmem:$0x1A600] =	vst v63  }
0x66: {  	_ =	swait.ge [sflag:s10], $0x1800  }
0x67: {  	[sflag:s10] =	ssyncset.done $0x0  }
0x68: {  	[sflag:s10] =	ssyncadd.s32 $0xFFFFE800  }
0x69: {  	_ =	swait.ge [sflag:s17], $0x180  }
0x6a: {  	[sflag:s17] =	ssyncset.done $0x0  }
0x6b: {  	[sflag:s17] =	ssyncadd.s32 $0xFFFFFE80  }
0x6c: {  	[tilespmem:s23], [sflag:$0x4] =	stream.indirect.gather [hbm4b:s1+s22], $0x80, s5, s22, $0xb8;
	[tilespmem:$0x1A600] =	vst v63  }
0x6d: {  	_ = 	snop  }
0x6e: {  	[tilespmem:s26], [sflag:$0x4] =	stream.indirect.gather [hbm4b:s2+s22], $0x80, s24, s22, $0xb8;
	[tilespmem:$0x1A600] =	vst v63  }
0x6f: {  	_ =	swait.ge [sflag:s8], $0x1800  }
0x70: {  	[sflag:s8] =	ssyncset.done $0x0;
	s14 =	rddreg [dreg:$0xa]  }
0x71: {  	[sflag:s8] =	ssyncadd.s32 $0xFFFFE800;
	s11 =	sadd.s32 s25, s14  }
0x72: {  	_ =	swait.ge [sflag:s8], $0x1800;
	s11 =	sshll.u32 s11, $0x6  }
0x73: {  	[sflag:s8] =	ssyncset.done $0x0;
	s11 =	sand.u32 $0x1FFFFFC0, s11  }
0x74: {  	s12 =	simm.s32 $0x0;
	[sflag:s8] =	ssyncadd.s32 $0xFFFFE800;
	s11 =	sadd.s32 s6, s11  }
0x75: {  	[tilespmem:s12], [sflag:$0x1] =	stream.linear.gather [hbm4b:s11+s12], $0x180, $0x38;
	[tilespmem:$0x1A600] =	vst v63  }
0x76: {  	s11 =	simm.s32 $0x0  }
0x77: {  	v7 =	vld [tilespmem:s11+$0x4E00]  }
0x78: {  	v11 =	vld [tilespmem:s11+$0x4E10]  }
0x79: {  	v5 =	vld [tilespmem:s11+$0x4E20]  }
0x7a: {  	v4 =	vld [tilespmem:s11+$0x4E30]  }
0x7b: {  	v3 =	vld [tilespmem:s11+$0x4E40]  }
0x7c: {  	v2 =	vld [tilespmem:s11+$0x4E50]  }
0x7d: {  	v1 =	vld [tilespmem:s11+$0x4E60]  }
0x7e: {  	v0 =	vld [tilespmem:s11+$0x4E70]  }
0x7f: {  	v12 =	vld [tilespmem:s11+$0x1E00]  }
0x80: {  	v13 =	vld [tilespmem:s11+$0x1E10]  }
0x81: {  	v10 =	vld [tilespmem:s11+$0x1E20]  }
0x82: {  	v9 =	vld [tilespmem:s11+$0x1E30]  }
0x83: {  	v8 =	vld [tilespmem:s11+$0x1E40]  }
0x84: {  	v6 =	vld [tilespmem:s11+$0x1E50];
	v12 =	vmul.f32 v7, v12  }
0x85: {  	s12 =	simm.s32 $0x200;
	v11 =	vmul.f32 v11, v13;
	v7 =	vld [tilespmem:s11+$0x1E60]  }
.LBB2_5:
0x86: {  	s13 =	sshra.s32 s12, $0x2;
	p0 =	sne.s32 s12, $0x5E00;
	[tilespmem:s11+$0x1E00] =	vst v12;
	v5 =	vmul.f32 v5, v10;
	v10 =	vld [tilespmem:s11+$0x1E70]  }
0x87: {  	v12 =	vld [tilespmem:s13+$0x4E00];
	[tilespmem:s11+$0x1E10] =	vst v11;
	v4 =	vmul.f32 v4, v9  }
0x88: {  	v11 =	vld [tilespmem:s13+$0x4E10];
	[tilespmem:s11+$0x1E20] =	vst v5;
	v3 =	vmul.f32 v3, v8  }
0x89: {  	v5 =	vld [tilespmem:s13+$0x4E20];
	[tilespmem:s11+$0x1E30] =	vst v4;
	v2 =	vmul.f32 v2, v6  }
0x8a: {  	v4 =	vld [tilespmem:s13+$0x4E30];
	[tilespmem:s11+$0x1E40] =	vst v3;
	v1 =	vmul.f32 v1, v7  }
0x8b: {  	v3 =	vld [tilespmem:s13+$0x4E40];
	[tilespmem:s11+$0x1E50] =	vst v2;
	v0 =	vmul.f32 v0, v10  }
0x8c: {  	v2 =	vld [tilespmem:s13+$0x4E50];
	[tilespmem:s11+$0x1E60] =	vst v1  }
0x8d: {  	v1 =	vld [tilespmem:s13+$0x4E60];
	[tilespmem:s11+$0x1E70] =	vst v0;
	s11 =	smov.u32 s13  }
0x8e: {  	v0 =	vld [tilespmem:s11+$0x4E70]  }
0x8f: {  	v6 =	vld [tilespmem:s11+$0x1E00]  }
0x90: {  	v7 =	vld [tilespmem:s11+$0x1E10]  }
.Ltmp1:
0x91: {  	v10 =	vld [tilespmem:s11+$0x1E20];
	(pc) =	sbr.rel @p0 .LBB2_5-.Ltmp1, $4  }
0x92: {  	v9 =	vld [tilespmem:s11+$0x1E30]  }
0x93: {  	v8 =	vld [tilespmem:s11+$0x1E40]  }
0x94: {  	v12 =	vmul.f32 v12, v6;
	v6 =	vld [tilespmem:s11+$0x1E50]  }
0x95: {  	s12 =	sadd.s32 $0x200, s12;
	v11 =	vmul.f32 v11, v7;
	v7 =	vld [tilespmem:s11+$0x1E60]  }
0x96: {  	[tilespmem:s11+$0x1E00] =	vst v12;
	v5 =	vmul.f32 v5, v10;
	v10 =	vld [tilespmem:s11+$0x1E70]  }
0x97: {  	[tilespmem:s11+$0x1E10] =	vst v11;
	v4 =	vmul.f32 v4, v9  }
0x98: {  	[tilespmem:s11+$0x1E20] =	vst v5;
	v3 =	vmul.f32 v3, v8  }
0x99: {  	[tilespmem:s11+$0x1E30] =	vst v4;
	v2 =	vmul.f32 v2, v6  }
0x9a: {  	[tilespmem:s11+$0x1E40] =	vst v3;
	v1 =	vmul.f32 v1, v7  }
0x9b: {  	[tilespmem:s11+$0x1E50] =	vst v2;
	v0 =	vmul.f32 v0, v10  }
0x9c: {  	[tilespmem:s11+$0x1E60] =	vst v1  }
0x9d: {  	[tilespmem:s11+$0x1E70] =	vst v0  }
0x9e: {  	[spmem:s3] =	stream.indirect.scatter.add.f32 [tilespmem:s29], [sflag:$0x7], $0x80, s4, s22, $0xb8;
	[tilespmem:$0x1A600] =	vst v63  }
0x9f: {  	_ =	swait.ge [sflag:s9], $0x1800  }
0xa0: {  	[sflag:s9] =	ssyncset.done $0x0  }
0xa1: {  	[sflag:s9] =	ssyncadd.s32 $0xFFFFE800  }
0xa2: {  	_ =	swait.ge [sflag:s21], $0x180  }
0xa3: {  	[sflag:s21] =	ssyncset.done $0x0  }
0xa4: {  	s13 =	simm.s32 $0x0;
	[sflag:s21] =	ssyncadd.s32 $0xFFFFFE80  }
0xa5: {  	[tilespmem:s29], [sflag:$0x5] =	stream.indirect.gather [hbm4b:s1+s22], $0x80, s13, s22, $0xb8;
	[tilespmem:$0x1A600] =	vst v63  }
0xa6: {  	s12 =	simm.s32 $0x100  }
0xa7: {  	[tilespmem:s31], [sflag:$0x5] =	stream.indirect.gather [hbm4b:s2+s22], $0x80, s12, s22, $0xb8;
	[tilespmem:$0x1A600] =	vst v63  }
0xa8: {  	_ =	swait.ge [sflag:s0], $0x1800  }
0xa9: {  	[sflag:s0] =	ssyncset.done $0x0;
	s14 =	rddreg [dreg:$0xb]  }
0xaa: {  	[sflag:s0] =	ssyncadd.s32 $0xFFFFE800;
	s12 =	sadd.s32 s25, s14  }
0xab: {  	_ =	swait.ge [sflag:s0], $0x1800;
	s12 =	sshll.u32 s12, $0x6  }
0xac: {  	[sflag:s0] =	ssyncset.done $0x0;
	s12 =	sand.u32 $0x1FFFFF80, s12  }
0xad: {  	s11 =	simm.s32 $0x0;
	[sflag:s0] =	ssyncadd.s32 $0xFFFFE800;
	s12 =	sadd.s32 s6, s12  }
0xae: {  	[tilespmem:s20], [sflag:$0x2] =	stream.linear.gather [hbm4b:s12+s13], $0x180, $0x38;
	[tilespmem:$0x1A600] =	vst v63  }
0xaf: {  	v7 =	vld [tilespmem:s11+$0x3600]  }
0xb0: {  	v11 =	vld [tilespmem:s11+$0x3610]  }
0xb1: {  	v5 =	vld [tilespmem:s11+$0x3620]  }
0xb2: {  	v4 =	vld [tilespmem:s11+$0x3630]  }
0xb3: {  	v3 =	vld [tilespmem:s11+$0x3640]  }
0xb4: {  	v2 =	vld [tilespmem:s11+$0x3650]  }
0xb5: {  	v1 =	vld [tilespmem:s11+$0x3660]  }
0xb6: {  	v0 =	vld [tilespmem:s11+$0x3670]  }
0xb7: {  	v12 =	vld [tilespmem:s11+$0x600]  }
0xb8: {  	v13 =	vld [tilespmem:s11+$0x610]  }
0xb9: {  	v10 =	vld [tilespmem:s11+$0x620]  }
0xba: {  	v9 =	vld [tilespmem:s11+$0x630]  }
0xbb: {  	v8 =	vld [tilespmem:s11+$0x640]  }
0xbc: {  	v6 =	vld [tilespmem:s11+$0x650];
	v12 =	vmul.f32 v7, v12  }
0xbd: {  	s12 =	simm.s32 $0x200;
	v11 =	vmul.f32 v11, v13;
	v7 =	vld [tilespmem:s11+$0x660]  }
.LBB2_7:
0xbe: {  	s13 =	sshra.s32 s12, $0x2;
	p0 =	sne.s32 s12, $0x5E00;
	[tilespmem:s11+$0x600] =	vst v12;
	v5 =	vmul.f32 v5, v10;
	v10 =	vld [tilespmem:s11+$0x670]  }
0xbf: {  	v12 =	vld [tilespmem:s13+$0x3600];
	[tilespmem:s11+$0x610] =	vst v11;
	v4 =	vmul.f32 v4, v9  }
0xc0: {  	v11 =	vld [tilespmem:s13+$0x3610];
	[tilespmem:s11+$0x620] =	vst v5;
	v3 =	vmul.f32 v3, v8  }
0xc1: {  	v5 =	vld [tilespmem:s13+$0x3620];
	[tilespmem:s11+$0x630] =	vst v4;
	v2 =	vmul.f32 v2, v6  }
0xc2: {  	v4 =	vld [tilespmem:s13+$0x3630];
	[tilespmem:s11+$0x640] =	vst v3;
	v1 =	vmul.f32 v1, v7  }
0xc3: {  	v3 =	vld [tilespmem:s13+$0x3640];
	[tilespmem:s11+$0x650] =	vst v2;
	v0 =	vmul.f32 v0, v10  }
0xc4: {  	v2 =	vld [tilespmem:s13+$0x3650];
	[tilespmem:s11+$0x660] =	vst v1  }
0xc5: {  	v1 =	vld [tilespmem:s13+$0x3660];
	[tilespmem:s11+$0x670] =	vst v0;
	s11 =	smov.u32 s13  }
0xc6: {  	v0 =	vld [tilespmem:s11+$0x3670]  }
0xc7: {  	v6 =	vld [tilespmem:s11+$0x600]  }
0xc8: {  	v7 =	vld [tilespmem:s11+$0x610]  }
.Ltmp2:
0xc9: {  	v10 =	vld [tilespmem:s11+$0x620];
	(pc) =	sbr.rel @p0 .LBB2_7-.Ltmp2, $4  }
0xca: {  	v9 =	vld [tilespmem:s11+$0x630]  }
0xcb: {  	v8 =	vld [tilespmem:s11+$0x640]  }
0xcc: {  	v12 =	vmul.f32 v12, v6;
	v6 =	vld [tilespmem:s11+$0x650]  }
0xcd: {  	s12 =	sadd.s32 $0x200, s12;
	v11 =	vmul.f32 v11, v7;
	v7 =	vld [tilespmem:s11+$0x660]  }
0xce: {  	[tilespmem:s11+$0x600] =	vst v12;
	v5 =	vmul.f32 v5, v10;
	v10 =	vld [tilespmem:s11+$0x670]  }
0xcf: {  	[tilespmem:s11+$0x610] =	vst v11;
	v4 =	vmul.f32 v4, v9  }
0xd0: {  	[tilespmem:s11+$0x620] =	vst v5;
	v3 =	vmul.f32 v3, v8  }
0xd1: {  	[tilespmem:s11+$0x630] =	vst v4;
	v2 =	vmul.f32 v2, v6  }
0xd2: {  	[tilespmem:s11+$0x640] =	vst v3;
	v1 =	vmul.f32 v1, v7  }
0xd3: {  	[tilespmem:s11+$0x650] =	vst v2;
	v0 =	vmul.f32 v0, v10  }
0xd4: {  	[tilespmem:s11+$0x660] =	vst v1  }
0xd5: {  	[tilespmem:s11+$0x670] =	vst v0  }
0xd6: {  	[spmem:s3] =	stream.indirect.scatter.add.f32 [tilespmem:s23], [sflag:$0x6], $0x80, s18, s22, $0xb8;
	[tilespmem:$0x1A600] =	vst v63  }
0xd7: {  	_ =	swait.ge [sflag:s10], $0x1800  }
0xd8: {  	[sflag:s10] =	ssyncset.done $0x0  }
0xd9: {  	[sflag:s10] =	ssyncadd.s32 $0xFFFFE800  }
0xda: {  	_ =	swait.ge [sflag:s28], $0x180  }
0xdb: {  	[sflag:s28] =	ssyncset.done $0x0  }
0xdc: {  	[sflag:s28] =	ssyncadd.s32 $0xFFFFFE80  }
0xdd: {  	[tilespmem:s23], [sflag:$0x4] =	stream.indirect.gather [hbm4b:s1+s22], $0x80, s20, s22, $0xb8;
	[tilespmem:$0x1A600] =	vst v63  }
0xde: {  	_ = 	snop  }
0xdf: {  	[tilespmem:s26], [sflag:$0x4] =	stream.indirect.gather [hbm4b:s2+s22], $0x80, s30, s22, $0xb8;
	[tilespmem:$0x1A600] =	vst v63  }
0xe0: {  	_ =	swait.ge [sflag:s8], $0x1800  }
0xe1: {  	[sflag:s8] =	ssyncset.done $0x0;
	s14 =	rddreg [dreg:$0xc]  }
0xe2: {  	[sflag:s8] =	ssyncadd.s32 $0xFFFFE800;
	s11 =	sadd.s32 s25, s14  }
0xe3: {  	_ =	swait.ge [sflag:s8], $0x1800;
	s11 =	sshll.u32 s11, $0x6  }
0xe4: {  	[sflag:s8] =	ssyncset.done $0x0;
	s11 =	sand.u32 $0x1FFFFFC0, s11  }
0xe5: {  	s12 =	simm.s32 $0x0;
	[sflag:s8] =	ssyncadd.s32 $0xFFFFE800;
	s11 =	sadd.s32 s6, s11  }
0xe6: {  	[tilespmem:s5], [sflag:$0x3] =	stream.linear.gather [hbm4b:s11+s12], $0x180, $0x38;
	[tilespmem:$0x1A600] =	vst v63  }
0xe7: {  	s11 =	simm.s32 $0x0  }
0xe8: {  	v7 =	vld [tilespmem:s11+$0x4E00]  }
0xe9: {  	v11 =	vld [tilespmem:s11+$0x4E10]  }
0xea: {  	v5 =	vld [tilespmem:s11+$0x4E20]  }
0xeb: {  	v4 =	vld [tilespmem:s11+$0x4E30]  }
0xec: {  	v3 =	vld [tilespmem:s11+$0x4E40]  }
0xed: {  	v2 =	vld [tilespmem:s11+$0x4E50]  }
0xee: {  	v1 =	vld [tilespmem:s11+$0x4E60]  }
0xef: {  	v0 =	vld [tilespmem:s11+$0x4E70]  }
0xf0: {  	v12 =	vld [tilespmem:s11+$0x1E00]  }
0xf1: {  	v13 =	vld [tilespmem:s11+$0x1E10]  }
0xf2: {  	v10 =	vld [tilespmem:s11+$0x1E20]  }
0xf3: {  	v9 =	vld [tilespmem:s11+$0x1E30]  }
0xf4: {  	v8 =	vld [tilespmem:s11+$0x1E40]  }
0xf5: {  	v6 =	vld [tilespmem:s11+$0x1E50];
	v12 =	vmul.f32 v7, v12  }
0xf6: {  	s12 =	simm.s32 $0x200;
	v11 =	vmul.f32 v11, v13;
	v7 =	vld [tilespmem:s11+$0x1E60]  }
.LBB2_9:
0xf7: {  	s13 =	sshra.s32 s12, $0x2;
	p0 =	sne.s32 s12, $0x5E00;
	[tilespmem:s11+$0x1E00] =	vst v12;
	v5 =	vmul.f32 v5, v10;
	v10 =	vld [tilespmem:s11+$0x1E70]  }
0xf8: {  	v12 =	vld [tilespmem:s13+$0x4E00];
	[tilespmem:s11+$0x1E10] =	vst v11;
	v4 =	vmul.f32 v4, v9  }
0xf9: {  	v11 =	vld [tilespmem:s13+$0x4E10];
	[tilespmem:s11+$0x1E20] =	vst v5;
	v3 =	vmul.f32 v3, v8  }
0xfa: {  	v5 =	vld [tilespmem:s13+$0x4E20];
	[tilespmem:s11+$0x1E30] =	vst v4;
	v2 =	vmul.f32 v2, v6  }
0xfb: {  	v4 =	vld [tilespmem:s13+$0x4E30];
	[tilespmem:s11+$0x1E40] =	vst v3;
	v1 =	vmul.f32 v1, v7  }
0xfc: {  	v3 =	vld [tilespmem:s13+$0x4E40];
	[tilespmem:s11+$0x1E50] =	vst v2;
	v0 =	vmul.f32 v0, v10  }
0xfd: {  	v2 =	vld [tilespmem:s13+$0x4E50];
	[tilespmem:s11+$0x1E60] =	vst v1  }
0xfe: {  	v1 =	vld [tilespmem:s13+$0x4E60];
	[tilespmem:s11+$0x1E70] =	vst v0;
	s11 =	smov.u32 s13  }
0xff: {  	v0 =	vld [tilespmem:s11+$0x4E70]  }
0x100: {  	v6 =	vld [tilespmem:s11+$0x1E00]  }
0x101: {  	v7 =	vld [tilespmem:s11+$0x1E10]  }
.Ltmp3:
0x102: {  	v10 =	vld [tilespmem:s11+$0x1E20];
	(pc) =	sbr.rel @p0 .LBB2_9-.Ltmp3, $4  }
0x103: {  	v9 =	vld [tilespmem:s11+$0x1E30]  }
0x104: {  	v8 =	vld [tilespmem:s11+$0x1E40]  }
0x105: {  	v12 =	vmul.f32 v12, v6;
	v6 =	vld [tilespmem:s11+$0x1E50]  }
0x106: {  	s12 =	sadd.s32 $0x200, s12;
	v11 =	vmul.f32 v11, v7;
	v7 =	vld [tilespmem:s11+$0x1E60]  }
0x107: {  	[tilespmem:s11+$0x1E00] =	vst v12;
	v5 =	vmul.f32 v5, v10;
	v10 =	vld [tilespmem:s11+$0x1E70]  }
0x108: {  	[tilespmem:s11+$0x1E10] =	vst v11;
	v4 =	vmul.f32 v4, v9  }
0x109: {  	[tilespmem:s11+$0x1E20] =	vst v5;
	v3 =	vmul.f32 v3, v8  }
0x10a: {  	[tilespmem:s11+$0x1E30] =	vst v4;
	v2 =	vmul.f32 v2, v6  }
0x10b: {  	[tilespmem:s11+$0x1E40] =	vst v3;
	v1 =	vmul.f32 v1, v7  }
0x10c: {  	[tilespmem:s11+$0x1E50] =	vst v2;
	v0 =	vmul.f32 v0, v10  }
0x10d: {  	[tilespmem:s11+$0x1E60] =	vst v1  }
0x10e: {  	[tilespmem:s11+$0x1E70] =	vst v0  }
0x10f: {  	[spmem:s3] =	stream.indirect.scatter.add.f32 [tilespmem:s29], [sflag:$0x7], $0x80, s7, s22, $0xb8;
	[tilespmem:$0x1A600] =	vst v63  }
0x110: {  	_ =	swait.ge [sflag:s9], $0x1800  }
0x111: {  	[sflag:s9] =	ssyncset.done $0x0  }
0x112: {  	[sflag:s9] =	ssyncadd.s32 $0xFFFFE800  }
0x113: {  	_ =	swait.ge [sflag:s17], $0x180  }
0x114: {  	[sflag:s17] =	ssyncset.done $0x0  }
0x115: {  	[sflag:s17] =	ssyncadd.s32 $0xFFFFFE80  }
0x116: {  	[tilespmem:s29], [sflag:$0x5] =	stream.indirect.gather [hbm4b:s1+s22], $0x80, s5, s22, $0xb8;
	[tilespmem:$0x1A600] =	vst v63  }
0x117: {  	_ = 	snop  }
0x118: {  	[tilespmem:s31], [sflag:$0x5] =	stream.indirect.gather [hbm4b:s2+s22], $0x80, s24, s22, $0xb8;
	[tilespmem:$0x1A600] =	vst v63  }
0x119: {  	_ =	swait.ge [sflag:s0], $0x1800  }
0x11a: {  	p0 =	seq.s32 s19, $0x22;
	[sflag:s0] =	ssyncset.done $0x0  }
0x11b: {  	s11 =	sadd.s32 @!p0 s25, s15;
	[sflag:s0] =	ssyncadd.s32 $0xFFFFE800  }
0x11c: {  	s11 =	sshll.u32 @!p0 s11, $0x6;
	_ =	swait.ge [sflag:s0], $0x1800  }
0x11d: {  	s11 =	sand.u32 @!p0 $0x1FFFFF80, s11;
	[sflag:s0] =	ssyncset.done $0x0  }
0x11e: {  	s12 =	simm.s32 @!p0 $0x0;
	s11 =	sadd.s32 @!p0 s6, s11;
	[sflag:s0] =	ssyncadd.s32 $0xFFFFE800  }
0x11f: {  	[tilespmem:s12], [sflag:$0x1] =	stream.linear.gather @!p0 [hbm4b:s11+s12], $0x180, $0x38;
	[tilespmem:$0x1A600] =	vst v63  }
0x120: {  	s11 =	simm.s32 $0x0  }
0x121: {  	v7 =	vld [tilespmem:s11+$0x3600]  }
0x122: {  	v11 =	vld [tilespmem:s11+$0x3610]  }
0x123: {  	v5 =	vld [tilespmem:s11+$0x3620]  }
0x124: {  	v4 =	vld [tilespmem:s11+$0x3630]  }
0x125: {  	v3 =	vld [tilespmem:s11+$0x3640]  }
0x126: {  	v2 =	vld [tilespmem:s11+$0x3650]  }
0x127: {  	v1 =	vld [tilespmem:s11+$0x3660]  }
0x128: {  	v0 =	vld [tilespmem:s11+$0x3670]  }
0x129: {  	v12 =	vld [tilespmem:s11+$0x600]  }
0x12a: {  	v13 =	vld [tilespmem:s11+$0x610]  }
0x12b: {  	v10 =	vld [tilespmem:s11+$0x620]  }
0x12c: {  	v9 =	vld [tilespmem:s11+$0x630]  }
0x12d: {  	v8 =	vld [tilespmem:s11+$0x640]  }
0x12e: {  	v6 =	vld [tilespmem:s11+$0x650];
	v12 =	vmul.f32 v7, v12  }
0x12f: {  	s12 =	simm.s32 $0x200;
	v11 =	vmul.f32 v11, v13;
	v7 =	vld [tilespmem:s11+$0x660]  }
.LBB2_11:
0x130: {  	s13 =	sshra.s32 s12, $0x2;
	p1 =	sne.s32 s12, $0x5E00;
	[tilespmem:s11+$0x600] =	vst v12;
	v5 =	vmul.f32 v5, v10;
	v10 =	vld [tilespmem:s11+$0x670]  }
0x131: {  	v12 =	vld [tilespmem:s13+$0x3600];
	[tilespmem:s11+$0x610] =	vst v11;
	v4 =	vmul.f32 v4, v9  }
0x132: {  	v11 =	vld [tilespmem:s13+$0x3610];
	[tilespmem:s11+$0x620] =	vst v5;
	v3 =	vmul.f32 v3, v8  }
0x133: {  	v5 =	vld [tilespmem:s13+$0x3620];
	[tilespmem:s11+$0x630] =	vst v4;
	v2 =	vmul.f32 v2, v6  }
0x134: {  	v4 =	vld [tilespmem:s13+$0x3630];
	[tilespmem:s11+$0x640] =	vst v3;
	v1 =	vmul.f32 v1, v7  }
0x135: {  	v3 =	vld [tilespmem:s13+$0x3640];
	[tilespmem:s11+$0x650] =	vst v2;
	v0 =	vmul.f32 v0, v10  }
0x136: {  	v2 =	vld [tilespmem:s13+$0x3650];
	[tilespmem:s11+$0x660] =	vst v1  }
0x137: {  	v1 =	vld [tilespmem:s13+$0x3660];
	[tilespmem:s11+$0x670] =	vst v0;
	s11 =	smov.u32 s13  }
0x138: {  	v0 =	vld [tilespmem:s11+$0x3670]  }
0x139: {  	v6 =	vld [tilespmem:s11+$0x600]  }
0x13a: {  	v7 =	vld [tilespmem:s11+$0x610]  }
.Ltmp4:
0x13b: {  	v10 =	vld [tilespmem:s11+$0x620];
	(pc) =	sbr.rel @p1 .LBB2_11-.Ltmp4, $4  }
0x13c: {  	v9 =	vld [tilespmem:s11+$0x630]  }
0x13d: {  	v8 =	vld [tilespmem:s11+$0x640]  }
0x13e: {  	v12 =	vmul.f32 v12, v6;
	v6 =	vld [tilespmem:s11+$0x650]  }
0x13f: {  	s12 =	sadd.s32 $0x200, s12;
	v11 =	vmul.f32 v11, v7;
	v7 =	vld [tilespmem:s11+$0x660]  }
0x140: {  	[tilespmem:s11+$0x600] =	vst v12;
	v5 =	vmul.f32 v5, v10;
	v10 =	vld [tilespmem:s11+$0x670]  }
0x141: {  	[tilespmem:s11+$0x610] =	vst v11;
	v4 =	vmul.f32 v4, v9  }
0x142: {  	[tilespmem:s11+$0x620] =	vst v5;
	v3 =	vmul.f32 v3, v8  }
0x143: {  	[tilespmem:s11+$0x630] =	vst v4;
	v2 =	vmul.f32 v2, v6  }
0x144: {  	[tilespmem:s11+$0x640] =	vst v3;
	v1 =	vmul.f32 v1, v7  }
0x145: {  	[tilespmem:s11+$0x650] =	vst v2;
	v0 =	vmul.f32 v0, v10  }
0x146: {  	[tilespmem:s11+$0x660] =	vst v1  }
0x147: {  	[tilespmem:s11+$0x670] =	vst v0  }
0x148: {  	[spmem:s3] =	stream.indirect.scatter.add.f32 [tilespmem:s23], [sflag:$0x6], $0x80, s4, s22, $0xb8;
	[tilespmem:$0x1A600] =	vst v63  }
0x149: {  	_ =	swait.ge [sflag:s10], $0x1800  }
0x14a: {  	[sflag:s10] =	ssyncset.done $0x0  }
0x14b: {  	s11 =	simm.s32 @p0 $0x5;
	[sflag:s10] =	ssyncadd.s32 $0xFFFFE800  }
0x14c: {  	_ =	swait.ge @p0 [sflag:s11], $0x1800  }
0x14d: {  	[sflag:s11] =	ssyncset.done @p0 $0x0  }
0x14e: {  	[sflag:s11] =	ssyncadd.s32 @p0 $0xFFFFE800  }
0x14f: {  	_ =	swait.ge @p0 [sflag:s11], $0x1800  }
0x150: {  	[sflag:s11] =	ssyncset.done @p0 $0x0  }
0x151: {  	[sflag:s11] =	ssyncadd.s32 @p0 $0xFFFFE800;
	s11 =	simm.s32 @!p0 $0x1  }
0x152: {  	_ =	swait.ge @!p0 [sflag:s11], $0x180  }
0x153: {  	s12 =	simm.s32 @!p0 $0x0;
	[sflag:s11] =	ssyncset.done @!p0 $0x0  }
0x154: {  	s13 =	simm.s32 @!p0 $0x600;
	[sflag:s11] =	ssyncadd.s32 @!p0 $0xFFFFFE80;
	s11 =	simm.s32 @!p0 $0x30  }
0x155: {  	[tilespmem:s13], [sflag:$0x4] =	stream.indirect.gather @!p0 [hbm4b:s1+s11], $0x80, s12, s11, $0xb8;
	[tilespmem:$0x1A600] =	vst v63  }
0x156: {  	s14 =	simm.s32 @!p0 $0x3600;
	s13 =	simm.s32 @!p0 $0x100  }
0x157: {  	[tilespmem:s14], [sflag:$0x4] =	stream.indirect.gather @!p0 [hbm4b:s2+s11], $0x80, s13, s11, $0xb8;
	[tilespmem:$0x1A600] =	vst v63  }
0x158: {  	s11 =	simm.s32 @!p0 $0x5  }
0x159: {  	_ =	swait.ge @!p0 [sflag:s11], $0x1800  }
0x15a: {  	[sflag:s11] =	ssyncset.done @!p0 $0x0  }
0x15b: {  	s13 =	sadd.s32 @!p0 s25, s16;
	[sflag:s11] =	ssyncadd.s32 @!p0 $0xFFFFE800  }
0x15c: {  	s13 =	sshll.u32 @!p0 s13, $0x6;
	_ =	swait.ge @!p0 [sflag:s11], $0x1800  }
0x15d: {  	s13 =	sand.u32 @!p0 $0x1FFFFFC0, s13;
	[sflag:s11] =	ssyncset.done @!p0 $0x0  }
0x15e: {  	[sflag:s11] =	ssyncadd.s32 @!p0 $0xFFFFE800;
	s11 =	sadd.s32 @!p0 s6, s13;
	s13 =	simm.s32 @!p0 $0x200  }
0x15f: {  	[tilespmem:s13], [sflag:$0x2] =	stream.linear.gather @!p0 [hbm4b:s11+s12], $0x180, $0x38;
	[tilespmem:$0x1A600] =	vst v63  }
0x160: {  	s11 =	simm.s32 $0x0  }
0x161: {  	v7 =	vld [tilespmem:s11+$0x4E00]  }
0x162: {  	v11 =	vld [tilespmem:s11+$0x4E10]  }
0x163: {  	v5 =	vld [tilespmem:s11+$0x4E20]  }
0x164: {  	v4 =	vld [tilespmem:s11+$0x4E30]  }
0x165: {  	v3 =	vld [tilespmem:s11+$0x4E40]  }
0x166: {  	v2 =	vld [tilespmem:s11+$0x4E50]  }
0x167: {  	v1 =	vld [tilespmem:s11+$0x4E60]  }
0x168: {  	v0 =	vld [tilespmem:s11+$0x4E70]  }
0x169: {  	v12 =	vld [tilespmem:s11+$0x1E00]  }
0x16a: {  	v13 =	vld [tilespmem:s11+$0x1E10]  }
0x16b: {  	v10 =	vld [tilespmem:s11+$0x1E20]  }
0x16c: {  	v9 =	vld [tilespmem:s11+$0x1E30]  }
0x16d: {  	v8 =	vld [tilespmem:s11+$0x1E40]  }
0x16e: {  	v6 =	vld [tilespmem:s11+$0x1E50];
	v12 =	vmul.f32 v7, v12  }
0x16f: {  	s12 =	simm.s32 $0x200;
	v11 =	vmul.f32 v11, v13;
	v7 =	vld [tilespmem:s11+$0x1E60]  }
.LBB2_13:
0x170: {  	s13 =	sshra.s32 s12, $0x2;
	p0 =	sne.s32 s12, $0x5E00;
	[tilespmem:s11+$0x1E00] =	vst v12;
	v5 =	vmul.f32 v5, v10;
	v10 =	vld [tilespmem:s11+$0x1E70]  }
0x171: {  	v12 =	vld [tilespmem:s13+$0x4E00];
	[tilespmem:s11+$0x1E10] =	vst v11;
	v4 =	vmul.f32 v4, v9  }
0x172: {  	v11 =	vld [tilespmem:s13+$0x4E10];
	[tilespmem:s11+$0x1E20] =	vst v5;
	v3 =	vmul.f32 v3, v8  }
0x173: {  	v5 =	vld [tilespmem:s13+$0x4E20];
	[tilespmem:s11+$0x1E30] =	vst v4;
	v2 =	vmul.f32 v2, v6  }
0x174: {  	v4 =	vld [tilespmem:s13+$0x4E30];
	[tilespmem:s11+$0x1E40] =	vst v3;
	v1 =	vmul.f32 v1, v7  }
0x175: {  	v3 =	vld [tilespmem:s13+$0x4E40];
	[tilespmem:s11+$0x1E50] =	vst v2;
	v0 =	vmul.f32 v0, v10  }
0x176: {  	v2 =	vld [tilespmem:s13+$0x4E50];
	[tilespmem:s11+$0x1E60] =	vst v1  }
0x177: {  	v1 =	vld [tilespmem:s13+$0x4E60];
	[tilespmem:s11+$0x1E70] =	vst v0;
	s11 =	smov.u32 s13  }
0x178: {  	v0 =	vld [tilespmem:s11+$0x4E70]  }
0x179: {  	v6 =	vld [tilespmem:s11+$0x1E00]  }
0x17a: {  	v7 =	vld [tilespmem:s11+$0x1E10]  }
.Ltmp5:
0x17b: {  	v10 =	vld [tilespmem:s11+$0x1E20];
	(pc) =	sbr.rel @p0 .LBB2_13-.Ltmp5, $4  }
0x17c: {  	v9 =	vld [tilespmem:s11+$0x1E30]  }
0x17d: {  	v8 =	vld [tilespmem:s11+$0x1E40]  }
0x17e: {  	v12 =	vmul.f32 v12, v6;
	v6 =	vld [tilespmem:s11+$0x1E50]  }
0x17f: {  	s12 =	sadd.s32 $0x200, s12;
	v11 =	vmul.f32 v11, v7;
	v7 =	vld [tilespmem:s11+$0x1E60]  }
0x180: {  	[tilespmem:s11+$0x1E00] =	vst v12;
	v5 =	vmul.f32 v5, v10;
	v63 =	vld [tilespmem:s11+$0x1E70]  }
0x181: {  	[tilespmem:s11+$0x1E10] =	vst v11;
	v4 =	vmul.f32 v4, v9  }
0x182: {  	s19 =	sadd.s32 $0x1, s19;
	[tilespmem:s11+$0x1E20] =	vst v5;
	v3 =	vmul.f32 v3, v8  }
0x183: {  	p0 =	sne.s32 s19, $0x23;
	[tilespmem:s11+$0x1E30] =	vst v4;
	v2 =	vmul.f32 v2, v6  }
.Ltmp6:
0x184: {  	[tilespmem:s11+$0x1E40] =	vst v3;
	v1 =	vmul.f32 v1, v7;
	(pc) =	sbr.rel @p0 .LBB2_2-.Ltmp6, $4  }
0x185: {  	[tilespmem:s11+$0x1E50] =	vst v2;
	v0 =	vmul.f32 v0, v63  }
0x186: {  	[tilespmem:s11+$0x1E60] =	vst v1  }
0x187: {  	[tilespmem:s11+$0x1E70] =	vst v0  }
0x188: {  	[spmem:s3] =	stream.indirect.scatter.add.f32 [tilespmem:s29], [sflag:$0x7], $0x80, s18, s22, $0xb8;
	[tilespmem:$0x1A600] =	vst v63  }
0x189: {  	_ =	swait.ge [sflag:s9], $0x1800  }
0x18a: {  	[sflag:s9] =	ssyncset.done $0x0  }
0x18b: {  	[sflag:s9] =	ssyncadd.s32 $0xFFFFE800  }
0x18c: {  	[bflag:$0x0] =	sbarrier.arrive $0xFFFF  }
0x18d: {  	s12 =	rddreg [dreg:$0x7]  }
0x18e: {  	s13 =	rddreg [dreg:$0xe]  }
0x18f: {  	s14 =	simm.s32 $0x8;
	s11 =	rddreg [dreg:$0xf]  }
0x190: {  	[hbm:s11], [sflag:s12] =	dma.local [spmem:s13], $0x2800  }
0x191: {  	_ =	swait.ge [sflag:s14], $0x2800  }
0x192: {  	s19 =	rddreg [dreg:$0x10]  }
0x193: {  	s25 =	rddreg [dreg:$0xd];
	s19 =	sadd.s32 $0x1, s19  }
0x194: {  	p0 =	sne.s32 s19, s25  }
.Ltmp7:
0x195: {  	_ = 	snop;
	(pc) =	sbr.rel @p0 .LBB2_1-.Ltmp7, $3  }
0x196: {  	_ =	sdelay $0x1  }
0x197: {  	[sflag:s14] =	ssyncset.done $0x0  }
0x198: {  	[sflag:s14] =	ssyncadd.s32 $0xFFFFD800  }
0x199: {  	_ =	sfence.sel $0x180000  }
0x19a: {  	[bflag:$0x0] =	sbarrier.arrive $0xFFFF  }
0x19b: {  	_ =	strace $0x9000004A  }
0x19c: {  	s0 =	stileid.u32;
	[bflag:$0x2] =	sbarrier.arrive $0xFFFF  }
0x19d: {  	p0 =	sne.s32 s0, $0x0;
	s0 =	rddreg [dreg:$0x4]  }
0x19e: {  	s0 =	sadd.s32 @!p0 $0x100000, s0  }
0x19f: {  	[sflag:s0] =	ssyncadd.tile.s32 @!p0 $0x1;
	_ =	shalt  }
.Lfunc_end2:
_tile_overlayer_lowered:
.L_overlay_start_2:
0x1a0: {  	(tag) =	ssettag $0x2  }
0x1a1: {  	s0 =	rddreg [dreg:$0x0];
	s2 =	stileid.u32  }
0x1a2: {  	s1 =	rddreg [dreg:$0x1];
	p0 =	sne.s32 s2, $0x0  }
0x1a3: {  	s3 =	rddreg [dreg:$0x2];
	[bflag:$0x3] =	sbarrier.arrive $0xFFFF;
	s2 =	simm.s32 @!p0 $0x1C08  }
0x1a4: {  	[timem:s3], [sflag:s2] =	dma.local @!p0 [hbm:s0], s1  }
0x1a5: {  	s0 =	simm.s32 @!p0 $0x8  }
0x1a6: {  	_ =	swait.ge @!p0 [sflag:s0], s1  }
0x1a7: {  	s1 =	ssub.s32 @!p0 $0x0, s1;
	[sflag:s0] =	ssyncset.done @!p0 $0x0  }
0x1a8: {  	[sflag:s0] =	ssyncadd.s32 @!p0 s1  }
0x1a9: {  	[bflag:$0x3] =	sbarrier.arrive $0xFFFF  }
0x1aa: {  	_ =	shalt  }

// kernel: kernel.15.cloned.1.call-start
scs
__scs_entry_jumppad:
0x0: {  	(pc) =	sbr.rel $0x88, $3  }
0x1: {  	(tag) =	ssettag $0x0;
	lr =	simm.s32 $0x1  }
0x2: {  	[smem:$0x3F88] =	sst lr;
	_ =	strace $0xD0000000  }
0x3: {  	_ = 	snop  }
0x4: {  	_ = 	snop  }
0x5: {  	_ = 	snop  }
0x6: {  	_ = 	snop  }
0x7: {  	_ = 	snop  }
__scs_overlays_trampoline_lowered:
0x8: {  	[smem:$0x3F97] =	sst s0  }
0x9: {  	[smem:$0x3F98] =	sst s1  }
0xa: {  	[smem:$0x3F99] =	sst s2  }
0xb: {  	[smem:$0x3F9A] =	sst s3  }
0xc: {  	[smem:$0x3F9B] =	sst s4  }
0xd: {  	[smem:$0x3F9C] =	sst s5  }
0xe: {  	[smem:$0x3F9D] =	sst s6  }
0xf: {  	[smem:$0x3F9E] =	sst s7  }
0x10: {  	[smem:$0x3F9F] =	sst s8  }
0x11: {  	[smem:$0x3FA0] =	sst s9;
	s0 =	simm.s32 @!p0 $0x0  }
0x12: {  	s1 =	sld [smem:$0x3F86];
	s0 =	simm.s32 @p0 $0x1  }
0x13: {  	[smem:$0x3FA1] =	sst s0;
	s0 =	simm.s32 @!p1 $0x0  }
0x14: {  	s2 =	sld [smem:$0x3F85];
	s0 =	simm.s32 @p1 $0x1  }
0x15: {  	[smem:$0x3FA2] =	sst s0;
	s0 =	simm.s32 @!p2 $0x0  }
0x16: {  	s3 =	sld [smem:$0x3FDB];
	s0 =	simm.s32 @p2 $0x1  }
0x17: {  	s4 =	simm.s32 $0x1BF5;
	[smem:$0x3FA4] =	sst s0  }
0x18: {  	s0 =	sld [smem:$0x3F87];
	_ =	swait.ge [sflag:s4], $0x0  }
0x19: {  	s7 =	sld [smem:$0x3F88]  }
0x1a: {  	s8 =	sadd.s32 $0xFFFFE003, lr  }
0x1b: {  	s9 =	sadd.s32 $0xFFFFFEF7, lr;
	s5 =	simm.s32 $0xFFFFFFFF;
	p2 =	slt.u32 s8, $0xFFFFF086  }
0x1c: {  	p1 =	slt.u32 s9, $0xF7A;
	s5 =	simm.s32 @!p2 $0x0  }
0x1d: {  	s5 =	simm.s32 @p1 $0x1;
	p0 =	seq.s32 s7, s2  }
0x1e: {  	s7 =	smul.u32 @!p0 $0xF7A, s2;
	p2 =	seq.s32 @!p0 s5, $0x0  }
0x1f: {  	s9 =	smul.u32 $0xF7A, s1;
	s8 =	simm.s32 @!p0 $0x1BF5;
	p2 =	por !p2, p0  }
0x20: {  	[sflag:s8] =	ssyncset.s32 @!p0 $0xFFFFF086;
	s6 =	sadd.s32 @!p0 s3, s7;
	s7 =	simm.s32 @!p0 $0x108  }
0x21: {  	s3 =	sadd.s32 s3, s9;
	s6 =	sadd.s32 @!p0 $0x88, s6;
	s7 =	simm.s32 @p2 $0x1082  }
0x22: {  	[simem:s7], [sflag:s8] =	dma.local @!p0 [hbm:s6], $0xF7A  }
0x23: {  	s9 =	sor.u32 $0xD0000000, s2;
	s6 =	simm.s32 $0x108;
	_ =	swait.ge @!p0 [sflag:s8], $0x0  }
0x24: {  	s3 =	sadd.s32 $0x88, s3;
	s6 =	simm.s32 @!p1 $0x1082;
	[sflag:s4] =	ssyncset.s32 $0xFFFFF086  }
0x25: {  	[simem:s6], [sflag:s4] =	dma.local [hbm:s3], $0xF7A  }
0x26: {  	[smem:$0x3F88] =	sst s1;
	(tag) =	ssettag s2;
	_ =	strace s9  }
0x27: {  	s1 =	sld [smem:$0x3F98]  }
0x28: {  	s2 =	sld [smem:$0x3F99]  }
0x29: {  	s4 =	sld [smem:$0x3F9B]  }
0x2a: {  	p0 =	seq.s32 s5, $0x0;
	s5 =	sld [smem:$0x3F9C]  }
0x2b: {  	s6 =	sld [smem:$0x3F9D]  }
0x2c: {  	s7 =	sld [smem:$0x3F9E]  }
0x2d: {  	s3 =	simm.s32 $0x108;
	s8 =	sld [smem:$0x3F9F]  }
0x2e: {  	s3 =	simm.s32 @!p0 $0x1082;
	s9 =	sld [smem:$0x3FA0]  }
0x2f: {  	lr =	sadd.s32 s0, s3;
	s0 =	sld [smem:$0x3F97]  }
0x30: {  	s3 =	sld [smem:$0x3F9A]  }
0x31: {  	[smem:$0x3FA3] =	sst s10  }
0x32: {  	s10 =	sld [smem:$0x3FA1];
	_ =	sdelay $0x3  }
0x33: {  	p0 =	seq.s32 s10, $0x1;
	s10 =	sld [smem:$0x3FA3];
	_ =	sdelay $0x3  }
0x34: {  	[smem:$0x3FA3] =	sst s10  }
0x35: {  	s10 =	sld [smem:$0x3FA2];
	_ =	sdelay $0x3  }
0x36: {  	p1 =	seq.s32 s10, $0x1;
	s10 =	sld [smem:$0x3FA3];
	_ =	sdelay $0x3  }
0x37: {  	[smem:$0x3FA3] =	sst s10  }
0x38: {  	s10 =	sld [smem:$0x3FA4]  }
0x39: {  	_ = 	snop;
	(pc) =	sbr.ind lr, $3  }
0x3a: {  	_ = 	snop  }
0x3b: {  	_ = 	snop  }
0x3c: {  	p2 =	seq.s32 s10, $0x1;
	s10 =	sld [smem:$0x3FA3]  }
0x3d: {  	_ =	shalt  }
0x3e: {  	_ =	shalt  }
0x3f: {  	_ =	shalt  }
0x40: {  	_ =	shalt  }
0x41: {  	_ =	shalt  }
0x42: {  	_ =	shalt  }
0x43: {  	_ =	shalt  }
0x44: {  	_ =	shalt  }
0x45: {  	_ =	shalt  }
0x46: {  	_ =	shalt  }
0x47: {  	_ =	shalt  }
0x48: {  	_ =	shalt  }
0x49: {  	_ =	shalt  }
0x4a: {  	_ =	shalt  }
0x4b: {  	_ =	shalt  }
0x4c: {  	_ =	shalt  }
0x4d: {  	_ =	shalt  }
0x4e: {  	_ =	shalt  }
0x4f: {  	_ =	shalt  }
0x50: {  	_ =	shalt  }
0x51: {  	_ =	shalt  }
0x52: {  	_ =	shalt  }
0x53: {  	_ =	shalt  }
0x54: {  	_ =	shalt  }
0x55: {  	_ =	shalt  }
0x56: {  	_ =	shalt  }
0x57: {  	_ =	shalt  }
0x58: {  	_ =	shalt  }
0x59: {  	_ =	shalt  }
0x5a: {  	_ =	shalt  }
0x5b: {  	_ =	shalt  }
0x5c: {  	_ =	shalt  }
0x5d: {  	_ =	shalt  }
0x5e: {  	_ =	shalt  }
0x5f: {  	_ =	shalt  }
0x60: {  	_ =	shalt  }
0x61: {  	_ =	shalt  }
0x62: {  	_ =	shalt  }
0x63: {  	_ =	shalt  }
0x64: {  	_ =	shalt  }
0x65: {  	_ =	shalt  }
0x66: {  	_ =	shalt  }
0x67: {  	_ =	shalt  }
0x68: {  	_ =	shalt  }
0x69: {  	_ =	shalt  }
0x6a: {  	_ =	shalt  }
0x6b: {  	_ =	shalt  }
0x6c: {  	_ =	shalt  }
0x6d: {  	_ =	shalt  }
0x6e: {  	_ =	shalt  }
0x6f: {  	_ =	shalt  }
0x70: {  	_ =	shalt  }
0x71: {  	_ =	shalt  }
0x72: {  	_ =	shalt  }
0x73: {  	_ =	shalt  }
0x74: {  	_ =	shalt  }
0x75: {  	_ =	shalt  }
0x76: {  	_ =	shalt  }
0x77: {  	_ =	shalt  }
0x78: {  	_ =	shalt  }
0x79: {  	_ =	shalt  }
0x7a: {  	_ =	shalt  }
0x7b: {  	_ =	shalt  }
0x7c: {  	_ =	shalt  }
0x7d: {  	_ =	shalt  }
0x7e: {  	_ =	shalt  }
0x7f: {  	_ =	shalt  }
0x80: {  	_ =	shalt  }
0x81: {  	_ =	shalt  }
0x82: {  	_ =	shalt  }
0x83: {  	_ =	shalt  }
0x84: {  	_ =	shalt  }
0x85: {  	_ =	shalt  }
0x86: {  	_ =	shalt  }
0x87: {  	_ =	shalt  }
.Lfunc_end0:
.L_simem_size_0:
called_computation.2_lowered:
.L_overlay_start_0:
0x88: {  	s2 =	sld [smem:$0x3FD9]  }
0x89: {  	s3 =	sld [smem:$0x3FFE];
	_ =	sdelay $0x1  }
0x8a: {  	s1 =	srdreg.scid  }
0x8b: {  	s0 =	sand.u32 $0x1, s1  }
0x8c: {  	s14 =	sshll.u32 s0, $0xA;
	s2 =	sadd.s32 s3, s2  }
0x8d: {  	s2 =	sadd.s32 s2, s14  }
0x8e: {  	[smem:$0x3FAF] =	sst s2  }
0x8f: {  	_ = 	snop  }
0x90: {  	s2 =	sld [smem:$0x3FD0];
	_ =	sdelay $0x2  }
0x91: {  	s15 =	simm.s32 $0xA;
	s4 =	simm.s32 $0x10  }
0x92: {  	[smem:s4], [sflag:s15] =	dma.local [hbm:s2], $0x1  }
0x93: {  	_ =	swait.eq [sflag:s15], $0x1  }
0x94: {  	[sflag:s15] =	ssyncset.done $0x0  }
0x95: {  	[sflag:s15] =	ssyncadd.s32 $0xFFFFFFFF  }
0x96: {  	s16 =	sld [smem:$0x10];
	(tm) =	ssettm $0x1  }
0x97: {  	s17 =	sld [smem:$0x3FFB];
	_ =	sdelay $0x3  }
0x98: {  	_ =	strace s17  }
0x99: {  	s3 =	sld [smem:$0x3FFC];
	_ =	sdelay $0x3  }
0x9a: {  	_ =	strace s3  }
0x9b: {  	s3 =	sld [smem:$0x3FFD];
	_ =	sdelay $0x3  }
0x9c: {  	_ =	strace s3  }
0x9d: {  	_ =	strace $0x8FFFFFFF  }
0x9e: {  	s18 =	sld [smem:$0x3FDB];
	_ =	sdelay $0x1  }
0x9f: {  	s19 =	simm.s32 $_scs_section_size  }
0xa0: {  	s5 =	simm.s32 $_size__tile_overlayer_lowered;
	s6 =	simm.s32 $_tile_overlayer_lowered  }
0xa1: {  	s22 =	simm.s32 $0x1BFF;
	s21 =	sshll.u32 s6, $0x1;
	s3 =	sadd.s32 s19, s18  }
0xa2: {  	s7 =	simm.s32 $0x0;
	s20 =	sshll.u32 s5, $0x1;
	s5 =	sadd.s32 s21, s3  }
0xa3: {  	[timem:s7], [sflag:s22] =	dma.local [hbm:s5], s20  }
0xa4: {  	_ =	swait.ge [sflag:s22], s20  }
0xa5: {  	s4 =	ssub.s32 $0x0, s20;
	[sflag:s22] =	ssyncset.done $0x0  }
0xa6: {  	[sflag:s22] =	ssyncadd.s32 s4;
	_ =	sdelay $0x1  }
0xa7: {  	s23 =	simm.s32 $0x1B8B  }
0xa8: {  	_ =	swait.ge [sflag:s23], $0x1  }
0xa9: {  	[sflag:s23] =	ssyncset.done $0x0  }
0xaa: {  	s25 =	simm.s32 $0x1B8E;
	s24 =	sld [smem:$0x3FFE];
	[sflag:s23] =	ssyncadd.s32 $0xFFFFFFFF  }
0xab: {  	s26 =	simm.s32 $execute0_lowered;
	[smem:$0x3FD2] =	sst s25  }
0xac: {  	s5 =	sshll.u32 s26, $0x1;
	_ =	strace $0x8000004C;
	[dreg:$0x1] =	wrdreg $0xFFFFFFFF  }
0xad: {  	s28 =	simm.s32 $_size_execute0_lowered;
	s3 =	sadd.s32 s3, s5;
	[dreg:$0x0] =	wrdreg $0x0  }
0xae: {  	s5 =	sshll.u32 s28, $0x1;
	[dreg:$0x2] =	wrdreg s3  }
0xaf: {  	[dreg:$0x3] =	wrdreg s5  }
0xb0: {  	[dreg:$0x4] =	wrdreg $0xC0  }
0xb1: {  	_ =	task [dreg:s7], $0x5FFFF  }
0xb2: {  	[dreg:$0x1] =	wrdreg $0xFFFFFFFF  }
0xb3: {  	[dreg:$0x0] =	wrdreg $0x60  }
0xb4: {  	[dreg:$0x2] =	wrdreg s24  }
0xb5: {  	[dreg:$0x3] =	wrdreg s16  }
0xb6: {  	[dreg:$0x4] =	wrdreg $0x66000  }
0xb7: {  	[dreg:$0x5] =	wrdreg $0x9  }
0xb8: {  	_ =	task.clear_ibuf [dreg:s7], $0x6FFFF;
	_ =	strace $0x9000004C  }
0xb9: {  	s29 =	simm.s32 $0x9;
	_ =	strace $0x8000004E  }
0xba: {  	_ =	swait.ge [sflag:s29], $0x1  }
0xbb: {  	[sflag:s29] =	ssyncadd.s32 $0xFFFFFFFF  }
0xbc: {  	_ =	strace $0x9000004E  }
0xbd: {  	_ =	sfence  }
0xbe: {  	s30 =	sld [smem:$0x0];
	_ =	sdelay $0x2  }
0xbf: {  	s31 =	sshll.u32 s1, $0xD;
	s1 =	sshrl.u32 s1, $0x2  }
0xc0: {  	s3 =	sand.u32 $0x4000, s31;
	s1 =	sadd.s32 s1, s30  }
0xc1: {  	s0 =	sor.u32 s3, s0;
	s1 =	sshll.u32 s1, $0x11  }
0xc2: {  	s0 =	sor.u32 s1, s0  }
0xc3: {  	s0 =	sadd.s32 $0x8F2B, s0  }
0xc4: {  	[sflag:s0] =	ssyncadd.remote.s32 $0x1  }
0xc5: {  	_ =	sfence.sel $0xFFFF  }
0xc6: {  	[dreg:$0x0] =	wrdreg $0xFFFFFFFF;
	(pc) =	sbr.abs _section_cstart, $3  }
0xc7: {  	[dreg:$0x1] =	wrdreg $0xFFFFFFFF  }
0xc8: {  	_ =	task.clear_ibuf [dreg:s7], $0x2FFFF;
	_ =	strace $0x9FFFFFFF  }
0xc9: {  	(tm) =	ssettm $0x7FFFFFFF  }
tec
execute0_lowered:
.L_overlay_start_1:
0x0: {  	(tag) =	ssettag $0x1  }
0x1: {  	s0 =	rddreg [dreg:$0x0]  }
0x2: {  	s1 =	rddreg [dreg:$0x1]  }
0x3: {  	s2 =	rddreg [dreg:$0x2];
	s3 =	simm.s32 $0x0;
	s15 =	srdreg.scid  }
0x4: {  	s11 =	stileid.u32;
	s14 =	simm.s32 $0x8;
	s28 =	simm.s32 $0x2  }
0x5: {  	s29 =	simm.s32 $0x1E00;
	s30 =	simm.s32 $0x300;
	s31 =	simm.s32 $0x4E00  }
0x6: {  	[smem:$0x7FF] =	sst s3;
	s5 =	sadd.s32 $0x58000, s0;
	s6 =	sadd.s32 $0x111000, s0  }
0x7: {  	s3 =	sand.u32 $0x1, s15;
	s8 =	smul.u32 $0x50000, s11;
	s9 =	sadd.s32 $0x5800, s0  }
0x8: {  	s19 =	sshll.u32 s11, $0x6;
	s26 =	smul.u32 $0x2800, s11;
	_ =	strace $0x8000004D  }
0x9: {  	s4 =	smul.u32 $0x28000, s3;
	s7 =	sshll.u32 s3, $0x4;
	s3 =	ssub.s32 $0x2, s3  }
0xa: {  	[dreg:$0x4] =	wrdreg s9;
	s12 =	sor.u32 $0x1C08, s19;
	s9 =	simm.s32 $0x7  }
0xb: {  	s19 =	simm.s32 $0x0;
	s7 =	sor.u32 s11, s7;
	s16 =	sshrl.u32 s3, $0x1  }
0xc: {  	s18 =	sshrl.u32 s8, $0x2;
	s8 =	simm.s32 $0x5;
	[dreg:$0x6] =	wrdreg s12  }
0xd: {  	s10 =	smul.u32 $0x3480, s7;
	s0 =	sadd.s32 s4, s0;
	s3 =	ssub.s32 s3, s16  }
0xe: {  	s17 =	smul.u32 $0xD2, s7;
	s7 =	sadd.s32 s18, s2;
	s4 =	simm.s32 $0x400  }
0xf: {  	s18 =	simm.s32 $0x480;
	s0 =	sadd.s32 $0xC1000, s0;
	s3 =	smax.u32 s3, $0x1  }
0x10: {  	s13 =	sshrl.u32 s7, $0x3;
	s7 =	simm.s32 $0x80;
	s20 =	sadd.s32 s5, s10  }
0x11: {  	s22 =	sadd.s32 $0x2, s17;
	s23 =	sadd.s32 $0x3, s17;
	[dreg:$0xc] =	wrdreg s3  }
0x12: {  	s24 =	sadd.s32 $0x4, s17;
	s25 =	sadd.s32 $0x5, s17;
	[dreg:$0xd] =	wrdreg s13  }
0x13: {  	s15 =	sadd.s32 $0x6, s17;
	s16 =	sadd.s32 $0x7, s17;
	[dreg:$0x5] =	wrdreg s20  }
0x14: {  	s0 =	sadd.s32 s26, s0;
	s26 =	simm.s32 $0x3600;
	[dreg:$0x8] =	wrdreg s22  }
0x15: {  	s10 =	simm.s32 $0x6;
	s17 =	simm.s32 $0x3;
	[dreg:$0x9] =	wrdreg s23  }
0x16: {  	s3 =	simm.s32 $0x280;
	s21 =	sadd.s32 $0x40, s20;
	[dreg:$0xa] =	wrdreg s24  }
0x17: {  	[dreg:$0xb] =	wrdreg s25;
	s20 =	simm.s32 $0x200;
	s22 =	simm.s32 $0x30  }
0x18: {  	s23 =	simm.s32 $0x600;
	[dreg:$0xe] =	wrdreg s0;
	s0 =	simm.s32 $0x4  }
0x19: {  	s24 =	simm.s32 $0x500;
	[dreg:$0x7] =	wrdreg s21;
	s21 =	simm.s32 $0x1  }
.LBB2_1:
0x1a: {  	[dreg:$0xf] =	wrdreg s19  }
0x1b: {  	s11 =	rddreg [dreg:$0x4]  }
0x1c: {  	[spmem:s13], [sflag:s12] =	dma.local [hbm:s11], $0x2800  }
0x1d: {  	_ =	swait.ge [sflag:s14], $0x2800  }
0x1e: {  	[sflag:s14] =	ssyncset.done $0x0  }
0x1f: {  	s13 =	simm.s32 $0x0;
	[sflag:s14] =	ssyncadd.s32 $0xFFFFD800;
	s14 =	rddreg [dreg:$0x5]  }
0x20: {  	[tilespmem:s13], [sflag:$0x1] =	stream.linear.gather [hbm4b:s14+s13], $0x180, $0x38;
	[tilespmem:$0x1A600] =	vst v63  }
0x21: {  	s19 =	rddreg [dreg:$0x7]  }
0x22: {  	[tilespmem:s20], [sflag:$0x2] =	stream.linear.gather [hbm4b:s19+s13], $0x180, $0x38;
	[tilespmem:$0x1A600] =	vst v63  }
0x23: {  	_ =	swait.ge [sflag:s21], $0x180  }
0x24: {  	[sflag:s21] =	ssyncset.done $0x0  }
0x25: {  	[sflag:s21] =	ssyncadd.s32 $0xFFFFFE80  }
0x26: {  	[tilespmem:s23], [sflag:$0x4] =	stream.indirect.gather [hbm4b:s1+s22], $0x80, s13, s22, $0xb8;
	[tilespmem:$0x1A600] =	vst v63  }
0x27: {  	s25 =	simm.s32 $0x100  }
0x28: {  	[tilespmem:s26], [sflag:$0x4] =	stream.indirect.gather [hbm4b:s6+s22], $0x80, s25, s22, $0xb8;
	[tilespmem:$0x1A600] =	vst v63  }
0x29: {  	s19 =	simm.s32 $0x0;
	[bflag:$0x0] =	sbarrier.arrive $0xFFFF  }
.LBB2_2:
0x2a: {  	p0 =	seq.s32 s19, $0x0  }
0x2b: {  	s11 =	simm.s32 @!p0 $0x7  }
0x2c: {  	_ =	swait.ge @!p0 [sflag:s11], $0x1800  }
0x2d: {  	[sflag:s11] =	ssyncset.done @!p0 $0x0  }
0x2e: {  	[sflag:s11] =	ssyncadd.s32 @!p0 $0xFFFFE800  }
0x2f: {  	_ =	swait.ge [sflag:s28], $0x180  }
0x30: {  	[sflag:s28] =	ssyncset.done $0x0  }
0x31: {  	[sflag:s28] =	ssyncadd.s32 $0xFFFFFE80  }
0x32: {  	[tilespmem:s29], [sflag:$0x5] =	stream.indirect.gather [hbm4b:s1+s22], $0x80, s20, s22, $0xb8;
	[tilespmem:$0x1A600] =	vst v63  }
0x33: {  	_ = 	snop  }
0x34: {  	[tilespmem:s31], [sflag:$0x5] =	stream.indirect.gather [hbm4b:s6+s22], $0x80, s30, s22, $0xb8;
	[tilespmem:$0x1A600] =	vst v63  }
0x35: {  	s25 =	smul.u32 $0x6, s19;
	_ =	swait.ge [sflag:s0], $0x1800  }
0x36: {  	[sflag:s0] =	ssyncset.done $0x0;
	s14 =	rddreg [dreg:$0x8]  }
0x37: {  	[sflag:s0] =	ssyncadd.s32 $0xFFFFE800;
	s11 =	sadd.s32 s25, s14  }
0x38: {  	_ =	swait.ge [sflag:s0], $0x1800;
	s11 =	sshll.u32 s11, $0x6  }
0x39: {  	[sflag:s0] =	ssyncset.done $0x0;
	s11 =	sand.u32 $0x1FFFFF80, s11  }
0x3a: {  	s12 =	simm.s32 $0x0;
	[sflag:s0] =	ssyncadd.s32 $0xFFFFE800;
	s11 =	sadd.s32 s5, s11  }
0x3b: {  	[tilespmem:s4], [sflag:$0x3] =	stream.linear.gather [hbm4b:s11+s12], $0x180, $0x38;
	[tilespmem:$0x1A600] =	vst v63  }
0x3c: {  	s11 =	simm.s32 $0x0  }
0x3d: {  	v7 =	vld [tilespmem:s11+$0x3600]  }
0x3e: {  	v11 =	vld [tilespmem:s11+$0x3610]  }
0x3f: {  	v5 =	vld [tilespmem:s11+$0x3620]  }
0x40: {  	v4 =	vld [tilespmem:s11+$0x3630]  }
0x41: {  	v3 =	vld [tilespmem:s11+$0x3640]  }
0x42: {  	v2 =	vld [tilespmem:s11+$0x3650]  }
0x43: {  	v1 =	vld [tilespmem:s11+$0x3660]  }
0x44: {  	v0 =	vld [tilespmem:s11+$0x3670]  }
0x45: {  	v12 =	vld [tilespmem:s11+$0x600]  }
0x46: {  	v13 =	vld [tilespmem:s11+$0x610]  }
0x47: {  	v10 =	vld [tilespmem:s11+$0x620]  }
0x48: {  	v9 =	vld [tilespmem:s11+$0x630]  }
0x49: {  	v8 =	vld [tilespmem:s11+$0x640]  }
0x4a: {  	v6 =	vld [tilespmem:s11+$0x650];
	v12 =	vmul.f32 v7, v12  }
0x4b: {  	s12 =	simm.s32 $0x200;
	v11 =	vmul.f32 v11, v13;
	v7 =	vld [tilespmem:s11+$0x660]  }
.LBB2_3:
0x4c: {  	s13 =	sshra.s32 s12, $0x2;
	p0 =	sne.s32 s12, $0x5E00;
	[tilespmem:s11+$0x600] =	vst v12;
	v5 =	vmul.f32 v5, v10;
	v10 =	vld [tilespmem:s11+$0x670]  }
0x4d: {  	v12 =	vld [tilespmem:s13+$0x3600];
	[tilespmem:s11+$0x610] =	vst v11;
	v4 =	vmul.f32 v4, v9  }
0x4e: {  	v11 =	vld [tilespmem:s13+$0x3610];
	[tilespmem:s11+$0x620] =	vst v5;
	v3 =	vmul.f32 v3, v8  }
0x4f: {  	v5 =	vld [tilespmem:s13+$0x3620];
	[tilespmem:s11+$0x630] =	vst v4;
	v2 =	vmul.f32 v2, v6  }
0x50: {  	v4 =	vld [tilespmem:s13+$0x3630];
	[tilespmem:s11+$0x640] =	vst v3;
	v1 =	vmul.f32 v1, v7  }
0x51: {  	v3 =	vld [tilespmem:s13+$0x3640];
	[tilespmem:s11+$0x650] =	vst v2;
	v0 =	vmul.f32 v0, v10  }
0x52: {  	v2 =	vld [tilespmem:s13+$0x3650];
	[tilespmem:s11+$0x660] =	vst v1  }
0x53: {  	v1 =	vld [tilespmem:s13+$0x3660];
	[tilespmem:s11+$0x670] =	vst v0;
	s11 =	smov.u32 s13  }
0x54: {  	v0 =	vld [tilespmem:s11+$0x3670]  }
0x55: {  	v6 =	vld [tilespmem:s11+$0x600]  }
0x56: {  	v7 =	vld [tilespmem:s11+$0x610]  }
.Ltmp0:
0x57: {  	v10 =	vld [tilespmem:s11+$0x620];
	(pc) =	sbr.rel @p0 .LBB2_3-.Ltmp0, $4  }
0x58: {  	v9 =	vld [tilespmem:s11+$0x630]  }
0x59: {  	v8 =	vld [tilespmem:s11+$0x640]  }
0x5a: {  	v12 =	vmul.f32 v12, v6;
	v6 =	vld [tilespmem:s11+$0x650]  }
0x5b: {  	s12 =	sadd.s32 $0x200, s12;
	v11 =	vmul.f32 v11, v7;
	v7 =	vld [tilespmem:s11+$0x660]  }
0x5c: {  	[tilespmem:s11+$0x600] =	vst v12;
	v5 =	vmul.f32 v5, v10;
	v10 =	vld [tilespmem:s11+$0x670]  }
0x5d: {  	[tilespmem:s11+$0x610] =	vst v11;
	v4 =	vmul.f32 v4, v9  }
0x5e: {  	[tilespmem:s11+$0x620] =	vst v5;
	v3 =	vmul.f32 v3, v8  }
0x5f: {  	[tilespmem:s11+$0x630] =	vst v4;
	v2 =	vmul.f32 v2, v6  }
0x60: {  	[tilespmem:s11+$0x640] =	vst v3;
	v1 =	vmul.f32 v1, v7  }
0x61: {  	[tilespmem:s11+$0x650] =	vst v2;
	v0 =	vmul.f32 v0, v10  }
0x62: {  	[tilespmem:s11+$0x660] =	vst v1  }
0x63: {  	[tilespmem:s11+$0x670] =	vst v0  }
0x64: {  	[spmem:s2] =	stream.indirect.scatter.add.f32 [tilespmem:s23], [sflag:$0x6], $0x80, s7, s22, $0xb8;
	[tilespmem:$0x1A600] =	vst v63  }
0x65: {  	_ =	swait.ge [sflag:s10], $0x1800  }
0x66: {  	[sflag:s10] =	ssyncset.done $0x0  }
0x67: {  	[sflag:s10] =	ssyncadd.s32 $0xFFFFE800  }
0x68: {  	_ =	swait.ge [sflag:s17], $0x180  }
0x69: {  	[sflag:s17] =	ssyncset.done $0x0  }
0x6a: {  	[sflag:s17] =	ssyncadd.s32 $0xFFFFFE80  }
0x6b: {  	[tilespmem:s23], [sflag:$0x4] =	stream.indirect.gather [hbm4b:s1+s22], $0x80, s4, s22, $0xb8;
	[tilespmem:$0x1A600] =	vst v63  }
0x6c: {  	_ = 	snop  }
0x6d: {  	[tilespmem:s26], [sflag:$0x4] =	stream.indirect.gather [hbm4b:s6+s22], $0x80, s24, s22, $0xb8;
	[tilespmem:$0x1A600] =	vst v63  }
0x6e: {  	_ =	swait.ge [sflag:s8], $0x1800  }
0x6f: {  	[sflag:s8] =	ssyncset.done $0x0;
	s14 =	rddreg [dreg:$0x9]  }
0x70: {  	[sflag:s8] =	ssyncadd.s32 $0xFFFFE800;
	s11 =	sadd.s32 s25, s14  }
0x71: {  	_ =	swait.ge [sflag:s8], $0x1800;
	s11 =	sshll.u32 s11, $0x6  }
0x72: {  	[sflag:s8] =	ssyncset.done $0x0;
	s11 =	sand.u32 $0x1FFFFFC0, s11  }
0x73: {  	s12 =	simm.s32 $0x0;
	[sflag:s8] =	ssyncadd.s32 $0xFFFFE800;
	s11 =	sadd.s32 s5, s11  }
0x74: {  	[tilespmem:s12], [sflag:$0x1] =	stream.linear.gather [hbm4b:s11+s12], $0x180, $0x38;
	[tilespmem:$0x1A600] =	vst v63  }
0x75: {  	s11 =	simm.s32 $0x0  }
0x76: {  	v7 =	vld [tilespmem:s11+$0x4E00]  }
0x77: {  	v11 =	vld [tilespmem:s11+$0x4E10]  }
0x78: {  	v5 =	vld [tilespmem:s11+$0x4E20]  }
0x79: {  	v4 =	vld [tilespmem:s11+$0x4E30]  }
0x7a: {  	v3 =	vld [tilespmem:s11+$0x4E40]  }
0x7b: {  	v2 =	vld [tilespmem:s11+$0x4E50]  }
0x7c: {  	v1 =	vld [tilespmem:s11+$0x4E60]  }
0x7d: {  	v0 =	vld [tilespmem:s11+$0x4E70]  }
0x7e: {  	v12 =	vld [tilespmem:s11+$0x1E00]  }
0x7f: {  	v13 =	vld [tilespmem:s11+$0x1E10]  }
0x80: {  	v10 =	vld [tilespmem:s11+$0x1E20]  }
0x81: {  	v9 =	vld [tilespmem:s11+$0x1E30]  }
0x82: {  	v8 =	vld [tilespmem:s11+$0x1E40]  }
0x83: {  	v6 =	vld [tilespmem:s11+$0x1E50];
	v12 =	vmul.f32 v7, v12  }
0x84: {  	s12 =	simm.s32 $0x200;
	v11 =	vmul.f32 v11, v13;
	v7 =	vld [tilespmem:s11+$0x1E60]  }
.LBB2_5:
0x85: {  	s13 =	sshra.s32 s12, $0x2;
	p0 =	sne.s32 s12, $0x5E00;
	[tilespmem:s11+$0x1E00] =	vst v12;
	v5 =	vmul.f32 v5, v10;
	v10 =	vld [tilespmem:s11+$0x1E70]  }
0x86: {  	v12 =	vld [tilespmem:s13+$0x4E00];
	[tilespmem:s11+$0x1E10] =	vst v11;
	v4 =	vmul.f32 v4, v9  }
0x87: {  	v11 =	vld [tilespmem:s13+$0x4E10];
	[tilespmem:s11+$0x1E20] =	vst v5;
	v3 =	vmul.f32 v3, v8  }
0x88: {  	v5 =	vld [tilespmem:s13+$0x4E20];
	[tilespmem:s11+$0x1E30] =	vst v4;
	v2 =	vmul.f32 v2, v6  }
0x89: {  	v4 =	vld [tilespmem:s13+$0x4E30];
	[tilespmem:s11+$0x1E40] =	vst v3;
	v1 =	vmul.f32 v1, v7  }
0x8a: {  	v3 =	vld [tilespmem:s13+$0x4E40];
	[tilespmem:s11+$0x1E50] =	vst v2;
	v0 =	vmul.f32 v0, v10  }
0x8b: {  	v2 =	vld [tilespmem:s13+$0x4E50];
	[tilespmem:s11+$0x1E60] =	vst v1  }
0x8c: {  	v1 =	vld [tilespmem:s13+$0x4E60];
	[tilespmem:s11+$0x1E70] =	vst v0;
	s11 =	smov.u32 s13  }
0x8d: {  	v0 =	vld [tilespmem:s11+$0x4E70]  }
0x8e: {  	v6 =	vld [tilespmem:s11+$0x1E00]  }
0x8f: {  	v7 =	vld [tilespmem:s11+$0x1E10]  }
.Ltmp1:
0x90: {  	v10 =	vld [tilespmem:s11+$0x1E20];
	(pc) =	sbr.rel @p0 .LBB2_5-.Ltmp1, $4  }
0x91: {  	v9 =	vld [tilespmem:s11+$0x1E30]  }
0x92: {  	v8 =	vld [tilespmem:s11+$0x1E40]  }
0x93: {  	v12 =	vmul.f32 v12, v6;
	v6 =	vld [tilespmem:s11+$0x1E50]  }
0x94: {  	s12 =	sadd.s32 $0x200, s12;
	v11 =	vmul.f32 v11, v7;
	v7 =	vld [tilespmem:s11+$0x1E60]  }
0x95: {  	[tilespmem:s11+$0x1E00] =	vst v12;
	v5 =	vmul.f32 v5, v10;
	v10 =	vld [tilespmem:s11+$0x1E70]  }
0x96: {  	[tilespmem:s11+$0x1E10] =	vst v11;
	v4 =	vmul.f32 v4, v9  }
0x97: {  	[tilespmem:s11+$0x1E20] =	vst v5;
	v3 =	vmul.f32 v3, v8  }
0x98: {  	[tilespmem:s11+$0x1E30] =	vst v4;
	v2 =	vmul.f32 v2, v6  }
0x99: {  	[tilespmem:s11+$0x1E40] =	vst v3;
	v1 =	vmul.f32 v1, v7  }
0x9a: {  	[tilespmem:s11+$0x1E50] =	vst v2;
	v0 =	vmul.f32 v0, v10  }
0x9b: {  	[tilespmem:s11+$0x1E60] =	vst v1  }
0x9c: {  	[tilespmem:s11+$0x1E70] =	vst v0  }
0x9d: {  	[spmem:s2] =	stream.indirect.scatter.add.f32 [tilespmem:s29], [sflag:$0x7], $0x80, s3, s22, $0xb8;
	[tilespmem:$0x1A600] =	vst v63  }
0x9e: {  	_ =	swait.ge [sflag:s9], $0x1800  }
0x9f: {  	[sflag:s9] =	ssyncset.done $0x0  }
0xa0: {  	[sflag:s9] =	ssyncadd.s32 $0xFFFFE800  }
0xa1: {  	_ =	swait.ge [sflag:s21], $0x180  }
0xa2: {  	[sflag:s21] =	ssyncset.done $0x0  }
0xa3: {  	s13 =	simm.s32 $0x0;
	[sflag:s21] =	ssyncadd.s32 $0xFFFFFE80  }
0xa4: {  	[tilespmem:s29], [sflag:$0x5] =	stream.indirect.gather [hbm4b:s1+s22], $0x80, s13, s22, $0xb8;
	[tilespmem:$0x1A600] =	vst v63  }
0xa5: {  	s12 =	simm.s32 $0x100  }
0xa6: {  	[tilespmem:s31], [sflag:$0x5] =	stream.indirect.gather [hbm4b:s6+s22], $0x80, s12, s22, $0xb8;
	[tilespmem:$0x1A600] =	vst v63  }
0xa7: {  	_ =	swait.ge [sflag:s0], $0x1800  }
0xa8: {  	[sflag:s0] =	ssyncset.done $0x0;
	s14 =	rddreg [dreg:$0xa]  }
0xa9: {  	[sflag:s0] =	ssyncadd.s32 $0xFFFFE800;
	s12 =	sadd.s32 s25, s14  }
0xaa: {  	_ =	swait.ge [sflag:s0], $0x1800;
	s12 =	sshll.u32 s12, $0x6  }
0xab: {  	[sflag:s0] =	ssyncset.done $0x0;
	s12 =	sand.u32 $0x1FFFFF80, s12  }
0xac: {  	s11 =	simm.s32 $0x0;
	[sflag:s0] =	ssyncadd.s32 $0xFFFFE800;
	s12 =	sadd.s32 s5, s12  }
0xad: {  	[tilespmem:s20], [sflag:$0x2] =	stream.linear.gather [hbm4b:s12+s13], $0x180, $0x38;
	[tilespmem:$0x1A600] =	vst v63  }
0xae: {  	v7 =	vld [tilespmem:s11+$0x3600]  }
0xaf: {  	v11 =	vld [tilespmem:s11+$0x3610]  }
0xb0: {  	v5 =	vld [tilespmem:s11+$0x3620]  }
0xb1: {  	v4 =	vld [tilespmem:s11+$0x3630]  }
0xb2: {  	v3 =	vld [tilespmem:s11+$0x3640]  }
0xb3: {  	v2 =	vld [tilespmem:s11+$0x3650]  }
0xb4: {  	v1 =	vld [tilespmem:s11+$0x3660]  }
0xb5: {  	v0 =	vld [tilespmem:s11+$0x3670]  }
0xb6: {  	v12 =	vld [tilespmem:s11+$0x600]  }
0xb7: {  	v13 =	vld [tilespmem:s11+$0x610]  }
0xb8: {  	v10 =	vld [tilespmem:s11+$0x620]  }
0xb9: {  	v9 =	vld [tilespmem:s11+$0x630]  }
0xba: {  	v8 =	vld [tilespmem:s11+$0x640]  }
0xbb: {  	v6 =	vld [tilespmem:s11+$0x650];
	v12 =	vmul.f32 v7, v12  }
0xbc: {  	s12 =	simm.s32 $0x200;
	v11 =	vmul.f32 v11, v13;
	v7 =	vld [tilespmem:s11+$0x660]  }
.LBB2_7:
0xbd: {  	s13 =	sshra.s32 s12, $0x2;
	p0 =	sne.s32 s12, $0x5E00;
	[tilespmem:s11+$0x600] =	vst v12;
	v5 =	vmul.f32 v5, v10;
	v10 =	vld [tilespmem:s11+$0x670]  }
0xbe: {  	v12 =	vld [tilespmem:s13+$0x3600];
	[tilespmem:s11+$0x610] =	vst v11;
	v4 =	vmul.f32 v4, v9  }
0xbf: {  	v11 =	vld [tilespmem:s13+$0x3610];
	[tilespmem:s11+$0x620] =	vst v5;
	v3 =	vmul.f32 v3, v8  }
0xc0: {  	v5 =	vld [tilespmem:s13+$0x3620];
	[tilespmem:s11+$0x630] =	vst v4;
	v2 =	vmul.f32 v2, v6  }
0xc1: {  	v4 =	vld [tilespmem:s13+$0x3630];
	[tilespmem:s11+$0x640] =	vst v3;
	v1 =	vmul.f32 v1, v7  }
0xc2: {  	v3 =	vld [tilespmem:s13+$0x3640];
	[tilespmem:s11+$0x650] =	vst v2;
	v0 =	vmul.f32 v0, v10  }
0xc3: {  	v2 =	vld [tilespmem:s13+$0x3650];
	[tilespmem:s11+$0x660] =	vst v1  }
0xc4: {  	v1 =	vld [tilespmem:s13+$0x3660];
	[tilespmem:s11+$0x670] =	vst v0;
	s11 =	smov.u32 s13  }
0xc5: {  	v0 =	vld [tilespmem:s11+$0x3670]  }
0xc6: {  	v6 =	vld [tilespmem:s11+$0x600]  }
0xc7: {  	v7 =	vld [tilespmem:s11+$0x610]  }
.Ltmp2:
0xc8: {  	v10 =	vld [tilespmem:s11+$0x620];
	(pc) =	sbr.rel @p0 .LBB2_7-.Ltmp2, $4  }
0xc9: {  	v9 =	vld [tilespmem:s11+$0x630]  }
0xca: {  	v8 =	vld [tilespmem:s11+$0x640]  }
0xcb: {  	v12 =	vmul.f32 v12, v6;
	v6 =	vld [tilespmem:s11+$0x650]  }
0xcc: {  	s12 =	sadd.s32 $0x200, s12;
	v11 =	vmul.f32 v11, v7;
	v7 =	vld [tilespmem:s11+$0x660]  }
0xcd: {  	[tilespmem:s11+$0x600] =	vst v12;
	v5 =	vmul.f32 v5, v10;
	v10 =	vld [tilespmem:s11+$0x670]  }
0xce: {  	[tilespmem:s11+$0x610] =	vst v11;
	v4 =	vmul.f32 v4, v9  }
0xcf: {  	[tilespmem:s11+$0x620] =	vst v5;
	v3 =	vmul.f32 v3, v8  }
0xd0: {  	[tilespmem:s11+$0x630] =	vst v4;
	v2 =	vmul.f32 v2, v6  }
0xd1: {  	[tilespmem:s11+$0x640] =	vst v3;
	v1 =	vmul.f32 v1, v7  }
0xd2: {  	[tilespmem:s11+$0x650] =	vst v2;
	v0 =	vmul.f32 v0, v10  }
0xd3: {  	[tilespmem:s11+$0x660] =	vst v1  }
0xd4: {  	[tilespmem:s11+$0x670] =	vst v0  }
0xd5: {  	[spmem:s2] =	stream.indirect.scatter.add.f32 [tilespmem:s23], [sflag:$0x6], $0x80, s18, s22, $0xb8;
	[tilespmem:$0x1A600] =	vst v63  }
0xd6: {  	_ =	swait.ge [sflag:s10], $0x1800  }
0xd7: {  	[sflag:s10] =	ssyncset.done $0x0  }
0xd8: {  	[sflag:s10] =	ssyncadd.s32 $0xFFFFE800  }
0xd9: {  	_ =	swait.ge [sflag:s28], $0x180  }
0xda: {  	[sflag:s28] =	ssyncset.done $0x0  }
0xdb: {  	[sflag:s28] =	ssyncadd.s32 $0xFFFFFE80  }
0xdc: {  	[tilespmem:s23], [sflag:$0x4] =	stream.indirect.gather [hbm4b:s1+s22], $0x80, s20, s22, $0xb8;
	[tilespmem:$0x1A600] =	vst v63  }
0xdd: {  	_ = 	snop  }
0xde: {  	[tilespmem:s26], [sflag:$0x4] =	stream.indirect.gather [hbm4b:s6+s22], $0x80, s30, s22, $0xb8;
	[tilespmem:$0x1A600] =	vst v63  }
0xdf: {  	_ =	swait.ge [sflag:s8], $0x1800  }
0xe0: {  	[sflag:s8] =	ssyncset.done $0x0;
	s14 =	rddreg [dreg:$0xb]  }
0xe1: {  	[sflag:s8] =	ssyncadd.s32 $0xFFFFE800;
	s11 =	sadd.s32 s25, s14  }
0xe2: {  	_ =	swait.ge [sflag:s8], $0x1800;
	s11 =	sshll.u32 s11, $0x6  }
0xe3: {  	[sflag:s8] =	ssyncset.done $0x0;
	s11 =	sand.u32 $0x1FFFFFC0, s11  }
0xe4: {  	s12 =	simm.s32 $0x0;
	[sflag:s8] =	ssyncadd.s32 $0xFFFFE800;
	s11 =	sadd.s32 s5, s11  }
0xe5: {  	[tilespmem:s4], [sflag:$0x3] =	stream.linear.gather [hbm4b:s11+s12], $0x180, $0x38;
	[tilespmem:$0x1A600] =	vst v63  }
0xe6: {  	s11 =	simm.s32 $0x0  }
0xe7: {  	v7 =	vld [tilespmem:s11+$0x4E00]  }
0xe8: {  	v11 =	vld [tilespmem:s11+$0x4E10]  }
0xe9: {  	v5 =	vld [tilespmem:s11+$0x4E20]  }
0xea: {  	v4 =	vld [tilespmem:s11+$0x4E30]  }
0xeb: {  	v3 =	vld [tilespmem:s11+$0x4E40]  }
0xec: {  	v2 =	vld [tilespmem:s11+$0x4E50]  }
0xed: {  	v1 =	vld [tilespmem:s11+$0x4E60]  }
0xee: {  	v0 =	vld [tilespmem:s11+$0x4E70]  }
0xef: {  	v12 =	vld [tilespmem:s11+$0x1E00]  }
0xf0: {  	v13 =	vld [tilespmem:s11+$0x1E10]  }
0xf1: {  	v10 =	vld [tilespmem:s11+$0x1E20]  }
0xf2: {  	v9 =	vld [tilespmem:s11+$0x1E30]  }
0xf3: {  	v8 =	vld [tilespmem:s11+$0x1E40]  }
0xf4: {  	v6 =	vld [tilespmem:s11+$0x1E50];
	v12 =	vmul.f32 v7, v12  }
0xf5: {  	s12 =	simm.s32 $0x200;
	v11 =	vmul.f32 v11, v13;
	v7 =	vld [tilespmem:s11+$0x1E60]  }
.LBB2_9:
0xf6: {  	s13 =	sshra.s32 s12, $0x2;
	p0 =	sne.s32 s12, $0x5E00;
	[tilespmem:s11+$0x1E00] =	vst v12;
	v5 =	vmul.f32 v5, v10;
	v10 =	vld [tilespmem:s11+$0x1E70]  }
0xf7: {  	v12 =	vld [tilespmem:s13+$0x4E00];
	[tilespmem:s11+$0x1E10] =	vst v11;
	v4 =	vmul.f32 v4, v9  }
0xf8: {  	v11 =	vld [tilespmem:s13+$0x4E10];
	[tilespmem:s11+$0x1E20] =	vst v5;
	v3 =	vmul.f32 v3, v8  }
0xf9: {  	v5 =	vld [tilespmem:s13+$0x4E20];
	[tilespmem:s11+$0x1E30] =	vst v4;
	v2 =	vmul.f32 v2, v6  }
0xfa: {  	v4 =	vld [tilespmem:s13+$0x4E30];
	[tilespmem:s11+$0x1E40] =	vst v3;
	v1 =	vmul.f32 v1, v7  }
0xfb: {  	v3 =	vld [tilespmem:s13+$0x4E40];
	[tilespmem:s11+$0x1E50] =	vst v2;
	v0 =	vmul.f32 v0, v10  }
0xfc: {  	v2 =	vld [tilespmem:s13+$0x4E50];
	[tilespmem:s11+$0x1E60] =	vst v1  }
0xfd: {  	v1 =	vld [tilespmem:s13+$0x4E60];
	[tilespmem:s11+$0x1E70] =	vst v0;
	s11 =	smov.u32 s13  }
0xfe: {  	v0 =	vld [tilespmem:s11+$0x4E70]  }
0xff: {  	v6 =	vld [tilespmem:s11+$0x1E00]  }
0x100: {  	v7 =	vld [tilespmem:s11+$0x1E10]  }
.Ltmp3:
0x101: {  	v10 =	vld [tilespmem:s11+$0x1E20];
	(pc) =	sbr.rel @p0 .LBB2_9-.Ltmp3, $4  }
0x102: {  	v9 =	vld [tilespmem:s11+$0x1E30]  }
0x103: {  	v8 =	vld [tilespmem:s11+$0x1E40]  }
0x104: {  	v12 =	vmul.f32 v12, v6;
	v6 =	vld [tilespmem:s11+$0x1E50]  }
0x105: {  	s12 =	sadd.s32 $0x200, s12;
	v11 =	vmul.f32 v11, v7;
	v7 =	vld [tilespmem:s11+$0x1E60]  }
0x106: {  	[tilespmem:s11+$0x1E00] =	vst v12;
	v5 =	vmul.f32 v5, v10;
	v10 =	vld [tilespmem:s11+$0x1E70]  }
0x107: {  	[tilespmem:s11+$0x1E10] =	vst v11;
	v4 =	vmul.f32 v4, v9  }
0x108: {  	[tilespmem:s11+$0x1E20] =	vst v5;
	v3 =	vmul.f32 v3, v8  }
0x109: {  	[tilespmem:s11+$0x1E30] =	vst v4;
	v2 =	vmul.f32 v2, v6  }
0x10a: {  	[tilespmem:s11+$0x1E40] =	vst v3;
	v1 =	vmul.f32 v1, v7  }
0x10b: {  	[tilespmem:s11+$0x1E50] =	vst v2;
	v0 =	vmul.f32 v0, v10  }
0x10c: {  	[tilespmem:s11+$0x1E60] =	vst v1  }
0x10d: {  	[tilespmem:s11+$0x1E70] =	vst v0  }
0x10e: {  	[spmem:s2] =	stream.indirect.scatter.add.f32 [tilespmem:s29], [sflag:$0x7], $0x80, s7, s22, $0xb8;
	[tilespmem:$0x1A600] =	vst v63  }
0x10f: {  	_ =	swait.ge [sflag:s9], $0x1800  }
0x110: {  	[sflag:s9] =	ssyncset.done $0x0  }
0x111: {  	[sflag:s9] =	ssyncadd.s32 $0xFFFFE800  }
0x112: {  	_ =	swait.ge [sflag:s17], $0x180  }
0x113: {  	[sflag:s17] =	ssyncset.done $0x0  }
0x114: {  	[sflag:s17] =	ssyncadd.s32 $0xFFFFFE80  }
0x115: {  	[tilespmem:s29], [sflag:$0x5] =	stream.indirect.gather [hbm4b:s1+s22], $0x80, s4, s22, $0xb8;
	[tilespmem:$0x1A600] =	vst v63  }
0x116: {  	_ = 	snop  }
0x117: {  	[tilespmem:s31], [sflag:$0x5] =	stream.indirect.gather [hbm4b:s6+s22], $0x80, s24, s22, $0xb8;
	[tilespmem:$0x1A600] =	vst v63  }
0x118: {  	_ =	swait.ge [sflag:s0], $0x1800  }
0x119: {  	p0 =	seq.s32 s19, $0x22;
	[sflag:s0] =	ssyncset.done $0x0  }
0x11a: {  	s11 =	sadd.s32 @!p0 s25, s15;
	[sflag:s0] =	ssyncadd.s32 $0xFFFFE800  }
0x11b: {  	s11 =	sshll.u32 @!p0 s11, $0x6;
	_ =	swait.ge [sflag:s0], $0x1800  }
0x11c: {  	s11 =	sand.u32 @!p0 $0x1FFFFF80, s11;
	[sflag:s0] =	ssyncset.done $0x0  }
0x11d: {  	s12 =	simm.s32 @!p0 $0x0;
	s11 =	sadd.s32 @!p0 s5, s11;
	[sflag:s0] =	ssyncadd.s32 $0xFFFFE800  }
0x11e: {  	[tilespmem:s12], [sflag:$0x1] =	stream.linear.gather @!p0 [hbm4b:s11+s12], $0x180, $0x38;
	[tilespmem:$0x1A600] =	vst v63  }
0x11f: {  	s11 =	simm.s32 $0x0  }
0x120: {  	v7 =	vld [tilespmem:s11+$0x3600]  }
0x121: {  	v11 =	vld [tilespmem:s11+$0x3610]  }
0x122: {  	v5 =	vld [tilespmem:s11+$0x3620]  }
0x123: {  	v4 =	vld [tilespmem:s11+$0x3630]  }
0x124: {  	v3 =	vld [tilespmem:s11+$0x3640]  }
0x125: {  	v2 =	vld [tilespmem:s11+$0x3650]  }
0x126: {  	v1 =	vld [tilespmem:s11+$0x3660]  }
0x127: {  	v0 =	vld [tilespmem:s11+$0x3670]  }
0x128: {  	v12 =	vld [tilespmem:s11+$0x600]  }
0x129: {  	v13 =	vld [tilespmem:s11+$0x610]  }
0x12a: {  	v10 =	vld [tilespmem:s11+$0x620]  }
0x12b: {  	v9 =	vld [tilespmem:s11+$0x630]  }
0x12c: {  	v8 =	vld [tilespmem:s11+$0x640]  }
0x12d: {  	v6 =	vld [tilespmem:s11+$0x650];
	v12 =	vmul.f32 v7, v12  }
0x12e: {  	s12 =	simm.s32 $0x200;
	v11 =	vmul.f32 v11, v13;
	v7 =	vld [tilespmem:s11+$0x660]  }
.LBB2_11:
0x12f: {  	s13 =	sshra.s32 s12, $0x2;
	p1 =	sne.s32 s12, $0x5E00;
	[tilespmem:s11+$0x600] =	vst v12;
	v5 =	vmul.f32 v5, v10;
	v10 =	vld [tilespmem:s11+$0x670]  }
0x130: {  	v12 =	vld [tilespmem:s13+$0x3600];
	[tilespmem:s11+$0x610] =	vst v11;
	v4 =	vmul.f32 v4, v9  }
0x131: {  	v11 =	vld [tilespmem:s13+$0x3610];
	[tilespmem:s11+$0x620] =	vst v5;
	v3 =	vmul.f32 v3, v8  }
0x132: {  	v5 =	vld [tilespmem:s13+$0x3620];
	[tilespmem:s11+$0x630] =	vst v4;
	v2 =	vmul.f32 v2, v6  }
0x133: {  	v4 =	vld [tilespmem:s13+$0x3630];
	[tilespmem:s11+$0x640] =	vst v3;
	v1 =	vmul.f32 v1, v7  }
0x134: {  	v3 =	vld [tilespmem:s13+$0x3640];
	[tilespmem:s11+$0x650] =	vst v2;
	v0 =	vmul.f32 v0, v10  }
0x135: {  	v2 =	vld [tilespmem:s13+$0x3650];
	[tilespmem:s11+$0x660] =	vst v1  }
0x136: {  	v1 =	vld [tilespmem:s13+$0x3660];
	[tilespmem:s11+$0x670] =	vst v0;
	s11 =	smov.u32 s13  }
0x137: {  	v0 =	vld [tilespmem:s11+$0x3670]  }
0x138: {  	v6 =	vld [tilespmem:s11+$0x600]  }
0x139: {  	v7 =	vld [tilespmem:s11+$0x610]  }
.Ltmp4:
0x13a: {  	v10 =	vld [tilespmem:s11+$0x620];
	(pc) =	sbr.rel @p1 .LBB2_11-.Ltmp4, $4  }
0x13b: {  	v9 =	vld [tilespmem:s11+$0x630]  }
0x13c: {  	v8 =	vld [tilespmem:s11+$0x640]  }
0x13d: {  	v12 =	vmul.f32 v12, v6;
	v6 =	vld [tilespmem:s11+$0x650]  }
0x13e: {  	s12 =	sadd.s32 $0x200, s12;
	v11 =	vmul.f32 v11, v7;
	v7 =	vld [tilespmem:s11+$0x660]  }
0x13f: {  	[tilespmem:s11+$0x600] =	vst v12;
	v5 =	vmul.f32 v5, v10;
	v10 =	vld [tilespmem:s11+$0x670]  }
0x140: {  	[tilespmem:s11+$0x610] =	vst v11;
	v4 =	vmul.f32 v4, v9  }
0x141: {  	[tilespmem:s11+$0x620] =	vst v5;
	v3 =	vmul.f32 v3, v8  }
0x142: {  	[tilespmem:s11+$0x630] =	vst v4;
	v2 =	vmul.f32 v2, v6  }
0x143: {  	[tilespmem:s11+$0x640] =	vst v3;
	v1 =	vmul.f32 v1, v7  }
0x144: {  	[tilespmem:s11+$0x650] =	vst v2;
	v0 =	vmul.f32 v0, v10  }
0x145: {  	[tilespmem:s11+$0x660] =	vst v1  }
0x146: {  	[tilespmem:s11+$0x670] =	vst v0  }
0x147: {  	[spmem:s2] =	stream.indirect.scatter.add.f32 [tilespmem:s23], [sflag:$0x6], $0x80, s3, s22, $0xb8;
	[tilespmem:$0x1A600] =	vst v63  }
0x148: {  	_ =	swait.ge [sflag:s10], $0x1800  }
0x149: {  	[sflag:s10] =	ssyncset.done $0x0  }
0x14a: {  	s11 =	simm.s32 @p0 $0x5;
	[sflag:s10] =	ssyncadd.s32 $0xFFFFE800  }
0x14b: {  	_ =	swait.ge @p0 [sflag:s11], $0x1800  }
0x14c: {  	[sflag:s11] =	ssyncset.done @p0 $0x0  }
0x14d: {  	[sflag:s11] =	ssyncadd.s32 @p0 $0xFFFFE800  }
0x14e: {  	_ =	swait.ge @p0 [sflag:s11], $0x1800  }
0x14f: {  	[sflag:s11] =	ssyncset.done @p0 $0x0  }
0x150: {  	[sflag:s11] =	ssyncadd.s32 @p0 $0xFFFFE800;
	s11 =	simm.s32 @!p0 $0x1  }
0x151: {  	_ =	swait.ge @!p0 [sflag:s11], $0x180  }
0x152: {  	s12 =	simm.s32 @!p0 $0x0;
	[sflag:s11] =	ssyncset.done @!p0 $0x0  }
0x153: {  	s13 =	simm.s32 @!p0 $0x600;
	[sflag:s11] =	ssyncadd.s32 @!p0 $0xFFFFFE80;
	s11 =	simm.s32 @!p0 $0x30  }
0x154: {  	[tilespmem:s13], [sflag:$0x4] =	stream.indirect.gather @!p0 [hbm4b:s1+s11], $0x80, s12, s11, $0xb8;
	[tilespmem:$0x1A600] =	vst v63  }
0x155: {  	s14 =	simm.s32 @!p0 $0x3600;
	s13 =	simm.s32 @!p0 $0x100  }
0x156: {  	[tilespmem:s14], [sflag:$0x4] =	stream.indirect.gather @!p0 [hbm4b:s6+s11], $0x80, s13, s11, $0xb8;
	[tilespmem:$0x1A600] =	vst v63  }
0x157: {  	s11 =	simm.s32 @!p0 $0x5  }
0x158: {  	_ =	swait.ge @!p0 [sflag:s11], $0x1800  }
0x159: {  	[sflag:s11] =	ssyncset.done @!p0 $0x0  }
0x15a: {  	s13 =	sadd.s32 @!p0 s25, s16;
	[sflag:s11] =	ssyncadd.s32 @!p0 $0xFFFFE800  }
0x15b: {  	s13 =	sshll.u32 @!p0 s13, $0x6;
	_ =	swait.ge @!p0 [sflag:s11], $0x1800  }
0x15c: {  	s13 =	sand.u32 @!p0 $0x1FFFFFC0, s13;
	[sflag:s11] =	ssyncset.done @!p0 $0x0  }
0x15d: {  	[sflag:s11] =	ssyncadd.s32 @!p0 $0xFFFFE800;
	s11 =	sadd.s32 @!p0 s5, s13;
	s13 =	simm.s32 @!p0 $0x200  }
0x15e: {  	[tilespmem:s13], [sflag:$0x2] =	stream.linear.gather @!p0 [hbm4b:s11+s12], $0x180, $0x38;
	[tilespmem:$0x1A600] =	vst v63  }
0x15f: {  	s11 =	simm.s32 $0x0  }
0x160: {  	v7 =	vld [tilespmem:s11+$0x4E00]  }
0x161: {  	v11 =	vld [tilespmem:s11+$0x4E10]  }
0x162: {  	v5 =	vld [tilespmem:s11+$0x4E20]  }
0x163: {  	v4 =	vld [tilespmem:s11+$0x4E30]  }
0x164: {  	v3 =	vld [tilespmem:s11+$0x4E40]  }
0x165: {  	v2 =	vld [tilespmem:s11+$0x4E50]  }
0x166: {  	v1 =	vld [tilespmem:s11+$0x4E60]  }
0x167: {  	v0 =	vld [tilespmem:s11+$0x4E70]  }
0x168: {  	v12 =	vld [tilespmem:s11+$0x1E00]  }
0x169: {  	v13 =	vld [tilespmem:s11+$0x1E10]  }
0x16a: {  	v10 =	vld [tilespmem:s11+$0x1E20]  }
0x16b: {  	v9 =	vld [tilespmem:s11+$0x1E30]  }
0x16c: {  	v8 =	vld [tilespmem:s11+$0x1E40]  }
0x16d: {  	v6 =	vld [tilespmem:s11+$0x1E50];
	v12 =	vmul.f32 v7, v12  }
0x16e: {  	s12 =	simm.s32 $0x200;
	v11 =	vmul.f32 v11, v13;
	v7 =	vld [tilespmem:s11+$0x1E60]  }
.LBB2_13:
0x16f: {  	s13 =	sshra.s32 s12, $0x2;
	p0 =	sne.s32 s12, $0x5E00;
	[tilespmem:s11+$0x1E00] =	vst v12;
	v5 =	vmul.f32 v5, v10;
	v10 =	vld [tilespmem:s11+$0x1E70]  }
0x170: {  	v12 =	vld [tilespmem:s13+$0x4E00];
	[tilespmem:s11+$0x1E10] =	vst v11;
	v4 =	vmul.f32 v4, v9  }
0x171: {  	v11 =	vld [tilespmem:s13+$0x4E10];
	[tilespmem:s11+$0x1E20] =	vst v5;
	v3 =	vmul.f32 v3, v8  }
0x172: {  	v5 =	vld [tilespmem:s13+$0x4E20];
	[tilespmem:s11+$0x1E30] =	vst v4;
	v2 =	vmul.f32 v2, v6  }
0x173: {  	v4 =	vld [tilespmem:s13+$0x4E30];
	[tilespmem:s11+$0x1E40] =	vst v3;
	v1 =	vmul.f32 v1, v7  }
0x174: {  	v3 =	vld [tilespmem:s13+$0x4E40];
	[tilespmem:s11+$0x1E50] =	vst v2;
	v0 =	vmul.f32 v0, v10  }
0x175: {  	v2 =	vld [tilespmem:s13+$0x4E50];
	[tilespmem:s11+$0x1E60] =	vst v1  }
0x176: {  	v1 =	vld [tilespmem:s13+$0x4E60];
	[tilespmem:s11+$0x1E70] =	vst v0;
	s11 =	smov.u32 s13  }
0x177: {  	v0 =	vld [tilespmem:s11+$0x4E70]  }
0x178: {  	v6 =	vld [tilespmem:s11+$0x1E00]  }
0x179: {  	v7 =	vld [tilespmem:s11+$0x1E10]  }
.Ltmp5:
0x17a: {  	v10 =	vld [tilespmem:s11+$0x1E20];
	(pc) =	sbr.rel @p0 .LBB2_13-.Ltmp5, $4  }
0x17b: {  	v9 =	vld [tilespmem:s11+$0x1E30]  }
0x17c: {  	v8 =	vld [tilespmem:s11+$0x1E40]  }
0x17d: {  	v12 =	vmul.f32 v12, v6;
	v6 =	vld [tilespmem:s11+$0x1E50]  }
0x17e: {  	s12 =	sadd.s32 $0x200, s12;
	v11 =	vmul.f32 v11, v7;
	v7 =	vld [tilespmem:s11+$0x1E60]  }
0x17f: {  	[tilespmem:s11+$0x1E00] =	vst v12;
	v5 =	vmul.f32 v5, v10;
	v63 =	vld [tilespmem:s11+$0x1E70]  }
0x180: {  	[tilespmem:s11+$0x1E10] =	vst v11;
	v4 =	vmul.f32 v4, v9  }
0x181: {  	s19 =	sadd.s32 $0x1, s19;
	[tilespmem:s11+$0x1E20] =	vst v5;
	v3 =	vmul.f32 v3, v8  }
0x182: {  	p0 =	sne.s32 s19, $0x23;
	[tilespmem:s11+$0x1E30] =	vst v4;
	v2 =	vmul.f32 v2, v6  }
.Ltmp6:
0x183: {  	[tilespmem:s11+$0x1E40] =	vst v3;
	v1 =	vmul.f32 v1, v7;
	(pc) =	sbr.rel @p0 .LBB2_2-.Ltmp6, $4  }
0x184: {  	[tilespmem:s11+$0x1E50] =	vst v2;
	v0 =	vmul.f32 v0, v63  }
0x185: {  	[tilespmem:s11+$0x1E60] =	vst v1  }
0x186: {  	[tilespmem:s11+$0x1E70] =	vst v0  }
0x187: {  	[spmem:s2] =	stream.indirect.scatter.add.f32 [tilespmem:s29], [sflag:$0x7], $0x80, s18, s22, $0xb8;
	[tilespmem:$0x1A600] =	vst v63  }
0x188: {  	_ =	swait.ge [sflag:s9], $0x1800  }
0x189: {  	[sflag:s9] =	ssyncset.done $0x0  }
0x18a: {  	[sflag:s9] =	ssyncadd.s32 $0xFFFFE800  }
0x18b: {  	[bflag:$0x0] =	sbarrier.arrive $0xFFFF  }
0x18c: {  	s12 =	rddreg [dreg:$0x6]  }
0x18d: {  	s13 =	rddreg [dreg:$0xd]  }
0x18e: {  	s14 =	simm.s32 $0x8;
	s11 =	rddreg [dreg:$0xe]  }
0x18f: {  	[hbm:s11], [sflag:s12] =	dma.local [spmem:s13], $0x2800  }
0x190: {  	_ =	swait.ge [sflag:s14], $0x2800  }
0x191: {  	s19 =	rddreg [dreg:$0xf]  }
0x192: {  	s25 =	rddreg [dreg:$0xc];
	s19 =	sadd.s32 $0x1, s19  }
0x193: {  	p0 =	sne.s32 s19, s25  }
.Ltmp7:
0x194: {  	_ = 	snop;
	(pc) =	sbr.rel @p0 .LBB2_1-.Ltmp7, $3  }
0x195: {  	_ =	sdelay $0x1  }
0x196: {  	[sflag:s14] =	ssyncset.done $0x0  }
0x197: {  	[sflag:s14] =	ssyncadd.s32 $0xFFFFD800  }
0x198: {  	_ =	sfence.sel $0x180000  }
0x199: {  	[bflag:$0x0] =	sbarrier.arrive $0xFFFF  }
0x19a: {  	_ =	strace $0x9000004D  }
0x19b: {  	s0 =	stileid.u32;
	[bflag:$0x2] =	sbarrier.arrive $0xFFFF  }
0x19c: {  	p0 =	sne.s32 s0, $0x0;
	s0 =	rddreg [dreg:$0x3]  }
0x19d: {  	s0 =	sadd.s32 @!p0 $0x100000, s0  }
0x19e: {  	[sflag:s0] =	ssyncadd.tile.s32 @!p0 $0x1;
	_ =	shalt  }
.Lfunc_end2:
_tile_overlayer_lowered:
.L_overlay_start_2:
0x19f: {  	(tag) =	ssettag $0x2  }
0x1a0: {  	s0 =	rddreg [dreg:$0x0];
	s2 =	stileid.u32  }
0x1a1: {  	s1 =	rddreg [dreg:$0x1];
	p0 =	sne.s32 s2, $0x0  }
0x1a2: {  	s3 =	rddreg [dreg:$0x2];
	[bflag:$0x3] =	sbarrier.arrive $0xFFFF;
	s2 =	simm.s32 @!p0 $0x1C08  }
0x1a3: {  	[timem:s3], [sflag:s2] =	dma.local @!p0 [hbm:s0], s1  }
0x1a4: {  	s0 =	simm.s32 @!p0 $0x8  }
0x1a5: {  	_ =	swait.ge @!p0 [sflag:s0], s1  }
0x1a6: {  	s1 =	ssub.s32 @!p0 $0x0, s1;
	[sflag:s0] =	ssyncset.done @!p0 $0x0  }
0x1a7: {  	[sflag:s0] =	ssyncadd.s32 @!p0 s1  }
0x1a8: {  	[bflag:$0x3] =	sbarrier.arrive $0xFFFF  }
0x1a9: {  	_ =	shalt  }

// kernel: kernel.9.cloned.1.call-start
scs
__scs_entry_jumppad:
0x0: {  	(pc) =	sbr.rel $0x88, $3  }
0x1: {  	(tag) =	ssettag $0x0;
	lr =	simm.s32 $0x1  }
0x2: {  	[smem:$0x3F88] =	sst lr;
	_ =	strace $0xD0000000  }
0x3: {  	_ = 	snop  }
0x4: {  	_ = 	snop  }
0x5: {  	_ = 	snop  }
0x6: {  	_ = 	snop  }
0x7: {  	_ = 	snop  }
__scs_overlays_trampoline_lowered:
0x8: {  	[smem:$0x3F97] =	sst s0  }
0x9: {  	[smem:$0x3F98] =	sst s1  }
0xa: {  	[smem:$0x3F99] =	sst s2  }
0xb: {  	[smem:$0x3F9A] =	sst s3  }
0xc: {  	[smem:$0x3F9B] =	sst s4  }
0xd: {  	[smem:$0x3F9C] =	sst s5  }
0xe: {  	[smem:$0x3F9D] =	sst s6  }
0xf: {  	[smem:$0x3F9E] =	sst s7  }
0x10: {  	[smem:$0x3F9F] =	sst s8  }
0x11: {  	[smem:$0x3FA0] =	sst s9;
	s0 =	simm.s32 @!p0 $0x0  }
0x12: {  	s1 =	sld [smem:$0x3F86];
	s0 =	simm.s32 @p0 $0x1  }
0x13: {  	[smem:$0x3FA1] =	sst s0;
	s0 =	simm.s32 @!p1 $0x0  }
0x14: {  	s2 =	sld [smem:$0x3F85];
	s0 =	simm.s32 @p1 $0x1  }
0x15: {  	[smem:$0x3FA2] =	sst s0;
	s0 =	simm.s32 @!p2 $0x0  }
0x16: {  	s3 =	sld [smem:$0x3FDB];
	s0 =	simm.s32 @p2 $0x1  }
0x17: {  	s4 =	simm.s32 $0x1BF5;
	[smem:$0x3FA4] =	sst s0  }
0x18: {  	s0 =	sld [smem:$0x3F87];
	_ =	swait.ge [sflag:s4], $0x0  }
0x19: {  	s7 =	sld [smem:$0x3F88]  }
0x1a: {  	s8 =	sadd.s32 $0xFFFFE003, lr  }
0x1b: {  	s9 =	sadd.s32 $0xFFFFFEF7, lr;
	s5 =	simm.s32 $0xFFFFFFFF;
	p2 =	slt.u32 s8, $0xFFFFF086  }
0x1c: {  	p1 =	slt.u32 s9, $0xF7A;
	s5 =	simm.s32 @!p2 $0x0  }
0x1d: {  	s5 =	simm.s32 @p1 $0x1;
	p0 =	seq.s32 s7, s2  }
0x1e: {  	s7 =	smul.u32 @!p0 $0xF7A, s2;
	p2 =	seq.s32 @!p0 s5, $0x0  }
0x1f: {  	s9 =	smul.u32 $0xF7A, s1;
	s8 =	simm.s32 @!p0 $0x1BF5;
	p2 =	por !p2, p0  }
0x20: {  	[sflag:s8] =	ssyncset.s32 @!p0 $0xFFFFF086;
	s6 =	sadd.s32 @!p0 s3, s7;
	s7 =	simm.s32 @!p0 $0x108  }
0x21: {  	s3 =	sadd.s32 s3, s9;
	s6 =	sadd.s32 @!p0 $0x88, s6;
	s7 =	simm.s32 @p2 $0x1082  }
0x22: {  	[simem:s7], [sflag:s8] =	dma.local @!p0 [hbm:s6], $0xF7A  }
0x23: {  	s9 =	sor.u32 $0xD0000000, s2;
	s6 =	simm.s32 $0x108;
	_ =	swait.ge @!p0 [sflag:s8], $0x0  }
0x24: {  	s3 =	sadd.s32 $0x88, s3;
	s6 =	simm.s32 @!p1 $0x1082;
	[sflag:s4] =	ssyncset.s32 $0xFFFFF086  }
0x25: {  	[simem:s6], [sflag:s4] =	dma.local [hbm:s3], $0xF7A  }
0x26: {  	[smem:$0x3F88] =	sst s1;
	(tag) =	ssettag s2;
	_ =	strace s9  }
0x27: {  	s1 =	sld [smem:$0x3F98]  }
0x28: {  	s2 =	sld [smem:$0x3F99]  }
0x29: {  	s4 =	sld [smem:$0x3F9B]  }
0x2a: {  	p0 =	seq.s32 s5, $0x0;
	s5 =	sld [smem:$0x3F9C]  }
0x2b: {  	s6 =	sld [smem:$0x3F9D]  }
0x2c: {  	s7 =	sld [smem:$0x3F9E]  }
0x2d: {  	s3 =	simm.s32 $0x108;
	s8 =	sld [smem:$0x3F9F]  }
0x2e: {  	s3 =	simm.s32 @!p0 $0x1082;
	s9 =	sld [smem:$0x3FA0]  }
0x2f: {  	lr =	sadd.s32 s0, s3;
	s0 =	sld [smem:$0x3F97]  }
0x30: {  	s3 =	sld [smem:$0x3F9A]  }
0x31: {  	[smem:$0x3FA3] =	sst s10  }
0x32: {  	s10 =	sld [smem:$0x3FA1];
	_ =	sdelay $0x3  }
0x33: {  	p0 =	seq.s32 s10, $0x1;
	s10 =	sld [smem:$0x3FA3];
	_ =	sdelay $0x3  }
0x34: {  	[smem:$0x3FA3] =	sst s10  }
0x35: {  	s10 =	sld [smem:$0x3FA2];
	_ =	sdelay $0x3  }
0x36: {  	p1 =	seq.s32 s10, $0x1;
	s10 =	sld [smem:$0x3FA3];
	_ =	sdelay $0x3  }
0x37: {  	[smem:$0x3FA3] =	sst s10  }
0x38: {  	s10 =	sld [smem:$0x3FA4]  }
0x39: {  	_ = 	snop;
	(pc) =	sbr.ind lr, $3  }
0x3a: {  	_ = 	snop  }
0x3b: {  	_ = 	snop  }
0x3c: {  	p2 =	seq.s32 s10, $0x1;
	s10 =	sld [smem:$0x3FA3]  }
0x3d: {  	_ =	shalt  }
0x3e: {  	_ =	shalt  }
0x3f: {  	_ =	shalt  }
0x40: {  	_ =	shalt  }
0x41: {  	_ =	shalt  }
0x42: {  	_ =	shalt  }
0x43: {  	_ =	shalt  }
0x44: {  	_ =	shalt  }
0x45: {  	_ =	shalt  }
0x46: {  	_ =	shalt  }
0x47: {  	_ =	shalt  }
0x48: {  	_ =	shalt  }
0x49: {  	_ =	shalt  }
0x4a: {  	_ =	shalt  }
0x4b: {  	_ =	shalt  }
0x4c: {  	_ =	shalt  }
0x4d: {  	_ =	shalt  }
0x4e: {  	_ =	shalt  }
0x4f: {  	_ =	shalt  }
0x50: {  	_ =	shalt  }
0x51: {  	_ =	shalt  }
0x52: {  	_ =	shalt  }
0x53: {  	_ =	shalt  }
0x54: {  	_ =	shalt  }
0x55: {  	_ =	shalt  }
0x56: {  	_ =	shalt  }
0x57: {  	_ =	shalt  }
0x58: {  	_ =	shalt  }
0x59: {  	_ =	shalt  }
0x5a: {  	_ =	shalt  }
0x5b: {  	_ =	shalt  }
0x5c: {  	_ =	shalt  }
0x5d: {  	_ =	shalt  }
0x5e: {  	_ =	shalt  }
0x5f: {  	_ =	shalt  }
0x60: {  	_ =	shalt  }
0x61: {  	_ =	shalt  }
0x62: {  	_ =	shalt  }
0x63: {  	_ =	shalt  }
0x64: {  	_ =	shalt  }
0x65: {  	_ =	shalt  }
0x66: {  	_ =	shalt  }
0x67: {  	_ =	shalt  }
0x68: {  	_ =	shalt  }
0x69: {  	_ =	shalt  }
0x6a: {  	_ =	shalt  }
0x6b: {  	_ =	shalt  }
0x6c: {  	_ =	shalt  }
0x6d: {  	_ =	shalt  }
0x6e: {  	_ =	shalt  }
0x6f: {  	_ =	shalt  }
0x70: {  	_ =	shalt  }
0x71: {  	_ =	shalt  }
0x72: {  	_ =	shalt  }
0x73: {  	_ =	shalt  }
0x74: {  	_ =	shalt  }
0x75: {  	_ =	shalt  }
0x76: {  	_ =	shalt  }
0x77: {  	_ =	shalt  }
0x78: {  	_ =	shalt  }
0x79: {  	_ =	shalt  }
0x7a: {  	_ =	shalt  }
0x7b: {  	_ =	shalt  }
0x7c: {  	_ =	shalt  }
0x7d: {  	_ =	shalt  }
0x7e: {  	_ =	shalt  }
0x7f: {  	_ =	shalt  }
0x80: {  	_ =	shalt  }
0x81: {  	_ =	shalt  }
0x82: {  	_ =	shalt  }
0x83: {  	_ =	shalt  }
0x84: {  	_ =	shalt  }
0x85: {  	_ =	shalt  }
0x86: {  	_ =	shalt  }
0x87: {  	_ =	shalt  }
.Lfunc_end0:
.L_simem_size_0:
called_computation_lowered:
.L_overlay_start_0:
0x88: {  	s2 =	sld [smem:$0x3FD9]  }
0x89: {  	s3 =	sld [smem:$0x3FFE];
	_ =	sdelay $0x1  }
0x8a: {  	s1 =	srdreg.scid  }
0x8b: {  	s0 =	sand.u32 $0x1, s1  }
0x8c: {  	s14 =	sshll.u32 s0, $0xA;
	s2 =	sadd.s32 s3, s2  }
0x8d: {  	s2 =	sadd.s32 s2, s14  }
0x8e: {  	[smem:$0x3FAF] =	sst s2  }
0x8f: {  	_ = 	snop  }
0x90: {  	s2 =	sld [smem:$0x3FD0];
	_ =	sdelay $0x2  }
0x91: {  	s15 =	simm.s32 $0xA;
	s4 =	simm.s32 $0x10  }
0x92: {  	[smem:s4], [sflag:s15] =	dma.local [hbm:s2], $0x1  }
0x93: {  	_ =	swait.eq [sflag:s15], $0x1  }
0x94: {  	[sflag:s15] =	ssyncset.done $0x0  }
0x95: {  	[sflag:s15] =	ssyncadd.s32 $0xFFFFFFFF  }
0x96: {  	s16 =	sld [smem:$0x10];
	(tm) =	ssettm $0x1  }
0x97: {  	s17 =	sld [smem:$0x3FFB];
	_ =	sdelay $0x3  }
0x98: {  	_ =	strace s17  }
0x99: {  	s3 =	sld [smem:$0x3FFC];
	_ =	sdelay $0x3  }
0x9a: {  	_ =	strace s3  }
0x9b: {  	s3 =	sld [smem:$0x3FFD];
	_ =	sdelay $0x3  }
0x9c: {  	_ =	strace s3  }
0x9d: {  	_ =	strace $0x8FFFFFFF  }
0x9e: {  	s18 =	sld [smem:$0x3FDB];
	_ =	sdelay $0x1  }
0x9f: {  	s19 =	simm.s32 $_scs_section_size  }
0xa0: {  	s5 =	simm.s32 $_size__tile_overlayer_lowered;
	s6 =	simm.s32 $_tile_overlayer_lowered  }
0xa1: {  	s22 =	simm.s32 $0x1BFF;
	s21 =	sshll.u32 s6, $0x1;
	s3 =	sadd.s32 s19, s18  }
0xa2: {  	s7 =	simm.s32 $0x0;
	s20 =	sshll.u32 s5, $0x1;
	s5 =	sadd.s32 s21, s3  }
0xa3: {  	[timem:s7], [sflag:s22] =	dma.local [hbm:s5], s20  }
0xa4: {  	_ =	swait.ge [sflag:s22], s20  }
0xa5: {  	s4 =	ssub.s32 $0x0, s20;
	[sflag:s22] =	ssyncset.done $0x0  }
0xa6: {  	[sflag:s22] =	ssyncadd.s32 s4;
	_ =	sdelay $0x1  }
0xa7: {  	s23 =	simm.s32 $0x1B8B  }
0xa8: {  	_ =	swait.ge [sflag:s23], $0x1  }
0xa9: {  	[sflag:s23] =	ssyncset.done $0x0  }
0xaa: {  	s25 =	simm.s32 $0x1B8E;
	s24 =	sld [smem:$0x3FFE];
	[sflag:s23] =	ssyncadd.s32 $0xFFFFFFFF  }
0xab: {  	s26 =	simm.s32 $execute0_lowered;
	[smem:$0x3FD2] =	sst s25  }
0xac: {  	s5 =	sshll.u32 s26, $0x1;
	_ =	strace $0x80000046;
	[dreg:$0x1] =	wrdreg $0xFFFFFFFF  }
0xad: {  	s28 =	simm.s32 $_size_execute0_lowered;
	s3 =	sadd.s32 s3, s5;
	[dreg:$0x0] =	wrdreg $0x0  }
0xae: {  	s5 =	sshll.u32 s28, $0x1;
	[dreg:$0x2] =	wrdreg s3  }
0xaf: {  	[dreg:$0x3] =	wrdreg s5  }
0xb0: {  	[dreg:$0x4] =	wrdreg $0xC0  }
0xb1: {  	_ =	task [dreg:s7], $0x5FFFF  }
0xb2: {  	[dreg:$0x1] =	wrdreg $0xFFFFFFFF  }
0xb3: {  	[dreg:$0x0] =	wrdreg $0x60  }
0xb4: {  	[dreg:$0x2] =	wrdreg s16  }
0xb5: {  	[dreg:$0x3] =	wrdreg s24  }
0xb6: {  	[dreg:$0x4] =	wrdreg $0x81000  }
0xb7: {  	[dreg:$0x5] =	wrdreg $0x9  }
0xb8: {  	_ =	task.clear_ibuf [dreg:s7], $0x6FFFF;
	_ =	strace $0x90000046  }
0xb9: {  	s29 =	simm.s32 $0x9;
	_ =	strace $0x80000048  }
0xba: {  	_ =	swait.ge [sflag:s29], $0x1  }
0xbb: {  	[sflag:s29] =	ssyncadd.s32 $0xFFFFFFFF  }
0xbc: {  	_ =	strace $0x90000048  }
0xbd: {  	_ =	sfence  }
0xbe: {  	s30 =	sld [smem:$0x0];
	_ =	sdelay $0x2  }
0xbf: {  	s31 =	sshll.u32 s1, $0xD;
	s1 =	sshrl.u32 s1, $0x2  }
0xc0: {  	s3 =	sand.u32 $0x4000, s31;
	s1 =	sadd.s32 s1, s30  }
0xc1: {  	s0 =	sor.u32 s3, s0;
	s1 =	sshll.u32 s1, $0x11  }
0xc2: {  	s0 =	sor.u32 s1, s0  }
0xc3: {  	s0 =	sadd.s32 $0x8F2B, s0  }
0xc4: {  	[sflag:s0] =	ssyncadd.remote.s32 $0x1  }
0xc5: {  	_ =	sfence.sel $0xFFFF  }
0xc6: {  	[dreg:$0x0] =	wrdreg $0xFFFFFFFF;
	(pc) =	sbr.abs _section_cstart, $3  }
0xc7: {  	[dreg:$0x1] =	wrdreg $0xFFFFFFFF  }
0xc8: {  	_ =	task.clear_ibuf [dreg:s7], $0x2FFFF;
	_ =	strace $0x9FFFFFFF  }
0xc9: {  	(tm) =	ssettm $0x7FFFFFFF  }
tec
execute0_lowered:
.L_overlay_start_1:
0x0: {  	(tag) =	ssettag $0x1  }
0x1: {  	s7 =	rddreg [dreg:$0x0]  }
0x2: {  	s5 =	rddreg [dreg:$0x1]  }
0x3: {  	s1 =	rddreg [dreg:$0x2];
	s2 =	srdreg.scid  }
0x4: {  	s0 =	rddreg [dreg:$0x3];
	s6 =	sand.u32 $0x1, s2  }
0x5: {  	s3 =	simm.s32 $0x0;
	s2 =	stileid.u32;
	s8 =	smul.u32 $0x28000, s6  }
0x6: {  	[smem:$0x7FF] =	sst s3;
	s4 =	sadd.s32 $0x5800, s5;
	s10 =	smul.u32 $0x50000, s2  }
0x7: {  	s9 =	ssub.s32 $0x2, s6;
	_ =	strace $0x80000047;
	s30 =	smul.u32 $0x5000, s6  }
0x8: {  	s29 =	sshll.u32 s2, $0x6;
	s31 =	smul.u32 $0x500, s2;
	s11 =	sshrl.u32 s9, $0x1  }
0x9: {  	s13 =	smul.u32 $0x2800, s2;
	s8 =	sadd.s32 s8, s5;
	s9 =	ssub.s32 s9, s11  }
0xa: {  	s28 =	sshrl.u32 s10, $0x2;
	s5 =	sor.u32 $0x1C01, s29;
	s7 =	sadd.s32 s30, s7  }
0xb: {  	s10 =	sadd.s32 s28, s1;
	s12 =	sadd.s32 $0x8000, s8;
	s6 =	smax.u32 s9, $0x1  }
0xc: {  	s7 =	sadd.s32 s31, s7;
	s9 =	simm.s32 $0x1;
	s8 =	sshrl.u32 s10, $0x3  }
0xd: {  	v0 =	vimm.f32 $1.000000000e+00;
	s10 =	simm.s32 $0x100;
	s11 =	sadd.s32 s13, s12;
	s12 =	simm.s32 $0x0  }
.LBB2_1:
0xe: {  	[spmem:s8], [sflag:s5] =	dma.local [hbm:s4], $0x2800  }
0xf: {  	_ =	swait.ge [sflag:s9], $0x2800  }
0x10: {  	[sflag:s9] =	ssyncset.done $0x0  }
0x11: {  	s13 =	simm.s32 $0x0;
	s14 =	simm.s32 $0x200;
	[sflag:s9] =	ssyncadd.s32 $0xFFFFD800  }
.LBB2_2:
0x12: {  	p0 =	sne.s32 s14, $0x1FE00;
	[tilespmem:s13+$0x170] =	vst v0  }
0x13: {  	[tilespmem:s13+$0x100] =	vst v0  }
0x14: {  	[tilespmem:s13+$0x110] =	vst v0  }
.Ltmp0:
0x15: {  	[tilespmem:s13+$0x120] =	vst v0;
	(pc) =	sbr.rel @p0 .LBB2_2-.Ltmp0, $4  }
0x16: {  	[tilespmem:s13+$0x130] =	vst v0  }
0x17: {  	[tilespmem:s13+$0x140] =	vst v0  }
0x18: {  	[tilespmem:s13+$0x150] =	vst v0  }
0x19: {  	[tilespmem:s13+$0x160] =	vst v0;
	s13 =	sshra.s32 s14, $0x2;
	s14 =	sadd.s32 $0x200, s14  }
0x1a: {  	[tilespmem:s13+$0x170] =	vst v0  }
0x1b: {  	[tilespmem:s13+$0x100] =	vst v0  }
0x1c: {  	[tilespmem:s13+$0x110] =	vst v0  }
0x1d: {  	[tilespmem:s13+$0x120] =	vst v0  }
0x1e: {  	[tilespmem:s13+$0x130] =	vst v0  }
0x1f: {  	[tilespmem:s13+$0x140] =	vst v0  }
0x20: {  	[tilespmem:s13+$0x150] =	vst v0  }
0x21: {  	[tilespmem:s13+$0x160] =	vst v0  }
0x22: {  	s31 =	sadd.s32 $0x0, s7;
	[bflag:$0x0] =	sbarrier.arrive $0xFFFF  }
0x23: {  	[tilespmem:s3], [sflag:$0x1] =	stream.linear.gather [hbm4b:s31+s3], $0x100, $0x38;
	[tilespmem:$0x1C100] =	vst v63  }
0x24: {  	_ =	swait.ge [sflag:s9], $0x100  }
0x25: {  	[sflag:s9] =	ssyncset.done $0x0  }
0x26: {  	[sflag:s9] =	ssyncadd.s32 $0xFFFFFF00  }
0x27: {  	[spmem:s1] =	stream.indirect.scatter.add.f32 [tilespmem:s10], [sflag:$0x1], $0x80, s3, s10, $0xb8;
	[tilespmem:$0x1C100] =	vst v63  }
0x28: {  	_ =	swait.ge [sflag:s9], $0x8000  }
0x29: {  	s13 =	simm.s32 $0x20;
	s14 =	simm.s32 $0x40;
	[sflag:s9] =	ssyncset.done $0x0  }
.LBB2_4:
0x2a: {  	s15 =	sadd.s32 s13, s7  }
0x2b: {  	[sflag:s9] =	ssyncadd.s32 $0xFFFF8000;
	s13 =	smov.u32 s14;
	s16 =	sadd.s32 $0x20, s14  }
0x2c: {  	[tilespmem:s3], [sflag:$0x1] =	stream.linear.gather [hbm4b:s15+s3], $0x100, $0x38;
	[tilespmem:$0x1C100] =	vst v63  }
0x2d: {  	p0 =	sne.s32 s14, $0x4E0;
	_ =	swait.ge [sflag:s9], $0x100  }
.Ltmp1:
0x2e: {  	[sflag:s9] =	ssyncset.done $0x0;
	(pc) =	sbr.rel @p0 .LBB2_4-.Ltmp1, $4  }
0x2f: {  	[sflag:s9] =	ssyncadd.s32 $0xFFFFFF00  }
0x30: {  	[spmem:s1] =	stream.indirect.scatter.add.f32 [tilespmem:s10], [sflag:$0x1], $0x80, s3, s10, $0xb8;
	[tilespmem:$0x1C100] =	vst v63  }
0x31: {  	_ =	swait.ge [sflag:s9], $0x8000  }
0x32: {  	s14 =	smov.u32 s16;
	[sflag:s9] =	ssyncset.done $0x0  }
0x33: {  	s13 =	sadd.s32 s13, s7;
	[sflag:s9] =	ssyncadd.s32 $0xFFFF8000  }
0x34: {  	[tilespmem:s3], [sflag:$0x1] =	stream.linear.gather [hbm4b:s13+s3], $0x100, $0x38;
	[tilespmem:$0x1C100] =	vst v63  }
0x35: {  	_ =	swait.ge [sflag:s9], $0x100  }
0x36: {  	[sflag:s9] =	ssyncset.done $0x0  }
0x37: {  	[sflag:s9] =	ssyncadd.s32 $0xFFFFFF00  }
0x38: {  	[spmem:s1] =	stream.indirect.scatter.add.f32 [tilespmem:s10], [sflag:$0x1], $0x80, s3, s10, $0xb8;
	[tilespmem:$0x1C100] =	vst v63  }
0x39: {  	_ =	swait.ge [sflag:s9], $0x8000  }
0x3a: {  	s12 =	sadd.s32 $0x1, s12;
	[sflag:s9] =	ssyncset.done $0x0  }
0x3b: {  	p0 =	sne.s32 s12, s6;
	[sflag:s9] =	ssyncadd.s32 $0xFFFF8000  }
.Ltmp2:
0x3c: {  	[bflag:$0x0] =	sbarrier.arrive $0xFFFF;
	(pc) =	sbr.rel @p0 .LBB2_1-.Ltmp2, $4  }
0x3d: {  	[hbm:s11], [sflag:s5] =	dma.local [spmem:s8], $0x2800  }
0x3e: {  	_ =	swait.ge [sflag:s9], $0x2800  }
0x3f: {  	[sflag:s9] =	ssyncset.done $0x0  }
0x40: {  	[sflag:s9] =	ssyncadd.s32 $0xFFFFD800  }
0x41: {  	_ =	sfence.sel $0x180000  }
0x42: {  	[bflag:$0x0] =	sbarrier.arrive $0xFFFF  }
0x43: {  	p0 =	sne.s32 s2, $0x0;
	_ =	strace $0x90000047  }
0x44: {  	s0 =	sadd.s32 @!p0 $0x100000, s0;
	[bflag:$0x2] =	sbarrier.arrive $0xFFFF  }
0x45: {  	[sflag:s0] =	ssyncadd.tile.s32 @!p0 $0x1;
	_ =	shalt  }
.Lfunc_end2:
_tile_overlayer_lowered:
.L_overlay_start_2:
0x46: {  	(tag) =	ssettag $0x2  }
0x47: {  	s0 =	rddreg [dreg:$0x0];
	s2 =	stileid.u32  }
0x48: {  	s1 =	rddreg [dreg:$0x1];
	p0 =	sne.s32 s2, $0x0  }
0x49: {  	s3 =	rddreg [dreg:$0x2];
	[bflag:$0x3] =	sbarrier.arrive $0xFFFF;
	s2 =	simm.s32 @!p0 $0x1C01  }
0x4a: {  	[timem:s3], [sflag:s2] =	dma.local @!p0 [hbm:s0], s1  }
0x4b: {  	s0 =	simm.s32 @!p0 $0x1  }
0x4c: {  	_ =	swait.ge @!p0 [sflag:s0], s1  }
0x4d: {  	s1 =	ssub.s32 @!p0 $0x0, s1;
	[sflag:s0] =	ssyncset.done @!p0 $0x0  }
0x4e: {  	[sflag:s0] =	ssyncadd.s32 @!p0 s1  }
0x4f: {  	[bflag:$0x3] =	sbarrier.arrive $0xFFFF  }
0x50: {  	_ =	shalt  }

</sc_bundles>
